<compile_context>
chip_gen: v7x
topology: tpu7x:2x2x1
jax: 0.10.2.dev20260603
libtpu: 0.0.44.dev20260713+nightly
codegen_flags: <defaults>
</compile_context>

<pallas_src>
import jax
import jax.numpy as jnp
from jax import lax
from jax.experimental import pallas as pl
from jax.experimental.pallas import tpu as pltpu
from jax.experimental.pallas import tpu_sc as plsc

_NUM_CORES = 2
_NUM_SUBCORES = 16
_NUM_WORKERS = _NUM_CORES * _NUM_SUBCORES
_LANES = 16

_BATCH = 64
_SEQ = 1024
_HIDDEN = 512
_NUM_ROWS = 32
_TOTAL = _BATCH * _SEQ
_BPW = _TOTAL // _NUM_WORKERS
_CHUNK = 64
_NCHUNK = _BPW // _CHUNK


def _body(x_hbm, tab_hbm, out_hbm, idx_v, tab_v, rows0, rows1, sem0, sem1):
    wid = lax.axis_index("s") * _NUM_CORES + lax.axis_index("c")
    base = wid * _BPW
    pltpu.sync_copy(tab_hbm, tab_v)
    pltpu.sync_copy(x_hbm.at[pl.ds(base, _BPW)], idx_v)

    lane = lax.iota(jnp.int32, _LANES)

    rows = (rows0, rows1)
    sems = (sem0, sem1)

    def build(goff, rbuf):
        @plsc.parallel_loop(0, _CHUNK)
        def _row(r):
            vidx = jnp.full((_LANES,), goff + r, jnp.int32)
            irow = plsc.load_gather(idx_v, [vidx])
            addr0 = irow * _HIDDEN + lane
            for cb in range(_HIDDEN // _LANES):
                v = plsc.load_gather(tab_v, [addr0 + cb * _LANES])
                rbuf[r, pl.ds(cb * _LANES, _LANES)] = v

    def fire(g, rbuf, sem):
        return pltpu.async_copy(
            rbuf,
            out_hbm.at[pl.ds(base + g * _CHUNK, _CHUNK)],
            sem)

    def drain(sem):
        pltpu.make_async_copy(
            rows0, out_hbm.at[pl.ds(base, _CHUNK)], sem).wait()

    for s in (0, 1):
        build(jnp.int32(s * _CHUNK), rows[s])
        fire(jnp.int32(s), rows[s], sems[s])

    def _pair(i, carry):
        for s in (0, 1):
            g = 2 * i + s
            drain(sems[s])
            build(g * _CHUNK, rows[s])
            fire(g, rows[s], sems[s])
        return carry

    lax.fori_loop(1, _NCHUNK // 2, _pair, jnp.int32(0))
    drain(sems[0])
    drain(sems[1])


@jax.jit
def _lookup(x_flat, tab_flat):
    mesh = plsc.VectorSubcoreMesh(core_axis_name="c", subcore_axis_name="s")
    run = pl.kernel(
        _body,
        out_type=jax.ShapeDtypeStruct((_TOTAL, _HIDDEN), jnp.float32),
        mesh=mesh,
        compiler_params=pltpu.CompilerParams(needs_layout_passes=False),
        scratch_types=[
            pltpu.VMEM((_BPW,), jnp.int32),
            pltpu.VMEM((_NUM_ROWS * _HIDDEN,), jnp.float32),
            pltpu.VMEM((_CHUNK, _HIDDEN), jnp.float32),
            pltpu.VMEM((_CHUNK, _HIDDEN), jnp.float32),
            pltpu.SemaphoreType.DMA,
            pltpu.SemaphoreType.DMA,
        ],
    )
    return run(x_flat, tab_flat)


def kernel(x, token_embed):
    out = _lookup(x.reshape(_TOTAL).astype(jnp.int32),
                  token_embed.reshape(_NUM_ROWS * _HIDDEN))
    return out.reshape(_BATCH, _SEQ, _HIDDEN)

# --- scband reference (transcript-rebuilt; emitter-appended) ---
"""Pipeline reference for scband-residue-feature-v0-72851235274808 (READ-ONLY COPY).

The authoritative reference and input builder live on the scoring server;
editing this copy changes nothing except your own understanding.
"""

import jax, jax.numpy as jnp
import numpy as np

NUM_RESIDUES = 32
HIDDEN_DIM = 512
BATCH = 64
SEQ_LEN = 1024

def setup_inputs(seed: int = 0) -> dict:
    key = jax.random.key(seed)
    k_idx, k_tab = jax.random.split(key)
    x = jax.random.randint(k_idx, (BATCH, SEQ_LEN), 0, NUM_RESIDUES, dtype=jnp.int64 if jax.config.read('jax_enable_x64') else jnp.int32)
    token_embed = jax.random.normal(k_tab, (NUM_RESIDUES, HIDDEN_DIM), dtype=jnp.float32)
    return {"x": x, "token_embed": token_embed}

def reference(x, token_embed):
    # Faithful translation of ResidueFeatureV0.forward:
    # aa_seq = batched_data['x'] (no 'x_new' present); out = token_embed(aa_seq)
    out = jnp.take(token_embed, x, axis=0)
    return out

if __name__ == "__main__":
    import jax
    _d = setup_inputs()
    print(jax.jit(kernel)(*tuple(_d.values())))

</pallas_src>

<mosaic_0001>
#map = affine_map<(d0, d1) -> (0)>
#map1 = affine_map<(d0, d1) -> (0, 0)>
module attributes {stable_mosaic.version = 14 : i64} {
  func.func @_body(%arg0: i32, %arg1: i32, %arg2: memref<65536xi32, #tpu.memory_space<hbm>>, %arg3: memref<16384xf32, #tpu.memory_space<hbm>>, %arg4: memref<65536x512xf32, #tpu.memory_space<hbm>>, %arg5: memref<2048xi32, #tpu.memory_space<vmem>>, %arg6: memref<16384xf32, #tpu.memory_space<vmem>>, %arg7: memref<64x512xf32, #tpu.memory_space<vmem>>, %arg8: memref<64x512xf32, #tpu.memory_space<vmem>>, %arg9: memref<!tpu.dma_semaphore, #tpu.memory_space<semaphore_mem>>, %arg10: memref<!tpu.dma_semaphore, #tpu.memory_space<semaphore_mem>>) attributes {dimension_semantics = [#tpu.dimension_semantics<core_parallel>, #tpu.dimension_semantics<subcore_parallel>], iteration_bounds = array<i64: 2, 16>, scalar_prefetch = 0 : i64, scratch_operands = 6 : i64, tpu.core_type = #tpu.core_type<sc_vector_subcore>, window_params = [{transform_indices = #map}, {transform_indices = #map}, {transform_indices = #map1}]} {
    %mul3A = arith.constant 2 : i32
    %mul3A_0 = arith.muli %arg1, %mul3A : i32
    %add3A = arith.addi %mul3A_0, %arg0 : i32
    %mul3A_1 = arith.constant 2048 : i32
    %mul3A_2 = arith.muli %add3A, %mul3A_1 : i32
    "tpu.region"() ({
      %run_scoped3A = tpu.sem_alloc : memref<!tpu.dma_semaphore, #tpu.memory_space<semaphore_mem>>
      tpu.enqueue_dma source(%arg3 : memref<16384xf32, #tpu.memory_space<hbm>>) target(%arg6 : memref<16384xf32, #tpu.memory_space<vmem>>) target_semaphore(%run_scoped3A : memref<!tpu.dma_semaphore, #tpu.memory_space<semaphore_mem>>)
      tpu.wait_dma2 semaphore(%run_scoped3A : memref<!tpu.dma_semaphore, #tpu.memory_space<semaphore_mem>>) src(%arg3 : memref<16384xf32, #tpu.memory_space<hbm>>) dst(%arg6 : memref<16384xf32, #tpu.memory_space<vmem>>)
      tpu.yield
    }) : () -> ()
    "tpu.region"() ({
      %run_scoped3A = tpu.sem_alloc : memref<!tpu.dma_semaphore, #tpu.memory_space<semaphore_mem>>
      %dma_start3A_37 = tpu.memref_slice %arg2[%mul3A_2] : memref<65536xi32, #tpu.memory_space<hbm>> -> memref<2048xi32, #tpu.memory_space<hbm>>
      %dma_start3A_38 = tpu.memref_slice %arg2[%mul3A_2] : memref<65536xi32, #tpu.memory_space<hbm>> -> memref<2048xi32, #tpu.memory_space<hbm>>
      tpu.enqueue_dma source(%dma_start3A_38 : memref<2048xi32, #tpu.memory_space<hbm>>) target(%arg5 : memref<2048xi32, #tpu.memory_space<vmem>>) target_semaphore(%run_scoped3A : memref<!tpu.dma_semaphore, #tpu.memory_space<semaphore_mem>>)
      %dma_wait3A_39 = tpu.memref_slice %arg2[%mul3A_2] : memref<65536xi32, #tpu.memory_space<hbm>> -> memref<2048xi32, #tpu.memory_space<hbm>>
      %dma_wait3A_40 = tpu.memref_slice %arg2[%mul3A_2] : memref<65536xi32, #tpu.memory_space<hbm>> -> memref<2048xi32, #tpu.memory_space<hbm>>
      tpu.wait_dma2 semaphore(%run_scoped3A : memref<!tpu.dma_semaphore, #tpu.memory_space<semaphore_mem>>) src(%dma_wait3A_40 : memref<2048xi32, #tpu.memory_space<hbm>>) dst(%arg5 : memref<2048xi32, #tpu.memory_space<vmem>>)
      tpu.yield
    }) : () -> ()
    %iota3A = tpu.iota {dimensions = array<i32: 0>} : vector<16xi32>
    %parallel_loop3A = arith.constant 0 : i32
    %parallel_loop3A_3 = arith.constant 64 : i32
    %parallel_loop3A_4 = arith.constant 1 : i32
    %parallel_loop3A_5 = arith.constant 0 : i32
    scf.for %parallel_loop3A_37 = %parallel_loop3A to %parallel_loop3A_3 step %parallel_loop3A_4  : i32 {
      %parallel_loop3A_38 = arith.addi %parallel_loop3A_5, %parallel_loop3A_37 : i32
      %parallel_loop3A_39 = vector.broadcast %parallel_loop3A_38 : i32 to vector<16xi32>
      %parallel_loop3A_40 = tpu.vector_load_idx %arg5[%parallel_loop3A_39] : memref<2048xi32, #tpu.memory_space<vmem>>[vector<16xi32>], vector<16xi32>,
      %parallel_loop3A_41 = arith.constant 512 : i32
      %parallel_loop3A_42 = vector.broadcast %parallel_loop3A_41 : i32 to vector<16xi32>
      %parallel_loop3A_43 = arith.muli %parallel_loop3A_40, %parallel_loop3A_42 : vector<16xi32>
      %parallel_loop3A_44 = arith.addi %parallel_loop3A_43, %iota3A : vector<16xi32>
      %parallel_loop3A_45 = arith.constant 0 : i32
      %parallel_loop3A_46 = vector.broadcast %parallel_loop3A_45 : i32 to vector<16xi32>
      %parallel_loop3A_47 = arith.addi %parallel_loop3A_44, %parallel_loop3A_46 : vector<16xi32>
      %parallel_loop3A_48 = tpu.vector_load_idx %arg6[%parallel_loop3A_47] : memref<16384xf32, #tpu.memory_space<vmem>>[vector<16xi32>], vector<16xf32>,
      %parallel_loop3A_49 = arith.index_cast %parallel_loop3A_37 : i32 to index
      %parallel_loop3A_50 = arith.constant 0 : index
      %parallel_loop3A_51 = tpu.vector_load %arg7[%parallel_loop3A_49, %parallel_loop3A_50] {strides = array<i32>} : memref<64x512xf32, #tpu.memory_space<vmem>>, vector<16xf32>,
      tpu.vector_store %arg7[%parallel_loop3A_49, %parallel_loop3A_50], %parallel_loop3A_48 {strides = array<i32>} : memref<64x512xf32, #tpu.memory_space<vmem>>, vector<16xf32>,
      %parallel_loop3A_52 = arith.constant 16 : i32
      %parallel_loop3A_53 = vector.broadcast %parallel_loop3A_52 : i32 to vector<16xi32>
      %parallel_loop3A_54 = arith.addi %parallel_loop3A_44, %parallel_loop3A_53 : vector<16xi32>
      %parallel_loop3A_55 = tpu.vector_load_idx %arg6[%parallel_loop3A_54] : memref<16384xf32, #tpu.memory_space<vmem>>[vector<16xi32>], vector<16xf32>,
      %parallel_loop3A_56 = arith.index_cast %parallel_loop3A_37 : i32 to index
      %parallel_loop3A_57 = arith.constant 16 : index
      %parallel_loop3A_58 = tpu.vector_load %arg7[%parallel_loop3A_56, %parallel_loop3A_57] {strides = array<i32>} : memref<64x512xf32, #tpu.memory_space<vmem>>, vector<16xf32>,
      tpu.vector_store %arg7[%parallel_loop3A_56, %parallel_loop3A_57], %parallel_loop3A_55 {strides = array<i32>} : memref<64x512xf32, #tpu.memory_space<vmem>>, vector<16xf32>,
      %parallel_loop3A_59 = arith.constant 32 : i32
      %parallel_loop3A_60 = vector.broadcast %parallel_loop3A_59 : i32 to vector<16xi32>
      %parallel_loop3A_61 = arith.addi %parallel_loop3A_44, %parallel_loop3A_60 : vector<16xi32>
      %parallel_loop3A_62 = tpu.vector_load_idx %arg6[%parallel_loop3A_61] : memref<16384xf32, #tpu.memory_space<vmem>>[vector<16xi32>], vector<16xf32>,
      %parallel_loop3A_63 = arith.index_cast %parallel_loop3A_37 : i32 to index
      %parallel_loop3A_64 = arith.constant 32 : index
      %parallel_loop3A_65 = tpu.vector_load %arg7[%parallel_loop3A_63, %parallel_loop3A_64] {strides = array<i32>} : memref<64x512xf32, #tpu.memory_space<vmem>>, vector<16xf32>,
      tpu.vector_store %arg7[%parallel_loop3A_63, %parallel_loop3A_64], %parallel_loop3A_62 {strides = array<i32>} : memref<64x512xf32, #tpu.memory_space<vmem>>, vector<16xf32>,
      %parallel_loop3A_66 = arith.constant 48 : i32
      %parallel_loop3A_67 = vector.broadcast %parallel_loop3A_66 : i32 to vector<16xi32>
      %parallel_loop3A_68 = arith.addi %parallel_loop3A_44, %parallel_loop3A_67 : vector<16xi32>
      %parallel_loop3A_69 = tpu.vector_load_idx %arg6[%parallel_loop3A_68] : memref<16384xf32, #tpu.memory_space<vmem>>[vector<16xi32>], vector<16xf32>,
      %parallel_loop3A_70 = arith.index_cast %parallel_loop3A_37 : i32 to index
      %parallel_loop3A_71 = arith.constant 48 : index
      %parallel_loop3A_72 = tpu.vector_load %arg7[%parallel_loop3A_70, %parallel_loop3A_71] {strides = array<i32>} : memref<64x512xf32, #tpu.memory_space<vmem>>, vector<16xf32>,
      tpu.vector_store %arg7[%parallel_loop3A_70, %parallel_loop3A_71], %parallel_loop3A_69 {strides = array<i32>} : memref<64x512xf32, #tpu.memory_space<vmem>>, vector<16xf32>,
      %parallel_loop3A_73 = arith.constant 64 : i32
      %parallel_loop3A_74 = vector.broadcast %parallel_loop3A_73 : i32 to vector<16xi32>
      %parallel_loop3A_75 = arith.addi %parallel_loop3A_44, %parallel_loop3A_74 : vector<16xi32>
      %parallel_loop3A_76 = tpu.vector_load_idx %arg6[%parallel_loop3A_75] : memref<16384xf32, #tpu.memory_space<vmem>>[vector<16xi32>], vector<16xf32>,
      %parallel_loop3A_77 = arith.index_cast %parallel_loop3A_37 : i32 to index
      %parallel_loop3A_78 = arith.constant 64 : index
      %parallel_loop3A_79 = tpu.vector_load %arg7[%parallel_loop3A_77, %parallel_loop3A_78] {strides = array<i32>} : memref<64x512xf32, #tpu.memory_space<vmem>>, vector<16xf32>,
      tpu.vector_store %arg7[%parallel_loop3A_77, %parallel_loop3A_78], %parallel_loop3A_76 {strides = array<i32>} : memref<64x512xf32, #tpu.memory_space<vmem>>, vector<16xf32>,
      %parallel_loop3A_80 = arith.constant 80 : i32
      %parallel_loop3A_81 = vector.broadcast %parallel_loop3A_80 : i32 to vector<16xi32>
      %parallel_loop3A_82 = arith.addi %parallel_loop3A_44, %parallel_loop3A_81 : vector<16xi32>
      %parallel_loop3A_83 = tpu.vector_load_idx %arg6[%parallel_loop3A_82] : memref<16384xf32, #tpu.memory_space<vmem>>[vector<16xi32>], vector<16xf32>,
      %parallel_loop3A_84 = arith.index_cast %parallel_loop3A_37 : i32 to index
      %parallel_loop3A_85 = arith.constant 80 : index
      %parallel_loop3A_86 = tpu.vector_load %arg7[%parallel_loop3A_84, %parallel_loop3A_85] {strides = array<i32>} : memref<64x512xf32, #tpu.memory_space<vmem>>, vector<16xf32>,
      tpu.vector_store %arg7[%parallel_loop3A_84, %parallel_loop3A_85], %parallel_loop3A_83 {strides = array<i32>} : memref<64x512xf32, #tpu.memory_space<vmem>>, vector<16xf32>,
      %parallel_loop3A_87 = arith.constant 96 : i32
      %parallel_loop3A_88 = vector.broadcast %parallel_loop3A_87 : i32 to vector<16xi32>
      %parallel_loop3A_89 = arith.addi %parallel_loop3A_44, %parallel_loop3A_88 : vector<16xi32>
      %parallel_loop3A_90 = tpu.vector_load_idx %arg6[%parallel_loop3A_89] : memref<16384xf32, #tpu.memory_space<vmem>>[vector<16xi32>], vector<16xf32>,
      %parallel_loop3A_91 = arith.index_cast %parallel_loop3A_37 : i32 to index
      %parallel_loop3A_92 = arith.constant 96 : index
      %parallel_loop3A_93 = tpu.vector_load %arg7[%parallel_loop3A_91, %parallel_loop3A_92] {strides = array<i32>} : memref<64x512xf32, #tpu.memory_space<vmem>>, vector<16xf32>,
      tpu.vector_store %arg7[%parallel_loop3A_91, %parallel_loop3A_92], %parallel_loop3A_90 {strides = array<i32>} : memref<64x512xf32, #tpu.memory_space<vmem>>, vector<16xf32>,
      %parallel_loop3A_94 = arith.constant 112 : i32
      %parallel_loop3A_95 = vector.broadcast %parallel_loop3A_94 : i32 to vector<16xi32>
      %parallel_loop3A_96 = arith.addi %parallel_loop3A_44, %parallel_loop3A_95 : vector<16xi32>
      %parallel_loop3A_97 = tpu.vector_load_idx %arg6[%parallel_loop3A_96] : memref<16384xf32, #tpu.memory_space<vmem>>[vector<16xi32>], vector<16xf32>,
      %parallel_loop3A_98 = arith.index_cast %parallel_loop3A_37 : i32 to index
      %parallel_loop3A_99 = arith.constant 112 : index
      %parallel_loop3A_100 = tpu.vector_load %arg7[%parallel_loop3A_98, %parallel_loop3A_99] {strides = array<i32>} : memref<64x512xf32, #tpu.memory_space<vmem>>, vector<16xf32>,
      tpu.vector_store %arg7[%parallel_loop3A_98, %parallel_loop3A_99], %parallel_loop3A_97 {strides = array<i32>} : memref<64x512xf32, #tpu.memory_space<vmem>>, vector<16xf32>,
      %parallel_loop3A_101 = arith.constant 128 : i32
      %parallel_loop3A_102 = vector.broadcast %parallel_loop3A_101 : i32 to vector<16xi32>
      %parallel_loop3A_103 = arith.addi %parallel_loop3A_44, %parallel_loop3A_102 : vector<16xi32>
      %parallel_loop3A_104 = tpu.vector_load_idx %arg6[%parallel_loop3A_103] : memref<16384xf32, #tpu.memory_space<vmem>>[vector<16xi32>], vector<16xf32>,
      %parallel_loop3A_105 = arith.index_cast %parallel_loop3A_37 : i32 to index
      %parallel_loop3A_106 = arith.constant 128 : index
      %parallel_loop3A_107 = tpu.vector_load %arg7[%parallel_loop3A_105, %parallel_loop3A_106] {strides = array<i32>} : memref<64x512xf32, #tpu.memory_space<vmem>>, vector<16xf32>,
      tpu.vector_store %arg7[%parallel_loop3A_105, %parallel_loop3A_106], %parallel_loop3A_104 {strides = array<i32>} : memref<64x512xf32, #tpu.memory_space<vmem>>, vector<16xf32>,
      %parallel_loop3A_108 = arith.constant 144 : i32
      %parallel_loop3A_109 = vector.broadcast %parallel_loop3A_108 : i32 to vector<16xi32>
      %parallel_loop3A_110 = arith.addi %parallel_loop3A_44, %parallel_loop3A_109 : vector<16xi32>
      %parallel_loop3A_111 = tpu.vector_load_idx %arg6[%parallel_loop3A_110] : memref<16384xf32, #tpu.memory_space<vmem>>[vector<16xi32>], vector<16xf32>,
      %parallel_loop3A_112 = arith.index_cast %parallel_loop3A_37 : i32 to index
      %parallel_loop3A_113 = arith.constant 144 : index
      %parallel_loop3A_114 = tpu.vector_load %arg7[%parallel_loop3A_112, %parallel_loop3A_113] {strides = array<i32>} : memref<64x512xf32, #tpu.memory_space<vmem>>, vector<16xf32>,
      tpu.vector_store %arg7[%parallel_loop3A_112, %parallel_loop3A_113], %parallel_loop3A_111 {strides = array<i32>} : memref<64x512xf32, #tpu.memory_space<vmem>>, vector<16xf32>,
      %parallel_loop3A_115 = arith.constant 160 : i32
      %parallel_loop3A_116 = vector.broadcast %parallel_loop3A_115 : i32 to vector<16xi32>
      %parallel_loop3A_117 = arith.addi %parallel_loop3A_44, %parallel_loop3A_116 : vector<16xi32>
      %parallel_loop3A_118 = tpu.vector_load_idx %arg6[%parallel_loop3A_117] : memref<16384xf32, #tpu.memory_space<vmem>>[vector<16xi32>], vector<16xf32>,
      %parallel_loop3A_119 = arith.index_cast %parallel_loop3A_37 : i32 to index
      %parallel_loop3A_120 = arith.constant 160 : index
      %parallel_loop3A_121 = tpu.vector_load %arg7[%parallel_loop3A_119, %parallel_loop3A_120] {strides = array<i32>} : memref<64x512xf32, #tpu.memory_space<vmem>>, vector<16xf32>,
      tpu.vector_store %arg7[%parallel_loop3A_119, %parallel_loop3A_120], %parallel_loop3A_118 {strides = array<i32>} : memref<64x512xf32, #tpu.memory_space<vmem>>, vector<16xf32>,
      %parallel_loop3A_122 = arith.constant 176 : i32
      %parallel_loop3A_123 = vector.broadcast %parallel_loop3A_122 : i32 to vector<16xi32>
      %parallel_loop3A_124 = arith.addi %parallel_loop3A_44, %parallel_loop3A_123 : vector<16xi32>
      %parallel_loop3A_125 = tpu.vector_load_idx %arg6[%parallel_loop3A_124] : memref<16384xf32, #tpu.memory_space<vmem>>[vector<16xi32>], vector<16xf32>,
      %parallel_loop3A_126 = arith.index_cast %parallel_loop3A_37 : i32 to index
      %parallel_loop3A_127 = arith.constant 176 : index
      %parallel_loop3A_128 = tpu.vector_load %arg7[%parallel_loop3A_126, %parallel_loop3A_127] {strides = array<i32>} : memref<64x512xf32, #tpu.memory_space<vmem>>, vector<16xf32>,
      tpu.vector_store %arg7[%parallel_loop3A_126, %parallel_loop3A_127], %parallel_loop3A_125 {strides = array<i32>} : memref<64x512xf32, #tpu.memory_space<vmem>>, vector<16xf32>,
      %parallel_loop3A_129 = arith.constant 192 : i32
      %parallel_loop3A_130 = vector.broadcast %parallel_loop3A_129 : i32 to vector<16xi32>
      %parallel_loop3A_131 = arith.addi %parallel_loop3A_44, %parallel_loop3A_130 : vector<16xi32>
      %parallel_loop3A_132 = tpu.vector_load_idx %arg6[%parallel_loop3A_131] : memref<16384xf32, #tpu.memory_space<vmem>>[vector<16xi32>], vector<16xf32>,
      %parallel_loop3A_133 = arith.index_cast %parallel_loop3A_37 : i32 to index
      %parallel_loop3A_134 = arith.constant 192 : index
      %parallel_loop3A_135 = tpu.vector_load %arg7[%parallel_loop3A_133, %parallel_loop3A_134] {strides = array<i32>} : memref<64x512xf32, #tpu.memory_space<vmem>>, vector<16xf32>,
      tpu.vector_store %arg7[%parallel_loop3A_133, %parallel_loop3A_134], %parallel_loop3A_132 {strides = array<i32>} : memref<64x512xf32, #tpu.memory_space<vmem>>, vector<16xf32>,
      %parallel_loop3A_136 = arith.constant 208 : i32
      %parallel_loop3A_137 = vector.broadcast %parallel_loop3A_136 : i32 to vector<16xi32>
      %parallel_loop3A_138 = arith.addi %parallel_loop3A_44, %parallel_loop3A_137 : vector<16xi32>
      %parallel_loop3A_139 = tpu.vector_load_idx %arg6[%parallel_loop3A_138] : memref<16384xf32, #tpu.memory_space<vmem>>[vector<16xi32>], vector<16xf32>,
      %parallel_loop3A_140 = arith.index_cast %parallel_loop3A_37 : i32 to index
      %parallel_loop3A_141 = arith.constant 208 : index
      %parallel_loop3A_142 = tpu.vector_load %arg7[%parallel_loop3A_140, %parallel_loop3A_141] {strides = array<i32>} : memref<64x512xf32, #tpu.memory_space<vmem>>, vector<16xf32>,
      tpu.vector_store %arg7[%parallel_loop3A_140, %parallel_loop3A_141], %parallel_loop3A_139 {strides = array<i32>} : memref<64x512xf32, #tpu.memory_space<vmem>>, vector<16xf32>,
      %parallel_loop3A_143 = arith.constant 224 : i32
      %parallel_loop3A_144 = vector.broadcast %parallel_loop3A_143 : i32 to vector<16xi32>
      %parallel_loop3A_145 = arith.addi %parallel_loop3A_44, %parallel_loop3A_144 : vector<16xi32>
      %parallel_loop3A_146 = tpu.vector_load_idx %arg6[%parallel_loop3A_145] : memref<16384xf32, #tpu.memory_space<vmem>>[vector<16xi32>], vector<16xf32>,
      %parallel_loop3A_147 = arith.index_cast %parallel_loop3A_37 : i32 to index
      %parallel_loop3A_148 = arith.constant 224 : index
      %parallel_loop3A_149 = tpu.vector_load %arg7[%parallel_loop3A_147, %parallel_loop3A_148] {strides = array<i32>} : memref<64x512xf32, #tpu.memory_space<vmem>>, vector<16xf32>,
      tpu.vector_store %arg7[%parallel_loop3A_147, %parallel_loop3A_148], %parallel_loop3A_146 {strides = array<i32>} : memref<64x512xf32, #tpu.memory_space<vmem>>, vector<16xf32>,
      %parallel_loop3A_150 = arith.constant 240 : i32
      %parallel_loop3A_151 = vector.broadcast %parallel_loop3A_150 : i32 to vector<16xi32>
      %parallel_loop3A_152 = arith.addi %parallel_loop3A_44, %parallel_loop3A_151 : vector<16xi32>
      %parallel_loop3A_153 = tpu.vector_load_idx %arg6[%parallel_loop3A_152] : memref<16384xf32, #tpu.memory_space<vmem>>[vector<16xi32>], vector<16xf32>,
      %parallel_loop3A_154 = arith.index_cast %parallel_loop3A_37 : i32 to index
      %parallel_loop3A_155 = arith.constant 240 : index
      %parallel_loop3A_156 = tpu.vector_load %arg7[%parallel_loop3A_154, %parallel_loop3A_155] {strides = array<i32>} : memref<64x512xf32, #tpu.memory_space<vmem>>, vector<16xf32>,
      tpu.vector_store %arg7[%parallel_loop3A_154, %parallel_loop3A_155], %parallel_loop3A_153 {strides = array<i32>} : memref<64x512xf32, #tpu.memory_space<vmem>>, vector<16xf32>,
      %parallel_loop3A_157 = arith.constant 256 : i32
      %parallel_loop3A_158 = vector.broadcast %parallel_loop3A_157 : i32 to vector<16xi32>
      %parallel_loop3A_159 = arith.addi %parallel_loop3A_44, %parallel_loop3A_158 : vector<16xi32>
      %parallel_loop3A_160 = tpu.vector_load_idx %arg6[%parallel_loop3A_159] : memref<16384xf32, #tpu.memory_space<vmem>>[vector<16xi32>], vector<16xf32>,
      %parallel_loop3A_161 = arith.index_cast %parallel_loop3A_37 : i32 to index
      %parallel_loop3A_162 = arith.constant 256 : index
      %parallel_loop3A_163 = tpu.vector_load %arg7[%parallel_loop3A_161, %parallel_loop3A_162] {strides = array<i32>} : memref<64x512xf32, #tpu.memory_space<vmem>>, vector<16xf32>,
      tpu.vector_store %arg7[%parallel_loop3A_161, %parallel_loop3A_162], %parallel_loop3A_160 {strides = array<i32>} : memref<64x512xf32, #tpu.memory_space<vmem>>, vector<16xf32>,
      %parallel_loop3A_164 = arith.constant 272 : i32
      %parallel_loop3A_165 = vector.broadcast %parallel_loop3A_164 : i32 to vector<16xi32>
      %parallel_loop3A_166 = arith.addi %parallel_loop3A_44, %parallel_loop3A_165 : vector<16xi32>
      %parallel_loop3A_167 = tpu.vector_load_idx %arg6[%parallel_loop3A_166] : memref<16384xf32, #tpu.memory_space<vmem>>[vector<16xi32>], vector<16xf32>,
      %parallel_loop3A_168 = arith.index_cast %parallel_loop3A_37 : i32 to index
      %parallel_loop3A_169 = arith.constant 272 : index
      %parallel_loop3A_170 = tpu.vector_load %arg7[%parallel_loop3A_168, %parallel_loop3A_169] {strides = array<i32>} : memref<64x512xf32, #tpu.memory_space<vmem>>, vector<16xf32>,
      tpu.vector_store %arg7[%parallel_loop3A_168, %parallel_loop3A_169], %parallel_loop3A_167 {strides = array<i32>} : memref<64x512xf32, #tpu.memory_space<vmem>>, vector<16xf32>,
      %parallel_loop3A_171 = arith.constant 288 : i32
      %parallel_loop3A_172 = vector.broadcast %parallel_loop3A_171 : i32 to vector<16xi32>
      %parallel_loop3A_173 = arith.addi %parallel_loop3A_44, %parallel_loop3A_172 : vector<16xi32>
      %parallel_loop3A_174 = tpu.vector_load_idx %arg6[%parallel_loop3A_173] : memref<16384xf32, #tpu.memory_space<vmem>>[vector<16xi32>], vector<16xf32>,
      %parallel_loop3A_175 = arith.index_cast %parallel_loop3A_37 : i32 to index
      %parallel_loop3A_176 = arith.constant 288 : index
      %parallel_loop3A_177 = tpu.vector_load %arg7[%parallel_loop3A_175, %parallel_loop3A_176] {strides = array<i32>} : memref<64x512xf32, #tpu.memory_space<vmem>>, vector<16xf32>,
      tpu.vector_store %arg7[%parallel_loop3A_175, %parallel_loop3A_176], %parallel_loop3A_174 {strides = array<i32>} : memref<64x512xf32, #tpu.memory_space<vmem>>, vector<16xf32>,
      %parallel_loop3A_178 = arith.constant 304 : i32
      %parallel_loop3A_179 = vector.broadcast %parallel_loop3A_178 : i32 to vector<16xi32>
      %parallel_loop3A_180 = arith.addi %parallel_loop3A_44, %parallel_loop3A_179 : vector<16xi32>
      %parallel_loop3A_181 = tpu.vector_load_idx %arg6[%parallel_loop3A_180] : memref<16384xf32, #tpu.memory_space<vmem>>[vector<16xi32>], vector<16xf32>,
      %parallel_loop3A_182 = arith.index_cast %parallel_loop3A_37 : i32 to index
      %parallel_loop3A_183 = arith.constant 304 : index
      %parallel_loop3A_184 = tpu.vector_load %arg7[%parallel_loop3A_182, %parallel_loop3A_183] {strides = array<i32>} : memref<64x512xf32, #tpu.memory_space<vmem>>, vector<16xf32>,
      tpu.vector_store %arg7[%parallel_loop3A_182, %parallel_loop3A_183], %parallel_loop3A_181 {strides = array<i32>} : memref<64x512xf32, #tpu.memory_space<vmem>>, vector<16xf32>,
      %parallel_loop3A_185 = arith.constant 320 : i32
      %parallel_loop3A_186 = vector.broadcast %parallel_loop3A_185 : i32 to vector<16xi32>
      %parallel_loop3A_187 = arith.addi %parallel_loop3A_44, %parallel_loop3A_186 : vector<16xi32>
      %parallel_loop3A_188 = tpu.vector_load_idx %arg6[%parallel_loop3A_187] : memref<16384xf32, #tpu.memory_space<vmem>>[vector<16xi32>], vector<16xf32>,
      %parallel_loop3A_189 = arith.index_cast %parallel_loop3A_37 : i32 to index
      %parallel_loop3A_190 = arith.constant 320 : index
      %parallel_loop3A_191 = tpu.vector_load %arg7[%parallel_loop3A_189, %parallel_loop3A_190] {strides = array<i32>} : memref<64x512xf32, #tpu.memory_space<vmem>>, vector<16xf32>,
      tpu.vector_store %arg7[%parallel_loop3A_189, %parallel_loop3A_190], %parallel_loop3A_188 {strides = array<i32>} : memref<64x512xf32, #tpu.memory_space<vmem>>, vector<16xf32>,
      %parallel_loop3A_192 = arith.constant 336 : i32
      %parallel_loop3A_193 = vector.broadcast %parallel_loop3A_192 : i32 to vector<16xi32>
      %parallel_loop3A_194 = arith.addi %parallel_loop3A_44, %parallel_loop3A_193 : vector<16xi32>
      %parallel_loop3A_195 = tpu.vector_load_idx %arg6[%parallel_loop3A_194] : memref<16384xf32, #tpu.memory_space<vmem>>[vector<16xi32>], vector<16xf32>,
      %parallel_loop3A_196 = arith.index_cast %parallel_loop3A_37 : i32 to index
      %parallel_loop3A_197 = arith.constant 336 : index
      %parallel_loop3A_198 = tpu.vector_load %arg7[%parallel_loop3A_196, %parallel_loop3A_197] {strides = array<i32>} : memref<64x512xf32, #tpu.memory_space<vmem>>, vector<16xf32>,
      tpu.vector_store %arg7[%parallel_loop3A_196, %parallel_loop3A_197], %parallel_loop3A_195 {strides = array<i32>} : memref<64x512xf32, #tpu.memory_space<vmem>>, vector<16xf32>,
      %parallel_loop3A_199 = arith.constant 352 : i32
      %parallel_loop3A_200 = vector.broadcast %parallel_loop3A_199 : i32 to vector<16xi32>
      %parallel_loop3A_201 = arith.addi %parallel_loop3A_44, %parallel_loop3A_200 : vector<16xi32>
      %parallel_loop3A_202 = tpu.vector_load_idx %arg6[%parallel_loop3A_201] : memref<16384xf32, #tpu.memory_space<vmem>>[vector<16xi32>], vector<16xf32>,
      %parallel_loop3A_203 = arith.index_cast %parallel_loop3A_37 : i32 to index
      %parallel_loop3A_204 = arith.constant 352 : index
      %parallel_loop3A_205 = tpu.vector_load %arg7[%parallel_loop3A_203, %parallel_loop3A_204] {strides = array<i32>} : memref<64x512xf32, #tpu.memory_space<vmem>>, vector<16xf32>,
      tpu.vector_store %arg7[%parallel_loop3A_203, %parallel_loop3A_204], %parallel_loop3A_202 {strides = array<i32>} : memref<64x512xf32, #tpu.memory_space<vmem>>, vector<16xf32>,
      %parallel_loop3A_206 = arith.constant 368 : i32
      %parallel_loop3A_207 = vector.broadcast %parallel_loop3A_206 : i32 to vector<16xi32>
      %parallel_loop3A_208 = arith.addi %parallel_loop3A_44, %parallel_loop3A_207 : vector<16xi32>
      %parallel_loop3A_209 = tpu.vector_load_idx %arg6[%parallel_loop3A_208] : memref<16384xf32, #tpu.memory_space<vmem>>[vector<16xi32>], vector<16xf32>,
      %parallel_loop3A_210 = arith.index_cast %parallel_loop3A_37 : i32 to index
      %parallel_loop3A_211 = arith.constant 368 : index
      %parallel_loop3A_212 = tpu.vector_load %arg7[%parallel_loop3A_210, %parallel_loop3A_211] {strides = array<i32>} : memref<64x512xf32, #tpu.memory_space<vmem>>, vector<16xf32>,
      tpu.vector_store %arg7[%parallel_loop3A_210, %parallel_loop3A_211], %parallel_loop3A_209 {strides = array<i32>} : memref<64x512xf32, #tpu.memory_space<vmem>>, vector<16xf32>,
      %parallel_loop3A_213 = arith.constant 384 : i32
      %parallel_loop3A_214 = vector.broadcast %parallel_loop3A_213 : i32 to vector<16xi32>
      %parallel_loop3A_215 = arith.addi %parallel_loop3A_44, %parallel_loop3A_214 : vector<16xi32>
      %parallel_loop3A_216 = tpu.vector_load_idx %arg6[%parallel_loop3A_215] : memref<16384xf32, #tpu.memory_space<vmem>>[vector<16xi32>], vector<16xf32>,
      %parallel_loop3A_217 = arith.index_cast %parallel_loop3A_37 : i32 to index
      %parallel_loop3A_218 = arith.constant 384 : index
      %parallel_loop3A_219 = tpu.vector_load %arg7[%parallel_loop3A_217, %parallel_loop3A_218] {strides = array<i32>} : memref<64x512xf32, #tpu.memory_space<vmem>>, vector<16xf32>,
      tpu.vector_store %arg7[%parallel_loop3A_217, %parallel_loop3A_218], %parallel_loop3A_216 {strides = array<i32>} : memref<64x512xf32, #tpu.memory_space<vmem>>, vector<16xf32>,
      %parallel_loop3A_220 = arith.constant 400 : i32
      %parallel_loop3A_221 = vector.broadcast %parallel_loop3A_220 : i32 to vector<16xi32>
      %parallel_loop3A_222 = arith.addi %parallel_loop3A_44, %parallel_loop3A_221 : vector<16xi32>
      %parallel_loop3A_223 = tpu.vector_load_idx %arg6[%parallel_loop3A_222] : memref<16384xf32, #tpu.memory_space<vmem>>[vector<16xi32>], vector<16xf32>,
      %parallel_loop3A_224 = arith.index_cast %parallel_loop3A_37 : i32 to index
      %parallel_loop3A_225 = arith.constant 400 : index
      %parallel_loop3A_226 = tpu.vector_load %arg7[%parallel_loop3A_224, %parallel_loop3A_225] {strides = array<i32>} : memref<64x512xf32, #tpu.memory_space<vmem>>, vector<16xf32>,
      tpu.vector_store %arg7[%parallel_loop3A_224, %parallel_loop3A_225], %parallel_loop3A_223 {strides = array<i32>} : memref<64x512xf32, #tpu.memory_space<vmem>>, vector<16xf32>,
      %parallel_loop3A_227 = arith.constant 416 : i32
      %parallel_loop3A_228 = vector.broadcast %parallel_loop3A_227 : i32 to vector<16xi32>
      %parallel_loop3A_229 = arith.addi %parallel_loop3A_44, %parallel_loop3A_228 : vector<16xi32>
      %parallel_loop3A_230 = tpu.vector_load_idx %arg6[%parallel_loop3A_229] : memref<16384xf32, #tpu.memory_space<vmem>>[vector<16xi32>], vector<16xf32>,
      %parallel_loop3A_231 = arith.index_cast %parallel_loop3A_37 : i32 to index
      %parallel_loop3A_232 = arith.constant 416 : index
      %parallel_loop3A_233 = tpu.vector_load %arg7[%parallel_loop3A_231, %parallel_loop3A_232] {strides = array<i32>} : memref<64x512xf32, #tpu.memory_space<vmem>>, vector<16xf32>,
      tpu.vector_store %arg7[%parallel_loop3A_231, %parallel_loop3A_232], %parallel_loop3A_230 {strides = array<i32>} : memref<64x512xf32, #tpu.memory_space<vmem>>, vector<16xf32>,
      %parallel_loop3A_234 = arith.constant 432 : i32
      %parallel_loop3A_235 = vector.broadcast %parallel_loop3A_234 : i32 to vector<16xi32>
      %parallel_loop3A_236 = arith.addi %parallel_loop3A_44, %parallel_loop3A_235 : vector<16xi32>
      %parallel_loop3A_237 = tpu.vector_load_idx %arg6[%parallel_loop3A_236] : memref<16384xf32, #tpu.memory_space<vmem>>[vector<16xi32>], vector<16xf32>,
      %parallel_loop3A_238 = arith.index_cast %parallel_loop3A_37 : i32 to index
      %parallel_loop3A_239 = arith.constant 432 : index
      %parallel_loop3A_240 = tpu.vector_load %arg7[%parallel_loop3A_238, %parallel_loop3A_239] {strides = array<i32>} : memref<64x512xf32, #tpu.memory_space<vmem>>, vector<16xf32>,
      tpu.vector_store %arg7[%parallel_loop3A_238, %parallel_loop3A_239], %parallel_loop3A_237 {strides = array<i32>} : memref<64x512xf32, #tpu.memory_space<vmem>>, vector<16xf32>,
      %parallel_loop3A_241 = arith.constant 448 : i32
      %parallel_loop3A_242 = vector.broadcast %parallel_loop3A_241 : i32 to vector<16xi32>
      %parallel_loop3A_243 = arith.addi %parallel_loop3A_44, %parallel_loop3A_242 : vector<16xi32>
      %parallel_loop3A_244 = tpu.vector_load_idx %arg6[%parallel_loop3A_243] : memref<16384xf32, #tpu.memory_space<vmem>>[vector<16xi32>], vector<16xf32>,
      %parallel_loop3A_245 = arith.index_cast %parallel_loop3A_37 : i32 to index
      %parallel_loop3A_246 = arith.constant 448 : index
      %parallel_loop3A_247 = tpu.vector_load %arg7[%parallel_loop3A_245, %parallel_loop3A_246] {strides = array<i32>} : memref<64x512xf32, #tpu.memory_space<vmem>>, vector<16xf32>,
      tpu.vector_store %arg7[%parallel_loop3A_245, %parallel_loop3A_246], %parallel_loop3A_244 {strides = array<i32>} : memref<64x512xf32, #tpu.memory_space<vmem>>, vector<16xf32>,
      %parallel_loop3A_248 = arith.constant 464 : i32
      %parallel_loop3A_249 = vector.broadcast %parallel_loop3A_248 : i32 to vector<16xi32>
      %parallel_loop3A_250 = arith.addi %parallel_loop3A_44, %parallel_loop3A_249 : vector<16xi32>
      %parallel_loop3A_251 = tpu.vector_load_idx %arg6[%parallel_loop3A_250] : memref<16384xf32, #tpu.memory_space<vmem>>[vector<16xi32>], vector<16xf32>,
      %parallel_loop3A_252 = arith.index_cast %parallel_loop3A_37 : i32 to index
      %parallel_loop3A_253 = arith.constant 464 : index
      %parallel_loop3A_254 = tpu.vector_load %arg7[%parallel_loop3A_252, %parallel_loop3A_253] {strides = array<i32>} : memref<64x512xf32, #tpu.memory_space<vmem>>, vector<16xf32>,
      tpu.vector_store %arg7[%parallel_loop3A_252, %parallel_loop3A_253], %parallel_loop3A_251 {strides = array<i32>} : memref<64x512xf32, #tpu.memory_space<vmem>>, vector<16xf32>,
      %parallel_loop3A_255 = arith.constant 480 : i32
      %parallel_loop3A_256 = vector.broadcast %parallel_loop3A_255 : i32 to vector<16xi32>
      %parallel_loop3A_257 = arith.addi %parallel_loop3A_44, %parallel_loop3A_256 : vector<16xi32>
      %parallel_loop3A_258 = tpu.vector_load_idx %arg6[%parallel_loop3A_257] : memref<16384xf32, #tpu.memory_space<vmem>>[vector<16xi32>], vector<16xf32>,
      %parallel_loop3A_259 = arith.index_cast %parallel_loop3A_37 : i32 to index
      %parallel_loop3A_260 = arith.constant 480 : index
      %parallel_loop3A_261 = tpu.vector_load %arg7[%parallel_loop3A_259, %parallel_loop3A_260] {strides = array<i32>} : memref<64x512xf32, #tpu.memory_space<vmem>>, vector<16xf32>,
      tpu.vector_store %arg7[%parallel_loop3A_259, %parallel_loop3A_260], %parallel_loop3A_258 {strides = array<i32>} : memref<64x512xf32, #tpu.memory_space<vmem>>, vector<16xf32>,
      %parallel_loop3A_262 = arith.constant 496 : i32
      %parallel_loop3A_263 = vector.broadcast %parallel_loop3A_262 : i32 to vector<16xi32>
      %parallel_loop3A_264 = arith.addi %parallel_loop3A_44, %parallel_loop3A_263 : vector<16xi32>
      %parallel_loop3A_265 = tpu.vector_load_idx %arg6[%parallel_loop3A_264] : memref<16384xf32, #tpu.memory_space<vmem>>[vector<16xi32>], vector<16xf32>,
      %parallel_loop3A_266 = arith.index_cast %parallel_loop3A_37 : i32 to index
      %parallel_loop3A_267 = arith.constant 496 : index
      %parallel_loop3A_268 = tpu.vector_load %arg7[%parallel_loop3A_266, %parallel_loop3A_267] {strides = array<i32>} : memref<64x512xf32, #tpu.memory_space<vmem>>, vector<16xf32>,
      tpu.vector_store %arg7[%parallel_loop3A_266, %parallel_loop3A_267], %parallel_loop3A_265 {strides = array<i32>} : memref<64x512xf32, #tpu.memory_space<vmem>>, vector<16xf32>,
    } {sc.loop_unroll_factor = 1 : i64, sc.parallel_access}
    %mul3A_6 = arith.constant 0 : i32
    %mul3A_7 = arith.constant 64 : i32
    %mul3A_8 = arith.muli %mul3A_6, %mul3A_7 : i32
    %add3A_9 = arith.addi %mul3A_2, %mul3A_8 : i32
    %dma_start3A = arith.constant 0 : i32
    %dma_start3A_10 = tpu.memref_slice %arg4[%add3A_9, %dma_start3A] : memref<65536x512xf32, #tpu.memory_space<hbm>> -> memref<64x512xf32, #tpu.memory_space<hbm>>
    %dma_start3A_11 = arith.constant 0 : i32
    %dma_start3A_12 = tpu.memref_slice %arg4[%add3A_9, %dma_start3A_11] : memref<65536x512xf32, #tpu.memory_space<hbm>> -> memref<64x512xf32, #tpu.memory_space<hbm>>
    tpu.enqueue_dma source(%arg7 : memref<64x512xf32, #tpu.memory_space<vmem>>) target(%dma_start3A_12 : memref<64x512xf32, #tpu.memory_space<hbm>>) target_semaphore(%arg9 : memref<!tpu.dma_semaphore, #tpu.memory_space<semaphore_mem>>)
    %parallel_loop3A_13 = arith.constant 0 : i32
    %parallel_loop3A_14 = arith.constant 64 : i32
    %parallel_loop3A_15 = arith.constant 1 : i32
    %parallel_loop3A_16 = arith.constant 64 : i32
    scf.for %parallel_loop3A_37 = %parallel_loop3A_13 to %parallel_loop3A_14 step %parallel_loop3A_15  : i32 {
      %parallel_loop3A_38 = arith.addi %parallel_loop3A_16, %parallel_loop3A_37 : i32
      %parallel_loop3A_39 = vector.broadcast %parallel_loop3A_38 : i32 to vector<16xi32>
      %parallel_loop3A_40 = tpu.vector_load_idx %arg5[%parallel_loop3A_39] : memref<2048xi32, #tpu.memory_space<vmem>>[vector<16xi32>], vector<16xi32>,
      %parallel_loop3A_41 = arith.constant 512 : i32
      %parallel_loop3A_42 = vector.broadcast %parallel_loop3A_41 : i32 to vector<16xi32>
      %parallel_loop3A_43 = arith.muli %parallel_loop3A_40, %parallel_loop3A_42 : vector<16xi32>
      %parallel_loop3A_44 = arith.addi %parallel_loop3A_43, %iota3A : vector<16xi32>
      %parallel_loop3A_45 = arith.constant 0 : i32
      %parallel_loop3A_46 = vector.broadcast %parallel_loop3A_45 : i32 to vector<16xi32>
      %parallel_loop3A_47 = arith.addi %parallel_loop3A_44, %parallel_loop3A_46 : vector<16xi32>
      %parallel_loop3A_48 = tpu.vector_load_idx %arg6[%parallel_loop3A_47] : memref<16384xf32, #tpu.memory_space<vmem>>[vector<16xi32>], vector<16xf32>,
      %parallel_loop3A_49 = arith.index_cast %parallel_loop3A_37 : i32 to index
      %parallel_loop3A_50 = arith.constant 0 : index
      %parallel_loop3A_51 = tpu.vector_load %arg8[%parallel_loop3A_49, %parallel_loop3A_50] {strides = array<i32>} : memref<64x512xf32, #tpu.memory_space<vmem>>, vector<16xf32>,
      tpu.vector_store %arg8[%parallel_loop3A_49, %parallel_loop3A_50], %parallel_loop3A_48 {strides = array<i32>} : memref<64x512xf32, #tpu.memory_space<vmem>>, vector<16xf32>,
      %parallel_loop3A_52 = arith.constant 16 : i32
      %parallel_loop3A_53 = vector.broadcast %parallel_loop3A_52 : i32 to vector<16xi32>
      %parallel_loop3A_54 = arith.addi %parallel_loop3A_44, %parallel_loop3A_53 : vector<16xi32>
      %parallel_loop3A_55 = tpu.vector_load_idx %arg6[%parallel_loop3A_54] : memref<16384xf32, #tpu.memory_space<vmem>>[vector<16xi32>], vector<16xf32>,
      %parallel_loop3A_56 = arith.index_cast %parallel_loop3A_37 : i32 to index
      %parallel_loop3A_57 = arith.constant 16 : index
      %parallel_loop3A_58 = tpu.vector_load %arg8[%parallel_loop3A_56, %parallel_loop3A_57] {strides = array<i32>} : memref<64x512xf32, #tpu.memory_space<vmem>>, vector<16xf32>,
      tpu.vector_store %arg8[%parallel_loop3A_56, %parallel_loop3A_57], %parallel_loop3A_55 {strides = array<i32>} : memref<64x512xf32, #tpu.memory_space<vmem>>, vector<16xf32>,
      %parallel_loop3A_59 = arith.constant 32 : i32
      %parallel_loop3A_60 = vector.broadcast %parallel_loop3A_59 : i32 to vector<16xi32>
      %parallel_loop3A_61 = arith.addi %parallel_loop3A_44, %parallel_loop3A_60 : vector<16xi32>
      %parallel_loop3A_62 = tpu.vector_load_idx %arg6[%parallel_loop3A_61] : memref<16384xf32, #tpu.memory_space<vmem>>[vector<16xi32>], vector<16xf32>,
      %parallel_loop3A_63 = arith.index_cast %parallel_loop3A_37 : i32 to index
      %parallel_loop3A_64 = arith.constant 32 : index
      %parallel_loop3A_65 = tpu.vector_load %arg8[%parallel_loop3A_63, %parallel_loop3A_64] {strides = array<i32>} : memref<64x512xf32, #tpu.memory_space<vmem>>, vector<16xf32>,
      tpu.vector_store %arg8[%parallel_loop3A_63, %parallel_loop3A_64], %parallel_loop3A_62 {strides = array<i32>} : memref<64x512xf32, #tpu.memory_space<vmem>>, vector<16xf32>,
      %parallel_loop3A_66 = arith.constant 48 : i32
      %parallel_loop3A_67 = vector.broadcast %parallel_loop3A_66 : i32 to vector<16xi32>
      %parallel_loop3A_68 = arith.addi %parallel_loop3A_44, %parallel_loop3A_67 : vector<16xi32>
      %parallel_loop3A_69 = tpu.vector_load_idx %arg6[%parallel_loop3A_68] : memref<16384xf32, #tpu.memory_space<vmem>>[vector<16xi32>], vector<16xf32>,
      %parallel_loop3A_70 = arith.index_cast %parallel_loop3A_37 : i32 to index
      %parallel_loop3A_71 = arith.constant 48 : index
      %parallel_loop3A_72 = tpu.vector_load %arg8[%parallel_loop3A_70, %parallel_loop3A_71] {strides = array<i32>} : memref<64x512xf32, #tpu.memory_space<vmem>>, vector<16xf32>,
      tpu.vector_store %arg8[%parallel_loop3A_70, %parallel_loop3A_71], %parallel_loop3A_69 {strides = array<i32>} : memref<64x512xf32, #tpu.memory_space<vmem>>, vector<16xf32>,
      %parallel_loop3A_73 = arith.constant 64 : i32
      %parallel_loop3A_74 = vector.broadcast %parallel_loop3A_73 : i32 to vector<16xi32>
      %parallel_loop3A_75 = arith.addi %parallel_loop3A_44, %parallel_loop3A_74 : vector<16xi32>
      %parallel_loop3A_76 = tpu.vector_load_idx %arg6[%parallel_loop3A_75] : memref<16384xf32, #tpu.memory_space<vmem>>[vector<16xi32>], vector<16xf32>,
      %parallel_loop3A_77 = arith.index_cast %parallel_loop3A_37 : i32 to index
      %parallel_loop3A_78 = arith.constant 64 : index
      %parallel_loop3A_79 = tpu.vector_load %arg8[%parallel_loop3A_77, %parallel_loop3A_78] {strides = array<i32>} : memref<64x512xf32, #tpu.memory_space<vmem>>, vector<16xf32>,
      tpu.vector_store %arg8[%parallel_loop3A_77, %parallel_loop3A_78], %parallel_loop3A_76 {strides = array<i32>} : memref<64x512xf32, #tpu.memory_space<vmem>>, vector<16xf32>,
      %parallel_loop3A_80 = arith.constant 80 : i32
      %parallel_loop3A_81 = vector.broadcast %parallel_loop3A_80 : i32 to vector<16xi32>
      %parallel_loop3A_82 = arith.addi %parallel_loop3A_44, %parallel_loop3A_81 : vector<16xi32>
      %parallel_loop3A_83 = tpu.vector_load_idx %arg6[%parallel_loop3A_82] : memref<16384xf32, #tpu.memory_space<vmem>>[vector<16xi32>], vector<16xf32>,
      %parallel_loop3A_84 = arith.index_cast %parallel_loop3A_37 : i32 to index
      %parallel_loop3A_85 = arith.constant 80 : index
      %parallel_loop3A_86 = tpu.vector_load %arg8[%parallel_loop3A_84, %parallel_loop3A_85] {strides = array<i32>} : memref<64x512xf32, #tpu.memory_space<vmem>>, vector<16xf32>,
      tpu.vector_store %arg8[%parallel_loop3A_84, %parallel_loop3A_85], %parallel_loop3A_83 {strides = array<i32>} : memref<64x512xf32, #tpu.memory_space<vmem>>, vector<16xf32>,
      %parallel_loop3A_87 = arith.constant 96 : i32
      %parallel_loop3A_88 = vector.broadcast %parallel_loop3A_87 : i32 to vector<16xi32>
      %parallel_loop3A_89 = arith.addi %parallel_loop3A_44, %parallel_loop3A_88 : vector<16xi32>
      %parallel_loop3A_90 = tpu.vector_load_idx %arg6[%parallel_loop3A_89] : memref<16384xf32, #tpu.memory_space<vmem>>[vector<16xi32>], vector<16xf32>,
      %parallel_loop3A_91 = arith.index_cast %parallel_loop3A_37 : i32 to index
      %parallel_loop3A_92 = arith.constant 96 : index
      %parallel_loop3A_93 = tpu.vector_load %arg8[%parallel_loop3A_91, %parallel_loop3A_92] {strides = array<i32>} : memref<64x512xf32, #tpu.memory_space<vmem>>, vector<16xf32>,
      tpu.vector_store %arg8[%parallel_loop3A_91, %parallel_loop3A_92], %parallel_loop3A_90 {strides = array<i32>} : memref<64x512xf32, #tpu.memory_space<vmem>>, vector<16xf32>,
      %parallel_loop3A_94 = arith.constant 112 : i32
      %parallel_loop3A_95 = vector.broadcast %parallel_loop3A_94 : i32 to vector<16xi32>
      %parallel_loop3A_96 = arith.addi %parallel_loop3A_44, %parallel_loop3A_95 : vector<16xi32>
      %parallel_loop3A_97 = tpu.vector_load_idx %arg6[%parallel_loop3A_96] : memref<16384xf32, #tpu.memory_space<vmem>>[vector<16xi32>], vector<16xf32>,
      %parallel_loop3A_98 = arith.index_cast %parallel_loop3A_37 : i32 to index
      %parallel_loop3A_99 = arith.constant 112 : index
      %parallel_loop3A_100 = tpu.vector_load %arg8[%parallel_loop3A_98, %parallel_loop3A_99] {strides = array<i32>} : memref<64x512xf32, #tpu.memory_space<vmem>>, vector<16xf32>,
      tpu.vector_store %arg8[%parallel_loop3A_98, %parallel_loop3A_99], %parallel_loop3A_97 {strides = array<i32>} : memref<64x512xf32, #tpu.memory_space<vmem>>, vector<16xf32>,
      %parallel_loop3A_101 = arith.constant 128 : i32
      %parallel_loop3A_102 = vector.broadcast %parallel_loop3A_101 : i32 to vector<16xi32>
      %parallel_loop3A_103 = arith.addi %parallel_loop3A_44, %parallel_loop3A_102 : vector<16xi32>
      %parallel_loop3A_104 = tpu.vector_load_idx %arg6[%parallel_loop3A_103] : memref<16384xf32, #tpu.memory_space<vmem>>[vector<16xi32>], vector<16xf32>,
      %parallel_loop3A_105 = arith.index_cast %parallel_loop3A_37 : i32 to index
      %parallel_loop3A_106 = arith.constant 128 : index
      %parallel_loop3A_107 = tpu.vector_load %arg8[%parallel_loop3A_105, %parallel_loop3A_106] {strides = array<i32>} : memref<64x512xf32, #tpu.memory_space<vmem>>, vector<16xf32>,
      tpu.vector_store %arg8[%parallel_loop3A_105, %parallel_loop3A_106], %parallel_loop3A_104 {strides = array<i32>} : memref<64x512xf32, #tpu.memory_space<vmem>>, vector<16xf32>,
      %parallel_loop3A_108 = arith.constant 144 : i32
      %parallel_loop3A_109 = vector.broadcast %parallel_loop3A_108 : i32 to vector<16xi32>
      %parallel_loop3A_110 = arith.addi %parallel_loop3A_44, %parallel_loop3A_109 : vector<16xi32>
      %parallel_loop3A_111 = tpu.vector_load_idx %arg6[%parallel_loop3A_110] : memref<16384xf32, #tpu.memory_space<vmem>>[vector<16xi32>], vector<16xf32>,
      %parallel_loop3A_112 = arith.index_cast %parallel_loop3A_37 : i32 to index
      %parallel_loop3A_113 = arith.constant 144 : index
      %parallel_loop3A_114 = tpu.vector_load %arg8[%parallel_loop3A_112, %parallel_loop3A_113] {strides = array<i32>} : memref<64x512xf32, #tpu.memory_space<vmem>>, vector<16xf32>,
      tpu.vector_store %arg8[%parallel_loop3A_112, %parallel_loop3A_113], %parallel_loop3A_111 {strides = array<i32>} : memref<64x512xf32, #tpu.memory_space<vmem>>, vector<16xf32>,
      %parallel_loop3A_115 = arith.constant 160 : i32
      %parallel_loop3A_116 = vector.broadcast %parallel_loop3A_115 : i32 to vector<16xi32>
      %parallel_loop3A_117 = arith.addi %parallel_loop3A_44, %parallel_loop3A_116 : vector<16xi32>
      %parallel_loop3A_118 = tpu.vector_load_idx %arg6[%parallel_loop3A_117] : memref<16384xf32, #tpu.memory_space<vmem>>[vector<16xi32>], vector<16xf32>,
      %parallel_loop3A_119 = arith.index_cast %parallel_loop3A_37 : i32 to index
      %parallel_loop3A_120 = arith.constant 160 : index
      %parallel_loop3A_121 = tpu.vector_load %arg8[%parallel_loop3A_119, %parallel_loop3A_120] {strides = array<i32>} : memref<64x512xf32, #tpu.memory_space<vmem>>, vector<16xf32>,
      tpu.vector_store %arg8[%parallel_loop3A_119, %parallel_loop3A_120], %parallel_loop3A_118 {strides = array<i32>} : memref<64x512xf32, #tpu.memory_space<vmem>>, vector<16xf32>,
      %parallel_loop3A_122 = arith.constant 176 : i32
      %parallel_loop3A_123 = vector.broadcast %parallel_loop3A_122 : i32 to vector<16xi32>
      %parallel_loop3A_124 = arith.addi %parallel_loop3A_44, %parallel_loop3A_123 : vector<16xi32>
      %parallel_loop3A_125 = tpu.vector_load_idx %arg6[%parallel_loop3A_124] : memref<16384xf32, #tpu.memory_space<vmem>>[vector<16xi32>], vector<16xf32>,
      %parallel_loop3A_126 = arith.index_cast %parallel_loop3A_37 : i32 to index
      %parallel_loop3A_127 = arith.constant 176 : index
      %parallel_loop3A_128 = tpu.vector_load %arg8[%parallel_loop3A_126, %parallel_loop3A_127] {strides = array<i32>} : memref<64x512xf32, #tpu.memory_space<vmem>>, vector<16xf32>,
      tpu.vector_store %arg8[%parallel_loop3A_126, %parallel_loop3A_127], %parallel_loop3A_125 {strides = array<i32>} : memref<64x512xf32, #tpu.memory_space<vmem>>, vector<16xf32>,
      %parallel_loop3A_129 = arith.constant 192 : i32
      %parallel_loop3A_130 = vector.broadcast %parallel_loop3A_129 : i32 to vector<16xi32>
      %parallel_loop3A_131 = arith.addi %parallel_loop3A_44, %parallel_loop3A_130 : vector<16xi32>
      %parallel_loop3A_132 = tpu.vector_load_idx %arg6[%parallel_loop3A_131] : memref<16384xf32, #tpu.memory_space<vmem>>[vector<16xi32>], vector<16xf32>,
      %parallel_loop3A_133 = arith.index_cast %parallel_loop3A_37 : i32 to index
      %parallel_loop3A_134 = arith.constant 192 : index
      %parallel_loop3A_135 = tpu.vector_load %arg8[%parallel_loop3A_133, %parallel_loop3A_134] {strides = array<i32>} : memref<64x512xf32, #tpu.memory_space<vmem>>, vector<16xf32>,
      tpu.vector_store %arg8[%parallel_loop3A_133, %parallel_loop3A_134], %parallel_loop3A_132 {strides = array<i32>} : memref<64x512xf32, #tpu.memory_space<vmem>>, vector<16xf32>,
      %parallel_loop3A_136 = arith.constant 208 : i32
      %parallel_loop3A_137 = vector.broadcast %parallel_loop3A_136 : i32 to vector<16xi32>
      %parallel_loop3A_138 = arith.addi %parallel_loop3A_44, %parallel_loop3A_137 : vector<16xi32>
      %parallel_loop3A_139 = tpu.vector_load_idx %arg6[%parallel_loop3A_138] : memref<16384xf32, #tpu.memory_space<vmem>>[vector<16xi32>], vector<16xf32>,
      %parallel_loop3A_140 = arith.index_cast %parallel_loop3A_37 : i32 to index
      %parallel_loop3A_141 = arith.constant 208 : index
      %parallel_loop3A_142 = tpu.vector_load %arg8[%parallel_loop3A_140, %parallel_loop3A_141] {strides = array<i32>} : memref<64x512xf32, #tpu.memory_space<vmem>>, vector<16xf32>,
      tpu.vector_store %arg8[%parallel_loop3A_140, %parallel_loop3A_141], %parallel_loop3A_139 {strides = array<i32>} : memref<64x512xf32, #tpu.memory_space<vmem>>, vector<16xf32>,
      %parallel_loop3A_143 = arith.constant 224 : i32
      %parallel_loop3A_144 = vector.broadcast %parallel_loop3A_143 : i32 to vector<16xi32>
      %parallel_loop3A_145 = arith.addi %parallel_loop3A_44, %parallel_loop3A_144 : vector<16xi32>
      %parallel_loop3A_146 = tpu.vector_load_idx %arg6[%parallel_loop3A_145] : memref<16384xf32, #tpu.memory_space<vmem>>[vector<16xi32>], vector<16xf32>,
      %parallel_loop3A_147 = arith.index_cast %parallel_loop3A_37 : i32 to index
      %parallel_loop3A_148 = arith.constant 224 : index
      %parallel_loop3A_149 = tpu.vector_load %arg8[%parallel_loop3A_147, %parallel_loop3A_148] {strides = array<i32>} : memref<64x512xf32, #tpu.memory_space<vmem>>, vector<16xf32>,
      tpu.vector_store %arg8[%parallel_loop3A_147, %parallel_loop3A_148], %parallel_loop3A_146 {strides = array<i32>} : memref<64x512xf32, #tpu.memory_space<vmem>>, vector<16xf32>,
      %parallel_loop3A_150 = arith.constant 240 : i32
      %parallel_loop3A_151 = vector.broadcast %parallel_loop3A_150 : i32 to vector<16xi32>
      %parallel_loop3A_152 = arith.addi %parallel_loop3A_44, %parallel_loop3A_151 : vector<16xi32>
      %parallel_loop3A_153 = tpu.vector_load_idx %arg6[%parallel_loop3A_152] : memref<16384xf32, #tpu.memory_space<vmem>>[vector<16xi32>], vector<16xf32>,
      %parallel_loop3A_154 = arith.index_cast %parallel_loop3A_37 : i32 to index
      %parallel_loop3A_155 = arith.constant 240 : index
      %parallel_loop3A_156 = tpu.vector_load %arg8[%parallel_loop3A_154, %parallel_loop3A_155] {strides = array<i32>} : memref<64x512xf32, #tpu.memory_space<vmem>>, vector<16xf32>,
      tpu.vector_store %arg8[%parallel_loop3A_154, %parallel_loop3A_155], %parallel_loop3A_153 {strides = array<i32>} : memref<64x512xf32, #tpu.memory_space<vmem>>, vector<16xf32>,
      %parallel_loop3A_157 = arith.constant 256 : i32
      %parallel_loop3A_158 = vector.broadcast %parallel_loop3A_157 : i32 to vector<16xi32>
      %parallel_loop3A_159 = arith.addi %parallel_loop3A_44, %parallel_loop3A_158 : vector<16xi32>
      %parallel_loop3A_160 = tpu.vector_load_idx %arg6[%parallel_loop3A_159] : memref<16384xf32, #tpu.memory_space<vmem>>[vector<16xi32>], vector<16xf32>,
      %parallel_loop3A_161 = arith.index_cast %parallel_loop3A_37 : i32 to index
      %parallel_loop3A_162 = arith.constant 256 : index
      %parallel_loop3A_163 = tpu.vector_load %arg8[%parallel_loop3A_161, %parallel_loop3A_162] {strides = array<i32>} : memref<64x512xf32, #tpu.memory_space<vmem>>, vector<16xf32>,
      tpu.vector_store %arg8[%parallel_loop3A_161, %parallel_loop3A_162], %parallel_loop3A_160 {strides = array<i32>} : memref<64x512xf32, #tpu.memory_space<vmem>>, vector<16xf32>,
      %parallel_loop3A_164 = arith.constant 272 : i32
      %parallel_loop3A_165 = vector.broadcast %parallel_loop3A_164 : i32 to vector<16xi32>
      %parallel_loop3A_166 = arith.addi %parallel_loop3A_44, %parallel_loop3A_165 : vector<16xi32>
      %parallel_loop3A_167 = tpu.vector_load_idx %arg6[%parallel_loop3A_166] : memref<16384xf32, #tpu.memory_space<vmem>>[vector<16xi32>], vector<16xf32>,
      %parallel_loop3A_168 = arith.index_cast %parallel_loop3A_37 : i32 to index
      %parallel_loop3A_169 = arith.constant 272 : index
      %parallel_loop3A_170 = tpu.vector_load %arg8[%parallel_loop3A_168, %parallel_loop3A_169] {strides = array<i32>} : memref<64x512xf32, #tpu.memory_space<vmem>>, vector<16xf32>,
      tpu.vector_store %arg8[%parallel_loop3A_168, %parallel_loop3A_169], %parallel_loop3A_167 {strides = array<i32>} : memref<64x512xf32, #tpu.memory_space<vmem>>, vector<16xf32>,
      %parallel_loop3A_171 = arith.constant 288 : i32
      %parallel_loop3A_172 = vector.broadcast %parallel_loop3A_171 : i32 to vector<16xi32>
      %parallel_loop3A_173 = arith.addi %parallel_loop3A_44, %parallel_loop3A_172 : vector<16xi32>
      %parallel_loop3A_174 = tpu.vector_load_idx %arg6[%parallel_loop3A_173] : memref<16384xf32, #tpu.memory_space<vmem>>[vector<16xi32>], vector<16xf32>,
      %parallel_loop3A_175 = arith.index_cast %parallel_loop3A_37 : i32 to index
      %parallel_loop3A_176 = arith.constant 288 : index
      %parallel_loop3A_177 = tpu.vector_load %arg8[%parallel_loop3A_175, %parallel_loop3A_176] {strides = array<i32>} : memref<64x512xf32, #tpu.memory_space<vmem>>, vector<16xf32>,
      tpu.vector_store %arg8[%parallel_loop3A_175, %parallel_loop3A_176], %parallel_loop3A_174 {strides = array<i32>} : memref<64x512xf32, #tpu.memory_space<vmem>>, vector<16xf32>,
      %parallel_loop3A_178 = arith.constant 304 : i32
      %parallel_loop3A_179 = vector.broadcast %parallel_loop3A_178 : i32 to vector<16xi32>
      %parallel_loop3A_180 = arith.addi %parallel_loop3A_44, %parallel_loop3A_179 : vector<16xi32>
      %parallel_loop3A_181 = tpu.vector_load_idx %arg6[%parallel_loop3A_180] : memref<16384xf32, #tpu.memory_space<vmem>>[vector<16xi32>], vector<16xf32>,
      %parallel_loop3A_182 = arith.index_cast %parallel_loop3A_37 : i32 to index
      %parallel_loop3A_183 = arith.constant 304 : index
      %parallel_loop3A_184 = tpu.vector_load %arg8[%parallel_loop3A_182, %parallel_loop3A_183] {strides = array<i32>} : memref<64x512xf32, #tpu.memory_space<vmem>>, vector<16xf32>,
      tpu.vector_store %arg8[%parallel_loop3A_182, %parallel_loop3A_183], %parallel_loop3A_181 {strides = array<i32>} : memref<64x512xf32, #tpu.memory_space<vmem>>, vector<16xf32>,
      %parallel_loop3A_185 = arith.constant 320 : i32
      %parallel_loop3A_186 = vector.broadcast %parallel_loop3A_185 : i32 to vector<16xi32>
      %parallel_loop3A_187 = arith.addi %parallel_loop3A_44, %parallel_loop3A_186 : vector<16xi32>
      %parallel_loop3A_188 = tpu.vector_load_idx %arg6[%parallel_loop3A_187] : memref<16384xf32, #tpu.memory_space<vmem>>[vector<16xi32>], vector<16xf32>,
      %parallel_loop3A_189 = arith.index_cast %parallel_loop3A_37 : i32 to index
      %parallel_loop3A_190 = arith.constant 320 : index
      %parallel_loop3A_191 = tpu.vector_load %arg8[%parallel_loop3A_189, %parallel_loop3A_190] {strides = array<i32>} : memref<64x512xf32, #tpu.memory_space<vmem>>, vector<16xf32>,
      tpu.vector_store %arg8[%parallel_loop3A_189, %parallel_loop3A_190], %parallel_loop3A_188 {strides = array<i32>} : memref<64x512xf32, #tpu.memory_space<vmem>>, vector<16xf32>,
      %parallel_loop3A_192 = arith.constant 336 : i32
      %parallel_loop3A_193 = vector.broadcast %parallel_loop3A_192 : i32 to vector<16xi32>
      %parallel_loop3A_194 = arith.addi %parallel_loop3A_44, %parallel_loop3A_193 : vector<16xi32>
      %parallel_loop3A_195 = tpu.vector_load_idx %arg6[%parallel_loop3A_194] : memref<16384xf32, #tpu.memory_space<vmem>>[vector<16xi32>], vector<16xf32>,
      %parallel_loop3A_196 = arith.index_cast %parallel_loop3A_37 : i32 to index
      %parallel_loop3A_197 = arith.constant 336 : index
      %parallel_loop3A_198 = tpu.vector_load %arg8[%parallel_loop3A_196, %parallel_loop3A_197] {strides = array<i32>} : memref<64x512xf32, #tpu.memory_space<vmem>>, vector<16xf32>,
      tpu.vector_store %arg8[%parallel_loop3A_196, %parallel_loop3A_197], %parallel_loop3A_195 {strides = array<i32>} : memref<64x512xf32, #tpu.memory_space<vmem>>, vector<16xf32>,
      %parallel_loop3A_199 = arith.constant 352 : i32
      %parallel_loop3A_200 = vector.broadcast %parallel_loop3A_199 : i32 to vector<16xi32>
      %parallel_loop3A_201 = arith.addi %parallel_loop3A_44, %parallel_loop3A_200 : vector<16xi32>
      %parallel_loop3A_202 = tpu.vector_load_idx %arg6[%parallel_loop3A_201] : memref<16384xf32, #tpu.memory_space<vmem>>[vector<16xi32>], vector<16xf32>,
      %parallel_loop3A_203 = arith.index_cast %parallel_loop3A_37 : i32 to index
      %parallel_loop3A_204 = arith.constant 352 : index
      %parallel_loop3A_205 = tpu.vector_load %arg8[%parallel_loop3A_203, %parallel_loop3A_204] {strides = array<i32>} : memref<64x512xf32, #tpu.memory_space<vmem>>, vector<16xf32>,
      tpu.vector_store %arg8[%parallel_loop3A_203, %parallel_loop3A_204], %parallel_loop3A_202 {strides = array<i32>} : memref<64x512xf32, #tpu.memory_space<vmem>>, vector<16xf32>,
      %parallel_loop3A_206 = arith.constant 368 : i32
      %parallel_loop3A_207 = vector.broadcast %parallel_loop3A_206 : i32 to vector<16xi32>
      %parallel_loop3A_208 = arith.addi %parallel_loop3A_44, %parallel_loop3A_207 : vector<16xi32>
      %parallel_loop3A_209 = tpu.vector_load_idx %arg6[%parallel_loop3A_208] : memref<16384xf32, #tpu.memory_space<vmem>>[vector<16xi32>], vector<16xf32>,
      %parallel_loop3A_210 = arith.index_cast %parallel_loop3A_37 : i32 to index
      %parallel_loop3A_211 = arith.constant 368 : index
      %parallel_loop3A_212 = tpu.vector_load %arg8[%parallel_loop3A_210, %parallel_loop3A_211] {strides = array<i32>} : memref<64x512xf32, #tpu.memory_space<vmem>>, vector<16xf32>,
      tpu.vector_store %arg8[%parallel_loop3A_210, %parallel_loop3A_211], %parallel_loop3A_209 {strides = array<i32>} : memref<64x512xf32, #tpu.memory_space<vmem>>, vector<16xf32>,
      %parallel_loop3A_213 = arith.constant 384 : i32
      %parallel_loop3A_214 = vector.broadcast %parallel_loop3A_213 : i32 to vector<16xi32>
      %parallel_loop3A_215 = arith.addi %parallel_loop3A_44, %parallel_loop3A_214 : vector<16xi32>
      %parallel_loop3A_216 = tpu.vector_load_idx %arg6[%parallel_loop3A_215] : memref<16384xf32, #tpu.memory_space<vmem>>[vector<16xi32>], vector<16xf32>,
      %parallel_loop3A_217 = arith.index_cast %parallel_loop3A_37 : i32 to index
      %parallel_loop3A_218 = arith.constant 384 : index
      %parallel_loop3A_219 = tpu.vector_load %arg8[%parallel_loop3A_217, %parallel_loop3A_218] {strides = array<i32>} : memref<64x512xf32, #tpu.memory_space<vmem>>, vector<16xf32>,
      tpu.vector_store %arg8[%parallel_loop3A_217, %parallel_loop3A_218], %parallel_loop3A_216 {strides = array<i32>} : memref<64x512xf32, #tpu.memory_space<vmem>>, vector<16xf32>,
      %parallel_loop3A_220 = arith.constant 400 : i32
      %parallel_loop3A_221 = vector.broadcast %parallel_loop3A_220 : i32 to vector<16xi32>
      %parallel_loop3A_222 = arith.addi %parallel_loop3A_44, %parallel_loop3A_221 : vector<16xi32>
      %parallel_loop3A_223 = tpu.vector_load_idx %arg6[%parallel_loop3A_222] : memref<16384xf32, #tpu.memory_space<vmem>>[vector<16xi32>], vector<16xf32>,
      %parallel_loop3A_224 = arith.index_cast %parallel_loop3A_37 : i32 to index
      %parallel_loop3A_225 = arith.constant 400 : index
      %parallel_loop3A_226 = tpu.vector_load %arg8[%parallel_loop3A_224, %parallel_loop3A_225] {strides = array<i32>} : memref<64x512xf32, #tpu.memory_space<vmem>>, vector<16xf32>,
      tpu.vector_store %arg8[%parallel_loop3A_224, %parallel_loop3A_225], %parallel_loop3A_223 {strides = array<i32>} : memref<64x512xf32, #tpu.memory_space<vmem>>, vector<16xf32>,
      %parallel_loop3A_227 = arith.constant 416 : i32
      %parallel_loop3A_228 = vector.broadcast %parallel_loop3A_227 : i32 to vector<16xi32>
      %parallel_loop3A_229 = arith.addi %parallel_loop3A_44, %parallel_loop3A_228 : vector<16xi32>
      %parallel_loop3A_230 = tpu.vector_load_idx %arg6[%parallel_loop3A_229] : memref<16384xf32, #tpu.memory_space<vmem>>[vector<16xi32>], vector<16xf32>,
      %parallel_loop3A_231 = arith.index_cast %parallel_loop3A_37 : i32 to index
      %parallel_loop3A_232 = arith.constant 416 : index
      %parallel_loop3A_233 = tpu.vector_load %arg8[%parallel_loop3A_231, %parallel_loop3A_232] {strides = array<i32>} : memref<64x512xf32, #tpu.memory_space<vmem>>, vector<16xf32>,
      tpu.vector_store %arg8[%parallel_loop3A_231, %parallel_loop3A_232], %parallel_loop3A_230 {strides = array<i32>} : memref<64x512xf32, #tpu.memory_space<vmem>>, vector<16xf32>,
      %parallel_loop3A_234 = arith.constant 432 : i32
      %parallel_loop3A_235 = vector.broadcast %parallel_loop3A_234 : i32 to vector<16xi32>
      %parallel_loop3A_236 = arith.addi %parallel_loop3A_44, %parallel_loop3A_235 : vector<16xi32>
      %parallel_loop3A_237 = tpu.vector_load_idx %arg6[%parallel_loop3A_236] : memref<16384xf32, #tpu.memory_space<vmem>>[vector<16xi32>], vector<16xf32>,
      %parallel_loop3A_238 = arith.index_cast %parallel_loop3A_37 : i32 to index
      %parallel_loop3A_239 = arith.constant 432 : index
      %parallel_loop3A_240 = tpu.vector_load %arg8[%parallel_loop3A_238, %parallel_loop3A_239] {strides = array<i32>} : memref<64x512xf32, #tpu.memory_space<vmem>>, vector<16xf32>,
      tpu.vector_store %arg8[%parallel_loop3A_238, %parallel_loop3A_239], %parallel_loop3A_237 {strides = array<i32>} : memref<64x512xf32, #tpu.memory_space<vmem>>, vector<16xf32>,
      %parallel_loop3A_241 = arith.constant 448 : i32
      %parallel_loop3A_242 = vector.broadcast %parallel_loop3A_241 : i32 to vector<16xi32>
      %parallel_loop3A_243 = arith.addi %parallel_loop3A_44, %parallel_loop3A_242 : vector<16xi32>
      %parallel_loop3A_244 = tpu.vector_load_idx %arg6[%parallel_loop3A_243] : memref<16384xf32, #tpu.memory_space<vmem>>[vector<16xi32>], vector<16xf32>,
      %parallel_loop3A_245 = arith.index_cast %parallel_loop3A_37 : i32 to index
      %parallel_loop3A_246 = arith.constant 448 : index
      %parallel_loop3A_247 = tpu.vector_load %arg8[%parallel_loop3A_245, %parallel_loop3A_246] {strides = array<i32>} : memref<64x512xf32, #tpu.memory_space<vmem>>, vector<16xf32>,
      tpu.vector_store %arg8[%parallel_loop3A_245, %parallel_loop3A_246], %parallel_loop3A_244 {strides = array<i32>} : memref<64x512xf32, #tpu.memory_space<vmem>>, vector<16xf32>,
      %parallel_loop3A_248 = arith.constant 464 : i32
      %parallel_loop3A_249 = vector.broadcast %parallel_loop3A_248 : i32 to vector<16xi32>
      %parallel_loop3A_250 = arith.addi %parallel_loop3A_44, %parallel_loop3A_249 : vector<16xi32>
      %parallel_loop3A_251 = tpu.vector_load_idx %arg6[%parallel_loop3A_250] : memref<16384xf32, #tpu.memory_space<vmem>>[vector<16xi32>], vector<16xf32>,
      %parallel_loop3A_252 = arith.index_cast %parallel_loop3A_37 : i32 to index
      %parallel_loop3A_253 = arith.constant 464 : index
      %parallel_loop3A_254 = tpu.vector_load %arg8[%parallel_loop3A_252, %parallel_loop3A_253] {strides = array<i32>} : memref<64x512xf32, #tpu.memory_space<vmem>>, vector<16xf32>,
      tpu.vector_store %arg8[%parallel_loop3A_252, %parallel_loop3A_253], %parallel_loop3A_251 {strides = array<i32>} : memref<64x512xf32, #tpu.memory_space<vmem>>, vector<16xf32>,
      %parallel_loop3A_255 = arith.constant 480 : i32
      %parallel_loop3A_256 = vector.broadcast %parallel_loop3A_255 : i32 to vector<16xi32>
      %parallel_loop3A_257 = arith.addi %parallel_loop3A_44, %parallel_loop3A_256 : vector<16xi32>
      %parallel_loop3A_258 = tpu.vector_load_idx %arg6[%parallel_loop3A_257] : memref<16384xf32, #tpu.memory_space<vmem>>[vector<16xi32>], vector<16xf32>,
      %parallel_loop3A_259 = arith.index_cast %parallel_loop3A_37 : i32 to index
      %parallel_loop3A_260 = arith.constant 480 : index
      %parallel_loop3A_261 = tpu.vector_load %arg8[%parallel_loop3A_259, %parallel_loop3A_260] {strides = array<i32>} : memref<64x512xf32, #tpu.memory_space<vmem>>, vector<16xf32>,
      tpu.vector_store %arg8[%parallel_loop3A_259, %parallel_loop3A_260], %parallel_loop3A_258 {strides = array<i32>} : memref<64x512xf32, #tpu.memory_space<vmem>>, vector<16xf32>,
      %parallel_loop3A_262 = arith.constant 496 : i32
      %parallel_loop3A_263 = vector.broadcast %parallel_loop3A_262 : i32 to vector<16xi32>
      %parallel_loop3A_264 = arith.addi %parallel_loop3A_44, %parallel_loop3A_263 : vector<16xi32>
      %parallel_loop3A_265 = tpu.vector_load_idx %arg6[%parallel_loop3A_264] : memref<16384xf32, #tpu.memory_space<vmem>>[vector<16xi32>], vector<16xf32>,
      %parallel_loop3A_266 = arith.index_cast %parallel_loop3A_37 : i32 to index
      %parallel_loop3A_267 = arith.constant 496 : index
      %parallel_loop3A_268 = tpu.vector_load %arg8[%parallel_loop3A_266, %parallel_loop3A_267] {strides = array<i32>} : memref<64x512xf32, #tpu.memory_space<vmem>>, vector<16xf32>,
      tpu.vector_store %arg8[%parallel_loop3A_266, %parallel_loop3A_267], %parallel_loop3A_265 {strides = array<i32>} : memref<64x512xf32, #tpu.memory_space<vmem>>, vector<16xf32>,
    } {sc.loop_unroll_factor = 1 : i64, sc.parallel_access}
    %mul3A_17 = arith.constant 1 : i32
    %mul3A_18 = arith.constant 64 : i32
    %mul3A_19 = arith.muli %mul3A_17, %mul3A_18 : i32
    %add3A_20 = arith.addi %mul3A_2, %mul3A_19 : i32
    %dma_start3A_21 = arith.constant 0 : i32
    %dma_start3A_22 = tpu.memref_slice %arg4[%add3A_20, %dma_start3A_21] : memref<65536x512xf32, #tpu.memory_space<hbm>> -> memref<64x512xf32, #tpu.memory_space<hbm>>
    %dma_start3A_23 = arith.constant 0 : i32
    %dma_start3A_24 = tpu.memref_slice %arg4[%add3A_20, %dma_start3A_23] : memref<65536x512xf32, #tpu.memory_space<hbm>> -> memref<64x512xf32, #tpu.memory_space<hbm>>
    tpu.enqueue_dma source(%arg8 : memref<64x512xf32, #tpu.memory_space<vmem>>) target(%dma_start3A_24 : memref<64x512xf32, #tpu.memory_space<hbm>>) target_semaphore(%arg10 : memref<!tpu.dma_semaphore, #tpu.memory_space<semaphore_mem>>)
    %scan3A = arith.constant 0 : i32
    %scan3A_25 = arith.constant 1 : i32
    %scan3A_26 = arith.constant 15 : i32
    %scan3A_27 = arith.addi %scan3A_25, %scan3A_26 : i32
    %scan3A_28 = arith.constant 1 : i32
    scf.for %scan3A_37 = %scan3A_25 to %scan3A_27 step %scan3A_28  : i32 {
      %mul3A_38 = arith.constant 2 : i32
      %mul3A_39 = arith.muli %mul3A_38, %scan3A_37 : i32
      %add3A_40 = arith.constant 0 : i32
      %add3A_41 = arith.addi %mul3A_39, %add3A_40 : i32
      %dma_wait3A_42 = arith.constant 0 : i32
      %dma_wait3A_43 = tpu.memref_slice %arg4[%mul3A_2, %dma_wait3A_42] : memref<65536x512xf32, #tpu.memory_space<hbm>> -> memref<64x512xf32, #tpu.memory_space<hbm>>
      %dma_wait3A_44 = arith.constant 0 : i32
      %dma_wait3A_45 = tpu.memref_slice %arg4[%mul3A_2, %dma_wait3A_44] : memref<65536x512xf32, #tpu.memory_space<hbm>> -> memref<64x512xf32, #tpu.memory_space<hbm>>
      tpu.wait_dma2 semaphore(%arg9 : memref<!tpu.dma_semaphore, #tpu.memory_space<semaphore_mem>>) src(%arg7 : memref<64x512xf32, #tpu.memory_space<vmem>>) dst(%dma_wait3A_45 : memref<64x512xf32, #tpu.memory_space<hbm>>)
      %mul3A_46 = arith.constant 64 : i32
      %mul3A_47 = arith.muli %add3A_41, %mul3A_46 : i32
      %parallel_loop3A_48 = arith.constant 0 : i32
      %parallel_loop3A_49 = arith.constant 64 : i32
      %parallel_loop3A_50 = arith.constant 1 : i32
      scf.for %parallel_loop3A_78 = %parallel_loop3A_48 to %parallel_loop3A_49 step %parallel_loop3A_50  : i32 {
        %parallel_loop3A_79 = arith.addi %mul3A_47, %parallel_loop3A_78 : i32
        %parallel_loop3A_80 = vector.broadcast %parallel_loop3A_79 : i32 to vector<16xi32>
        %parallel_loop3A_81 = tpu.vector_load_idx %arg5[%parallel_loop3A_80] : memref<2048xi32, #tpu.memory_space<vmem>>[vector<16xi32>], vector<16xi32>,
        %parallel_loop3A_82 = arith.constant 512 : i32
        %parallel_loop3A_83 = vector.broadcast %parallel_loop3A_82 : i32 to vector<16xi32>
        %parallel_loop3A_84 = arith.muli %parallel_loop3A_81, %parallel_loop3A_83 : vector<16xi32>
        %parallel_loop3A_85 = arith.addi %parallel_loop3A_84, %iota3A : vector<16xi32>
        %parallel_loop3A_86 = arith.constant 0 : i32
        %parallel_loop3A_87 = vector.broadcast %parallel_loop3A_86 : i32 to vector<16xi32>
        %parallel_loop3A_88 = arith.addi %parallel_loop3A_85, %parallel_loop3A_87 : vector<16xi32>
        %parallel_loop3A_89 = tpu.vector_load_idx %arg6[%parallel_loop3A_88] : memref<16384xf32, #tpu.memory_space<vmem>>[vector<16xi32>], vector<16xf32>,
        %parallel_loop3A_90 = arith.index_cast %parallel_loop3A_78 : i32 to index
        %parallel_loop3A_91 = arith.constant 0 : index
        %parallel_loop3A_92 = tpu.vector_load %arg7[%parallel_loop3A_90, %parallel_loop3A_91] {strides = array<i32>} : memref<64x512xf32, #tpu.memory_space<vmem>>, vector<16xf32>,
        tpu.vector_store %arg7[%parallel_loop3A_90, %parallel_loop3A_91], %parallel_loop3A_89 {strides = array<i32>} : memref<64x512xf32, #tpu.memory_space<vmem>>, vector<16xf32>,
        %parallel_loop3A_93 = arith.constant 16 : i32
        %parallel_loop3A_94 = vector.broadcast %parallel_loop3A_93 : i32 to vector<16xi32>
        %parallel_loop3A_95 = arith.addi %parallel_loop3A_85, %parallel_loop3A_94 : vector<16xi32>
        %parallel_loop3A_96 = tpu.vector_load_idx %arg6[%parallel_loop3A_95] : memref<16384xf32, #tpu.memory_space<vmem>>[vector<16xi32>], vector<16xf32>,
        %parallel_loop3A_97 = arith.index_cast %parallel_loop3A_78 : i32 to index
        %parallel_loop3A_98 = arith.constant 16 : index
        %parallel_loop3A_99 = tpu.vector_load %arg7[%parallel_loop3A_97, %parallel_loop3A_98] {strides = array<i32>} : memref<64x512xf32, #tpu.memory_space<vmem>>, vector<16xf32>,
        tpu.vector_store %arg7[%parallel_loop3A_97, %parallel_loop3A_98], %parallel_loop3A_96 {strides = array<i32>} : memref<64x512xf32, #tpu.memory_space<vmem>>, vector<16xf32>,
        %parallel_loop3A_100 = arith.constant 32 : i32
        %parallel_loop3A_101 = vector.broadcast %parallel_loop3A_100 : i32 to vector<16xi32>
        %parallel_loop3A_102 = arith.addi %parallel_loop3A_85, %parallel_loop3A_101 : vector<16xi32>
        %parallel_loop3A_103 = tpu.vector_load_idx %arg6[%parallel_loop3A_102] : memref<16384xf32, #tpu.memory_space<vmem>>[vector<16xi32>], vector<16xf32>,
        %parallel_loop3A_104 = arith.index_cast %parallel_loop3A_78 : i32 to index
        %parallel_loop3A_105 = arith.constant 32 : index
        %parallel_loop3A_106 = tpu.vector_load %arg7[%parallel_loop3A_104, %parallel_loop3A_105] {strides = array<i32>} : memref<64x512xf32, #tpu.memory_space<vmem>>, vector<16xf32>,
        tpu.vector_store %arg7[%parallel_loop3A_104, %parallel_loop3A_105], %parallel_loop3A_103 {strides = array<i32>} : memref<64x512xf32, #tpu.memory_space<vmem>>, vector<16xf32>,
        %parallel_loop3A_107 = arith.constant 48 : i32
        %parallel_loop3A_108 = vector.broadcast %parallel_loop3A_107 : i32 to vector<16xi32>
        %parallel_loop3A_109 = arith.addi %parallel_loop3A_85, %parallel_loop3A_108 : vector<16xi32>
        %parallel_loop3A_110 = tpu.vector_load_idx %arg6[%parallel_loop3A_109] : memref<16384xf32, #tpu.memory_space<vmem>>[vector<16xi32>], vector<16xf32>,
        %parallel_loop3A_111 = arith.index_cast %parallel_loop3A_78 : i32 to index
        %parallel_loop3A_112 = arith.constant 48 : index
        %parallel_loop3A_113 = tpu.vector_load %arg7[%parallel_loop3A_111, %parallel_loop3A_112] {strides = array<i32>} : memref<64x512xf32, #tpu.memory_space<vmem>>, vector<16xf32>,
        tpu.vector_store %arg7[%parallel_loop3A_111, %parallel_loop3A_112], %parallel_loop3A_110 {strides = array<i32>} : memref<64x512xf32, #tpu.memory_space<vmem>>, vector<16xf32>,
        %parallel_loop3A_114 = arith.constant 64 : i32
        %parallel_loop3A_115 = vector.broadcast %parallel_loop3A_114 : i32 to vector<16xi32>
        %parallel_loop3A_116 = arith.addi %parallel_loop3A_85, %parallel_loop3A_115 : vector<16xi32>
        %parallel_loop3A_117 = tpu.vector_load_idx %arg6[%parallel_loop3A_116] : memref<16384xf32, #tpu.memory_space<vmem>>[vector<16xi32>], vector<16xf32>,
        %parallel_loop3A_118 = arith.index_cast %parallel_loop3A_78 : i32 to index
        %parallel_loop3A_119 = arith.constant 64 : index
        %parallel_loop3A_120 = tpu.vector_load %arg7[%parallel_loop3A_118, %parallel_loop3A_119] {strides = array<i32>} : memref<64x512xf32, #tpu.memory_space<vmem>>, vector<16xf32>,
        tpu.vector_store %arg7[%parallel_loop3A_118, %parallel_loop3A_119], %parallel_loop3A_117 {strides = array<i32>} : memref<64x512xf32, #tpu.memory_space<vmem>>, vector<16xf32>,
        %parallel_loop3A_121 = arith.constant 80 : i32
        %parallel_loop3A_122 = vector.broadcast %parallel_loop3A_121 : i32 to vector<16xi32>
        %parallel_loop3A_123 = arith.addi %parallel_loop3A_85, %parallel_loop3A_122 : vector<16xi32>
        %parallel_loop3A_124 = tpu.vector_load_idx %arg6[%parallel_loop3A_123] : memref<16384xf32, #tpu.memory_space<vmem>>[vector<16xi32>], vector<16xf32>,
        %parallel_loop3A_125 = arith.index_cast %parallel_loop3A_78 : i32 to index
        %parallel_loop3A_126 = arith.constant 80 : index
        %parallel_loop3A_127 = tpu.vector_load %arg7[%parallel_loop3A_125, %parallel_loop3A_126] {strides = array<i32>} : memref<64x512xf32, #tpu.memory_space<vmem>>, vector<16xf32>,
        tpu.vector_store %arg7[%parallel_loop3A_125, %parallel_loop3A_126], %parallel_loop3A_124 {strides = array<i32>} : memref<64x512xf32, #tpu.memory_space<vmem>>, vector<16xf32>,
        %parallel_loop3A_128 = arith.constant 96 : i32
        %parallel_loop3A_129 = vector.broadcast %parallel_loop3A_128 : i32 to vector<16xi32>
        %parallel_loop3A_130 = arith.addi %parallel_loop3A_85, %parallel_loop3A_129 : vector<16xi32>
        %parallel_loop3A_131 = tpu.vector_load_idx %arg6[%parallel_loop3A_130] : memref<16384xf32, #tpu.memory_space<vmem>>[vector<16xi32>], vector<16xf32>,
        %parallel_loop3A_132 = arith.index_cast %parallel_loop3A_78 : i32 to index
        %parallel_loop3A_133 = arith.constant 96 : index
        %parallel_loop3A_134 = tpu.vector_load %arg7[%parallel_loop3A_132, %parallel_loop3A_133] {strides = array<i32>} : memref<64x512xf32, #tpu.memory_space<vmem>>, vector<16xf32>,
        tpu.vector_store %arg7[%parallel_loop3A_132, %parallel_loop3A_133], %parallel_loop3A_131 {strides = array<i32>} : memref<64x512xf32, #tpu.memory_space<vmem>>, vector<16xf32>,
        %parallel_loop3A_135 = arith.constant 112 : i32
        %parallel_loop3A_136 = vector.broadcast %parallel_loop3A_135 : i32 to vector<16xi32>
        %parallel_loop3A_137 = arith.addi %parallel_loop3A_85, %parallel_loop3A_136 : vector<16xi32>
        %parallel_loop3A_138 = tpu.vector_load_idx %arg6[%parallel_loop3A_137] : memref<16384xf32, #tpu.memory_space<vmem>>[vector<16xi32>], vector<16xf32>,
        %parallel_loop3A_139 = arith.index_cast %parallel_loop3A_78 : i32 to index
        %parallel_loop3A_140 = arith.constant 112 : index
        %parallel_loop3A_141 = tpu.vector_load %arg7[%parallel_loop3A_139, %parallel_loop3A_140] {strides = array<i32>} : memref<64x512xf32, #tpu.memory_space<vmem>>, vector<16xf32>,
        tpu.vector_store %arg7[%parallel_loop3A_139, %parallel_loop3A_140], %parallel_loop3A_138 {strides = array<i32>} : memref<64x512xf32, #tpu.memory_space<vmem>>, vector<16xf32>,
        %parallel_loop3A_142 = arith.constant 128 : i32
        %parallel_loop3A_143 = vector.broadcast %parallel_loop3A_142 : i32 to vector<16xi32>
        %parallel_loop3A_144 = arith.addi %parallel_loop3A_85, %parallel_loop3A_143 : vector<16xi32>
        %parallel_loop3A_145 = tpu.vector_load_idx %arg6[%parallel_loop3A_144] : memref<16384xf32, #tpu.memory_space<vmem>>[vector<16xi32>], vector<16xf32>,
        %parallel_loop3A_146 = arith.index_cast %parallel_loop3A_78 : i32 to index
        %parallel_loop3A_147 = arith.constant 128 : index
        %parallel_loop3A_148 = tpu.vector_load %arg7[%parallel_loop3A_146, %parallel_loop3A_147] {strides = array<i32>} : memref<64x512xf32, #tpu.memory_space<vmem>>, vector<16xf32>,
        tpu.vector_store %arg7[%parallel_loop3A_146, %parallel_loop3A_147], %parallel_loop3A_145 {strides = array<i32>} : memref<64x512xf32, #tpu.memory_space<vmem>>, vector<16xf32>,
        %parallel_loop3A_149 = arith.constant 144 : i32
        %parallel_loop3A_150 = vector.broadcast %parallel_loop3A_149 : i32 to vector<16xi32>
        %parallel_loop3A_151 = arith.addi %parallel_loop3A_85, %parallel_loop3A_150 : vector<16xi32>
        %parallel_loop3A_152 = tpu.vector_load_idx %arg6[%parallel_loop3A_151] : memref<16384xf32, #tpu.memory_space<vmem>>[vector<16xi32>], vector<16xf32>,
        %parallel_loop3A_153 = arith.index_cast %parallel_loop3A_78 : i32 to index
        %parallel_loop3A_154 = arith.constant 144 : index
        %parallel_loop3A_155 = tpu.vector_load %arg7[%parallel_loop3A_153, %parallel_loop3A_154] {strides = array<i32>} : memref<64x512xf32, #tpu.memory_space<vmem>>, vector<16xf32>,
        tpu.vector_store %arg7[%parallel_loop3A_153, %parallel_loop3A_154], %parallel_loop3A_152 {strides = array<i32>} : memref<64x512xf32, #tpu.memory_space<vmem>>, vector<16xf32>,
        %parallel_loop3A_156 = arith.constant 160 : i32
        %parallel_loop3A_157 = vector.broadcast %parallel_loop3A_156 : i32 to vector<16xi32>
        %parallel_loop3A_158 = arith.addi %parallel_loop3A_85, %parallel_loop3A_157 : vector<16xi32>
        %parallel_loop3A_159 = tpu.vector_load_idx %arg6[%parallel_loop3A_158] : memref<16384xf32, #tpu.memory_space<vmem>>[vector<16xi32>], vector<16xf32>,
        %parallel_loop3A_160 = arith.index_cast %parallel_loop3A_78 : i32 to index
        %parallel_loop3A_161 = arith.constant 160 : index
        %parallel_loop3A_162 = tpu.vector_load %arg7[%parallel_loop3A_160, %parallel_loop3A_161] {strides = array<i32>} : memref<64x512xf32, #tpu.memory_space<vmem>>, vector<16xf32>,
        tpu.vector_store %arg7[%parallel_loop3A_160, %parallel_loop3A_161], %parallel_loop3A_159 {strides = array<i32>} : memref<64x512xf32, #tpu.memory_space<vmem>>, vector<16xf32>,
        %parallel_loop3A_163 = arith.constant 176 : i32
        %parallel_loop3A_164 = vector.broadcast %parallel_loop3A_163 : i32 to vector<16xi32>
        %parallel_loop3A_165 = arith.addi %parallel_loop3A_85, %parallel_loop3A_164 : vector<16xi32>
        %parallel_loop3A_166 = tpu.vector_load_idx %arg6[%parallel_loop3A_165] : memref<16384xf32, #tpu.memory_space<vmem>>[vector<16xi32>], vector<16xf32>,
        %parallel_loop3A_167 = arith.index_cast %parallel_loop3A_78 : i32 to index
        %parallel_loop3A_168 = arith.constant 176 : index
        %parallel_loop3A_169 = tpu.vector_load %arg7[%parallel_loop3A_167, %parallel_loop3A_168] {strides = array<i32>} : memref<64x512xf32, #tpu.memory_space<vmem>>, vector<16xf32>,
        tpu.vector_store %arg7[%parallel_loop3A_167, %parallel_loop3A_168], %parallel_loop3A_166 {strides = array<i32>} : memref<64x512xf32, #tpu.memory_space<vmem>>, vector<16xf32>,
        %parallel_loop3A_170 = arith.constant 192 : i32
        %parallel_loop3A_171 = vector.broadcast %parallel_loop3A_170 : i32 to vector<16xi32>
        %parallel_loop3A_172 = arith.addi %parallel_loop3A_85, %parallel_loop3A_171 : vector<16xi32>
        %parallel_loop3A_173 = tpu.vector_load_idx %arg6[%parallel_loop3A_172] : memref<16384xf32, #tpu.memory_space<vmem>>[vector<16xi32>], vector<16xf32>,
        %parallel_loop3A_174 = arith.index_cast %parallel_loop3A_78 : i32 to index
        %parallel_loop3A_175 = arith.constant 192 : index
        %parallel_loop3A_176 = tpu.vector_load %arg7[%parallel_loop3A_174, %parallel_loop3A_175] {strides = array<i32>} : memref<64x512xf32, #tpu.memory_space<vmem>>, vector<16xf32>,
        tpu.vector_store %arg7[%parallel_loop3A_174, %parallel_loop3A_175], %parallel_loop3A_173 {strides = array<i32>} : memref<64x512xf32, #tpu.memory_space<vmem>>, vector<16xf32>,
        %parallel_loop3A_177 = arith.constant 208 : i32
        %parallel_loop3A_178 = vector.broadcast %parallel_loop3A_177 : i32 to vector<16xi32>
        %parallel_loop3A_179 = arith.addi %parallel_loop3A_85, %parallel_loop3A_178 : vector<16xi32>
        %parallel_loop3A_180 = tpu.vector_load_idx %arg6[%parallel_loop3A_179] : memref<16384xf32, #tpu.memory_space<vmem>>[vector<16xi32>], vector<16xf32>,
        %parallel_loop3A_181 = arith.index_cast %parallel_loop3A_78 : i32 to index
        %parallel_loop3A_182 = arith.constant 208 : index
        %parallel_loop3A_183 = tpu.vector_load %arg7[%parallel_loop3A_181, %parallel_loop3A_182] {strides = array<i32>} : memref<64x512xf32, #tpu.memory_space<vmem>>, vector<16xf32>,
        tpu.vector_store %arg7[%parallel_loop3A_181, %parallel_loop3A_182], %parallel_loop3A_180 {strides = array<i32>} : memref<64x512xf32, #tpu.memory_space<vmem>>, vector<16xf32>,
        %parallel_loop3A_184 = arith.constant 224 : i32
        %parallel_loop3A_185 = vector.broadcast %parallel_loop3A_184 : i32 to vector<16xi32>
        %parallel_loop3A_186 = arith.addi %parallel_loop3A_85, %parallel_loop3A_185 : vector<16xi32>
        %parallel_loop3A_187 = tpu.vector_load_idx %arg6[%parallel_loop3A_186] : memref<16384xf32, #tpu.memory_space<vmem>>[vector<16xi32>], vector<16xf32>,
        %parallel_loop3A_188 = arith.index_cast %parallel_loop3A_78 : i32 to index
        %parallel_loop3A_189 = arith.constant 224 : index
        %parallel_loop3A_190 = tpu.vector_load %arg7[%parallel_loop3A_188, %parallel_loop3A_189] {strides = array<i32>} : memref<64x512xf32, #tpu.memory_space<vmem>>, vector<16xf32>,
        tpu.vector_store %arg7[%parallel_loop3A_188, %parallel_loop3A_189], %parallel_loop3A_187 {strides = array<i32>} : memref<64x512xf32, #tpu.memory_space<vmem>>, vector<16xf32>,
        %parallel_loop3A_191 = arith.constant 240 : i32
        %parallel_loop3A_192 = vector.broadcast %parallel_loop3A_191 : i32 to vector<16xi32>
        %parallel_loop3A_193 = arith.addi %parallel_loop3A_85, %parallel_loop3A_192 : vector<16xi32>
        %parallel_loop3A_194 = tpu.vector_load_idx %arg6[%parallel_loop3A_193] : memref<16384xf32, #tpu.memory_space<vmem>>[vector<16xi32>], vector<16xf32>,
        %parallel_loop3A_195 = arith.index_cast %parallel_loop3A_78 : i32 to index
        %parallel_loop3A_196 = arith.constant 240 : index
        %parallel_loop3A_197 = tpu.vector_load %arg7[%parallel_loop3A_195, %parallel_loop3A_196] {strides = array<i32>} : memref<64x512xf32, #tpu.memory_space<vmem>>, vector<16xf32>,
        tpu.vector_store %arg7[%parallel_loop3A_195, %parallel_loop3A_196], %parallel_loop3A_194 {strides = array<i32>} : memref<64x512xf32, #tpu.memory_space<vmem>>, vector<16xf32>,
        %parallel_loop3A_198 = arith.constant 256 : i32
        %parallel_loop3A_199 = vector.broadcast %parallel_loop3A_198 : i32 to vector<16xi32>
        %parallel_loop3A_200 = arith.addi %parallel_loop3A_85, %parallel_loop3A_199 : vector<16xi32>
        %parallel_loop3A_201 = tpu.vector_load_idx %arg6[%parallel_loop3A_200] : memref<16384xf32, #tpu.memory_space<vmem>>[vector<16xi32>], vector<16xf32>,
        %parallel_loop3A_202 = arith.index_cast %parallel_loop3A_78 : i32 to index
        %parallel_loop3A_203 = arith.constant 256 : index
        %parallel_loop3A_204 = tpu.vector_load %arg7[%parallel_loop3A_202, %parallel_loop3A_203] {strides = array<i32>} : memref<64x512xf32, #tpu.memory_space<vmem>>, vector<16xf32>,
        tpu.vector_store %arg7[%parallel_loop3A_202, %parallel_loop3A_203], %parallel_loop3A_201 {strides = array<i32>} : memref<64x512xf32, #tpu.memory_space<vmem>>, vector<16xf32>,
        %parallel_loop3A_205 = arith.constant 272 : i32
        %parallel_loop3A_206 = vector.broadcast %parallel_loop3A_205 : i32 to vector<16xi32>
        %parallel_loop3A_207 = arith.addi %parallel_loop3A_85, %parallel_loop3A_206 : vector<16xi32>
        %parallel_loop3A_208 = tpu.vector_load_idx %arg6[%parallel_loop3A_207] : memref<16384xf32, #tpu.memory_space<vmem>>[vector<16xi32>], vector<16xf32>,
        %parallel_loop3A_209 = arith.index_cast %parallel_loop3A_78 : i32 to index
        %parallel_loop3A_210 = arith.constant 272 : index
        %parallel_loop3A_211 = tpu.vector_load %arg7[%parallel_loop3A_209, %parallel_loop3A_210] {strides = array<i32>} : memref<64x512xf32, #tpu.memory_space<vmem>>, vector<16xf32>,
        tpu.vector_store %arg7[%parallel_loop3A_209, %parallel_loop3A_210], %parallel_loop3A_208 {strides = array<i32>} : memref<64x512xf32, #tpu.memory_space<vmem>>, vector<16xf32>,
        %parallel_loop3A_212 = arith.constant 288 : i32
        %parallel_loop3A_213 = vector.broadcast %parallel_loop3A_212 : i32 to vector<16xi32>
        %parallel_loop3A_214 = arith.addi %parallel_loop3A_85, %parallel_loop3A_213 : vector<16xi32>
        %parallel_loop3A_215 = tpu.vector_load_idx %arg6[%parallel_loop3A_214] : memref<16384xf32, #tpu.memory_space<vmem>>[vector<16xi32>], vector<16xf32>,
        %parallel_loop3A_216 = arith.index_cast %parallel_loop3A_78 : i32 to index
        %parallel_loop3A_217 = arith.constant 288 : index
        %parallel_loop3A_218 = tpu.vector_load %arg7[%parallel_loop3A_216, %parallel_loop3A_217] {strides = array<i32>} : memref<64x512xf32, #tpu.memory_space<vmem>>, vector<16xf32>,
        tpu.vector_store %arg7[%parallel_loop3A_216, %parallel_loop3A_217], %parallel_loop3A_215 {strides = array<i32>} : memref<64x512xf32, #tpu.memory_space<vmem>>, vector<16xf32>,
        %parallel_loop3A_219 = arith.constant 304 : i32
        %parallel_loop3A_220 = vector.broadcast %parallel_loop3A_219 : i32 to vector<16xi32>
        %parallel_loop3A_221 = arith.addi %parallel_loop3A_85, %parallel_loop3A_220 : vector<16xi32>
        %parallel_loop3A_222 = tpu.vector_load_idx %arg6[%parallel_loop3A_221] : memref<16384xf32, #tpu.memory_space<vmem>>[vector<16xi32>], vector<16xf32>,
        %parallel_loop3A_223 = arith.index_cast %parallel_loop3A_78 : i32 to index
        %parallel_loop3A_224 = arith.constant 304 : index
        %parallel_loop3A_225 = tpu.vector_load %arg7[%parallel_loop3A_223, %parallel_loop3A_224] {strides = array<i32>} : memref<64x512xf32, #tpu.memory_space<vmem>>, vector<16xf32>,
        tpu.vector_store %arg7[%parallel_loop3A_223, %parallel_loop3A_224], %parallel_loop3A_222 {strides = array<i32>} : memref<64x512xf32, #tpu.memory_space<vmem>>, vector<16xf32>,
        %parallel_loop3A_226 = arith.constant 320 : i32
        %parallel_loop3A_227 = vector.broadcast %parallel_loop3A_226 : i32 to vector<16xi32>
        %parallel_loop3A_228 = arith.addi %parallel_loop3A_85, %parallel_loop3A_227 : vector<16xi32>
        %parallel_loop3A_229 = tpu.vector_load_idx %arg6[%parallel_loop3A_228] : memref<16384xf32, #tpu.memory_space<vmem>>[vector<16xi32>], vector<16xf32>,
        %parallel_loop3A_230 = arith.index_cast %parallel_loop3A_78 : i32 to index
        %parallel_loop3A_231 = arith.constant 320 : index
        %parallel_loop3A_232 = tpu.vector_load %arg7[%parallel_loop3A_230, %parallel_loop3A_231] {strides = array<i32>} : memref<64x512xf32, #tpu.memory_space<vmem>>, vector<16xf32>,
        tpu.vector_store %arg7[%parallel_loop3A_230, %parallel_loop3A_231], %parallel_loop3A_229 {strides = array<i32>} : memref<64x512xf32, #tpu.memory_space<vmem>>, vector<16xf32>,
        %parallel_loop3A_233 = arith.constant 336 : i32
        %parallel_loop3A_234 = vector.broadcast %parallel_loop3A_233 : i32 to vector<16xi32>
        %parallel_loop3A_235 = arith.addi %parallel_loop3A_85, %parallel_loop3A_234 : vector<16xi32>
        %parallel_loop3A_236 = tpu.vector_load_idx %arg6[%parallel_loop3A_235] : memref<16384xf32, #tpu.memory_space<vmem>>[vector<16xi32>], vector<16xf32>,
        %parallel_loop3A_237 = arith.index_cast %parallel_loop3A_78 : i32 to index
        %parallel_loop3A_238 = arith.constant 336 : index
        %parallel_loop3A_239 = tpu.vector_load %arg7[%parallel_loop3A_237, %parallel_loop3A_238] {strides = array<i32>} : memref<64x512xf32, #tpu.memory_space<vmem>>, vector<16xf32>,
        tpu.vector_store %arg7[%parallel_loop3A_237, %parallel_loop3A_238], %parallel_loop3A_236 {strides = array<i32>} : memref<64x512xf32, #tpu.memory_space<vmem>>, vector<16xf32>,
        %parallel_loop3A_240 = arith.constant 352 : i32
        %parallel_loop3A_241 = vector.broadcast %parallel_loop3A_240 : i32 to vector<16xi32>
        %parallel_loop3A_242 = arith.addi %parallel_loop3A_85, %parallel_loop3A_241 : vector<16xi32>
        %parallel_loop3A_243 = tpu.vector_load_idx %arg6[%parallel_loop3A_242] : memref<16384xf32, #tpu.memory_space<vmem>>[vector<16xi32>], vector<16xf32>,
        %parallel_loop3A_244 = arith.index_cast %parallel_loop3A_78 : i32 to index
        %parallel_loop3A_245 = arith.constant 352 : index
        %parallel_loop3A_246 = tpu.vector_load %arg7[%parallel_loop3A_244, %parallel_loop3A_245] {strides = array<i32>} : memref<64x512xf32, #tpu.memory_space<vmem>>, vector<16xf32>,
        tpu.vector_store %arg7[%parallel_loop3A_244, %parallel_loop3A_245], %parallel_loop3A_243 {strides = array<i32>} : memref<64x512xf32, #tpu.memory_space<vmem>>, vector<16xf32>,
        %parallel_loop3A_247 = arith.constant 368 : i32
        %parallel_loop3A_248 = vector.broadcast %parallel_loop3A_247 : i32 to vector<16xi32>
        %parallel_loop3A_249 = arith.addi %parallel_loop3A_85, %parallel_loop3A_248 : vector<16xi32>
        %parallel_loop3A_250 = tpu.vector_load_idx %arg6[%parallel_loop3A_249] : memref<16384xf32, #tpu.memory_space<vmem>>[vector<16xi32>], vector<16xf32>,
        %parallel_loop3A_251 = arith.index_cast %parallel_loop3A_78 : i32 to index
        %parallel_loop3A_252 = arith.constant 368 : index
        %parallel_loop3A_253 = tpu.vector_load %arg7[%parallel_loop3A_251, %parallel_loop3A_252] {strides = array<i32>} : memref<64x512xf32, #tpu.memory_space<vmem>>, vector<16xf32>,
        tpu.vector_store %arg7[%parallel_loop3A_251, %parallel_loop3A_252], %parallel_loop3A_250 {strides = array<i32>} : memref<64x512xf32, #tpu.memory_space<vmem>>, vector<16xf32>,
        %parallel_loop3A_254 = arith.constant 384 : i32
        %parallel_loop3A_255 = vector.broadcast %parallel_loop3A_254 : i32 to vector<16xi32>
        %parallel_loop3A_256 = arith.addi %parallel_loop3A_85, %parallel_loop3A_255 : vector<16xi32>
        %parallel_loop3A_257 = tpu.vector_load_idx %arg6[%parallel_loop3A_256] : memref<16384xf32, #tpu.memory_space<vmem>>[vector<16xi32>], vector<16xf32>,
        %parallel_loop3A_258 = arith.index_cast %parallel_loop3A_78 : i32 to index
        %parallel_loop3A_259 = arith.constant 384 : index
        %parallel_loop3A_260 = tpu.vector_load %arg7[%parallel_loop3A_258, %parallel_loop3A_259] {strides = array<i32>} : memref<64x512xf32, #tpu.memory_space<vmem>>, vector<16xf32>,
        tpu.vector_store %arg7[%parallel_loop3A_258, %parallel_loop3A_259], %parallel_loop3A_257 {strides = array<i32>} : memref<64x512xf32, #tpu.memory_space<vmem>>, vector<16xf32>,
        %parallel_loop3A_261 = arith.constant 400 : i32
        %parallel_loop3A_262 = vector.broadcast %parallel_loop3A_261 : i32 to vector<16xi32>
        %parallel_loop3A_263 = arith.addi %parallel_loop3A_85, %parallel_loop3A_262 : vector<16xi32>
        %parallel_loop3A_264 = tpu.vector_load_idx %arg6[%parallel_loop3A_263] : memref<16384xf32, #tpu.memory_space<vmem>>[vector<16xi32>], vector<16xf32>,
        %parallel_loop3A_265 = arith.index_cast %parallel_loop3A_78 : i32 to index
        %parallel_loop3A_266 = arith.constant 400 : index
        %parallel_loop3A_267 = tpu.vector_load %arg7[%parallel_loop3A_265, %parallel_loop3A_266] {strides = array<i32>} : memref<64x512xf32, #tpu.memory_space<vmem>>, vector<16xf32>,
        tpu.vector_store %arg7[%parallel_loop3A_265, %parallel_loop3A_266], %parallel_loop3A_264 {strides = array<i32>} : memref<64x512xf32, #tpu.memory_space<vmem>>, vector<16xf32>,
        %parallel_loop3A_268 = arith.constant 416 : i32
        %parallel_loop3A_269 = vector.broadcast %parallel_loop3A_268 : i32 to vector<16xi32>
        %parallel_loop3A_270 = arith.addi %parallel_loop3A_85, %parallel_loop3A_269 : vector<16xi32>
        %parallel_loop3A_271 = tpu.vector_load_idx %arg6[%parallel_loop3A_270] : memref<16384xf32, #tpu.memory_space<vmem>>[vector<16xi32>], vector<16xf32>,
        %parallel_loop3A_272 = arith.index_cast %parallel_loop3A_78 : i32 to index
        %parallel_loop3A_273 = arith.constant 416 : index
        %parallel_loop3A_274 = tpu.vector_load %arg7[%parallel_loop3A_272, %parallel_loop3A_273] {strides = array<i32>} : memref<64x512xf32, #tpu.memory_space<vmem>>, vector<16xf32>,
        tpu.vector_store %arg7[%parallel_loop3A_272, %parallel_loop3A_273], %parallel_loop3A_271 {strides = array<i32>} : memref<64x512xf32, #tpu.memory_space<vmem>>, vector<16xf32>,
        %parallel_loop3A_275 = arith.constant 432 : i32
        %parallel_loop3A_276 = vector.broadcast %parallel_loop3A_275 : i32 to vector<16xi32>
        %parallel_loop3A_277 = arith.addi %parallel_loop3A_85, %parallel_loop3A_276 : vector<16xi32>
        %parallel_loop3A_278 = tpu.vector_load_idx %arg6[%parallel_loop3A_277] : memref<16384xf32, #tpu.memory_space<vmem>>[vector<16xi32>], vector<16xf32>,
        %parallel_loop3A_279 = arith.index_cast %parallel_loop3A_78 : i32 to index
        %parallel_loop3A_280 = arith.constant 432 : index
        %parallel_loop3A_281 = tpu.vector_load %arg7[%parallel_loop3A_279, %parallel_loop3A_280] {strides = array<i32>} : memref<64x512xf32, #tpu.memory_space<vmem>>, vector<16xf32>,
        tpu.vector_store %arg7[%parallel_loop3A_279, %parallel_loop3A_280], %parallel_loop3A_278 {strides = array<i32>} : memref<64x512xf32, #tpu.memory_space<vmem>>, vector<16xf32>,
        %parallel_loop3A_282 = arith.constant 448 : i32
        %parallel_loop3A_283 = vector.broadcast %parallel_loop3A_282 : i32 to vector<16xi32>
        %parallel_loop3A_284 = arith.addi %parallel_loop3A_85, %parallel_loop3A_283 : vector<16xi32>
        %parallel_loop3A_285 = tpu.vector_load_idx %arg6[%parallel_loop3A_284] : memref<16384xf32, #tpu.memory_space<vmem>>[vector<16xi32>], vector<16xf32>,
        %parallel_loop3A_286 = arith.index_cast %parallel_loop3A_78 : i32 to index
        %parallel_loop3A_287 = arith.constant 448 : index
        %parallel_loop3A_288 = tpu.vector_load %arg7[%parallel_loop3A_286, %parallel_loop3A_287] {strides = array<i32>} : memref<64x512xf32, #tpu.memory_space<vmem>>, vector<16xf32>,
        tpu.vector_store %arg7[%parallel_loop3A_286, %parallel_loop3A_287], %parallel_loop3A_285 {strides = array<i32>} : memref<64x512xf32, #tpu.memory_space<vmem>>, vector<16xf32>,
        %parallel_loop3A_289 = arith.constant 464 : i32
        %parallel_loop3A_290 = vector.broadcast %parallel_loop3A_289 : i32 to vector<16xi32>
        %parallel_loop3A_291 = arith.addi %parallel_loop3A_85, %parallel_loop3A_290 : vector<16xi32>
        %parallel_loop3A_292 = tpu.vector_load_idx %arg6[%parallel_loop3A_291] : memref<16384xf32, #tpu.memory_space<vmem>>[vector<16xi32>], vector<16xf32>,
        %parallel_loop3A_293 = arith.index_cast %parallel_loop3A_78 : i32 to index
        %parallel_loop3A_294 = arith.constant 464 : index
        %parallel_loop3A_295 = tpu.vector_load %arg7[%parallel_loop3A_293, %parallel_loop3A_294] {strides = array<i32>} : memref<64x512xf32, #tpu.memory_space<vmem>>, vector<16xf32>,
        tpu.vector_store %arg7[%parallel_loop3A_293, %parallel_loop3A_294], %parallel_loop3A_292 {strides = array<i32>} : memref<64x512xf32, #tpu.memory_space<vmem>>, vector<16xf32>,
        %parallel_loop3A_296 = arith.constant 480 : i32
        %parallel_loop3A_297 = vector.broadcast %parallel_loop3A_296 : i32 to vector<16xi32>
        %parallel_loop3A_298 = arith.addi %parallel_loop3A_85, %parallel_loop3A_297 : vector<16xi32>
        %parallel_loop3A_299 = tpu.vector_load_idx %arg6[%parallel_loop3A_298] : memref<16384xf32, #tpu.memory_space<vmem>>[vector<16xi32>], vector<16xf32>,
        %parallel_loop3A_300 = arith.index_cast %parallel_loop3A_78 : i32 to index
        %parallel_loop3A_301 = arith.constant 480 : index
        %parallel_loop3A_302 = tpu.vector_load %arg7[%parallel_loop3A_300, %parallel_loop3A_301] {strides = array<i32>} : memref<64x512xf32, #tpu.memory_space<vmem>>, vector<16xf32>,
        tpu.vector_store %arg7[%parallel_loop3A_300, %parallel_loop3A_301], %parallel_loop3A_299 {strides = array<i32>} : memref<64x512xf32, #tpu.memory_space<vmem>>, vector<16xf32>,
        %parallel_loop3A_303 = arith.constant 496 : i32
        %parallel_loop3A_304 = vector.broadcast %parallel_loop3A_303 : i32 to vector<16xi32>
        %parallel_loop3A_305 = arith.addi %parallel_loop3A_85, %parallel_loop3A_304 : vector<16xi32>
        %parallel_loop3A_306 = tpu.vector_load_idx %arg6[%parallel_loop3A_305] : memref<16384xf32, #tpu.memory_space<vmem>>[vector<16xi32>], vector<16xf32>,
        %parallel_loop3A_307 = arith.index_cast %parallel_loop3A_78 : i32 to index
        %parallel_loop3A_308 = arith.constant 496 : index
        %parallel_loop3A_309 = tpu.vector_load %arg7[%parallel_loop3A_307, %parallel_loop3A_308] {strides = array<i32>} : memref<64x512xf32, #tpu.memory_space<vmem>>, vector<16xf32>,
        tpu.vector_store %arg7[%parallel_loop3A_307, %parallel_loop3A_308], %parallel_loop3A_306 {strides = array<i32>} : memref<64x512xf32, #tpu.memory_space<vmem>>, vector<16xf32>,
      } {sc.loop_unroll_factor = 1 : i64, sc.parallel_access}
      %mul3A_51 = arith.constant 64 : i32
      %mul3A_52 = arith.muli %add3A_41, %mul3A_51 : i32
      %add3A_53 = arith.addi %mul3A_2, %mul3A_52 : i32
      %dma_start3A_54 = arith.constant 0 : i32
      %dma_start3A_55 = tpu.memref_slice %arg4[%add3A_53, %dma_start3A_54] : memref<65536x512xf32, #tpu.memory_space<hbm>> -> memref<64x512xf32, #tpu.memory_space<hbm>>
      %dma_start3A_56 = arith.constant 0 : i32
      %dma_start3A_57 = tpu.memref_slice %arg4[%add3A_53, %dma_start3A_56] : memref<65536x512xf32, #tpu.memory_space<hbm>> -> memref<64x512xf32, #tpu.memory_space<hbm>>
      tpu.enqueue_dma source(%arg7 : memref<64x512xf32, #tpu.memory_space<vmem>>) target(%dma_start3A_57 : memref<64x512xf32, #tpu.memory_space<hbm>>) target_semaphore(%arg9 : memref<!tpu.dma_semaphore, #tpu.memory_space<semaphore_mem>>)
      %mul3A_58 = arith.constant 2 : i32
      %mul3A_59 = arith.muli %mul3A_58, %scan3A_37 : i32
      %add3A_60 = arith.constant 1 : i32
      %add3A_61 = arith.addi %mul3A_59, %add3A_60 : i32
      %dma_wait3A_62 = arith.constant 0 : i32
      %dma_wait3A_63 = tpu.memref_slice %arg4[%mul3A_2, %dma_wait3A_62] : memref<65536x512xf32, #tpu.memory_space<hbm>> -> memref<64x512xf32, #tpu.memory_space<hbm>>
      %dma_wait3A_64 = arith.constant 0 : i32
      %dma_wait3A_65 = tpu.memref_slice %arg4[%mul3A_2, %dma_wait3A_64] : memref<65536x512xf32, #tpu.memory_space<hbm>> -> memref<64x512xf32, #tpu.memory_space<hbm>>
      tpu.wait_dma2 semaphore(%arg10 : memref<!tpu.dma_semaphore, #tpu.memory_space<semaphore_mem>>) src(%arg7 : memref<64x512xf32, #tpu.memory_space<vmem>>) dst(%dma_wait3A_65 : memref<64x512xf32, #tpu.memory_space<hbm>>)
      %mul3A_66 = arith.constant 64 : i32
      %mul3A_67 = arith.muli %add3A_61, %mul3A_66 : i32
      %parallel_loop3A_68 = arith.constant 0 : i32
      %parallel_loop3A_69 = arith.constant 64 : i32
      %parallel_loop3A_70 = arith.constant 1 : i32
      scf.for %parallel_loop3A_78 = %parallel_loop3A_68 to %parallel_loop3A_69 step %parallel_loop3A_70  : i32 {
        %parallel_loop3A_79 = arith.addi %mul3A_67, %parallel_loop3A_78 : i32
        %parallel_loop3A_80 = vector.broadcast %parallel_loop3A_79 : i32 to vector<16xi32>
        %parallel_loop3A_81 = tpu.vector_load_idx %arg5[%parallel_loop3A_80] : memref<2048xi32, #tpu.memory_space<vmem>>[vector<16xi32>], vector<16xi32>,
        %parallel_loop3A_82 = arith.constant 512 : i32
        %parallel_loop3A_83 = vector.broadcast %parallel_loop3A_82 : i32 to vector<16xi32>
        %parallel_loop3A_84 = arith.muli %parallel_loop3A_81, %parallel_loop3A_83 : vector<16xi32>
        %parallel_loop3A_85 = arith.addi %parallel_loop3A_84, %iota3A : vector<16xi32>
        %parallel_loop3A_86 = arith.constant 0 : i32
        %parallel_loop3A_87 = vector.broadcast %parallel_loop3A_86 : i32 to vector<16xi32>
        %parallel_loop3A_88 = arith.addi %parallel_loop3A_85, %parallel_loop3A_87 : vector<16xi32>
        %parallel_loop3A_89 = tpu.vector_load_idx %arg6[%parallel_loop3A_88] : memref<16384xf32, #tpu.memory_space<vmem>>[vector<16xi32>], vector<16xf32>,
        %parallel_loop3A_90 = arith.index_cast %parallel_loop3A_78 : i32 to index
        %parallel_loop3A_91 = arith.constant 0 : index
        %parallel_loop3A_92 = tpu.vector_load %arg8[%parallel_loop3A_90, %parallel_loop3A_91] {strides = array<i32>} : memref<64x512xf32, #tpu.memory_space<vmem>>, vector<16xf32>,
        tpu.vector_store %arg8[%parallel_loop3A_90, %parallel_loop3A_91], %parallel_loop3A_89 {strides = array<i32>} : memref<64x512xf32, #tpu.memory_space<vmem>>, vector<16xf32>,
        %parallel_loop3A_93 = arith.constant 16 : i32
        %parallel_loop3A_94 = vector.broadcast %parallel_loop3A_93 : i32 to vector<16xi32>
        %parallel_loop3A_95 = arith.addi %parallel_loop3A_85, %parallel_loop3A_94 : vector<16xi32>
        %parallel_loop3A_96 = tpu.vector_load_idx %arg6[%parallel_loop3A_95] : memref<16384xf32, #tpu.memory_space<vmem>>[vector<16xi32>], vector<16xf32>,
        %parallel_loop3A_97 = arith.index_cast %parallel_loop3A_78 : i32 to index
        %parallel_loop3A_98 = arith.constant 16 : index
        %parallel_loop3A_99 = tpu.vector_load %arg8[%parallel_loop3A_97, %parallel_loop3A_98] {strides = array<i32>} : memref<64x512xf32, #tpu.memory_space<vmem>>, vector<16xf32>,
        tpu.vector_store %arg8[%parallel_loop3A_97, %parallel_loop3A_98], %parallel_loop3A_96 {strides = array<i32>} : memref<64x512xf32, #tpu.memory_space<vmem>>, vector<16xf32>,
        %parallel_loop3A_100 = arith.constant 32 : i32
        %parallel_loop3A_101 = vector.broadcast %parallel_loop3A_100 : i32 to vector<16xi32>
        %parallel_loop3A_102 = arith.addi %parallel_loop3A_85, %parallel_loop3A_101 : vector<16xi32>
        %parallel_loop3A_103 = tpu.vector_load_idx %arg6[%parallel_loop3A_102] : memref<16384xf32, #tpu.memory_space<vmem>>[vector<16xi32>], vector<16xf32>,
        %parallel_loop3A_104 = arith.index_cast %parallel_loop3A_78 : i32 to index
        %parallel_loop3A_105 = arith.constant 32 : index
        %parallel_loop3A_106 = tpu.vector_load %arg8[%parallel_loop3A_104, %parallel_loop3A_105] {strides = array<i32>} : memref<64x512xf32, #tpu.memory_space<vmem>>, vector<16xf32>,
        tpu.vector_store %arg8[%parallel_loop3A_104, %parallel_loop3A_105], %parallel_loop3A_103 {strides = array<i32>} : memref<64x512xf32, #tpu.memory_space<vmem>>, vector<16xf32>,
        %parallel_loop3A_107 = arith.constant 48 : i32
        %parallel_loop3A_108 = vector.broadcast %parallel_loop3A_107 : i32 to vector<16xi32>
        %parallel_loop3A_109 = arith.addi %parallel_loop3A_85, %parallel_loop3A_108 : vector<16xi32>
        %parallel_loop3A_110 = tpu.vector_load_idx %arg6[%parallel_loop3A_109] : memref<16384xf32, #tpu.memory_space<vmem>>[vector<16xi32>], vector<16xf32>,
        %parallel_loop3A_111 = arith.index_cast %parallel_loop3A_78 : i32 to index
        %parallel_loop3A_112 = arith.constant 48 : index
        %parallel_loop3A_113 = tpu.vector_load %arg8[%parallel_loop3A_111, %parallel_loop3A_112] {strides = array<i32>} : memref<64x512xf32, #tpu.memory_space<vmem>>, vector<16xf32>,
        tpu.vector_store %arg8[%parallel_loop3A_111, %parallel_loop3A_112], %parallel_loop3A_110 {strides = array<i32>} : memref<64x512xf32, #tpu.memory_space<vmem>>, vector<16xf32>,
        %parallel_loop3A_114 = arith.constant 64 : i32
        %parallel_loop3A_115 = vector.broadcast %parallel_loop3A_114 : i32 to vector<16xi32>
        %parallel_loop3A_116 = arith.addi %parallel_loop3A_85, %parallel_loop3A_115 : vector<16xi32>
        %parallel_loop3A_117 = tpu.vector_load_idx %arg6[%parallel_loop3A_116] : memref<16384xf32, #tpu.memory_space<vmem>>[vector<16xi32>], vector<16xf32>,
        %parallel_loop3A_118 = arith.index_cast %parallel_loop3A_78 : i32 to index
        %parallel_loop3A_119 = arith.constant 64 : index
        %parallel_loop3A_120 = tpu.vector_load %arg8[%parallel_loop3A_118, %parallel_loop3A_119] {strides = array<i32>} : memref<64x512xf32, #tpu.memory_space<vmem>>, vector<16xf32>,
        tpu.vector_store %arg8[%parallel_loop3A_118, %parallel_loop3A_119], %parallel_loop3A_117 {strides = array<i32>} : memref<64x512xf32, #tpu.memory_space<vmem>>, vector<16xf32>,
        %parallel_loop3A_121 = arith.constant 80 : i32
        %parallel_loop3A_122 = vector.broadcast %parallel_loop3A_121 : i32 to vector<16xi32>
        %parallel_loop3A_123 = arith.addi %parallel_loop3A_85, %parallel_loop3A_122 : vector<16xi32>
        %parallel_loop3A_124 = tpu.vector_load_idx %arg6[%parallel_loop3A_123] : memref<16384xf32, #tpu.memory_space<vmem>>[vector<16xi32>], vector<16xf32>,
        %parallel_loop3A_125 = arith.index_cast %parallel_loop3A_78 : i32 to index
        %parallel_loop3A_126 = arith.constant 80 : index
        %parallel_loop3A_127 = tpu.vector_load %arg8[%parallel_loop3A_125, %parallel_loop3A_126] {strides = array<i32>} : memref<64x512xf32, #tpu.memory_space<vmem>>, vector<16xf32>,
        tpu.vector_store %arg8[%parallel_loop3A_125, %parallel_loop3A_126], %parallel_loop3A_124 {strides = array<i32>} : memref<64x512xf32, #tpu.memory_space<vmem>>, vector<16xf32>,
        %parallel_loop3A_128 = arith.constant 96 : i32
        %parallel_loop3A_129 = vector.broadcast %parallel_loop3A_128 : i32 to vector<16xi32>
        %parallel_loop3A_130 = arith.addi %parallel_loop3A_85, %parallel_loop3A_129 : vector<16xi32>
        %parallel_loop3A_131 = tpu.vector_load_idx %arg6[%parallel_loop3A_130] : memref<16384xf32, #tpu.memory_space<vmem>>[vector<16xi32>], vector<16xf32>,
        %parallel_loop3A_132 = arith.index_cast %parallel_loop3A_78 : i32 to index
        %parallel_loop3A_133 = arith.constant 96 : index
        %parallel_loop3A_134 = tpu.vector_load %arg8[%parallel_loop3A_132, %parallel_loop3A_133] {strides = array<i32>} : memref<64x512xf32, #tpu.memory_space<vmem>>, vector<16xf32>,
        tpu.vector_store %arg8[%parallel_loop3A_132, %parallel_loop3A_133], %parallel_loop3A_131 {strides = array<i32>} : memref<64x512xf32, #tpu.memory_space<vmem>>, vector<16xf32>,
        %parallel_loop3A_135 = arith.constant 112 : i32
        %parallel_loop3A_136 = vector.broadcast %parallel_loop3A_135 : i32 to vector<16xi32>
        %parallel_loop3A_137 = arith.addi %parallel_loop3A_85, %parallel_loop3A_136 : vector<16xi32>
        %parallel_loop3A_138 = tpu.vector_load_idx %arg6[%parallel_loop3A_137] : memref<16384xf32, #tpu.memory_space<vmem>>[vector<16xi32>], vector<16xf32>,
        %parallel_loop3A_139 = arith.index_cast %parallel_loop3A_78 : i32 to index
        %parallel_loop3A_140 = arith.constant 112 : index
        %parallel_loop3A_141 = tpu.vector_load %arg8[%parallel_loop3A_139, %parallel_loop3A_140] {strides = array<i32>} : memref<64x512xf32, #tpu.memory_space<vmem>>, vector<16xf32>,
        tpu.vector_store %arg8[%parallel_loop3A_139, %parallel_loop3A_140], %parallel_loop3A_138 {strides = array<i32>} : memref<64x512xf32, #tpu.memory_space<vmem>>, vector<16xf32>,
        %parallel_loop3A_142 = arith.constant 128 : i32
        %parallel_loop3A_143 = vector.broadcast %parallel_loop3A_142 : i32 to vector<16xi32>
        %parallel_loop3A_144 = arith.addi %parallel_loop3A_85, %parallel_loop3A_143 : vector<16xi32>
        %parallel_loop3A_145 = tpu.vector_load_idx %arg6[%parallel_loop3A_144] : memref<16384xf32, #tpu.memory_space<vmem>>[vector<16xi32>], vector<16xf32>,
        %parallel_loop3A_146 = arith.index_cast %parallel_loop3A_78 : i32 to index
        %parallel_loop3A_147 = arith.constant 128 : index
        %parallel_loop3A_148 = tpu.vector_load %arg8[%parallel_loop3A_146, %parallel_loop3A_147] {strides = array<i32>} : memref<64x512xf32, #tpu.memory_space<vmem>>, vector<16xf32>,
        tpu.vector_store %arg8[%parallel_loop3A_146, %parallel_loop3A_147], %parallel_loop3A_145 {strides = array<i32>} : memref<64x512xf32, #tpu.memory_space<vmem>>, vector<16xf32>,
        %parallel_loop3A_149 = arith.constant 144 : i32
        %parallel_loop3A_150 = vector.broadcast %parallel_loop3A_149 : i32 to vector<16xi32>
        %parallel_loop3A_151 = arith.addi %parallel_loop3A_85, %parallel_loop3A_150 : vector<16xi32>
        %parallel_loop3A_152 = tpu.vector_load_idx %arg6[%parallel_loop3A_151] : memref<16384xf32, #tpu.memory_space<vmem>>[vector<16xi32>], vector<16xf32>,
        %parallel_loop3A_153 = arith.index_cast %parallel_loop3A_78 : i32 to index
        %parallel_loop3A_154 = arith.constant 144 : index
        %parallel_loop3A_155 = tpu.vector_load %arg8[%parallel_loop3A_153, %parallel_loop3A_154] {strides = array<i32>} : memref<64x512xf32, #tpu.memory_space<vmem>>, vector<16xf32>,
        tpu.vector_store %arg8[%parallel_loop3A_153, %parallel_loop3A_154], %parallel_loop3A_152 {strides = array<i32>} : memref<64x512xf32, #tpu.memory_space<vmem>>, vector<16xf32>,
        %parallel_loop3A_156 = arith.constant 160 : i32
        %parallel_loop3A_157 = vector.broadcast %parallel_loop3A_156 : i32 to vector<16xi32>
        %parallel_loop3A_158 = arith.addi %parallel_loop3A_85, %parallel_loop3A_157 : vector<16xi32>
        %parallel_loop3A_159 = tpu.vector_load_idx %arg6[%parallel_loop3A_158] : memref<16384xf32, #tpu.memory_space<vmem>>[vector<16xi32>], vector<16xf32>,
        %parallel_loop3A_160 = arith.index_cast %parallel_loop3A_78 : i32 to index
        %parallel_loop3A_161 = arith.constant 160 : index
        %parallel_loop3A_162 = tpu.vector_load %arg8[%parallel_loop3A_160, %parallel_loop3A_161] {strides = array<i32>} : memref<64x512xf32, #tpu.memory_space<vmem>>, vector<16xf32>,
        tpu.vector_store %arg8[%parallel_loop3A_160, %parallel_loop3A_161], %parallel_loop3A_159 {strides = array<i32>} : memref<64x512xf32, #tpu.memory_space<vmem>>, vector<16xf32>,
        %parallel_loop3A_163 = arith.constant 176 : i32
        %parallel_loop3A_164 = vector.broadcast %parallel_loop3A_163 : i32 to vector<16xi32>
        %parallel_loop3A_165 = arith.addi %parallel_loop3A_85, %parallel_loop3A_164 : vector<16xi32>
        %parallel_loop3A_166 = tpu.vector_load_idx %arg6[%parallel_loop3A_165] : memref<16384xf32, #tpu.memory_space<vmem>>[vector<16xi32>], vector<16xf32>,
        %parallel_loop3A_167 = arith.index_cast %parallel_loop3A_78 : i32 to index
        %parallel_loop3A_168 = arith.constant 176 : index
        %parallel_loop3A_169 = tpu.vector_load %arg8[%parallel_loop3A_167, %parallel_loop3A_168] {strides = array<i32>} : memref<64x512xf32, #tpu.memory_space<vmem>>, vector<16xf32>,
        tpu.vector_store %arg8[%parallel_loop3A_167, %parallel_loop3A_168], %parallel_loop3A_166 {strides = array<i32>} : memref<64x512xf32, #tpu.memory_space<vmem>>, vector<16xf32>,
        %parallel_loop3A_170 = arith.constant 192 : i32
        %parallel_loop3A_171 = vector.broadcast %parallel_loop3A_170 : i32 to vector<16xi32>
        %parallel_loop3A_172 = arith.addi %parallel_loop3A_85, %parallel_loop3A_171 : vector<16xi32>
        %parallel_loop3A_173 = tpu.vector_load_idx %arg6[%parallel_loop3A_172] : memref<16384xf32, #tpu.memory_space<vmem>>[vector<16xi32>], vector<16xf32>,
        %parallel_loop3A_174 = arith.index_cast %parallel_loop3A_78 : i32 to index
        %parallel_loop3A_175 = arith.constant 192 : index
        %parallel_loop3A_176 = tpu.vector_load %arg8[%parallel_loop3A_174, %parallel_loop3A_175] {strides = array<i32>} : memref<64x512xf32, #tpu.memory_space<vmem>>, vector<16xf32>,
        tpu.vector_store %arg8[%parallel_loop3A_174, %parallel_loop3A_175], %parallel_loop3A_173 {strides = array<i32>} : memref<64x512xf32, #tpu.memory_space<vmem>>, vector<16xf32>,
        %parallel_loop3A_177 = arith.constant 208 : i32
        %parallel_loop3A_178 = vector.broadcast %parallel_loop3A_177 : i32 to vector<16xi32>
        %parallel_loop3A_179 = arith.addi %parallel_loop3A_85, %parallel_loop3A_178 : vector<16xi32>
        %parallel_loop3A_180 = tpu.vector_load_idx %arg6[%parallel_loop3A_179] : memref<16384xf32, #tpu.memory_space<vmem>>[vector<16xi32>], vector<16xf32>,
        %parallel_loop3A_181 = arith.index_cast %parallel_loop3A_78 : i32 to index
        %parallel_loop3A_182 = arith.constant 208 : index
        %parallel_loop3A_183 = tpu.vector_load %arg8[%parallel_loop3A_181, %parallel_loop3A_182] {strides = array<i32>} : memref<64x512xf32, #tpu.memory_space<vmem>>, vector<16xf32>,
        tpu.vector_store %arg8[%parallel_loop3A_181, %parallel_loop3A_182], %parallel_loop3A_180 {strides = array<i32>} : memref<64x512xf32, #tpu.memory_space<vmem>>, vector<16xf32>,
        %parallel_loop3A_184 = arith.constant 224 : i32
        %parallel_loop3A_185 = vector.broadcast %parallel_loop3A_184 : i32 to vector<16xi32>
        %parallel_loop3A_186 = arith.addi %parallel_loop3A_85, %parallel_loop3A_185 : vector<16xi32>
        %parallel_loop3A_187 = tpu.vector_load_idx %arg6[%parallel_loop3A_186] : memref<16384xf32, #tpu.memory_space<vmem>>[vector<16xi32>], vector<16xf32>,
        %parallel_loop3A_188 = arith.index_cast %parallel_loop3A_78 : i32 to index
        %parallel_loop3A_189 = arith.constant 224 : index
        %parallel_loop3A_190 = tpu.vector_load %arg8[%parallel_loop3A_188, %parallel_loop3A_189] {strides = array<i32>} : memref<64x512xf32, #tpu.memory_space<vmem>>, vector<16xf32>,
        tpu.vector_store %arg8[%parallel_loop3A_188, %parallel_loop3A_189], %parallel_loop3A_187 {strides = array<i32>} : memref<64x512xf32, #tpu.memory_space<vmem>>, vector<16xf32>,
        %parallel_loop3A_191 = arith.constant 240 : i32
        %parallel_loop3A_192 = vector.broadcast %parallel_loop3A_191 : i32 to vector<16xi32>
        %parallel_loop3A_193 = arith.addi %parallel_loop3A_85, %parallel_loop3A_192 : vector<16xi32>
        %parallel_loop3A_194 = tpu.vector_load_idx %arg6[%parallel_loop3A_193] : memref<16384xf32, #tpu.memory_space<vmem>>[vector<16xi32>], vector<16xf32>,
        %parallel_loop3A_195 = arith.index_cast %parallel_loop3A_78 : i32 to index
        %parallel_loop3A_196 = arith.constant 240 : index
        %parallel_loop3A_197 = tpu.vector_load %arg8[%parallel_loop3A_195, %parallel_loop3A_196] {strides = array<i32>} : memref<64x512xf32, #tpu.memory_space<vmem>>, vector<16xf32>,
        tpu.vector_store %arg8[%parallel_loop3A_195, %parallel_loop3A_196], %parallel_loop3A_194 {strides = array<i32>} : memref<64x512xf32, #tpu.memory_space<vmem>>, vector<16xf32>,
        %parallel_loop3A_198 = arith.constant 256 : i32
        %parallel_loop3A_199 = vector.broadcast %parallel_loop3A_198 : i32 to vector<16xi32>
        %parallel_loop3A_200 = arith.addi %parallel_loop3A_85, %parallel_loop3A_199 : vector<16xi32>
        %parallel_loop3A_201 = tpu.vector_load_idx %arg6[%parallel_loop3A_200] : memref<16384xf32, #tpu.memory_space<vmem>>[vector<16xi32>], vector<16xf32>,
        %parallel_loop3A_202 = arith.index_cast %parallel_loop3A_78 : i32 to index
        %parallel_loop3A_203 = arith.constant 256 : index
        %parallel_loop3A_204 = tpu.vector_load %arg8[%parallel_loop3A_202, %parallel_loop3A_203] {strides = array<i32>} : memref<64x512xf32, #tpu.memory_space<vmem>>, vector<16xf32>,
        tpu.vector_store %arg8[%parallel_loop3A_202, %parallel_loop3A_203], %parallel_loop3A_201 {strides = array<i32>} : memref<64x512xf32, #tpu.memory_space<vmem>>, vector<16xf32>,
        %parallel_loop3A_205 = arith.constant 272 : i32
        %parallel_loop3A_206 = vector.broadcast %parallel_loop3A_205 : i32 to vector<16xi32>
        %parallel_loop3A_207 = arith.addi %parallel_loop3A_85, %parallel_loop3A_206 : vector<16xi32>
        %parallel_loop3A_208 = tpu.vector_load_idx %arg6[%parallel_loop3A_207] : memref<16384xf32, #tpu.memory_space<vmem>>[vector<16xi32>], vector<16xf32>,
        %parallel_loop3A_209 = arith.index_cast %parallel_loop3A_78 : i32 to index
        %parallel_loop3A_210 = arith.constant 272 : index
        %parallel_loop3A_211 = tpu.vector_load %arg8[%parallel_loop3A_209, %parallel_loop3A_210] {strides = array<i32>} : memref<64x512xf32, #tpu.memory_space<vmem>>, vector<16xf32>,
        tpu.vector_store %arg8[%parallel_loop3A_209, %parallel_loop3A_210], %parallel_loop3A_208 {strides = array<i32>} : memref<64x512xf32, #tpu.memory_space<vmem>>, vector<16xf32>,
        %parallel_loop3A_212 = arith.constant 288 : i32
        %parallel_loop3A_213 = vector.broadcast %parallel_loop3A_212 : i32 to vector<16xi32>
        %parallel_loop3A_214 = arith.addi %parallel_loop3A_85, %parallel_loop3A_213 : vector<16xi32>
        %parallel_loop3A_215 = tpu.vector_load_idx %arg6[%parallel_loop3A_214] : memref<16384xf32, #tpu.memory_space<vmem>>[vector<16xi32>], vector<16xf32>,
        %parallel_loop3A_216 = arith.index_cast %parallel_loop3A_78 : i32 to index
        %parallel_loop3A_217 = arith.constant 288 : index
        %parallel_loop3A_218 = tpu.vector_load %arg8[%parallel_loop3A_216, %parallel_loop3A_217] {strides = array<i32>} : memref<64x512xf32, #tpu.memory_space<vmem>>, vector<16xf32>,
        tpu.vector_store %arg8[%parallel_loop3A_216, %parallel_loop3A_217], %parallel_loop3A_215 {strides = array<i32>} : memref<64x512xf32, #tpu.memory_space<vmem>>, vector<16xf32>,
        %parallel_loop3A_219 = arith.constant 304 : i32
        %parallel_loop3A_220 = vector.broadcast %parallel_loop3A_219 : i32 to vector<16xi32>
        %parallel_loop3A_221 = arith.addi %parallel_loop3A_85, %parallel_loop3A_220 : vector<16xi32>
        %parallel_loop3A_222 = tpu.vector_load_idx %arg6[%parallel_loop3A_221] : memref<16384xf32, #tpu.memory_space<vmem>>[vector<16xi32>], vector<16xf32>,
        %parallel_loop3A_223 = arith.index_cast %parallel_loop3A_78 : i32 to index
        %parallel_loop3A_224 = arith.constant 304 : index
        %parallel_loop3A_225 = tpu.vector_load %arg8[%parallel_loop3A_223, %parallel_loop3A_224] {strides = array<i32>} : memref<64x512xf32, #tpu.memory_space<vmem>>, vector<16xf32>,
        tpu.vector_store %arg8[%parallel_loop3A_223, %parallel_loop3A_224], %parallel_loop3A_222 {strides = array<i32>} : memref<64x512xf32, #tpu.memory_space<vmem>>, vector<16xf32>,
        %parallel_loop3A_226 = arith.constant 320 : i32
        %parallel_loop3A_227 = vector.broadcast %parallel_loop3A_226 : i32 to vector<16xi32>
        %parallel_loop3A_228 = arith.addi %parallel_loop3A_85, %parallel_loop3A_227 : vector<16xi32>
        %parallel_loop3A_229 = tpu.vector_load_idx %arg6[%parallel_loop3A_228] : memref<16384xf32, #tpu.memory_space<vmem>>[vector<16xi32>], vector<16xf32>,
        %parallel_loop3A_230 = arith.index_cast %parallel_loop3A_78 : i32 to index
        %parallel_loop3A_231 = arith.constant 320 : index
        %parallel_loop3A_232 = tpu.vector_load %arg8[%parallel_loop3A_230, %parallel_loop3A_231] {strides = array<i32>} : memref<64x512xf32, #tpu.memory_space<vmem>>, vector<16xf32>,
        tpu.vector_store %arg8[%parallel_loop3A_230, %parallel_loop3A_231], %parallel_loop3A_229 {strides = array<i32>} : memref<64x512xf32, #tpu.memory_space<vmem>>, vector<16xf32>,
        %parallel_loop3A_233 = arith.constant 336 : i32
        %parallel_loop3A_234 = vector.broadcast %parallel_loop3A_233 : i32 to vector<16xi32>
        %parallel_loop3A_235 = arith.addi %parallel_loop3A_85, %parallel_loop3A_234 : vector<16xi32>
        %parallel_loop3A_236 = tpu.vector_load_idx %arg6[%parallel_loop3A_235] : memref<16384xf32, #tpu.memory_space<vmem>>[vector<16xi32>], vector<16xf32>,
        %parallel_loop3A_237 = arith.index_cast %parallel_loop3A_78 : i32 to index
        %parallel_loop3A_238 = arith.constant 336 : index
        %parallel_loop3A_239 = tpu.vector_load %arg8[%parallel_loop3A_237, %parallel_loop3A_238] {strides = array<i32>} : memref<64x512xf32, #tpu.memory_space<vmem>>, vector<16xf32>,
        tpu.vector_store %arg8[%parallel_loop3A_237, %parallel_loop3A_238], %parallel_loop3A_236 {strides = array<i32>} : memref<64x512xf32, #tpu.memory_space<vmem>>, vector<16xf32>,
        %parallel_loop3A_240 = arith.constant 352 : i32
        %parallel_loop3A_241 = vector.broadcast %parallel_loop3A_240 : i32 to vector<16xi32>
        %parallel_loop3A_242 = arith.addi %parallel_loop3A_85, %parallel_loop3A_241 : vector<16xi32>
        %parallel_loop3A_243 = tpu.vector_load_idx %arg6[%parallel_loop3A_242] : memref<16384xf32, #tpu.memory_space<vmem>>[vector<16xi32>], vector<16xf32>,
        %parallel_loop3A_244 = arith.index_cast %parallel_loop3A_78 : i32 to index
        %parallel_loop3A_245 = arith.constant 352 : index
        %parallel_loop3A_246 = tpu.vector_load %arg8[%parallel_loop3A_244, %parallel_loop3A_245] {strides = array<i32>} : memref<64x512xf32, #tpu.memory_space<vmem>>, vector<16xf32>,
        tpu.vector_store %arg8[%parallel_loop3A_244, %parallel_loop3A_245], %parallel_loop3A_243 {strides = array<i32>} : memref<64x512xf32, #tpu.memory_space<vmem>>, vector<16xf32>,
        %parallel_loop3A_247 = arith.constant 368 : i32
        %parallel_loop3A_248 = vector.broadcast %parallel_loop3A_247 : i32 to vector<16xi32>
        %parallel_loop3A_249 = arith.addi %parallel_loop3A_85, %parallel_loop3A_248 : vector<16xi32>
        %parallel_loop3A_250 = tpu.vector_load_idx %arg6[%parallel_loop3A_249] : memref<16384xf32, #tpu.memory_space<vmem>>[vector<16xi32>], vector<16xf32>,
        %parallel_loop3A_251 = arith.index_cast %parallel_loop3A_78 : i32 to index
        %parallel_loop3A_252 = arith.constant 368 : index
        %parallel_loop3A_253 = tpu.vector_load %arg8[%parallel_loop3A_251, %parallel_loop3A_252] {strides = array<i32>} : memref<64x512xf32, #tpu.memory_space<vmem>>, vector<16xf32>,
        tpu.vector_store %arg8[%parallel_loop3A_251, %parallel_loop3A_252], %parallel_loop3A_250 {strides = array<i32>} : memref<64x512xf32, #tpu.memory_space<vmem>>, vector<16xf32>,
        %parallel_loop3A_254 = arith.constant 384 : i32
        %parallel_loop3A_255 = vector.broadcast %parallel_loop3A_254 : i32 to vector<16xi32>
        %parallel_loop3A_256 = arith.addi %parallel_loop3A_85, %parallel_loop3A_255 : vector<16xi32>
        %parallel_loop3A_257 = tpu.vector_load_idx %arg6[%parallel_loop3A_256] : memref<16384xf32, #tpu.memory_space<vmem>>[vector<16xi32>], vector<16xf32>,
        %parallel_loop3A_258 = arith.index_cast %parallel_loop3A_78 : i32 to index
        %parallel_loop3A_259 = arith.constant 384 : index
        %parallel_loop3A_260 = tpu.vector_load %arg8[%parallel_loop3A_258, %parallel_loop3A_259] {strides = array<i32>} : memref<64x512xf32, #tpu.memory_space<vmem>>, vector<16xf32>,
        tpu.vector_store %arg8[%parallel_loop3A_258, %parallel_loop3A_259], %parallel_loop3A_257 {strides = array<i32>} : memref<64x512xf32, #tpu.memory_space<vmem>>, vector<16xf32>,
        %parallel_loop3A_261 = arith.constant 400 : i32
        %parallel_loop3A_262 = vector.broadcast %parallel_loop3A_261 : i32 to vector<16xi32>
        %parallel_loop3A_263 = arith.addi %parallel_loop3A_85, %parallel_loop3A_262 : vector<16xi32>
        %parallel_loop3A_264 = tpu.vector_load_idx %arg6[%parallel_loop3A_263] : memref<16384xf32, #tpu.memory_space<vmem>>[vector<16xi32>], vector<16xf32>,
        %parallel_loop3A_265 = arith.index_cast %parallel_loop3A_78 : i32 to index
        %parallel_loop3A_266 = arith.constant 400 : index
        %parallel_loop3A_267 = tpu.vector_load %arg8[%parallel_loop3A_265, %parallel_loop3A_266] {strides = array<i32>} : memref<64x512xf32, #tpu.memory_space<vmem>>, vector<16xf32>,
        tpu.vector_store %arg8[%parallel_loop3A_265, %parallel_loop3A_266], %parallel_loop3A_264 {strides = array<i32>} : memref<64x512xf32, #tpu.memory_space<vmem>>, vector<16xf32>,
        %parallel_loop3A_268 = arith.constant 416 : i32
        %parallel_loop3A_269 = vector.broadcast %parallel_loop3A_268 : i32 to vector<16xi32>
        %parallel_loop3A_270 = arith.addi %parallel_loop3A_85, %parallel_loop3A_269 : vector<16xi32>
        %parallel_loop3A_271 = tpu.vector_load_idx %arg6[%parallel_loop3A_270] : memref<16384xf32, #tpu.memory_space<vmem>>[vector<16xi32>], vector<16xf32>,
        %parallel_loop3A_272 = arith.index_cast %parallel_loop3A_78 : i32 to index
        %parallel_loop3A_273 = arith.constant 416 : index
        %parallel_loop3A_274 = tpu.vector_load %arg8[%parallel_loop3A_272, %parallel_loop3A_273] {strides = array<i32>} : memref<64x512xf32, #tpu.memory_space<vmem>>, vector<16xf32>,
        tpu.vector_store %arg8[%parallel_loop3A_272, %parallel_loop3A_273], %parallel_loop3A_271 {strides = array<i32>} : memref<64x512xf32, #tpu.memory_space<vmem>>, vector<16xf32>,
        %parallel_loop3A_275 = arith.constant 432 : i32
        %parallel_loop3A_276 = vector.broadcast %parallel_loop3A_275 : i32 to vector<16xi32>
        %parallel_loop3A_277 = arith.addi %parallel_loop3A_85, %parallel_loop3A_276 : vector<16xi32>
        %parallel_loop3A_278 = tpu.vector_load_idx %arg6[%parallel_loop3A_277] : memref<16384xf32, #tpu.memory_space<vmem>>[vector<16xi32>], vector<16xf32>,
        %parallel_loop3A_279 = arith.index_cast %parallel_loop3A_78 : i32 to index
        %parallel_loop3A_280 = arith.constant 432 : index
        %parallel_loop3A_281 = tpu.vector_load %arg8[%parallel_loop3A_279, %parallel_loop3A_280] {strides = array<i32>} : memref<64x512xf32, #tpu.memory_space<vmem>>, vector<16xf32>,
        tpu.vector_store %arg8[%parallel_loop3A_279, %parallel_loop3A_280], %parallel_loop3A_278 {strides = array<i32>} : memref<64x512xf32, #tpu.memory_space<vmem>>, vector<16xf32>,
        %parallel_loop3A_282 = arith.constant 448 : i32
        %parallel_loop3A_283 = vector.broadcast %parallel_loop3A_282 : i32 to vector<16xi32>
        %parallel_loop3A_284 = arith.addi %parallel_loop3A_85, %parallel_loop3A_283 : vector<16xi32>
        %parallel_loop3A_285 = tpu.vector_load_idx %arg6[%parallel_loop3A_284] : memref<16384xf32, #tpu.memory_space<vmem>>[vector<16xi32>], vector<16xf32>,
        %parallel_loop3A_286 = arith.index_cast %parallel_loop3A_78 : i32 to index
        %parallel_loop3A_287 = arith.constant 448 : index
        %parallel_loop3A_288 = tpu.vector_load %arg8[%parallel_loop3A_286, %parallel_loop3A_287] {strides = array<i32>} : memref<64x512xf32, #tpu.memory_space<vmem>>, vector<16xf32>,
        tpu.vector_store %arg8[%parallel_loop3A_286, %parallel_loop3A_287], %parallel_loop3A_285 {strides = array<i32>} : memref<64x512xf32, #tpu.memory_space<vmem>>, vector<16xf32>,
        %parallel_loop3A_289 = arith.constant 464 : i32
        %parallel_loop3A_290 = vector.broadcast %parallel_loop3A_289 : i32 to vector<16xi32>
        %parallel_loop3A_291 = arith.addi %parallel_loop3A_85, %parallel_loop3A_290 : vector<16xi32>
        %parallel_loop3A_292 = tpu.vector_load_idx %arg6[%parallel_loop3A_291] : memref<16384xf32, #tpu.memory_space<vmem>>[vector<16xi32>], vector<16xf32>,
        %parallel_loop3A_293 = arith.index_cast %parallel_loop3A_78 : i32 to index
        %parallel_loop3A_294 = arith.constant 464 : index
        %parallel_loop3A_295 = tpu.vector_load %arg8[%parallel_loop3A_293, %parallel_loop3A_294] {strides = array<i32>} : memref<64x512xf32, #tpu.memory_space<vmem>>, vector<16xf32>,
        tpu.vector_store %arg8[%parallel_loop3A_293, %parallel_loop3A_294], %parallel_loop3A_292 {strides = array<i32>} : memref<64x512xf32, #tpu.memory_space<vmem>>, vector<16xf32>,
        %parallel_loop3A_296 = arith.constant 480 : i32
        %parallel_loop3A_297 = vector.broadcast %parallel_loop3A_296 : i32 to vector<16xi32>
        %parallel_loop3A_298 = arith.addi %parallel_loop3A_85, %parallel_loop3A_297 : vector<16xi32>
        %parallel_loop3A_299 = tpu.vector_load_idx %arg6[%parallel_loop3A_298] : memref<16384xf32, #tpu.memory_space<vmem>>[vector<16xi32>], vector<16xf32>,
        %parallel_loop3A_300 = arith.index_cast %parallel_loop3A_78 : i32 to index
        %parallel_loop3A_301 = arith.constant 480 : index
        %parallel_loop3A_302 = tpu.vector_load %arg8[%parallel_loop3A_300, %parallel_loop3A_301] {strides = array<i32>} : memref<64x512xf32, #tpu.memory_space<vmem>>, vector<16xf32>,
        tpu.vector_store %arg8[%parallel_loop3A_300, %parallel_loop3A_301], %parallel_loop3A_299 {strides = array<i32>} : memref<64x512xf32, #tpu.memory_space<vmem>>, vector<16xf32>,
        %parallel_loop3A_303 = arith.constant 496 : i32
        %parallel_loop3A_304 = vector.broadcast %parallel_loop3A_303 : i32 to vector<16xi32>
        %parallel_loop3A_305 = arith.addi %parallel_loop3A_85, %parallel_loop3A_304 : vector<16xi32>
        %parallel_loop3A_306 = tpu.vector_load_idx %arg6[%parallel_loop3A_305] : memref<16384xf32, #tpu.memory_space<vmem>>[vector<16xi32>], vector<16xf32>,
        %parallel_loop3A_307 = arith.index_cast %parallel_loop3A_78 : i32 to index
        %parallel_loop3A_308 = arith.constant 496 : index
        %parallel_loop3A_309 = tpu.vector_load %arg8[%parallel_loop3A_307, %parallel_loop3A_308] {strides = array<i32>} : memref<64x512xf32, #tpu.memory_space<vmem>>, vector<16xf32>,
        tpu.vector_store %arg8[%parallel_loop3A_307, %parallel_loop3A_308], %parallel_loop3A_306 {strides = array<i32>} : memref<64x512xf32, #tpu.memory_space<vmem>>, vector<16xf32>,
      } {sc.loop_unroll_factor = 1 : i64, sc.parallel_access}
      %mul3A_71 = arith.constant 64 : i32
      %mul3A_72 = arith.muli %add3A_61, %mul3A_71 : i32
      %add3A_73 = arith.addi %mul3A_2, %mul3A_72 : i32
      %dma_start3A_74 = arith.constant 0 : i32
      %dma_start3A_75 = tpu.memref_slice %arg4[%add3A_73, %dma_start3A_74] : memref<65536x512xf32, #tpu.memory_space<hbm>> -> memref<64x512xf32, #tpu.memory_space<hbm>>
      %dma_start3A_76 = arith.constant 0 : i32
      %dma_start3A_77 = tpu.memref_slice %arg4[%add3A_73, %dma_start3A_76] : memref<65536x512xf32, #tpu.memory_space<hbm>> -> memref<64x512xf32, #tpu.memory_space<hbm>>
      tpu.enqueue_dma source(%arg8 : memref<64x512xf32, #tpu.memory_space<vmem>>) target(%dma_start3A_77 : memref<64x512xf32, #tpu.memory_space<hbm>>) target_semaphore(%arg10 : memref<!tpu.dma_semaphore, #tpu.memory_space<semaphore_mem>>)
    }
    %scan3A_29 = arith.constant 15 : i32
    %dma_wait3A = arith.constant 0 : i32
    %dma_wait3A_30 = tpu.memref_slice %arg4[%mul3A_2, %dma_wait3A] : memref<65536x512xf32, #tpu.memory_space<hbm>> -> memref<64x512xf32, #tpu.memory_space<hbm>>
    %dma_wait3A_31 = arith.constant 0 : i32
    %dma_wait3A_32 = tpu.memref_slice %arg4[%mul3A_2, %dma_wait3A_31] : memref<65536x512xf32, #tpu.memory_space<hbm>> -> memref<64x512xf32, #tpu.memory_space<hbm>>
    tpu.wait_dma2 semaphore(%arg9 : memref<!tpu.dma_semaphore, #tpu.memory_space<semaphore_mem>>) src(%arg7 : memref<64x512xf32, #tpu.memory_space<vmem>>) dst(%dma_wait3A_32 : memref<64x512xf32, #tpu.memory_space<hbm>>)
    %dma_wait3A_33 = arith.constant 0 : i32
    %dma_wait3A_34 = tpu.memref_slice %arg4[%mul3A_2, %dma_wait3A_33] : memref<65536x512xf32, #tpu.memory_space<hbm>> -> memref<64x512xf32, #tpu.memory_space<hbm>>
    %dma_wait3A_35 = arith.constant 0 : i32
    %dma_wait3A_36 = tpu.memref_slice %arg4[%mul3A_2, %dma_wait3A_35] : memref<65536x512xf32, #tpu.memory_space<hbm>> -> memref<64x512xf32, #tpu.memory_space<hbm>>
    tpu.wait_dma2 semaphore(%arg10 : memref<!tpu.dma_semaphore, #tpu.memory_space<semaphore_mem>>) src(%arg7 : memref<64x512xf32, #tpu.memory_space<vmem>>) dst(%dma_wait3A_36 : memref<64x512xf32, #tpu.memory_space<hbm>>)
    return
  }
}

</mosaic_0001>

<sc_bundles>
// kernel: _lookup.3.cloned.1.call-start
scs
__scs_entry_jumppad:
0x0: {  	(pc) =	sbr.rel $0x88, $3  }
0x1: {  	(tag) =	ssettag $0x0;
	lr =	simm.s32 $0x1  }
0x2: {  	[smem:$0x3F9F] =	sst lr;
	_ =	strace $0xD0000000  }
0x3: {  	_ = 	snop  }
0x4: {  	_ = 	snop  }
0x5: {  	_ = 	snop  }
0x6: {  	_ = 	snop  }
0x7: {  	_ = 	snop  }
__scs_overlays_trampoline_lowered:
0x8: {  	[smem:$0x3FAE] =	sst s0  }
0x9: {  	[smem:$0x3FAF] =	sst s1  }
0xa: {  	[smem:$0x3FB0] =	sst s2  }
0xb: {  	[smem:$0x3FB1] =	sst s3  }
0xc: {  	[smem:$0x3FB2] =	sst s4  }
0xd: {  	[smem:$0x3FB3] =	sst s5  }
0xe: {  	[smem:$0x3FB4] =	sst s6  }
0xf: {  	[smem:$0x3FB5] =	sst s7  }
0x10: {  	[smem:$0x3FB6] =	sst s8  }
0x11: {  	[smem:$0x3FB7] =	sst s9;
	s0 =	simm.s32 @!p0 $0x0  }
0x12: {  	s1 =	sld [smem:$0x3F9D];
	s0 =	simm.s32 @p0 $0x1  }
0x13: {  	[smem:$0x3FB8] =	sst s0;
	s0 =	simm.s32 @!p1 $0x0  }
0x14: {  	s2 =	sld [smem:$0x3F9C];
	s0 =	simm.s32 @p1 $0x1  }
0x15: {  	[smem:$0x3FB9] =	sst s0;
	s0 =	simm.s32 @!p2 $0x0  }
0x16: {  	s3 =	sld [smem:$0x3FDB];
	s0 =	simm.s32 @p2 $0x1  }
0x17: {  	s4 =	simm.s32 $0x1BF5;
	[smem:$0x3FBB] =	sst s0  }
0x18: {  	s0 =	sld [smem:$0x3F9E];
	_ =	swait.ge [sflag:s4], $0x0  }
0x19: {  	s7 =	sld [smem:$0x3F9F]  }
0x1a: {  	s8 =	sadd.s32 $0xFFFFE003, lr  }
0x1b: {  	s9 =	sadd.s32 $0xFFFFFEF7, lr;
	s5 =	simm.s32 $0xFFFFFFFF;
	p2 =	slt.u32 s8, $0xFFFFF086  }
0x1c: {  	p1 =	slt.u32 s9, $0xF7A;
	s5 =	simm.s32 @!p2 $0x0  }
0x1d: {  	s5 =	simm.s32 @p1 $0x1;
	p0 =	seq.s32 s7, s2  }
0x1e: {  	s7 =	smul.u32 @!p0 $0xF7A, s2;
	p2 =	seq.s32 @!p0 s5, $0x0  }
0x1f: {  	s9 =	smul.u32 $0xF7A, s1;
	s8 =	simm.s32 @!p0 $0x1BF5;
	p2 =	por !p2, p0  }
0x20: {  	[sflag:s8] =	ssyncset.s32 @!p0 $0xFFFFF086;
	s6 =	sadd.s32 @!p0 s3, s7;
	s7 =	simm.s32 @!p0 $0x108  }
0x21: {  	s3 =	sadd.s32 s3, s9;
	s6 =	sadd.s32 @!p0 $0x88, s6;
	s7 =	simm.s32 @p2 $0x1082  }
0x22: {  	[simem:s7], [sflag:s8] =	dma.local @!p0 [hbm:s6], $0xF7A  }
0x23: {  	s9 =	sor.u32 $0xD0000000, s2;
	s6 =	simm.s32 $0x108;
	_ =	swait.ge @!p0 [sflag:s8], $0x0  }
0x24: {  	s3 =	sadd.s32 $0x88, s3;
	s6 =	simm.s32 @!p1 $0x1082;
	[sflag:s4] =	ssyncset.s32 $0xFFFFF086  }
0x25: {  	[simem:s6], [sflag:s4] =	dma.local [hbm:s3], $0xF7A  }
0x26: {  	[smem:$0x3F9F] =	sst s1;
	(tag) =	ssettag s2;
	_ =	strace s9  }
0x27: {  	s1 =	sld [smem:$0x3FAF]  }
0x28: {  	s2 =	sld [smem:$0x3FB0]  }
0x29: {  	s4 =	sld [smem:$0x3FB2]  }
0x2a: {  	p0 =	seq.s32 s5, $0x0;
	s5 =	sld [smem:$0x3FB3]  }
0x2b: {  	s6 =	sld [smem:$0x3FB4]  }
0x2c: {  	s7 =	sld [smem:$0x3FB5]  }
0x2d: {  	s3 =	simm.s32 $0x108;
	s8 =	sld [smem:$0x3FB6]  }
0x2e: {  	s3 =	simm.s32 @!p0 $0x1082;
	s9 =	sld [smem:$0x3FB7]  }
0x2f: {  	lr =	sadd.s32 s0, s3;
	s0 =	sld [smem:$0x3FAE]  }
0x30: {  	s3 =	sld [smem:$0x3FB1]  }
0x31: {  	[smem:$0x3FBA] =	sst s10  }
0x32: {  	s10 =	sld [smem:$0x3FB8];
	_ =	sdelay $0x3  }
0x33: {  	p0 =	seq.s32 s10, $0x1;
	s10 =	sld [smem:$0x3FBA];
	_ =	sdelay $0x3  }
0x34: {  	[smem:$0x3FBA] =	sst s10  }
0x35: {  	s10 =	sld [smem:$0x3FB9];
	_ =	sdelay $0x3  }
0x36: {  	p1 =	seq.s32 s10, $0x1;
	s10 =	sld [smem:$0x3FBA];
	_ =	sdelay $0x3  }
0x37: {  	[smem:$0x3FBA] =	sst s10  }
0x38: {  	s10 =	sld [smem:$0x3FBB]  }
0x39: {  	_ = 	snop;
	(pc) =	sbr.ind lr, $3  }
0x3a: {  	_ = 	snop  }
0x3b: {  	_ = 	snop  }
0x3c: {  	p2 =	seq.s32 s10, $0x1;
	s10 =	sld [smem:$0x3FBA]  }
0x3d: {  	_ =	shalt  }
0x3e: {  	_ =	shalt  }
0x3f: {  	_ =	shalt  }
0x40: {  	_ =	shalt  }
0x41: {  	_ =	shalt  }
0x42: {  	_ =	shalt  }
0x43: {  	_ =	shalt  }
0x44: {  	_ =	shalt  }
0x45: {  	_ =	shalt  }
0x46: {  	_ =	shalt  }
0x47: {  	_ =	shalt  }
0x48: {  	_ =	shalt  }
0x49: {  	_ =	shalt  }
0x4a: {  	_ =	shalt  }
0x4b: {  	_ =	shalt  }
0x4c: {  	_ =	shalt  }
0x4d: {  	_ =	shalt  }
0x4e: {  	_ =	shalt  }
0x4f: {  	_ =	shalt  }
0x50: {  	_ =	shalt  }
0x51: {  	_ =	shalt  }
0x52: {  	_ =	shalt  }
0x53: {  	_ =	shalt  }
0x54: {  	_ =	shalt  }
0x55: {  	_ =	shalt  }
0x56: {  	_ =	shalt  }
0x57: {  	_ =	shalt  }
0x58: {  	_ =	shalt  }
0x59: {  	_ =	shalt  }
0x5a: {  	_ =	shalt  }
0x5b: {  	_ =	shalt  }
0x5c: {  	_ =	shalt  }
0x5d: {  	_ =	shalt  }
0x5e: {  	_ =	shalt  }
0x5f: {  	_ =	shalt  }
0x60: {  	_ =	shalt  }
0x61: {  	_ =	shalt  }
0x62: {  	_ =	shalt  }
0x63: {  	_ =	shalt  }
0x64: {  	_ =	shalt  }
0x65: {  	_ =	shalt  }
0x66: {  	_ =	shalt  }
0x67: {  	_ =	shalt  }
0x68: {  	_ =	shalt  }
0x69: {  	_ =	shalt  }
0x6a: {  	_ =	shalt  }
0x6b: {  	_ =	shalt  }
0x6c: {  	_ =	shalt  }
0x6d: {  	_ =	shalt  }
0x6e: {  	_ =	shalt  }
0x6f: {  	_ =	shalt  }
0x70: {  	_ =	shalt  }
0x71: {  	_ =	shalt  }
0x72: {  	_ =	shalt  }
0x73: {  	_ =	shalt  }
0x74: {  	_ =	shalt  }
0x75: {  	_ =	shalt  }
0x76: {  	_ =	shalt  }
0x77: {  	_ =	shalt  }
0x78: {  	_ =	shalt  }
0x79: {  	_ =	shalt  }
0x7a: {  	_ =	shalt  }
0x7b: {  	_ =	shalt  }
0x7c: {  	_ =	shalt  }
0x7d: {  	_ =	shalt  }
0x7e: {  	_ =	shalt  }
0x7f: {  	_ =	shalt  }
0x80: {  	_ =	shalt  }
0x81: {  	_ =	shalt  }
0x82: {  	_ =	shalt  }
0x83: {  	_ =	shalt  }
0x84: {  	_ =	shalt  }
0x85: {  	_ =	shalt  }
0x86: {  	_ =	shalt  }
0x87: {  	_ =	shalt  }
.Lfunc_end0:
.L_simem_size_0:
called_computation_lowered:
.L_overlay_start_0:
0x88: {  	s2 =	sld [smem:$0x3FD9]  }
0x89: {  	s3 =	sld [smem:$0x3FFE];
	_ =	sdelay $0x1  }
0x8a: {  	s1 =	srdreg.scid  }
0x8b: {  	s0 =	sand.u32 $0x1, s1  }
0x8c: {  	s18 =	sshll.u32 s0, $0xA;
	s2 =	sadd.s32 s3, s2  }
0x8d: {  	s2 =	sadd.s32 s2, s18  }
0x8e: {  	[smem:$0x3FC6] =	sst s2  }
0x8f: {  	_ = 	snop  }
0x90: {  	s2 =	sld [smem:$0x3FC9]  }
0x91: {  	s19 =	sld [smem:$0x3FC8]  }
0x92: {  	s4 =	sld [smem:$0x3FD0];
	(tm) =	ssettm $0x1  }
0x93: {  	s5 =	sld [smem:$0x3FFB];
	_ =	sdelay $0x3  }
0x94: {  	_ =	strace s5  }
0x95: {  	s5 =	sld [smem:$0x3FFC];
	_ =	sdelay $0x3  }
0x96: {  	_ =	strace s5  }
0x97: {  	s5 =	sld [smem:$0x3FFD];
	_ =	sdelay $0x3  }
0x98: {  	_ =	strace s5  }
0x99: {  	_ =	strace $0x8FFFFFFF  }
0x9a: {  	s20 =	sld [smem:$0x3FDB];
	_ =	sdelay $0x1  }
0x9b: {  	s6 =	simm.s32 $_scs_section_size  }
0x9c: {  	s7 =	simm.s32 $_size__tile_overlayer_lowered;
	s8 =	simm.s32 $_tile_overlayer_lowered  }
0x9d: {  	s23 =	simm.s32 $0x1BFF;
	s22 =	sshll.u32 s8, $0x1;
	s5 =	sadd.s32 s6, s20  }
0x9e: {  	s9 =	simm.s32 $0x0;
	s21 =	sshll.u32 s7, $0x1;
	s7 =	sadd.s32 s22, s5  }
0x9f: {  	[timem:s9], [sflag:s23] =	dma.local [hbm:s7], s21  }
0xa0: {  	_ =	swait.ge [sflag:s23], s21  }
0xa1: {  	s6 =	ssub.s32 $0x0, s21;
	[sflag:s23] =	ssyncset.done $0x0  }
0xa2: {  	[sflag:s23] =	ssyncadd.s32 s6;
	_ =	sdelay $0x1  }
0xa3: {  	s24 =	simm.s32 $0x1B8B  }
0xa4: {  	_ =	swait.ge [sflag:s24], $0x1  }
0xa5: {  	[sflag:s24] =	ssyncset.done $0x0  }
0xa6: {  	s25 =	simm.s32 $0x1B8E;
	[sflag:s24] =	ssyncadd.s32 $0xFFFFFFFF  }
0xa7: {  	s26 =	simm.s32 $execute0_lowered;
	[smem:$0x3FD2] =	sst s25  }
0xa8: {  	s6 =	sshll.u32 s26, $0x1;
	_ =	strace $0x80000046;
	[dreg:$0x1] =	wrdreg $0xFFFFFFFF  }
0xa9: {  	s28 =	simm.s32 $_size_execute0_lowered;
	s5 =	sadd.s32 s5, s6;
	[dreg:$0x0] =	wrdreg $0x0  }
0xaa: {  	s6 =	sshll.u32 s28, $0x1;
	[dreg:$0x2] =	wrdreg s5  }
0xab: {  	[dreg:$0x3] =	wrdreg s6  }
0xac: {  	[dreg:$0x4] =	wrdreg $0xC0  }
0xad: {  	_ =	task [dreg:s9], $0x5FFFF  }
0xae: {  	[dreg:$0x1] =	wrdreg $0xFFFFFFFF  }
0xaf: {  	[dreg:$0x0] =	wrdreg $0x60  }
0xb0: {  	[dreg:$0x2] =	wrdreg s2  }
0xb1: {  	[dreg:$0x3] =	wrdreg s19  }
0xb2: {  	[dreg:$0x4] =	wrdreg s4  }
0xb3: {  	[dreg:$0x5] =	wrdreg $0x9  }
0xb4: {  	_ =	task.clear_ibuf [dreg:s9], $0x6FFFF;
	_ =	strace $0x90000046  }
0xb5: {  	s29 =	simm.s32 $0x9;
	_ =	strace $0x80000048  }
0xb6: {  	_ =	swait.ge [sflag:s29], $0x1  }
0xb7: {  	[sflag:s29] =	ssyncadd.s32 $0xFFFFFFFF  }
0xb8: {  	_ =	strace $0x90000048  }
0xb9: {  	_ =	sfence  }
0xba: {  	s30 =	sld [smem:$0x0];
	_ =	sdelay $0x2  }
0xbb: {  	s31 =	sshll.u32 s1, $0xD;
	s1 =	sshrl.u32 s1, $0x2  }
0xbc: {  	s3 =	sand.u32 $0x4000, s31;
	s1 =	sadd.s32 s1, s30  }
0xbd: {  	s0 =	sor.u32 s3, s0;
	s1 =	sshll.u32 s1, $0x11  }
0xbe: {  	s0 =	sor.u32 s1, s0  }
0xbf: {  	s0 =	sadd.s32 $0x8F2B, s0  }
0xc0: {  	[sflag:s0] =	ssyncadd.remote.s32 $0x1  }
0xc1: {  	_ =	sfence.sel $0xFFFF  }
0xc2: {  	[dreg:$0x0] =	wrdreg $0xFFFFFFFF;
	(pc) =	sbr.abs _section_cstart, $3  }
0xc3: {  	[dreg:$0x1] =	wrdreg $0xFFFFFFFF  }
0xc4: {  	_ =	task.clear_ibuf [dreg:s9], $0x2FFFF;
	_ =	strace $0x9FFFFFFF  }
0xc5: {  	(tm) =	ssettm $0x7FFFFFFF  }
tec
execute0_lowered:
.L_overlay_start_1:
0x0: {  	(tag) =	ssettag $0x1  }
0x1: {  	v0 =	vlaneseq.u32  }
0x2: {  	s0 =	rddreg [dreg:$0x0];
	v1 =	vor.u32 $0x10, v0  }
0x3: {  	s1 =	rddreg [dreg:$0x1];
	v2 =	vor.u32 $0x20, v0;
	v3 =	vor.u32 $0x30, v0;
	v4 =	vor.u32 $0x40, v0  }
0x4: {  	s2 =	rddreg [dreg:$0x2];
	s5 =	srdreg.scid;
	v5 =	vor.u32 $0x50, v0;
	v6 =	vor.u32 $0x60, v0;
	v7 =	vor.u32 $0x70, v0  }
0x5: {  	s4 =	simm.s32 $0x0;
	s3 =	stileid.u32;
	s11 =	simm.s32 $0x3;
	v8 =	vor.u32 $0x80, v0;
	v9 =	vor.u32 $0x90, v0;
	v10 =	vor.u32 $0xA0, v0  }
0x6: {  	s12 =	simm.s32 $0x4800;
	s13 =	simm.s32 $0xC800;
	s14 =	simm.s32 $0x1;
	v11 =	vor.u32 $0xB0, v0;
	v12 =	vor.u32 $0xC0, v0;
	v13 =	vor.u32 $0xD0, v0  }
0x7: {  	s15 =	simm.s32 $0x2;
	s16 =	simm.s32 $0x0;
	s5 =	sand.u32 $0x1, s5;
	v14 =	vor.u32 $0xE0, v0;
	v15 =	vor.u32 $0xF0, v0;
	v16 =	vor.u32 $0x100, v0  }
0x8: {  	[smem:$0x7FF] =	sst s4;
	s6 =	sshll.u32 s3, $0xC;
	v17 =	vor.u32 $0x110, v0;
	v18 =	vor.u32 $0x120, v0;
	v19 =	vor.u32 $0x130, v0;
	s7 =	sshll.u32 s5, $0xB  }
0x9: {  	v20 =	vor.u32 $0x140, v0;
	v21 =	vor.u32 $0x150, v0;
	v22 =	vor.u32 $0x160, v0;
	_ =	strace $0x80000047;
	s8 =	ssub.s32 $0x2, s5;
	s5 =	sor.u32 s7, s6  }
0xa: {  	v23 =	vor.u32 $0x170, v0;
	v24 =	vor.u32 $0x180, v0;
	v25 =	vor.u32 $0x190, v0;
	s31 =	sshrl.u32 s8, $0x1;
	s7 =	sshrl.u32 s5, $0x3;
	s9 =	sshll.u32 s5, $0x6  }
0xb: {  	v26 =	vor.u32 $0x1A0, v0;
	v27 =	vor.u32 $0x1B0, v0;
	v28 =	vor.u32 $0x1C0, v0;
	s10 =	ssub.s32 s8, s31;
	s6 =	sadd.s32 s0, s7;
	s7 =	sadd.s32 s2, s9  }
0xc: {  	v29 =	vor.u32 $0x1D0, v0;
	v30 =	vor.u32 $0x1E0, v0;
	v31 =	vor.u32 $0x1F0, v0;
	s9 =	smax.u32 s10, $0x1;
	s10 =	simm.s32 $0x800;
	s8 =	sadd.s32 $0x1000, s7  }
.LBB2_1:
0xd: {  	[tilespmem:s10], [sflag:$0x3] =	stream.linear.gather [hbm4b:s1+s4], $0x4000, $0x38;
	[tilespmem:$0x14800] =	vst v63  }
0xe: {  	_ =	swait.ge [sflag:s11], $0x4000  }
0xf: {  	[sflag:s11] =	ssyncset.done $0x0  }
0x10: {  	v32 =	vmov s4;
	[sflag:s11] =	ssyncadd.s32 $0xFFFFC000  }
0x11: {  	[tilespmem:s4], [sflag:$0x3] =	stream.linear.gather [hbm4b:s6+s4], $0x800, $0x38;
	[tilespmem:$0x14800] =	vst v63  }
0x12: {  	_ =	swait.ge [sflag:s11], $0x800  }
0x13: {  	[sflag:s11] =	ssyncset.done $0x0  }
0x14: {  	[sflag:s11] =	ssyncadd.s32 $0xFFFFF800  }
0x15: {  	v32 =	vld.idx.msk [tilespmem:v32+s4+$0x0], $0xffff;
	_ =	sdelay $0x4  }
0x16: {  	v38 =	vshll.u32 v32, $0x9  }
0x17: {  	v32 =	vor.u32 v0, v38;
	_ =	sdelay $0x4  }
0x18: {  	v32 =	vld.idx.msk [tilespmem:v32+s10+$0x0], $0xffff  }
0x19: {  	v33 =	vor.u32 v1, v38;
	_ =	sdelay $0x1  }
0x1a: {  	s0 =	sand.u32 $0x7000, s4;
	s17 =	sand.u32 $0x380, s4  }
0x1b: {  	s22 =	sor.u32 s17, s0  }
0x1c: {  	[tilespmem:s22+$0x4800] =	vst v32  }
0x1d: {  	v32 =	vld.idx.msk [tilespmem:v33+s10+$0x0], $0xffff  }
0x1e: {  	v57 =	vor.u32 v2, v38;
	_ =	sdelay $0x2  }
0x1f: {  	s30 =	simm.s32 $0x1  }
0x20: {  	v58 =	vmov s30;
	[tilespmem:s22+$0x4810] =	vst v32  }
0x21: {  	v33 =	vld.idx.msk [tilespmem:v57+s10+$0x0], $0xffff  }
0x22: {  	v34 =	vor.u32 v3, v38;
	_ =	sdelay $0x2  }
0x23: {  	v32 =	vld.idx.msk [tilespmem:v58+s4+$0x0], $0xffff  }
0x24: {  	[tilespmem:s22+$0x4820] =	vst v33  }
0x25: {  	v33 =	vld.idx.msk [tilespmem:v34+s10+$0x0], $0xffff  }
0x26: {  	v35 =	vor.u32 v4, v38;
	_ =	sdelay $0x1  }
0x27: {  	v34 =	vshll.u32 v32, $0x9  }
0x28: {  	v32 =	vor.u32 v0, v34  }
0x29: {  	[tilespmem:s22+$0x4830] =	vst v33  }
0x2a: {  	v33 =	vld.idx.msk [tilespmem:v35+s10+$0x0], $0xffff  }
0x2b: {  	v59 =	vor.u32 v5, v38;
	_ =	sdelay $0x1  }
0x2c: {  	v32 =	vld.idx.msk [tilespmem:v32+s10+$0x0], $0xffff  }
0x2d: {  	v60 =	vor.u32 v1, v34  }
0x2e: {  	s31 =	simm.s32 $0x80;
	s3 =	simm.s32 $0x200;
	[tilespmem:s22+$0x4840] =	vst v33  }
0x2f: {  	s17 =	sand.u32 $0x7000, s3;
	s0 =	sand.u32 $0x380, s31;
	v35 =	vld.idx.msk [tilespmem:v59+s10+$0x0], $0xffff  }
0x30: {  	s18 =	sor.u32 s0, s17;
	v36 =	vor.u32 v6, v38  }
0x31: {  	s17 =	simm.s32 $0x2;
	[tilespmem:s18+$0x4800] =	vst v32  }
0x32: {  	v63 =	vmov s17;
	v32 =	vld.idx.msk [tilespmem:v60+s10+$0x0], $0xffff  }
0x33: {  	v61 =	vor.u32 v2, v34  }
0x34: {  	[tilespmem:s22+$0x4850] =	vst v35  }
0x35: {  	v35 =	vld.idx.msk [tilespmem:v36+s10+$0x0], $0xffff  }
0x36: {  	v62 =	vor.u32 v7, v38  }
0x37: {  	[tilespmem:s18+$0x4810] =	vst v32;
	v32 =	vld.idx.msk [tilespmem:v63+s4+$0x0], $0xffff  }
0x38: {  	v33 =	vld.idx.msk [tilespmem:v61+s10+$0x0], $0xffff  }
0x39: {  	v40 =	vor.u32 v3, v34  }
0x3a: {  	[tilespmem:s22+$0x4860] =	vst v35  }
0x3b: {  	v36 =	vld.idx.msk [tilespmem:v62+s10+$0x0], $0xffff  }
0x3c: {  	v37 =	vor.u32 v8, v38  }
0x3d: {  	v32 =	vshll.u32 v32, $0x9;
	[tilespmem:s18+$0x4820] =	vst v33  }
0x3e: {  	v43 =	vor.u32 v0, v32;
	v33 =	vld.idx.msk [tilespmem:v40+s10+$0x0], $0xffff  }
0x3f: {  	v41 =	vor.u32 v4, v34  }
0x40: {  	[tilespmem:s22+$0x4870] =	vst v36  }
0x41: {  	v36 =	vld.idx.msk [tilespmem:v37+s10+$0x0], $0xffff  }
0x42: {  	v42 =	vor.u32 v9, v38  }
0x43: {  	[tilespmem:s18+$0x4830] =	vst v33;
	v33 =	vld.idx.msk [tilespmem:v43+s10+$0x0], $0xffff  }
0x44: {  	v45 =	vor.u32 v1, v32;
	v35 =	vld.idx.msk [tilespmem:v41+s10+$0x0], $0xffff  }
0x45: {  	s19 =	simm.s32 $0x100;
	s20 =	simm.s32 $0x400;
	v44 =	vor.u32 v5, v34  }
0x46: {  	s0 =	sand.u32 $0x380, s19;
	s17 =	sand.u32 $0x7000, s20;
	[tilespmem:s22+$0x4C00] =	vst v36  }
0x47: {  	s17 =	sor.u32 s0, s17;
	v37 =	vld.idx.msk [tilespmem:v42+s10+$0x0], $0xffff  }
0x48: {  	v39 =	vor.u32 v10, v38;
	[tilespmem:s17+$0x4800] =	vst v33  }
0x49: {  	[tilespmem:s18+$0x4840] =	vst v35;
	v35 =	vld.idx.msk [tilespmem:v45+s10+$0x0], $0xffff  }
0x4a: {  	v48 =	vor.u32 v2, v32;
	v36 =	vld.idx.msk [tilespmem:v44+s10+$0x0], $0xffff  }
0x4b: {  	v46 =	vor.u32 v6, v34  }
0x4c: {  	s21 =	simm.s32 $0x3;
	[tilespmem:s22+$0x4C10] =	vst v37  }
0x4d: {  	v40 =	vmov s21;
	v39 =	vld.idx.msk [tilespmem:v39+s10+$0x0], $0xffff  }
0x4e: {  	v47 =	vor.u32 v11, v38;
	[tilespmem:s17+$0x4810] =	vst v35  }
0x4f: {  	[tilespmem:s18+$0x4850] =	vst v36;
	v36 =	vld.idx.msk [tilespmem:v48+s10+$0x0], $0xffff  }
0x50: {  	v51 =	vor.u32 v3, v32;
	v37 =	vld.idx.msk [tilespmem:v46+s10+$0x0], $0xffff  }
0x51: {  	v49 =	vor.u32 v7, v34  }
0x52: {  	v40 =	vld.idx.msk [tilespmem:v40+s4+$0x0], $0xffff;
	[tilespmem:s22+$0x4C20] =	vst v39  }
0x53: {  	v33 =	vld.idx.msk [tilespmem:v47+s10+$0x0], $0xffff  }
0x54: {  	v50 =	vor.u32 v12, v38;
	[tilespmem:s17+$0x4820] =	vst v36  }
0x55: {  	[tilespmem:s18+$0x4860] =	vst v37;
	v37 =	vld.idx.msk [tilespmem:v51+s10+$0x0], $0xffff  }
0x56: {  	v54 =	vor.u32 v4, v32;
	v39 =	vld.idx.msk [tilespmem:v49+s10+$0x0], $0xffff  }
0x57: {  	v52 =	vor.u32 v8, v34  }
0x58: {  	[tilespmem:s22+$0x4C30] =	vst v33;
	v33 =	vshll.u32 v40, $0x9  }
0x59: {  	v35 =	vld.idx.msk [tilespmem:v50+s10+$0x0], $0xffff;
	v40 =	vor.u32 v0, v33  }
0x5a: {  	v53 =	vor.u32 v13, v38;
	[tilespmem:s17+$0x4830] =	vst v37  }
0x5b: {  	[tilespmem:s18+$0x4870] =	vst v39;
	v39 =	vld.idx.msk [tilespmem:v54+s10+$0x0], $0xffff  }
0x5c: {  	v57 =	vor.u32 v5, v32;
	v41 =	vld.idx.msk [tilespmem:v52+s10+$0x0], $0xffff  }
0x5d: {  	v55 =	vor.u32 v9, v34  }
0x5e: {  	[tilespmem:s22+$0x4C40] =	vst v35;
	v40 =	vld.idx.msk [tilespmem:v40+s10+$0x0], $0xffff  }
0x5f: {  	v42 =	vor.u32 v1, v33;
	v36 =	vld.idx.msk [tilespmem:v53+s10+$0x0], $0xffff  }
0x60: {  	s23 =	simm.s32 $0x180;
	s19 =	simm.s32 $0x600;
	v56 =	vor.u32 v14, v38;
	[tilespmem:s17+$0x4840] =	vst v39  }
0x61: {  	s19 =	sand.u32 $0x7000, s19;
	s0 =	sand.u32 $0x380, s23;
	[tilespmem:s18+$0x4C00] =	vst v41;
	v41 =	vld.idx.msk [tilespmem:v57+s10+$0x0], $0xffff  }
0x62: {  	s19 =	sor.u32 s0, s19;
	v60 =	vor.u32 v6, v32;
	v35 =	vld.idx.msk [tilespmem:v55+s10+$0x0], $0xffff  }
0x63: {  	v58 =	vor.u32 v10, v34;
	[tilespmem:s19+$0x4800] =	vst v40  }
0x64: {  	[tilespmem:s22+$0x4C50] =	vst v36;
	v40 =	vld.idx.msk [tilespmem:v42+s10+$0x0], $0xffff  }
0x65: {  	v63 =	vor.u32 v2, v33;
	v37 =	vld.idx.msk [tilespmem:v56+s10+$0x0], $0xffff  }
0x66: {  	v59 =	vor.u32 v15, v38;
	[tilespmem:s17+$0x4850] =	vst v41  }
0x67: {  	[tilespmem:s18+$0x4C10] =	vst v35;
	v35 =	vld.idx.msk [tilespmem:v60+s10+$0x0], $0xffff  }
0x68: {  	v45 =	vor.u32 v7, v32;
	v36 =	vld.idx.msk [tilespmem:v58+s10+$0x0], $0xffff  }
0x69: {  	v61 =	vor.u32 v11, v34;
	[tilespmem:s19+$0x4810] =	vst v40  }
0x6a: {  	[tilespmem:s22+$0x4C60] =	vst v37;
	v48 =	vld.idx.msk [tilespmem:v63+s10+$0x0], $0xffff  }
0x6b: {  	v50 =	vor.u32 v3, v33;
	v39 =	vld.idx.msk [tilespmem:v59+s10+$0x0], $0xffff  }
0x6c: {  	v62 =	vor.u32 v16, v38;
	[tilespmem:s17+$0x4860] =	vst v35  }
0x6d: {  	[tilespmem:s18+$0x4C20] =	vst v36;
	v36 =	vld.idx.msk [tilespmem:v45+s10+$0x0], $0xffff  }
0x6e: {  	v51 =	vor.u32 v8, v32;
	v37 =	vld.idx.msk [tilespmem:v61+s10+$0x0], $0xffff  }
0x6f: {  	s24 =	simm.s32 $0x4;
	v46 =	vor.u32 v12, v34;
	[tilespmem:s19+$0x4820] =	vst v48  }
0x70: {  	v43 =	vmov s24;
	[tilespmem:s22+$0x4C70] =	vst v39;
	v41 =	vld.idx.msk [tilespmem:v50+s10+$0x0], $0xffff  }
0x71: {  	v54 =	vor.u32 v4, v33;
	v47 =	vld.idx.msk [tilespmem:v62+s10+$0x0], $0xffff  }
0x72: {  	v49 =	vor.u32 v17, v38;
	[tilespmem:s17+$0x4870] =	vst v36  }
0x73: {  	[tilespmem:s18+$0x4C30] =	vst v37;
	v37 =	vld.idx.msk [tilespmem:v51+s10+$0x0], $0xffff  }
0x74: {  	v55 =	vor.u32 v9, v32;
	v39 =	vld.idx.msk [tilespmem:v46+s10+$0x0], $0xffff  }
0x75: {  	v43 =	vld.idx.msk [tilespmem:v43+s4+$0x0], $0xffff;
	v52 =	vor.u32 v13, v34;
	[tilespmem:s19+$0x4830] =	vst v41  }
0x76: {  	[tilespmem:s22+$0x5000] =	vst v47;
	v42 =	vld.idx.msk [tilespmem:v54+s10+$0x0], $0xffff  }
0x77: {  	v35 =	vld.idx.msk [tilespmem:v49+s10+$0x0], $0xffff  }
0x78: {  	v44 =	vor.u32 v5, v33;
	[tilespmem:s17+$0x4C00] =	vst v37  }
0x79: {  	v53 =	vor.u32 v18, v38;
	[tilespmem:s18+$0x4C40] =	vst v39;
	v39 =	vld.idx.msk [tilespmem:v55+s10+$0x0], $0xffff  }
0x7a: {  	v59 =	vor.u32 v10, v32;
	v40 =	vld.idx.msk [tilespmem:v52+s10+$0x0], $0xffff  }
0x7b: {  	v56 =	vor.u32 v14, v34;
	[tilespmem:s19+$0x4840] =	vst v42  }
0x7c: {  	[tilespmem:s22+$0x5010] =	vst v35;
	v35 =	vshll.u32 v43, $0x9  }
0x7d: {  	v44 =	vld.idx.msk [tilespmem:v44+s10+$0x0], $0xffff;
	v57 =	vor.u32 v0, v35  }
0x7e: {  	v45 =	vor.u32 v6, v33;
	[tilespmem:s17+$0x4C10] =	vst v39;
	v36 =	vld.idx.msk [tilespmem:v53+s10+$0x0], $0xffff  }
0x7f: {  	v58 =	vor.u32 v19, v38;
	[tilespmem:s18+$0x4C50] =	vst v40;
	v40 =	vld.idx.msk [tilespmem:v59+s10+$0x0], $0xffff  }
0x80: {  	v63 =	vor.u32 v11, v32;
	v43 =	vld.idx.msk [tilespmem:v56+s10+$0x0], $0xffff  }
0x81: {  	v60 =	vor.u32 v15, v34  }
0x82: {  	[tilespmem:s19+$0x4850] =	vst v44;
	v41 =	vld.idx.msk [tilespmem:v57+s10+$0x0], $0xffff  }
0x83: {  	v61 =	vor.u32 v1, v35;
	[tilespmem:s22+$0x5020] =	vst v36;
	v44 =	vld.idx.msk [tilespmem:v45+s10+$0x0], $0xffff  }
0x84: {  	s25 =	simm.s32 $0x200;
	s20 =	simm.s32 $0x800;
	v51 =	vor.u32 v7, v33;
	[tilespmem:s17+$0x4C20] =	vst v40;
	v37 =	vld.idx.msk [tilespmem:v58+s10+$0x0], $0xffff  }
0x85: {  	s20 =	sand.u32 $0x7000, s20;
	s0 =	sand.u32 $0x380, s25;
	v62 =	vor.u32 v20, v38;
	[tilespmem:s18+$0x4C60] =	vst v43;
	v43 =	vld.idx.msk [tilespmem:v63+s10+$0x0], $0xffff  }
0x86: {  	s20 =	sor.u32 s0, s20;
	v52 =	vor.u32 v12, v32;
	v36 =	vld.idx.msk [tilespmem:v60+s10+$0x0], $0xffff  }
0x87: {  	s26 =	simm.s32 $0x5;
	v48 =	vor.u32 v16, v34;
	[tilespmem:s20+$0x4800] =	vst v41  }
0x88: {  	v46 =	vmov s26;
	[tilespmem:s19+$0x4860] =	vst v44;
	v41 =	vld.idx.msk [tilespmem:v61+s10+$0x0], $0xffff  }
0x89: {  	v49 =	vor.u32 v2, v35;
	[tilespmem:s22+$0x5030] =	vst v37;
	v44 =	vld.idx.msk [tilespmem:v51+s10+$0x0], $0xffff  }
0x8a: {  	v56 =	vor.u32 v8, v33;
	[tilespmem:s17+$0x4C30] =	vst v43;
	v39 =	vld.idx.msk [tilespmem:v62+s10+$0x0], $0xffff  }
0x8b: {  	v50 =	vor.u32 v21, v38;
	[tilespmem:s18+$0x4C70] =	vst v36;
	v36 =	vld.idx.msk [tilespmem:v52+s10+$0x0], $0xffff  }
0x8c: {  	v57 =	vor.u32 v13, v32;
	v37 =	vld.idx.msk [tilespmem:v48+s10+$0x0], $0xffff  }
0x8d: {  	s28 =	simm.s32 $0x6;
	v46 =	vld.idx.msk [tilespmem:v46+s4+$0x0], $0xffff;
	v53 =	vor.u32 v17, v34;
	[tilespmem:s20+$0x4810] =	vst v41  }
0x8e: {  	v58 =	vmov s28;
	[tilespmem:s19+$0x4870] =	vst v44;
	v41 =	vld.idx.msk [tilespmem:v49+s10+$0x0], $0xffff  }
0x8f: {  	v54 =	vor.u32 v3, v35;
	[tilespmem:s22+$0x5040] =	vst v39;
	v45 =	vld.idx.msk [tilespmem:v56+s10+$0x0], $0xffff  }
0x90: {  	v48 =	vor.u32 v9, v33;
	[tilespmem:s17+$0x4C40] =	vst v36;
	v40 =	vld.idx.msk [tilespmem:v50+s10+$0x0], $0xffff  }
0x91: {  	v55 =	vor.u32 v22, v38;
	[tilespmem:s18+$0x5000] =	vst v37;
	v37 =	vld.idx.msk [tilespmem:v57+s10+$0x0], $0xffff  }
0x92: {  	v61 =	vor.u32 v14, v32;
	v39 =	vld.idx.msk [tilespmem:v53+s10+$0x0], $0xffff  }
0x93: {  	v59 =	vor.u32 v18, v34;
	v36 =	vshll.u32 v46, $0x9;
	[tilespmem:s20+$0x4820] =	vst v41;
	v41 =	vld.idx.msk [tilespmem:v58+s4+$0x0], $0xffff  }
0x94: {  	v62 =	vor.u32 v0, v36;
	[tilespmem:s19+$0x4C00] =	vst v45;
	v42 =	vld.idx.msk [tilespmem:v54+s10+$0x0], $0xffff  }
0x95: {  	v60 =	vor.u32 v4, v35;
	[tilespmem:s22+$0x5050] =	vst v40;
	v54 =	vld.idx.msk [tilespmem:v48+s10+$0x0], $0xffff  }
0x96: {  	v56 =	vor.u32 v10, v33;
	[tilespmem:s17+$0x4C50] =	vst v37;
	v43 =	vld.idx.msk [tilespmem:v55+s10+$0x0], $0xffff  }
0x97: {  	v47 =	vor.u32 v23, v38;
	[tilespmem:s18+$0x5010] =	vst v39;
	v39 =	vld.idx.msk [tilespmem:v61+s10+$0x0], $0xffff  }
0x98: {  	v40 =	vld.idx.msk [tilespmem:v59+s10+$0x0], $0xffff  }
0x99: {  	v57 =	vor.u32 v15, v32;
	[tilespmem:s20+$0x4830] =	vst v42;
	v42 =	vld.idx.msk [tilespmem:v62+s10+$0x0], $0xffff  }
0x9a: {  	v63 =	vor.u32 v19, v34;
	[tilespmem:s19+$0x4C10] =	vst v54;
	v44 =	vld.idx.msk [tilespmem:v60+s10+$0x0], $0xffff  }
0x9b: {  	s29 =	simm.s32 $0x280;
	s21 =	simm.s32 $0xA00;
	v58 =	vor.u32 v1, v36;
	[tilespmem:s22+$0x5060] =	vst v43;
	v48 =	vld.idx.msk [tilespmem:v56+s10+$0x0], $0xffff  }
0x9c: {  	s0 =	sand.u32 $0x380, s29;
	s21 =	sand.u32 $0x7000, s21;
	v53 =	vor.u32 v5, v35;
	[tilespmem:s17+$0x4C60] =	vst v39;
	v52 =	vld.idx.msk [tilespmem:v47+s10+$0x0], $0xffff  }
0x9d: {  	s21 =	sor.u32 s0, s21;
	v62 =	vor.u32 v11, v33;
	[tilespmem:s18+$0x5020] =	vst v40  }
0x9e: {  	v55 =	vor.u32 v24, v38;
	v40 =	vld.idx.msk [tilespmem:v57+s10+$0x0], $0xffff;
	[tilespmem:s21+$0x4800] =	vst v42  }
0x9f: {  	v43 =	vld.idx.msk [tilespmem:v63+s10+$0x0], $0xffff;
	v63 =	vor.u32 v16, v32;
	[tilespmem:s20+$0x4840] =	vst v44  }
0xa0: {  	v59 =	vor.u32 v20, v34;
	v44 =	vld.idx.msk [tilespmem:v58+s10+$0x0], $0xffff;
	[tilespmem:s19+$0x4C20] =	vst v48  }
0xa1: {  	v46 =	vld.idx.msk [tilespmem:v53+s10+$0x0], $0xffff;
	[tilespmem:s22+$0x5070] =	vst v52;
	v52 =	vor.u32 v2, v36  }
0xa2: {  	v60 =	vor.u32 v6, v35;
	v42 =	vld.idx.msk [tilespmem:v62+s10+$0x0], $0xffff  }
0xa3: {  	v56 =	vor.u32 v12, v33;
	[tilespmem:s17+$0x4C70] =	vst v40;
	v37 =	vld.idx.msk [tilespmem:v55+s10+$0x0], $0xffff  }
0xa4: {  	v61 =	vor.u32 v25, v38;
	[tilespmem:s18+$0x5030] =	vst v43;
	v43 =	vld.idx.msk [tilespmem:v63+s10+$0x0], $0xffff  }
0xa5: {  	v57 =	vor.u32 v17, v32;
	v45 =	vld.idx.msk [tilespmem:v59+s10+$0x0], $0xffff;
	[tilespmem:s21+$0x4810] =	vst v44  }
0xa6: {  	v53 =	vor.u32 v21, v34;
	[tilespmem:s20+$0x4850] =	vst v46;
	v46 =	vld.idx.msk [tilespmem:v52+s10+$0x0], $0xffff  }
0xa7: {  	v58 =	vor.u32 v3, v36;
	[tilespmem:s19+$0x4C30] =	vst v42;
	v47 =	vld.idx.msk [tilespmem:v60+s10+$0x0], $0xffff  }
0xa8: {  	v54 =	vor.u32 v7, v35;
	[tilespmem:s22+$0x5400] =	vst v37;
	v44 =	vld.idx.msk [tilespmem:v56+s10+$0x0], $0xffff  }
0xa9: {  	v62 =	vor.u32 v13, v33;
	[tilespmem:s17+$0x5000] =	vst v43;
	v39 =	vld.idx.msk [tilespmem:v61+s10+$0x0], $0xffff  }
0xaa: {  	s30 =	simm.s32 $0x7;
	v55 =	vor.u32 v26, v38;
	[tilespmem:s18+$0x5040] =	vst v45;
	v45 =	vld.idx.msk [tilespmem:v57+s10+$0x0], $0xffff  }
0xab: {  	v49 =	vmov s30;
	v37 =	vld.idx.msk [tilespmem:v53+s10+$0x0], $0xffff;
	[tilespmem:s21+$0x4820] =	vst v46  }
0xac: {  	v63 =	vor.u32 v18, v32;
	[tilespmem:s20+$0x4860] =	vst v47;
	v47 =	vld.idx.msk [tilespmem:v58+s10+$0x0], $0xffff  }
0xad: {  	v59 =	vor.u32 v22, v34;
	[tilespmem:s19+$0x4C40] =	vst v44;
	v48 =	vld.idx.msk [tilespmem:v54+s10+$0x0], $0xffff  }
0xae: {  	v51 =	vor.u32 v4, v36;
	[tilespmem:s22+$0x5410] =	vst v39;
	v46 =	vld.idx.msk [tilespmem:v62+s10+$0x0], $0xffff  }
0xaf: {  	v60 =	vor.u32 v8, v35;
	v40 =	vld.idx.msk [tilespmem:v55+s10+$0x0], $0xffff  }
0xb0: {  	v61 =	vor.u32 v27, v38;
	[tilespmem:s17+$0x5010] =	vst v45;
	v39 =	vld.idx.msk [tilespmem:v49+s4+$0x0], $0xffff  }
0xb1: {  	v56 =	vor.u32 v14, v33;
	[tilespmem:s18+$0x5050] =	vst v37;
	v37 =	vshll.u32 v41, $0x9;
	v57 =	vld.idx.msk [tilespmem:v63+s10+$0x0], $0xffff  }
0xb2: {  	v50 =	vld.idx.msk [tilespmem:v59+s10+$0x0], $0xffff;
	v58 =	vor.u32 v0, v37;
	[tilespmem:s21+$0x4830] =	vst v47  }
0xb3: {  	v53 =	vor.u32 v23, v34;
	[tilespmem:s20+$0x4870] =	vst v48;
	v59 =	vld.idx.msk [tilespmem:v51+s10+$0x0], $0xffff  }
0xb4: {  	v42 =	vld.idx.msk [tilespmem:v60+s10+$0x0], $0xffff;
	[tilespmem:s22+$0x5420] =	vst v40;
	v60 =	vor.u32 v19, v32  }
0xb5: {  	v54 =	vor.u32 v9, v35;
	[tilespmem:s19+$0x4C50] =	vst v46;
	v43 =	vld.idx.msk [tilespmem:v61+s10+$0x0], $0xffff  }
0xb6: {  	v55 =	vor.u32 v28, v38;
	v41 =	vld.idx.msk [tilespmem:v56+s10+$0x0], $0xffff  }
0xb7: {  	[tilespmem:s18+$0x5060] =	vst v50;
	v48 =	vld.idx.msk [tilespmem:v58+s10+$0x0], $0xffff;
	v61 =	vor.u32 v5, v36  }
0xb8: {  	[tilespmem:s17+$0x5020] =	vst v57;
	v56 =	vor.u32 v1, v37;
	v40 =	vld.idx.msk [tilespmem:v53+s10+$0x0], $0xffff  }
0xb9: {  	s25 =	simm.s32 $0xC00;
	s24 =	simm.s32 $0x300;
	v62 =	vor.u32 v24, v34;
	[tilespmem:s20+$0x4C00] =	vst v42;
	v42 =	vld.idx.msk [tilespmem:v60+s10+$0x0], $0xffff  }
0xba: {  	s31 =	sand.u32 $0x7000, s25;
	s23 =	sand.u32 $0x380, s24;
	v57 =	vor.u32 v20, v32;
	v44 =	vld.idx.msk [tilespmem:v54+s10+$0x0], $0xffff;
	[tilespmem:s22+$0x5430] =	vst v43  }
0xbb: {  	s23 =	sor.u32 s23, s31;
	v63 =	vor.u32 v10, v35;
	[tilespmem:s21+$0x4840] =	vst v59;
	v45 =	vld.idx.msk [tilespmem:v55+s10+$0x0], $0xffff  }
0xbc: {  	[tilespmem:s23+$0x4800] =	vst v48;
	v54 =	vor.u32 v29, v38;
	v50 =	vld.idx.msk [tilespmem:v61+s10+$0x0], $0xffff  }
0xbd: {  	[tilespmem:s18+$0x5070] =	vst v40;
	v60 =	vld.idx.msk [tilespmem:v56+s10+$0x0], $0xffff;
	v55 =	vor.u32 v15, v33  }
0xbe: {  	v58 =	vor.u32 v6, v36;
	v43 =	vld.idx.msk [tilespmem:v62+s10+$0x0], $0xffff;
	[tilespmem:s17+$0x5030] =	vst v42  }
0xbf: {  	v59 =	vor.u32 v25, v34;
	[tilespmem:s20+$0x4C10] =	vst v44;
	v52 =	vld.idx.msk [tilespmem:v57+s10+$0x0], $0xffff  }
0xc0: {  	v46 =	vld.idx.msk [tilespmem:v63+s10+$0x0], $0xffff;
	[tilespmem:s22+$0x5440] =	vst v45;
	v63 =	vor.u32 v2, v37  }
0xc1: {  	v47 =	vor.u32 v11, v35;
	[tilespmem:s19+$0x4C60] =	vst v41;
	v45 =	vld.idx.msk [tilespmem:v54+s10+$0x0], $0xffff  }
0xc2: {  	v61 =	vor.u32 v30, v38;
	[tilespmem:s21+$0x4850] =	vst v50;
	v48 =	vld.idx.msk [tilespmem:v55+s10+$0x0], $0xffff  }
0xc3: {  	v62 =	vor.u32 v16, v33;
	v53 =	vld.idx.msk [tilespmem:v58+s10+$0x0], $0xffff;
	[tilespmem:s18+$0x5400] =	vst v43  }
0xc4: {  	[tilespmem:s23+$0x4810] =	vst v60;
	v54 =	vor.u32 v21, v32;
	v55 =	vld.idx.msk [tilespmem:v59+s10+$0x0], $0xffff  }
0xc5: {  	v56 =	vor.u32 v7, v36;
	[tilespmem:s20+$0x4C20] =	vst v46;
	v40 =	vld.idx.msk [tilespmem:v63+s10+$0x0], $0xffff  }
0xc6: {  	v42 =	vld.idx.msk [tilespmem:v47+s10+$0x0], $0xffff;
	[tilespmem:s22+$0x5450] =	vst v45;
	v45 =	vor.u32 v26, v34  }
0xc7: {  	[tilespmem:s19+$0x4C70] =	vst v48;
	v46 =	vor.u32 v12, v35;
	v41 =	vld.idx.msk [tilespmem:v61+s10+$0x0], $0xffff  }
0xc8: {  	v44 =	vor.u32 v31, v38;
	[tilespmem:s17+$0x5040] =	vst v52;
	v43 =	vld.idx.msk [tilespmem:v62+s10+$0x0], $0xffff  }
0xc9: {  	[tilespmem:s21+$0x4860] =	vst v53;
	v38 =	vld.idx.msk [tilespmem:v54+s10+$0x0], $0xffff;
	v47 =	vor.u32 v17, v33  }
0xca: {  	s0 =	simm.s32 $0x8;
	v49 =	vor.u32 v3, v37;
	v48 =	vld.idx.msk [tilespmem:v56+s10+$0x0], $0xffff;
	[tilespmem:s18+$0x5410] =	vst v55  }
.LBB2_2:
0xcb: {  	p0 =	sne.s32 s0, $0x3F;
	[tilespmem:s20+$0x4C30] =	vst v42;
	v42 =	vor.u32 v22, v32;
	v45 =	vld.idx.msk [tilespmem:v45+s10+$0x0], $0xffff  }
0xcc: {  	v50 =	vor.u32 v8, v36;
	v46 =	vld.idx.msk [tilespmem:v46+s10+$0x0], $0xffff;
	[tilespmem:s22+$0x5460] =	vst v41  }
0xcd: {  	v41 =	vor.u32 v27, v34;
	[tilespmem:s19+$0x5000] =	vst v43;
	v43 =	vld.idx.msk [tilespmem:v44+s10+$0x0], $0xffff  }
0xce: {  	[tilespmem:s23+$0x4820] =	vst v40;
	v40 =	vor.u32 v13, v35;
	v44 =	vld.idx.msk [tilespmem:v47+s10+$0x0], $0xffff  }
0xcf: {  	v47 =	vmov s0;
	v49 =	vld.idx.msk [tilespmem:v49+s10+$0x0], $0xffff;
	[tilespmem:s17+$0x5050] =	vst v38  }
0xd0: {  	v38 =	vor.u32 v18, v33;
	[tilespmem:s21+$0x4870] =	vst v48;
	v42 =	vld.idx.msk [tilespmem:v42+s10+$0x0], $0xffff  }
0xd1: {  	v48 =	vor.u32 v4, v37;
	v50 =	vld.idx.msk [tilespmem:v50+s10+$0x0], $0xffff;
	[tilespmem:s18+$0x5420] =	vst v45  }
0xd2: {  	v45 =	vor.u32 v23, v32;
	[tilespmem:s20+$0x4C40] =	vst v46;
	v41 =	vld.idx.msk [tilespmem:v41+s10+$0x0], $0xffff  }
0xd3: {  	v46 =	vor.u32 v9, v36;
	v40 =	vld.idx.msk [tilespmem:v40+s10+$0x0], $0xffff;
	[tilespmem:s22+$0x5470] =	vst v43;
	s22 =	smov.u32 s18;
	s18 =	smov.u32 s17;
	s17 =	smov.u32 s19  }
0xd4: {  	s19 =	smov.u32 s20;
	s20 =	smov.u32 s21;
	s21 =	smov.u32 s23;
	v43 =	vld.idx.msk [tilespmem:v47+s4+$0x0], $0xffff;
	[tilespmem:s17+$0x5010] =	vst v44;
	v44 =	vor.u32 v28, v34  }
0xd5: {  	v51 =	vshll.u32 v39, $0x9;
	v39 =	vor.u32 v14, v35;
	[tilespmem:s21+$0x4830] =	vst v49;
	v38 =	vld.idx.msk [tilespmem:v38+s10+$0x0], $0xffff  }
0xd6: {  	v47 =	vor.u32 v0, v51;
	v48 =	vld.idx.msk [tilespmem:v48+s10+$0x0], $0xffff;
	[tilespmem:s18+$0x5060] =	vst v42  }
0xd7: {  	v42 =	vor.u32 v19, v33;
	[tilespmem:s20+$0x4C00] =	vst v50;
	v45 =	vld.idx.msk [tilespmem:v45+s10+$0x0], $0xffff  }
0xd8: {  	v49 =	vor.u32 v5, v37;
	v46 =	vld.idx.msk [tilespmem:v46+s10+$0x0], $0xffff;
	[tilespmem:s22+$0x5430] =	vst v41  }
0xd9: {  	[tilespmem:s19+$0x4C50] =	vst v40;
	v40 =	vor.u32 v24, v32;
	v41 =	vld.idx.msk [tilespmem:v44+s10+$0x0], $0xffff  }
0xda: {  	v44 =	vor.u32 v10, v36;
	v50 =	vld.idx.msk [tilespmem:v39+s10+$0x0], $0xffff;
	v39 =	vmov v43  }
0xdb: {  	v43 =	vld.idx.msk [tilespmem:v47+s10+$0x0], $0xffff;
	[tilespmem:s17+$0x5020] =	vst v38;
	v38 =	vor.u32 v29, v34  }
0xdc: {  	v47 =	vor.u32 v15, v35;
	[tilespmem:s21+$0x4840] =	vst v48;
	v42 =	vld.idx.msk [tilespmem:v42+s10+$0x0], $0xffff  }
0xdd: {  	v48 =	vor.u32 v1, v51;
	v49 =	vld.idx.msk [tilespmem:v49+s10+$0x0], $0xffff;
	[tilespmem:s18+$0x5070] =	vst v45  }
0xde: {  	s24 =	sadd.s32 $0x80, s24;
	s25 =	sadd.s32 $0x200, s25;
	v45 =	vor.u32 v20, v33;
	[tilespmem:s20+$0x4C10] =	vst v46;
	v40 =	vld.idx.msk [tilespmem:v40+s10+$0x0], $0xffff  }
0xdf: {  	s26 =	sand.u32 $0x380, s24;
	s23 =	sand.u32 $0x7000, s25;
	v46 =	vor.u32 v6, v37;
	v44 =	vld.idx.msk [tilespmem:v44+s10+$0x0], $0xffff;
	[tilespmem:s22+$0x5440] =	vst v41  }
0xe0: {  	s23 =	sor.u32 s26, s23;
	v41 =	vor.u32 v25, v32;
	[tilespmem:s19+$0x4C60] =	vst v50;
	v38 =	vld.idx.msk [tilespmem:v38+s10+$0x0], $0xffff  }
0xe1: {  	[tilespmem:s23+$0x4800] =	vst v43;
	v43 =	vor.u32 v11, v36;
	v47 =	vld.idx.msk [tilespmem:v47+s10+$0x0], $0xffff  }
0xe2: {  	v50 =	vor.u32 v30, v34;
	v48 =	vld.idx.msk [tilespmem:v48+s10+$0x0], $0xffff;
	[tilespmem:s17+$0x5030] =	vst v42  }
0xe3: {  	[tilespmem:s21+$0x4850] =	vst v49;
	v49 =	vor.u32 v16, v35;
	v52 =	vld.idx.msk [tilespmem:v45+s10+$0x0], $0xffff  }
0xe4: {  	v53 =	vor.u32 v2, v51;
	v54 =	vld.idx.msk [tilespmem:v46+s10+$0x0], $0xffff;
	[tilespmem:s18+$0x5400] =	vst v40  }
0xe5: {  	v55 =	vor.u32 v21, v33;
	[tilespmem:s20+$0x4C20] =	vst v44;
	v56 =	vld.idx.msk [tilespmem:v41+s10+$0x0], $0xffff  }
0xe6: {  	v57 =	vor.u32 v7, v37;
	v42 =	vld.idx.msk [tilespmem:v43+s10+$0x0], $0xffff;
	[tilespmem:s22+$0x5450] =	vst v38  }
.Ltmp0:
0xe7: {  	v45 =	vor.u32 v26, v32;
	[tilespmem:s19+$0x4C70] =	vst v47;
	v41 =	vld.idx.msk [tilespmem:v50+s10+$0x0], $0xffff;
	(pc) =	sbr.rel @p0 .LBB2_2-.Ltmp0, $4  }
0xe8: {  	v46 =	vor.u32 v12, v36;
	[tilespmem:s23+$0x4810] =	vst v48;
	v43 =	vld.idx.msk [tilespmem:v49+s10+$0x0], $0xffff  }
0xe9: {  	v44 =	vor.u32 v31, v34;
	v34 =	vmovc v32;
	v32 =	vmov v33;
	v33 =	vmov v35;
	v40 =	vld.idx.msk [tilespmem:v53+s10+$0x0], $0xffff;
	[tilespmem:s17+$0x5040] =	vst v52  }
0xea: {  	v35 =	vmovc v36;
	v36 =	vmov v37;
	v37 =	vmov v51;
	v47 =	vor.u32 v17, v33;
	[tilespmem:s21+$0x4860] =	vst v54;
	v38 =	vld.idx.msk [tilespmem:v55+s10+$0x0], $0xffff  }
0xeb: {  	s0 =	sadd.s32 $0x1, s0;
	v49 =	vor.u32 v3, v37;
	v48 =	vld.idx.msk [tilespmem:v57+s10+$0x0], $0xffff;
	[tilespmem:s18+$0x5410] =	vst v56  }
0xec: {  	_ =	sdelay $0x2  }
0xed: {  	[tilespmem:s20+$0x4C30] =	vst v42  }
0xee: {  	v63 =	vor.u32 v22, v32;
	v45 =	vld.idx.msk [tilespmem:v45+s10+$0x0], $0xffff;
	[tilespmem:s22+$0x5460] =	vst v41  }
0xef: {  	v50 =	vor.u32 v8, v36;
	v46 =	vld.idx.msk [tilespmem:v46+s10+$0x0], $0xffff;
	[tilespmem:s19+$0x5000] =	vst v43  }
0xf0: {  	v52 =	vor.u32 v27, v34;
	v44 =	vld.idx.msk [tilespmem:v44+s10+$0x0], $0xffff;
	[tilespmem:s23+$0x4820] =	vst v40  }
0xf1: {  	v53 =	vor.u32 v13, v35;
	v47 =	vld.idx.msk [tilespmem:v47+s10+$0x0], $0xffff;
	[tilespmem:s17+$0x5050] =	vst v38  }
0xf2: {  	v54 =	vor.u32 v18, v33;
	v49 =	vld.idx.msk [tilespmem:v49+s10+$0x0], $0xffff;
	[tilespmem:s21+$0x4870] =	vst v48  }
0xf3: {  	v55 =	vor.u32 v4, v37;
	v38 =	vshll.u32 v39, $0x9;
	v41 =	vld.idx.msk [tilespmem:v63+s10+$0x0], $0xffff;
	[tilespmem:s18+$0x5420] =	vst v45  }
0xf4: {  	v56 =	vor.u32 v0, v38;
	v45 =	vld.idx.msk [tilespmem:v50+s10+$0x0], $0xffff;
	[tilespmem:s20+$0x4C40] =	vst v46  }
0xf5: {  	v39 =	vld.idx.msk [tilespmem:v52+s10+$0x0], $0xffff;
	[tilespmem:s22+$0x5470] =	vst v44  }
0xf6: {  	v43 =	vld.idx.msk [tilespmem:v53+s10+$0x0], $0xffff;
	[tilespmem:s19+$0x5010] =	vst v47  }
0xf7: {  	[tilespmem:s23+$0x4830] =	vst v49;
	v40 =	vld.idx.msk [tilespmem:v54+s10+$0x0], $0xffff  }
0xf8: {  	v42 =	vld.idx.msk [tilespmem:v55+s10+$0x0], $0xffff  }
0xf9: {  	v57 =	vld.idx.msk [tilespmem:v56+s10+$0x0], $0xffff  }
0xfa: {  	v58 =	vor.u32 v1, v38  }
0xfb: {  	s0 =	sadd.s32 $0x80, s24;
	s3 =	sadd.s32 $0x200, s25  }
0xfc: {  	s0 =	sand.u32 $0x380, s0;
	s22 =	sand.u32 $0x7000, s3  }
0xfd: {  	s22 =	sor.u32 s0, s22  }
0xfe: {  	[tilespmem:s22+$0x4800] =	vst v57  }
0xff: {  	v44 =	vld.idx.msk [tilespmem:v58+s10+$0x0], $0xffff  }
0x100: {  	v59 =	vor.u32 v2, v38;
	_ =	sdelay $0x3  }
0x101: {  	[tilespmem:s22+$0x4810] =	vst v44  }
0x102: {  	v44 =	vld.idx.msk [tilespmem:v59+s10+$0x0], $0xffff  }
0x103: {  	v60 =	vor.u32 v3, v38;
	_ =	sdelay $0x3  }
0x104: {  	[tilespmem:s22+$0x4820] =	vst v44  }
0x105: {  	v44 =	vld.idx.msk [tilespmem:v60+s10+$0x0], $0xffff  }
0x106: {  	v61 =	vor.u32 v4, v38;
	_ =	sdelay $0x3  }
0x107: {  	[tilespmem:s22+$0x4830] =	vst v44  }
0x108: {  	v62 =	vor.u32 v5, v37;
	v46 =	vld.idx.msk [tilespmem:v61+s10+$0x0], $0xffff  }
0x109: {  	v63 =	vor.u32 v5, v38;
	_ =	sdelay $0x2  }
0x10a: {  	[tilespmem:s23+$0x4840] =	vst v42  }
0x10b: {  	v42 =	vld.idx.msk [tilespmem:v62+s10+$0x0], $0xffff;
	[tilespmem:s22+$0x4840] =	vst v46  }
0x10c: {  	v48 =	vor.u32 v6, v37;
	v46 =	vld.idx.msk [tilespmem:v63+s10+$0x0], $0xffff  }
0x10d: {  	v49 =	vor.u32 v6, v38;
	_ =	sdelay $0x2  }
0x10e: {  	[tilespmem:s23+$0x4850] =	vst v42  }
0x10f: {  	v42 =	vld.idx.msk [tilespmem:v48+s10+$0x0], $0xffff;
	[tilespmem:s22+$0x4850] =	vst v46  }
0x110: {  	v50 =	vor.u32 v7, v37;
	v46 =	vld.idx.msk [tilespmem:v49+s10+$0x0], $0xffff  }
0x111: {  	v51 =	vor.u32 v7, v38;
	_ =	sdelay $0x2  }
0x112: {  	[tilespmem:s23+$0x4860] =	vst v42  }
0x113: {  	v42 =	vld.idx.msk [tilespmem:v50+s10+$0x0], $0xffff;
	[tilespmem:s22+$0x4860] =	vst v46  }
0x114: {  	v52 =	vor.u32 v8, v37;
	v46 =	vld.idx.msk [tilespmem:v51+s10+$0x0], $0xffff  }
0x115: {  	v53 =	vor.u32 v8, v38;
	_ =	sdelay $0x2  }
0x116: {  	v54 =	vor.u32 v9, v36;
	[tilespmem:s23+$0x4870] =	vst v42  }
0x117: {  	v44 =	vld.idx.msk [tilespmem:v52+s10+$0x0], $0xffff;
	[tilespmem:s22+$0x4870] =	vst v46  }
0x118: {  	v55 =	vor.u32 v9, v37;
	v47 =	vld.idx.msk [tilespmem:v53+s10+$0x0], $0xffff  }
0x119: {  	v56 =	vor.u32 v9, v38  }
0x11a: {  	[tilespmem:s21+$0x4C00] =	vst v45  }
0x11b: {  	v42 =	vld.idx.msk [tilespmem:v54+s10+$0x0], $0xffff  }
0x11c: {  	v57 =	vor.u32 v10, v36;
	[tilespmem:s23+$0x4C00] =	vst v44  }
0x11d: {  	v58 =	vld.idx.msk [tilespmem:v55+s10+$0x0], $0xffff;
	[tilespmem:s22+$0x4C00] =	vst v47  }
0x11e: {  	v59 =	vor.u32 v10, v37;
	v47 =	vld.idx.msk [tilespmem:v56+s10+$0x0], $0xffff  }
0x11f: {  	v60 =	vor.u32 v10, v38  }
0x120: {  	[tilespmem:s21+$0x4C10] =	vst v42  }
0x121: {  	v42 =	vld.idx.msk [tilespmem:v57+s10+$0x0], $0xffff  }
0x122: {  	v61 =	vor.u32 v11, v36;
	[tilespmem:s23+$0x4C10] =	vst v58  }
0x123: {  	v45 =	vld.idx.msk [tilespmem:v59+s10+$0x0], $0xffff;
	[tilespmem:s22+$0x4C10] =	vst v47  }
0x124: {  	v62 =	vor.u32 v11, v37;
	v47 =	vld.idx.msk [tilespmem:v60+s10+$0x0], $0xffff  }
0x125: {  	v63 =	vor.u32 v11, v38  }
0x126: {  	[tilespmem:s21+$0x4C20] =	vst v42  }
0x127: {  	v42 =	vld.idx.msk [tilespmem:v61+s10+$0x0], $0xffff  }
0x128: {  	v52 =	vor.u32 v12, v36;
	[tilespmem:s23+$0x4C20] =	vst v45  }
0x129: {  	v45 =	vld.idx.msk [tilespmem:v62+s10+$0x0], $0xffff;
	[tilespmem:s22+$0x4C20] =	vst v47  }
0x12a: {  	v53 =	vor.u32 v12, v37;
	v47 =	vld.idx.msk [tilespmem:v63+s10+$0x0], $0xffff  }
0x12b: {  	v54 =	vor.u32 v12, v38  }
0x12c: {  	[tilespmem:s21+$0x4C30] =	vst v42  }
0x12d: {  	v42 =	vld.idx.msk [tilespmem:v52+s10+$0x0], $0xffff  }
0x12e: {  	v55 =	vor.u32 v13, v36;
	[tilespmem:s23+$0x4C30] =	vst v45  }
0x12f: {  	v45 =	vld.idx.msk [tilespmem:v53+s10+$0x0], $0xffff;
	[tilespmem:s22+$0x4C30] =	vst v47  }
0x130: {  	v56 =	vor.u32 v13, v37;
	v47 =	vld.idx.msk [tilespmem:v54+s10+$0x0], $0xffff  }
0x131: {  	v57 =	vor.u32 v13, v38  }
0x132: {  	[tilespmem:s21+$0x4C40] =	vst v42  }
0x133: {  	v58 =	vor.u32 v14, v35;
	v44 =	vld.idx.msk [tilespmem:v55+s10+$0x0], $0xffff  }
0x134: {  	v59 =	vor.u32 v14, v36;
	[tilespmem:s23+$0x4C40] =	vst v45  }
0x135: {  	v46 =	vld.idx.msk [tilespmem:v56+s10+$0x0], $0xffff;
	[tilespmem:s22+$0x4C40] =	vst v47  }
0x136: {  	v60 =	vor.u32 v14, v37;
	v48 =	vld.idx.msk [tilespmem:v57+s10+$0x0], $0xffff  }
0x137: {  	[tilespmem:s20+$0x4C50] =	vst v43;
	v61 =	vor.u32 v14, v38  }
0x138: {  	v42 =	vld.idx.msk [tilespmem:v58+s10+$0x0], $0xffff;
	[tilespmem:s21+$0x4C50] =	vst v44  }
0x139: {  	v62 =	vor.u32 v15, v35;
	v44 =	vld.idx.msk [tilespmem:v59+s10+$0x0], $0xffff  }
0x13a: {  	[tilespmem:s23+$0x4C50] =	vst v46;
	v63 =	vor.u32 v15, v36  }
0x13b: {  	v46 =	vld.idx.msk [tilespmem:v60+s10+$0x0], $0xffff;
	[tilespmem:s22+$0x4C50] =	vst v48  }
0x13c: {  	v52 =	vor.u32 v15, v37;
	v48 =	vld.idx.msk [tilespmem:v61+s10+$0x0], $0xffff  }
0x13d: {  	[tilespmem:s20+$0x4C60] =	vst v42;
	v53 =	vor.u32 v15, v38  }
0x13e: {  	v42 =	vld.idx.msk [tilespmem:v62+s10+$0x0], $0xffff;
	[tilespmem:s21+$0x4C60] =	vst v44  }
0x13f: {  	v44 =	vld.idx.msk [tilespmem:v63+s10+$0x0], $0xffff;
	v54 =	vor.u32 v16, v35  }
0x140: {  	v55 =	vor.u32 v16, v36;
	[tilespmem:s23+$0x4C60] =	vst v46  }
0x141: {  	v46 =	vld.idx.msk [tilespmem:v52+s10+$0x0], $0xffff;
	[tilespmem:s22+$0x4C60] =	vst v48  }
0x142: {  	v56 =	vor.u32 v16, v37;
	v48 =	vld.idx.msk [tilespmem:v53+s10+$0x0], $0xffff  }
0x143: {  	[tilespmem:s20+$0x4C70] =	vst v42;
	v57 =	vor.u32 v16, v38  }
0x144: {  	[tilespmem:s21+$0x4C70] =	vst v44;
	v42 =	vld.idx.msk [tilespmem:v54+s10+$0x0], $0xffff  }
0x145: {  	v58 =	vor.u32 v17, v35;
	v44 =	vld.idx.msk [tilespmem:v55+s10+$0x0], $0xffff  }
0x146: {  	v59 =	vor.u32 v17, v36;
	[tilespmem:s23+$0x4C70] =	vst v46  }
0x147: {  	v46 =	vld.idx.msk [tilespmem:v56+s10+$0x0], $0xffff;
	[tilespmem:s22+$0x4C70] =	vst v48  }
0x148: {  	v60 =	vor.u32 v17, v37;
	v48 =	vld.idx.msk [tilespmem:v57+s10+$0x0], $0xffff  }
0x149: {  	[tilespmem:s20+$0x5000] =	vst v42;
	v61 =	vor.u32 v17, v38  }
0x14a: {  	[tilespmem:s21+$0x5000] =	vst v44;
	v42 =	vld.idx.msk [tilespmem:v58+s10+$0x0], $0xffff  }
0x14b: {  	v62 =	vor.u32 v18, v35;
	v44 =	vld.idx.msk [tilespmem:v59+s10+$0x0], $0xffff  }
0x14c: {  	v63 =	vor.u32 v18, v36;
	[tilespmem:s23+$0x5000] =	vst v46  }
0x14d: {  	v46 =	vld.idx.msk [tilespmem:v60+s10+$0x0], $0xffff;
	[tilespmem:s22+$0x5000] =	vst v48  }
0x14e: {  	v52 =	vor.u32 v18, v37;
	v48 =	vld.idx.msk [tilespmem:v61+s10+$0x0], $0xffff  }
0x14f: {  	[tilespmem:s20+$0x5010] =	vst v42;
	v53 =	vor.u32 v18, v38  }
0x150: {  	v55 =	vor.u32 v19, v33;
	[tilespmem:s21+$0x5010] =	vst v44;
	v43 =	vld.idx.msk [tilespmem:v62+s10+$0x0], $0xffff  }
0x151: {  	[tilespmem:s17+$0x5060] =	vst v41;
	v56 =	vor.u32 v19, v35;
	v45 =	vld.idx.msk [tilespmem:v63+s10+$0x0], $0xffff  }
0x152: {  	[tilespmem:s23+$0x5010] =	vst v46;
	v57 =	vor.u32 v19, v36  }
0x153: {  	v54 =	vor.u32 v23, v32;
	v47 =	vld.idx.msk [tilespmem:v52+s10+$0x0], $0xffff;
	[tilespmem:s22+$0x5010] =	vst v48  }
0x154: {  	[tilespmem:s19+$0x5020] =	vst v40;
	v58 =	vor.u32 v19, v37;
	v41 =	vld.idx.msk [tilespmem:v53+s10+$0x0], $0xffff  }
0x155: {  	v60 =	vor.u32 v19, v38;
	v42 =	vld.idx.msk [tilespmem:v55+s10+$0x0], $0xffff;
	[tilespmem:s20+$0x5020] =	vst v43  }
0x156: {  	v62 =	vor.u32 v20, v33;
	[tilespmem:s21+$0x5020] =	vst v45;
	v44 =	vld.idx.msk [tilespmem:v56+s10+$0x0], $0xffff  }
0x157: {  	[tilespmem:s18+$0x5430] =	vst v39;
	v63 =	vor.u32 v20, v35;
	v46 =	vld.idx.msk [tilespmem:v57+s10+$0x0], $0xffff  }
0x158: {  	v59 =	vld.idx.msk [tilespmem:v54+s10+$0x0], $0xffff;
	v52 =	vor.u32 v20, v36;
	[tilespmem:s23+$0x5020] =	vst v47  }
0x159: {  	v39 =	vld.idx.msk [tilespmem:v58+s10+$0x0], $0xffff;
	v61 =	vor.u32 v28, v34;
	[tilespmem:s22+$0x5020] =	vst v41  }
0x15a: {  	[tilespmem:s19+$0x5030] =	vst v42;
	v53 =	vor.u32 v20, v37;
	v40 =	vld.idx.msk [tilespmem:v60+s10+$0x0], $0xffff  }
0x15b: {  	v55 =	vor.u32 v20, v38;
	v43 =	vld.idx.msk [tilespmem:v62+s10+$0x0], $0xffff;
	[tilespmem:s20+$0x5030] =	vst v44  }
0x15c: {  	v57 =	vor.u32 v21, v33;
	v45 =	vld.idx.msk [tilespmem:v63+s10+$0x0], $0xffff;
	[tilespmem:s21+$0x5030] =	vst v46  }
0x15d: {  	[tilespmem:s17+$0x5070] =	vst v59;
	v58 =	vor.u32 v21, v35;
	v47 =	vld.idx.msk [tilespmem:v52+s10+$0x0], $0xffff  }
0x15e: {  	v59 =	vor.u32 v21, v36;
	[tilespmem:s23+$0x5030] =	vst v39;
	v54 =	vld.idx.msk [tilespmem:v61+s10+$0x0], $0xffff  }
0x15f: {  	v56 =	vor.u32 v24, v32;
	v41 =	vld.idx.msk [tilespmem:v53+s10+$0x0], $0xffff;
	[tilespmem:s22+$0x5030] =	vst v40  }
0x160: {  	[tilespmem:s19+$0x5040] =	vst v43;
	v60 =	vor.u32 v21, v37;
	v42 =	vld.idx.msk [tilespmem:v55+s10+$0x0], $0xffff  }
0x161: {  	v62 =	vor.u32 v21, v38;
	v44 =	vld.idx.msk [tilespmem:v57+s10+$0x0], $0xffff;
	[tilespmem:s20+$0x5040] =	vst v45  }
0x162: {  	v52 =	vor.u32 v22, v33;
	v46 =	vld.idx.msk [tilespmem:v58+s10+$0x0], $0xffff;
	[tilespmem:s21+$0x5040] =	vst v47  }
0x163: {  	[tilespmem:s18+$0x5440] =	vst v54;
	v53 =	vor.u32 v22, v35;
	v39 =	vld.idx.msk [tilespmem:v59+s10+$0x0], $0xffff  }
0x164: {  	v61 =	vld.idx.msk [tilespmem:v56+s10+$0x0], $0xffff;
	v54 =	vor.u32 v22, v36;
	[tilespmem:s23+$0x5040] =	vst v41  }
0x165: {  	v63 =	vor.u32 v29, v34;
	v40 =	vld.idx.msk [tilespmem:v60+s10+$0x0], $0xffff;
	[tilespmem:s22+$0x5040] =	vst v42  }
0x166: {  	[tilespmem:s19+$0x5050] =	vst v44;
	v55 =	vor.u32 v22, v37;
	v43 =	vld.idx.msk [tilespmem:v62+s10+$0x0], $0xffff  }
0x167: {  	v57 =	vor.u32 v22, v38;
	v45 =	vld.idx.msk [tilespmem:v52+s10+$0x0], $0xffff;
	[tilespmem:s20+$0x5050] =	vst v46  }
0x168: {  	v59 =	vor.u32 v23, v33;
	v47 =	vld.idx.msk [tilespmem:v53+s10+$0x0], $0xffff;
	[tilespmem:s21+$0x5050] =	vst v39  }
0x169: {  	[tilespmem:s17+$0x5400] =	vst v61;
	v60 =	vor.u32 v23, v35;
	v41 =	vld.idx.msk [tilespmem:v54+s10+$0x0], $0xffff  }
0x16a: {  	v61 =	vor.u32 v23, v36;
	v56 =	vld.idx.msk [tilespmem:v63+s10+$0x0], $0xffff;
	[tilespmem:s23+$0x5050] =	vst v40  }
0x16b: {  	v58 =	vor.u32 v25, v32;
	v42 =	vld.idx.msk [tilespmem:v55+s10+$0x0], $0xffff;
	[tilespmem:s22+$0x5050] =	vst v43  }
0x16c: {  	[tilespmem:s19+$0x5060] =	vst v45;
	v62 =	vor.u32 v23, v37;
	v44 =	vld.idx.msk [tilespmem:v57+s10+$0x0], $0xffff  }
0x16d: {  	v52 =	vor.u32 v23, v38;
	v46 =	vld.idx.msk [tilespmem:v59+s10+$0x0], $0xffff;
	[tilespmem:s20+$0x5060] =	vst v47  }
0x16e: {  	v54 =	vor.u32 v24, v33;
	v39 =	vld.idx.msk [tilespmem:v60+s10+$0x0], $0xffff;
	[tilespmem:s21+$0x5060] =	vst v41  }
0x16f: {  	[tilespmem:s18+$0x5450] =	vst v56;
	v55 =	vor.u32 v24, v35;
	v40 =	vld.idx.msk [tilespmem:v61+s10+$0x0], $0xffff  }
0x170: {  	v63 =	vld.idx.msk [tilespmem:v58+s10+$0x0], $0xffff;
	v56 =	vor.u32 v24, v36;
	[tilespmem:s23+$0x5060] =	vst v42  }
0x171: {  	v53 =	vor.u32 v30, v34;
	v43 =	vld.idx.msk [tilespmem:v62+s10+$0x0], $0xffff;
	[tilespmem:s22+$0x5060] =	vst v44  }
0x172: {  	[tilespmem:s19+$0x5070] =	vst v46;
	v57 =	vor.u32 v24, v37;
	v45 =	vld.idx.msk [tilespmem:v52+s10+$0x0], $0xffff  }
0x173: {  	v59 =	vor.u32 v24, v38;
	v47 =	vld.idx.msk [tilespmem:v54+s10+$0x0], $0xffff;
	[tilespmem:s20+$0x5070] =	vst v39  }
0x174: {  	v61 =	vor.u32 v25, v33;
	v41 =	vld.idx.msk [tilespmem:v55+s10+$0x0], $0xffff;
	[tilespmem:s21+$0x5070] =	vst v40  }
0x175: {  	[tilespmem:s17+$0x5410] =	vst v63;
	v62 =	vor.u32 v25, v35;
	v42 =	vld.idx.msk [tilespmem:v56+s10+$0x0], $0xffff  }
0x176: {  	v63 =	vor.u32 v25, v36;
	v58 =	vld.idx.msk [tilespmem:v53+s10+$0x0], $0xffff;
	[tilespmem:s23+$0x5070] =	vst v43  }
0x177: {  	v60 =	vor.u32 v26, v32;
	v44 =	vld.idx.msk [tilespmem:v57+s10+$0x0], $0xffff;
	[tilespmem:s22+$0x5070] =	vst v45  }
0x178: {  	[tilespmem:s19+$0x5400] =	vst v47;
	v52 =	vor.u32 v25, v37;
	v46 =	vld.idx.msk [tilespmem:v59+s10+$0x0], $0xffff  }
0x179: {  	v54 =	vor.u32 v25, v38;
	v39 =	vld.idx.msk [tilespmem:v61+s10+$0x0], $0xffff;
	[tilespmem:s20+$0x5400] =	vst v41  }
0x17a: {  	v56 =	vor.u32 v26, v33;
	v40 =	vld.idx.msk [tilespmem:v62+s10+$0x0], $0xffff;
	[tilespmem:s21+$0x5400] =	vst v42  }
0x17b: {  	[tilespmem:s18+$0x5460] =	vst v58;
	v57 =	vor.u32 v26, v35;
	v43 =	vld.idx.msk [tilespmem:v63+s10+$0x0], $0xffff  }
0x17c: {  	v58 =	vor.u32 v26, v36;
	v53 =	vld.idx.msk [tilespmem:v60+s10+$0x0], $0xffff;
	[tilespmem:s23+$0x5400] =	vst v44  }
0x17d: {  	v55 =	vor.u32 v31, v34;
	v45 =	vld.idx.msk [tilespmem:v52+s10+$0x0], $0xffff;
	[tilespmem:s22+$0x5400] =	vst v46  }
0x17e: {  	[tilespmem:s19+$0x5410] =	vst v39;
	v59 =	vor.u32 v26, v37;
	v47 =	vld.idx.msk [tilespmem:v54+s10+$0x0], $0xffff  }
0x17f: {  	v60 =	vor.u32 v26, v38;
	v41 =	vld.idx.msk [tilespmem:v56+s10+$0x0], $0xffff;
	[tilespmem:s20+$0x5410] =	vst v40  }
0x180: {  	v62 =	vor.u32 v27, v33;
	v42 =	vld.idx.msk [tilespmem:v57+s10+$0x0], $0xffff;
	[tilespmem:s21+$0x5410] =	vst v43  }
0x181: {  	[tilespmem:s17+$0x5420] =	vst v53;
	v63 =	vor.u32 v27, v35;
	v44 =	vld.idx.msk [tilespmem:v58+s10+$0x0], $0xffff  }
0x182: {  	v34 =	vld.idx.msk [tilespmem:v55+s10+$0x0], $0xffff;
	v52 =	vor.u32 v27, v36;
	[tilespmem:s23+$0x5410] =	vst v45  }
0x183: {  	v61 =	vor.u32 v27, v32;
	v46 =	vld.idx.msk [tilespmem:v59+s10+$0x0], $0xffff;
	[tilespmem:s22+$0x5410] =	vst v47  }
0x184: {  	v53 =	vor.u32 v27, v37;
	[tilespmem:s19+$0x5420] =	vst v41;
	v39 =	vld.idx.msk [tilespmem:v60+s10+$0x0], $0xffff  }
0x185: {  	v55 =	vor.u32 v27, v38;
	v40 =	vld.idx.msk [tilespmem:v62+s10+$0x0], $0xffff;
	[tilespmem:s20+$0x5420] =	vst v42  }
0x186: {  	v57 =	vor.u32 v28, v33;
	v43 =	vld.idx.msk [tilespmem:v63+s10+$0x0], $0xffff;
	[tilespmem:s21+$0x5420] =	vst v44  }
0x187: {  	[tilespmem:s18+$0x5470] =	vst v34;
	v58 =	vor.u32 v28, v35;
	v45 =	vld.idx.msk [tilespmem:v52+s10+$0x0], $0xffff  }
0x188: {  	v59 =	vor.u32 v28, v36;
	v54 =	vld.idx.msk [tilespmem:v61+s10+$0x0], $0xffff;
	[tilespmem:s23+$0x5420] =	vst v46  }
0x189: {  	v56 =	vor.u32 v28, v32;
	v34 =	vld.idx.msk [tilespmem:v53+s10+$0x0], $0xffff;
	[tilespmem:s22+$0x5420] =	vst v39  }
0x18a: {  	[tilespmem:s19+$0x5430] =	vst v40;
	v60 =	vor.u32 v28, v37;
	v41 =	vld.idx.msk [tilespmem:v55+s10+$0x0], $0xffff  }
0x18b: {  	v42 =	vld.idx.msk [tilespmem:v57+s10+$0x0], $0xffff;
	v61 =	vor.u32 v28, v38;
	[tilespmem:s20+$0x5430] =	vst v43  }
0x18c: {  	v63 =	vor.u32 v29, v33;
	v44 =	vld.idx.msk [tilespmem:v58+s10+$0x0], $0xffff;
	[tilespmem:s21+$0x5430] =	vst v45  }
0x18d: {  	v52 =	vor.u32 v29, v35;
	[tilespmem:s17+$0x5430] =	vst v54;
	v46 =	vld.idx.msk [tilespmem:v59+s10+$0x0], $0xffff  }
0x18e: {  	v53 =	vor.u32 v29, v36;
	v47 =	vld.idx.msk [tilespmem:v56+s10+$0x0], $0xffff;
	[tilespmem:s23+$0x5430] =	vst v34  }
0x18f: {  	v62 =	vor.u32 v29, v32;
	v39 =	vld.idx.msk [tilespmem:v60+s10+$0x0], $0xffff;
	[tilespmem:s22+$0x5430] =	vst v41  }
0x190: {  	[tilespmem:s19+$0x5440] =	vst v42;
	v54 =	vor.u32 v29, v37;
	v40 =	vld.idx.msk [tilespmem:v61+s10+$0x0], $0xffff  }
0x191: {  	v43 =	vld.idx.msk [tilespmem:v63+s10+$0x0], $0xffff;
	[tilespmem:s20+$0x5440] =	vst v44;
	v55 =	vor.u32 v29, v38  }
0x192: {  	v57 =	vor.u32 v30, v33;
	v45 =	vld.idx.msk [tilespmem:v52+s10+$0x0], $0xffff;
	[tilespmem:s21+$0x5440] =	vst v46  }
0x193: {  	v58 =	vor.u32 v30, v35;
	[tilespmem:s17+$0x5440] =	vst v47;
	v34 =	vld.idx.msk [tilespmem:v53+s10+$0x0], $0xffff  }
0x194: {  	v59 =	vor.u32 v30, v36;
	v47 =	vld.idx.msk [tilespmem:v62+s10+$0x0], $0xffff;
	[tilespmem:s23+$0x5440] =	vst v39  }
0x195: {  	v56 =	vor.u32 v30, v32;
	v41 =	vld.idx.msk [tilespmem:v54+s10+$0x0], $0xffff;
	[tilespmem:s22+$0x5440] =	vst v40  }
0x196: {  	[tilespmem:s19+$0x5450] =	vst v43;
	v60 =	vor.u32 v30, v37;
	v42 =	vld.idx.msk [tilespmem:v55+s10+$0x0], $0xffff  }
0x197: {  	v44 =	vld.idx.msk [tilespmem:v57+s10+$0x0], $0xffff;
	[tilespmem:s20+$0x5450] =	vst v45;
	v61 =	vor.u32 v30, v38  }
0x198: {  	v63 =	vor.u32 v31, v33;
	v45 =	vld.idx.msk [tilespmem:v58+s10+$0x0], $0xffff;
	[tilespmem:s21+$0x5450] =	vst v34  }
0x199: {  	v46 =	vor.u32 v31, v35;
	[tilespmem:s17+$0x5450] =	vst v47;
	v48 =	vld.idx.msk [tilespmem:v59+s10+$0x0], $0xffff  }
0x19a: {  	v49 =	vor.u32 v31, v36;
	v47 =	vld.idx.msk [tilespmem:v56+s10+$0x0], $0xffff;
	[tilespmem:s23+$0x5450] =	vst v41  }
0x19b: {  	v62 =	vor.u32 v31, v32;
	v50 =	vld.idx.msk [tilespmem:v60+s10+$0x0], $0xffff;
	[tilespmem:s22+$0x5450] =	vst v42  }
0x19c: {  	v51 =	vor.u32 v31, v37;
	[tilespmem:s19+$0x5460] =	vst v44;
	v52 =	vld.idx.msk [tilespmem:v61+s10+$0x0], $0xffff  }
0x19d: {  	v33 =	vld.idx.msk [tilespmem:v63+s10+$0x0], $0xffff;
	v38 =	vor.u32 v31, v38;
	[tilespmem:s20+$0x5460] =	vst v45  }
0x19e: {  	v34 =	vld.idx.msk [tilespmem:v46+s10+$0x0], $0xffff;
	[tilespmem:s21+$0x5460] =	vst v48  }
0x19f: {  	[tilespmem:s17+$0x5460] =	vst v47;
	v35 =	vld.idx.msk [tilespmem:v49+s10+$0x0], $0xffff  }
0x1a0: {  	v32 =	vld.idx.msk [tilespmem:v62+s10+$0x0], $0xffff;
	[tilespmem:s23+$0x5460] =	vst v50  }
0x1a1: {  	v53 =	vld.idx.msk [tilespmem:v51+s10+$0x0], $0xffff;
	[tilespmem:s22+$0x5460] =	vst v52  }
0x1a2: {  	[tilespmem:s19+$0x5470] =	vst v33;
	v54 =	vld.idx.msk [tilespmem:v38+s10+$0x0], $0xffff  }
0x1a3: {  	s19 =	simm.s32 $0x40;
	[tilespmem:s20+$0x5470] =	vst v34  }
0x1a4: {  	v55 =	vmov s19;
	[tilespmem:s21+$0x5470] =	vst v35  }
0x1a5: {  	[tilespmem:s17+$0x5470] =	vst v32  }
0x1a6: {  	[tilespmem:s23+$0x5470] =	vst v53  }
0x1a7: {  	s21 =	simm.s32 $0x0;
	[tilespmem:s22+$0x5470] =	vst v54  }
0x1a8: {  	[hbm4b:s7+s21] =	stream.linear.scatter [tilespmem:s12], [sflag:$0x1], $0x8000, $0x38;
	[tilespmem:$0x14800] =	vst v63  }
0x1a9: {  	v32 =	vld.idx.msk [tilespmem:v55+s4+$0x0], $0xffff;
	_ =	sdelay $0x4  }
0x1aa: {  	v38 =	vshll.u32 v32, $0x9  }
0x1ab: {  	v32 =	vor.u32 v0, v38;
	_ =	sdelay $0x4  }
0x1ac: {  	v32 =	vld.idx.msk [tilespmem:v32+s10+$0x0], $0xffff  }
0x1ad: {  	v56 =	vor.u32 v1, v38;
	_ =	sdelay $0x1  }
0x1ae: {  	s0 =	sand.u32 $0x380, s21;
	s22 =	sand.u32 $0x7000, s21  }
0x1af: {  	s21 =	sor.u32 s0, s22  }
0x1b0: {  	s23 =	simm.s32 $0x41;
	[tilespmem:s21+$0xC800] =	vst v32  }
0x1b1: {  	v58 =	vmov s23;
	v32 =	vld.idx.msk [tilespmem:v56+s10+$0x0], $0xffff  }
0x1b2: {  	v57 =	vor.u32 v2, v38;
	_ =	sdelay $0x3  }
0x1b3: {  	[tilespmem:s21+$0xC810] =	vst v32;
	v32 =	vld.idx.msk [tilespmem:v58+s4+$0x0], $0xffff  }
0x1b4: {  	v33 =	vld.idx.msk [tilespmem:v57+s10+$0x0], $0xffff  }
0x1b5: {  	v59 =	vor.u32 v3, v38;
	_ =	sdelay $0x3  }
0x1b6: {  	v34 =	vshll.u32 v32, $0x9;
	[tilespmem:s21+$0xC820] =	vst v33  }
0x1b7: {  	v32 =	vor.u32 v0, v34;
	v33 =	vld.idx.msk [tilespmem:v59+s10+$0x0], $0xffff  }
0x1b8: {  	v60 =	vor.u32 v4, v38;
	_ =	sdelay $0x3  }
0x1b9: {  	v32 =	vld.idx.msk [tilespmem:v32+s10+$0x0], $0xffff;
	[tilespmem:s21+$0xC830] =	vst v33  }
0x1ba: {  	v62 =	vor.u32 v1, v34;
	v33 =	vld.idx.msk [tilespmem:v60+s10+$0x0], $0xffff  }
0x1bb: {  	s24 =	simm.s32 $0x80;
	s25 =	simm.s32 $0x200;
	v61 =	vor.u32 v5, v38  }
0x1bc: {  	s17 =	sand.u32 $0x7000, s25;
	s0 =	sand.u32 $0x380, s24  }
0x1bd: {  	s18 =	sor.u32 s0, s17  }
0x1be: {  	[tilespmem:s18+$0xC800] =	vst v32  }
0x1bf: {  	v32 =	vld.idx.msk [tilespmem:v62+s10+$0x0], $0xffff;
	[tilespmem:s21+$0xC840] =	vst v33  }
0x1c0: {  	v40 =	vor.u32 v2, v34;
	v35 =	vld.idx.msk [tilespmem:v61+s10+$0x0], $0xffff  }
0x1c1: {  	v63 =	vor.u32 v6, v38;
	_ =	sdelay $0x1  }
0x1c2: {  	s26 =	simm.s32 $0x42  }
0x1c3: {  	v42 =	vmov s26;
	[tilespmem:s18+$0xC810] =	vst v32  }
0x1c4: {  	v33 =	vld.idx.msk [tilespmem:v40+s10+$0x0], $0xffff;
	[tilespmem:s21+$0xC850] =	vst v35  }
0x1c5: {  	v43 =	vor.u32 v3, v34;
	v35 =	vld.idx.msk [tilespmem:v63+s10+$0x0], $0xffff  }
0x1c6: {  	v41 =	vor.u32 v7, v38;
	_ =	sdelay $0x1  }
0x1c7: {  	v32 =	vld.idx.msk [tilespmem:v42+s4+$0x0], $0xffff  }
0x1c8: {  	[tilespmem:s18+$0xC820] =	vst v33  }
0x1c9: {  	v33 =	vld.idx.msk [tilespmem:v43+s10+$0x0], $0xffff;
	[tilespmem:s21+$0xC860] =	vst v35  }
0x1ca: {  	v45 =	vor.u32 v4, v34;
	v36 =	vld.idx.msk [tilespmem:v41+s10+$0x0], $0xffff  }
0x1cb: {  	v44 =	vor.u32 v8, v38  }
0x1cc: {  	v32 =	vshll.u32 v32, $0x9  }
0x1cd: {  	v47 =	vor.u32 v0, v32  }
0x1ce: {  	[tilespmem:s18+$0xC830] =	vst v33  }
0x1cf: {  	v35 =	vld.idx.msk [tilespmem:v45+s10+$0x0], $0xffff;
	[tilespmem:s21+$0xC870] =	vst v36  }
0x1d0: {  	v48 =	vor.u32 v5, v34;
	v36 =	vld.idx.msk [tilespmem:v44+s10+$0x0], $0xffff  }
0x1d1: {  	v46 =	vor.u32 v9, v38  }
0x1d2: {  	v33 =	vld.idx.msk [tilespmem:v47+s10+$0x0], $0xffff  }
0x1d3: {  	v50 =	vor.u32 v1, v32  }
0x1d4: {  	s28 =	simm.s32 $0x100;
	s29 =	simm.s32 $0x400;
	[tilespmem:s18+$0xC840] =	vst v35  }
0x1d5: {  	s17 =	sand.u32 $0x7000, s29;
	s0 =	sand.u32 $0x380, s28;
	[tilespmem:s21+$0xCC00] =	vst v36;
	v36 =	vld.idx.msk [tilespmem:v48+s10+$0x0], $0xffff  }
0x1d6: {  	s17 =	sor.u32 s0, s17;
	v51 =	vor.u32 v6, v34;
	v37 =	vld.idx.msk [tilespmem:v46+s10+$0x0], $0xffff  }
0x1d7: {  	v49 =	vor.u32 v10, v38;
	[tilespmem:s17+$0xC800] =	vst v33  }
0x1d8: {  	v35 =	vld.idx.msk [tilespmem:v50+s10+$0x0], $0xffff  }
0x1d9: {  	v53 =	vor.u32 v2, v32  }
0x1da: {  	[tilespmem:s18+$0xC850] =	vst v36  }
0x1db: {  	[tilespmem:s21+$0xCC10] =	vst v37;
	v37 =	vld.idx.msk [tilespmem:v51+s10+$0x0], $0xffff  }
0x1dc: {  	v54 =	vor.u32 v7, v34;
	v39 =	vld.idx.msk [tilespmem:v49+s10+$0x0], $0xffff  }
0x1dd: {  	v52 =	vor.u32 v11, v38;
	[tilespmem:s17+$0xC810] =	vst v35  }
0x1de: {  	v36 =	vld.idx.msk [tilespmem:v53+s10+$0x0], $0xffff  }
0x1df: {  	v57 =	vor.u32 v3, v32  }
0x1e0: {  	s30 =	simm.s32 $0x43;
	[tilespmem:s18+$0xC860] =	vst v37  }
0x1e1: {  	v56 =	vmov s30;
	[tilespmem:s21+$0xCC20] =	vst v39;
	v39 =	vld.idx.msk [tilespmem:v54+s10+$0x0], $0xffff  }
0x1e2: {  	v58 =	vor.u32 v8, v34;
	v33 =	vld.idx.msk [tilespmem:v52+s10+$0x0], $0xffff  }
0x1e3: {  	v55 =	vor.u32 v12, v38;
	[tilespmem:s17+$0xC820] =	vst v36  }
0x1e4: {  	v37 =	vld.idx.msk [tilespmem:v57+s10+$0x0], $0xffff  }
0x1e5: {  	v60 =	vor.u32 v4, v32  }
0x1e6: {  	v40 =	vld.idx.msk [tilespmem:v56+s4+$0x0], $0xffff;
	[tilespmem:s18+$0xC870] =	vst v39  }
0x1e7: {  	[tilespmem:s21+$0xCC30] =	vst v33;
	v41 =	vld.idx.msk [tilespmem:v58+s10+$0x0], $0xffff  }
0x1e8: {  	v61 =	vor.u32 v9, v34;
	v35 =	vld.idx.msk [tilespmem:v55+s10+$0x0], $0xffff  }
0x1e9: {  	v59 =	vor.u32 v13, v38;
	[tilespmem:s17+$0xC830] =	vst v37  }
0x1ea: {  	v39 =	vld.idx.msk [tilespmem:v60+s10+$0x0], $0xffff  }
0x1eb: {  	v63 =	vor.u32 v5, v32;
	v33 =	vshll.u32 v40, $0x9  }
0x1ec: {  	v40 =	vor.u32 v0, v33;
	[tilespmem:s18+$0xCC00] =	vst v41  }
0x1ed: {  	[tilespmem:s21+$0xCC40] =	vst v35;
	v35 =	vld.idx.msk [tilespmem:v61+s10+$0x0], $0xffff  }
0x1ee: {  	v45 =	vor.u32 v10, v34;
	v36 =	vld.idx.msk [tilespmem:v59+s10+$0x0], $0xffff  }
0x1ef: {  	v62 =	vor.u32 v14, v38;
	[tilespmem:s17+$0xC840] =	vst v39  }
0x1f0: {  	v41 =	vld.idx.msk [tilespmem:v63+s10+$0x0], $0xffff  }
0x1f1: {  	v48 =	vor.u32 v6, v32;
	v40 =	vld.idx.msk [tilespmem:v40+s10+$0x0], $0xffff  }
0x1f2: {  	v47 =	vor.u32 v1, v33;
	[tilespmem:s18+$0xCC10] =	vst v35  }
0x1f3: {  	s31 =	simm.s32 $0x180;
	s3 =	simm.s32 $0x600;
	[tilespmem:s21+$0xCC50] =	vst v36;
	v36 =	vld.idx.msk [tilespmem:v45+s10+$0x0], $0xffff  }
0x1f4: {  	s19 =	sand.u32 $0x7000, s3;
	s0 =	sand.u32 $0x380, s31;
	v49 =	vor.u32 v11, v34;
	v37 =	vld.idx.msk [tilespmem:v62+s10+$0x0], $0xffff  }
0x1f5: {  	s19 =	sor.u32 s0, s19;
	v46 =	vor.u32 v15, v38;
	[tilespmem:s17+$0xC850] =	vst v41  }
0x1f6: {  	[tilespmem:s19+$0xC800] =	vst v40;
	v35 =	vld.idx.msk [tilespmem:v48+s10+$0x0], $0xffff  }
0x1f7: {  	v52 =	vor.u32 v7, v32;
	v40 =	vld.idx.msk [tilespmem:v47+s10+$0x0], $0xffff  }
0x1f8: {  	v51 =	vor.u32 v2, v33;
	[tilespmem:s18+$0xCC20] =	vst v36  }
0x1f9: {  	[tilespmem:s21+$0xCC60] =	vst v37;
	v37 =	vld.idx.msk [tilespmem:v49+s10+$0x0], $0xffff  }
0x1fa: {  	v53 =	vor.u32 v12, v34;
	v39 =	vld.idx.msk [tilespmem:v46+s10+$0x0], $0xffff  }
0x1fb: {  	v50 =	vor.u32 v16, v38;
	[tilespmem:s17+$0xC860] =	vst v35  }
0x1fc: {  	[tilespmem:s19+$0xC810] =	vst v40;
	v36 =	vld.idx.msk [tilespmem:v52+s10+$0x0], $0xffff  }
0x1fd: {  	v59 =	vor.u32 v8, v32;
	v56 =	vld.idx.msk [tilespmem:v51+s10+$0x0], $0xffff  }
0x1fe: {  	s20 =	simm.s32 $0x44;
	v58 =	vor.u32 v3, v33;
	[tilespmem:s18+$0xCC30] =	vst v37  }
0x1ff: {  	v54 =	vmov s20;
	[tilespmem:s21+$0xCC70] =	vst v39;
	v39 =	vld.idx.msk [tilespmem:v53+s10+$0x0], $0xffff  }
0x200: {  	v60 =	vor.u32 v13, v34;
	v55 =	vld.idx.msk [tilespmem:v50+s10+$0x0], $0xffff  }
0x201: {  	v57 =	vor.u32 v17, v38;
	[tilespmem:s17+$0xC870] =	vst v36  }
0x202: {  	[tilespmem:s19+$0xC820] =	vst v56;
	v37 =	vld.idx.msk [tilespmem:v59+s10+$0x0], $0xffff  }
0x203: {  	v63 =	vor.u32 v9, v32;
	v41 =	vld.idx.msk [tilespmem:v58+s10+$0x0], $0xffff  }
0x204: {  	v43 =	vld.idx.msk [tilespmem:v54+s4+$0x0], $0xffff;
	v62 =	vor.u32 v4, v33;
	[tilespmem:s18+$0xCC40] =	vst v39  }
0x205: {  	[tilespmem:s21+$0xD000] =	vst v55;
	v40 =	vld.idx.msk [tilespmem:v60+s10+$0x0], $0xffff  }
0x206: {  	v35 =	vld.idx.msk [tilespmem:v57+s10+$0x0], $0xffff  }
0x207: {  	v48 =	vor.u32 v14, v34;
	[tilespmem:s17+$0xCC00] =	vst v37  }
0x208: {  	v61 =	vor.u32 v18, v38;
	[tilespmem:s19+$0xC830] =	vst v41;
	v39 =	vld.idx.msk [tilespmem:v63+s10+$0x0], $0xffff  }
0x209: {  	v52 =	vor.u32 v10, v32;
	v42 =	vld.idx.msk [tilespmem:v62+s10+$0x0], $0xffff  }
0x20a: {  	v51 =	vor.u32 v5, v33;
	[tilespmem:s18+$0xCC50] =	vst v40  }
0x20b: {  	[tilespmem:s21+$0xD010] =	vst v35;
	v35 =	vshll.u32 v43, $0x9  }
0x20c: {  	v43 =	vld.idx.msk [tilespmem:v48+s10+$0x0], $0xffff;
	v49 =	vor.u32 v0, v35  }
0x20d: {  	v53 =	vor.u32 v15, v34;
	[tilespmem:s17+$0xCC10] =	vst v39;
	v36 =	vld.idx.msk [tilespmem:v61+s10+$0x0], $0xffff  }
0x20e: {  	v50 =	vor.u32 v19, v38;
	[tilespmem:s19+$0xC840] =	vst v42;
	v40 =	vld.idx.msk [tilespmem:v52+s10+$0x0], $0xffff  }
0x20f: {  	v57 =	vor.u32 v11, v32;
	v44 =	vld.idx.msk [tilespmem:v51+s10+$0x0], $0xffff  }
0x210: {  	v56 =	vor.u32 v6, v33  }
0x211: {  	[tilespmem:s18+$0xCC60] =	vst v43;
	v41 =	vld.idx.msk [tilespmem:v49+s10+$0x0], $0xffff  }
0x212: {  	v54 =	vor.u32 v1, v35;
	[tilespmem:s21+$0xD020] =	vst v36;
	v36 =	vld.idx.msk [tilespmem:v53+s10+$0x0], $0xffff  }
0x213: {  	s23 =	simm.s32 $0x800;
	s22 =	simm.s32 $0x200;
	v58 =	vor.u32 v16, v34;
	[tilespmem:s17+$0xCC20] =	vst v40;
	v37 =	vld.idx.msk [tilespmem:v50+s10+$0x0], $0xffff  }
0x214: {  	s0 =	sand.u32 $0x380, s22;
	s20 =	sand.u32 $0x7000, s23;
	v55 =	vor.u32 v20, v38;
	[tilespmem:s19+$0xC850] =	vst v44;
	v43 =	vld.idx.msk [tilespmem:v57+s10+$0x0], $0xffff  }
0x215: {  	s20 =	sor.u32 s0, s20;
	v62 =	vor.u32 v12, v32;
	v44 =	vld.idx.msk [tilespmem:v56+s10+$0x0], $0xffff  }
0x216: {  	s24 =	simm.s32 $0x45;
	v61 =	vor.u32 v7, v33;
	[tilespmem:s20+$0xC800] =	vst v41  }
0x217: {  	v63 =	vmov s24;
	[tilespmem:s18+$0xCC70] =	vst v36;
	v41 =	vld.idx.msk [tilespmem:v54+s10+$0x0], $0xffff  }
0x218: {  	v59 =	vor.u32 v2, v35;
	[tilespmem:s21+$0xD030] =	vst v37;
	v37 =	vld.idx.msk [tilespmem:v58+s10+$0x0], $0xffff  }
0x219: {  	v48 =	vor.u32 v17, v34;
	[tilespmem:s17+$0xCC30] =	vst v43;
	v39 =	vld.idx.msk [tilespmem:v55+s10+$0x0], $0xffff  }
0x21a: {  	v60 =	vor.u32 v21, v38;
	[tilespmem:s19+$0xC860] =	vst v44;
	v36 =	vld.idx.msk [tilespmem:v62+s10+$0x0], $0xffff  }
0x21b: {  	v52 =	vor.u32 v13, v32;
	v44 =	vld.idx.msk [tilespmem:v61+s10+$0x0], $0xffff  }
0x21c: {  	s25 =	simm.s32 $0x46;
	v46 =	vld.idx.msk [tilespmem:v63+s4+$0x0], $0xffff;
	v51 =	vor.u32 v8, v33;
	[tilespmem:s20+$0xC810] =	vst v41  }
0x21d: {  	v53 =	vmov s25;
	[tilespmem:s18+$0xD000] =	vst v37;
	v41 =	vld.idx.msk [tilespmem:v59+s10+$0x0], $0xffff  }
0x21e: {  	v49 =	vor.u32 v3, v35;
	[tilespmem:s21+$0xD040] =	vst v39;
	v39 =	vld.idx.msk [tilespmem:v48+s10+$0x0], $0xffff  }
0x21f: {  	v54 =	vor.u32 v18, v34;
	[tilespmem:s17+$0xCC40] =	vst v36;
	v40 =	vld.idx.msk [tilespmem:v60+s10+$0x0], $0xffff  }
0x220: {  	v50 =	vor.u32 v22, v38;
	[tilespmem:s19+$0xC870] =	vst v44;
	v37 =	vld.idx.msk [tilespmem:v52+s10+$0x0], $0xffff  }
0x221: {  	v58 =	vor.u32 v14, v32;
	v45 =	vld.idx.msk [tilespmem:v51+s10+$0x0], $0xffff  }
0x222: {  	v57 =	vor.u32 v9, v33;
	v36 =	vshll.u32 v46, $0x9;
	[tilespmem:s20+$0xC820] =	vst v41;
	v41 =	vld.idx.msk [tilespmem:v53+s4+$0x0], $0xffff  }
0x223: {  	v59 =	vor.u32 v0, v36;
	[tilespmem:s18+$0xD010] =	vst v39;
	v42 =	vld.idx.msk [tilespmem:v49+s10+$0x0], $0xffff  }
0x224: {  	v55 =	vor.u32 v4, v35;
	[tilespmem:s21+$0xD050] =	vst v40;
	v40 =	vld.idx.msk [tilespmem:v54+s10+$0x0], $0xffff  }
0x225: {  	v60 =	vor.u32 v19, v34;
	[tilespmem:s17+$0xCC50] =	vst v37;
	v43 =	vld.idx.msk [tilespmem:v50+s10+$0x0], $0xffff  }
0x226: {  	v56 =	vor.u32 v23, v38;
	[tilespmem:s19+$0xCC00] =	vst v45;
	v39 =	vld.idx.msk [tilespmem:v58+s10+$0x0], $0xffff  }
0x227: {  	v63 =	vld.idx.msk [tilespmem:v57+s10+$0x0], $0xffff  }
0x228: {  	v54 =	vor.u32 v15, v32;
	[tilespmem:s20+$0xC830] =	vst v42;
	v42 =	vld.idx.msk [tilespmem:v59+s10+$0x0], $0xffff  }
0x229: {  	v53 =	vor.u32 v10, v33;
	[tilespmem:s18+$0xD020] =	vst v40;
	v44 =	vld.idx.msk [tilespmem:v55+s10+$0x0], $0xffff  }
0x22a: {  	s26 =	simm.s32 $0x280;
	s28 =	simm.s32 $0xA00;
	[tilespmem:s21+$0xD060] =	vst v43;
	v43 =	vld.idx.msk [tilespmem:v60+s10+$0x0], $0xffff;
	v55 =	vor.u32 v1, v36  }
0x22b: {  	s22 =	sand.u32 $0x7000, s28;
	s0 =	sand.u32 $0x380, s26;
	v62 =	vor.u32 v5, v35;
	[tilespmem:s17+$0xCC60] =	vst v39;
	v61 =	vld.idx.msk [tilespmem:v56+s10+$0x0], $0xffff  }
0x22c: {  	s22 =	sor.u32 s0, s22;
	[tilespmem:s19+$0xCC10] =	vst v63;
	v56 =	vor.u32 v20, v34  }
0x22d: {  	v52 =	vor.u32 v24, v38;
	v40 =	vld.idx.msk [tilespmem:v54+s10+$0x0], $0xffff;
	[tilespmem:s22+$0xC800] =	vst v42  }
0x22e: {  	v48 =	vld.idx.msk [tilespmem:v53+s10+$0x0], $0xffff;
	v60 =	vor.u32 v16, v32;
	[tilespmem:s20+$0xC840] =	vst v44  }
0x22f: {  	v59 =	vor.u32 v11, v33;
	v44 =	vld.idx.msk [tilespmem:v55+s10+$0x0], $0xffff;
	[tilespmem:s18+$0xD030] =	vst v43  }
0x230: {  	v46 =	vld.idx.msk [tilespmem:v62+s10+$0x0], $0xffff;
	[tilespmem:s21+$0xD070] =	vst v61;
	v61 =	vor.u32 v2, v36  }
0x231: {  	v57 =	vor.u32 v6, v35;
	v45 =	vld.idx.msk [tilespmem:v56+s10+$0x0], $0xffff  }
0x232: {  	[tilespmem:s17+$0xCC70] =	vst v40;
	v62 =	vor.u32 v21, v34;
	v37 =	vld.idx.msk [tilespmem:v52+s10+$0x0], $0xffff  }
0x233: {  	v58 =	vor.u32 v25, v38;
	[tilespmem:s19+$0xCC20] =	vst v48;
	v43 =	vld.idx.msk [tilespmem:v60+s10+$0x0], $0xffff  }
0x234: {  	v54 =	vor.u32 v17, v32;
	v42 =	vld.idx.msk [tilespmem:v59+s10+$0x0], $0xffff;
	[tilespmem:s22+$0xC810] =	vst v44  }
0x235: {  	v53 =	vor.u32 v12, v33;
	[tilespmem:s20+$0xC850] =	vst v46;
	v46 =	vld.idx.msk [tilespmem:v61+s10+$0x0], $0xffff  }
0x236: {  	v55 =	vor.u32 v3, v36;
	[tilespmem:s18+$0xD040] =	vst v45;
	v47 =	vld.idx.msk [tilespmem:v57+s10+$0x0], $0xffff  }
0x237: {  	v63 =	vor.u32 v7, v35;
	[tilespmem:s21+$0xD400] =	vst v37;
	v37 =	vld.idx.msk [tilespmem:v62+s10+$0x0], $0xffff  }
0x238: {  	v56 =	vor.u32 v22, v34;
	[tilespmem:s17+$0xD000] =	vst v43;
	v39 =	vld.idx.msk [tilespmem:v58+s10+$0x0], $0xffff  }
0x239: {  	v52 =	vor.u32 v26, v38;
	[tilespmem:s19+$0xCC30] =	vst v42;
	v45 =	vld.idx.msk [tilespmem:v54+s10+$0x0], $0xffff  }
0x23a: {  	v61 =	vor.u32 v18, v32;
	v44 =	vld.idx.msk [tilespmem:v53+s10+$0x0], $0xffff;
	[tilespmem:s22+$0xC820] =	vst v46  }
0x23b: {  	s29 =	simm.s32 $0x47;
	v59 =	vor.u32 v13, v33;
	[tilespmem:s20+$0xC860] =	vst v47;
	v47 =	vld.idx.msk [tilespmem:v55+s10+$0x0], $0xffff  }
0x23c: {  	v60 =	vmov s29;
	[tilespmem:s18+$0xD050] =	vst v37;
	v48 =	vld.idx.msk [tilespmem:v63+s10+$0x0], $0xffff  }
0x23d: {  	v57 =	vor.u32 v8, v35;
	v37 =	vshll.u32 v41, $0x9;
	[tilespmem:s21+$0xD410] =	vst v39;
	v62 =	vld.idx.msk [tilespmem:v56+s10+$0x0], $0xffff  }
0x23e: {  	[tilespmem:s17+$0xD010] =	vst v45;
	v56 =	vor.u32 v0, v37;
	v40 =	vld.idx.msk [tilespmem:v52+s10+$0x0], $0xffff  }
0x23f: {  	v58 =	vor.u32 v27, v38;
	[tilespmem:s19+$0xCC40] =	vst v44;
	v55 =	vld.idx.msk [tilespmem:v61+s10+$0x0], $0xffff  }
0x240: {  	v51 =	vor.u32 v4, v36;
	v46 =	vld.idx.msk [tilespmem:v59+s10+$0x0], $0xffff  }
0x241: {  	v63 =	vor.u32 v23, v34;
	v39 =	vld.idx.msk [tilespmem:v60+s4+$0x0], $0xffff;
	[tilespmem:s20+$0xC870] =	vst v48  }
0x242: {  	v54 =	vor.u32 v14, v33;
	v42 =	vld.idx.msk [tilespmem:v57+s10+$0x0], $0xffff  }
0x243: {  	v52 =	vor.u32 v9, v35;
	v48 =	vld.idx.msk [tilespmem:v56+s10+$0x0], $0xffff;
	[tilespmem:s21+$0xD420] =	vst v40  }
0x244: {  	[tilespmem:s22+$0xC830] =	vst v47;
	v43 =	vld.idx.msk [tilespmem:v58+s10+$0x0], $0xffff;
	v58 =	vor.u32 v19, v32  }
0x245: {  	v53 =	vor.u32 v28, v38;
	[tilespmem:s18+$0xD060] =	vst v62;
	v57 =	vld.idx.msk [tilespmem:v51+s10+$0x0], $0xffff  }
0x246: {  	v59 =	vor.u32 v5, v36;
	[tilespmem:s19+$0xCC50] =	vst v46;
	v40 =	vld.idx.msk [tilespmem:v63+s10+$0x0], $0xffff  }
0x247: {  	v60 =	vor.u32 v24, v34;
	v41 =	vld.idx.msk [tilespmem:v54+s10+$0x0], $0xffff;
	[tilespmem:s20+$0xCC00] =	vst v42  }
0x248: {  	[tilespmem:s17+$0xD020] =	vst v55;
	v63 =	vor.u32 v15, v33;
	v44 =	vld.idx.msk [tilespmem:v52+s10+$0x0], $0xffff  }
0x249: {  	v54 =	vor.u32 v1, v37;
	[tilespmem:s21+$0xD430] =	vst v43;
	v42 =	vld.idx.msk [tilespmem:v58+s10+$0x0], $0xffff  }
0x24a: {  	s24 =	simm.s32 $0x300;
	s25 =	simm.s32 $0xC00;
	v61 =	vor.u32 v10, v35;
	[tilespmem:s22+$0xC840] =	vst v57;
	v45 =	vld.idx.msk [tilespmem:v53+s10+$0x0], $0xffff  }
0x24b: {  	s31 =	sand.u32 $0x380, s24;
	s30 =	sand.u32 $0x7000, s25;
	v62 =	vor.u32 v29, v38;
	[tilespmem:s18+$0xD070] =	vst v40;
	v50 =	vld.idx.msk [tilespmem:v59+s10+$0x0], $0xffff  }
0x24c: {  	s23 =	sor.u32 s31, s30;
	v55 =	vor.u32 v20, v32;
	[tilespmem:s19+$0xCC60] =	vst v41;
	v43 =	vld.idx.msk [tilespmem:v60+s10+$0x0], $0xffff  }
0x24d: {  	v56 =	vor.u32 v6, v36;
	[tilespmem:s23+$0xC800] =	vst v48;
	v59 =	vld.idx.msk [tilespmem:v63+s10+$0x0], $0xffff  }
0x24e: {  	v57 =	vor.u32 v25, v34;
	v60 =	vld.idx.msk [tilespmem:v54+s10+$0x0], $0xffff;
	[tilespmem:s20+$0xCC10] =	vst v44  }
0x24f: {  	v63 =	vor.u32 v2, v37;
	v46 =	vld.idx.msk [tilespmem:v61+s10+$0x0], $0xffff;
	[tilespmem:s21+$0xD440] =	vst v45  }
0x250: {  	v58 =	vor.u32 v11, v35;
	[tilespmem:s17+$0xD030] =	vst v42;
	v45 =	vld.idx.msk [tilespmem:v62+s10+$0x0], $0xffff  }
0x251: {  	[tilespmem:s22+$0xC850] =	vst v50;
	v61 =	vor.u32 v30, v38;
	v40 =	vld.idx.msk [tilespmem:v55+s10+$0x0], $0xffff  }
0x252: {  	[tilespmem:s18+$0xD400] =	vst v43;
	v44 =	vld.idx.msk [tilespmem:v56+s10+$0x0], $0xffff;
	v62 =	vor.u32 v16, v33  }
0x253: {  	v52 =	vor.u32 v21, v32;
	[tilespmem:s23+$0xC810] =	vst v60;
	v53 =	vld.idx.msk [tilespmem:v57+s10+$0x0], $0xffff  }
0x254: {  	v54 =	vor.u32 v7, v36;
	v49 =	vld.idx.msk [tilespmem:v63+s10+$0x0], $0xffff;
	[tilespmem:s20+$0xCC20] =	vst v46  }
0x255: {  	v41 =	vor.u32 v26, v34;
	v46 =	vld.idx.msk [tilespmem:v58+s10+$0x0], $0xffff;
	[tilespmem:s21+$0xD450] =	vst v45  }
0x256: {  	v47 =	vor.u32 v12, v35;
	[tilespmem:s19+$0xCC70] =	vst v59;
	v45 =	vld.idx.msk [tilespmem:v61+s10+$0x0], $0xffff  }
0x257: {  	v43 =	vor.u32 v31, v38;
	[tilespmem:s17+$0xD040] =	vst v40;
	v42 =	vld.idx.msk [tilespmem:v62+s10+$0x0], $0xffff  }
0x258: {  	[tilespmem:s22+$0xC860] =	vst v44;
	v40 =	vor.u32 v17, v33;
	v44 =	vld.idx.msk [tilespmem:v52+s10+$0x0], $0xffff  }
0x259: {  	s0 =	simm.s32 $0x48;
	v50 =	vor.u32 v3, v37;
	[tilespmem:s18+$0xD410] =	vst v53;
	v48 =	vld.idx.msk [tilespmem:v54+s10+$0x0], $0xffff  }
.LBB2_4:
0x25a: {  	p0 =	sne.s32 s0, $0x7F;
	[tilespmem:s20+$0xCC30] =	vst v46;
	v38 =	vor.u32 v22, v32;
	v41 =	vld.idx.msk [tilespmem:v41+s10+$0x0], $0xffff  }
0x25b: {  	v46 =	vor.u32 v8, v36;
	v47 =	vld.idx.msk [tilespmem:v47+s10+$0x0], $0xffff;
	[tilespmem:s21+$0xD460] =	vst v45  }
0x25c: {  	[tilespmem:s19+$0xD000] =	vst v42;
	v42 =	vor.u32 v27, v34;
	v43 =	vld.idx.msk [tilespmem:v43+s10+$0x0], $0xffff  }
0x25d: {  	v45 =	vor.u32 v13, v35;
	[tilespmem:s23+$0xC820] =	vst v49;
	v40 =	vld.idx.msk [tilespmem:v40+s10+$0x0], $0xffff  }
0x25e: {  	v49 =	vmov s0;
	v50 =	vld.idx.msk [tilespmem:v50+s10+$0x0], $0xffff;
	[tilespmem:s17+$0xD050] =	vst v44  }
0x25f: {  	v44 =	vor.u32 v18, v33;
	[tilespmem:s22+$0xC870] =	vst v48;
	v38 =	vld.idx.msk [tilespmem:v38+s10+$0x0], $0xffff  }
0x260: {  	v48 =	vor.u32 v4, v37;
	v46 =	vld.idx.msk [tilespmem:v46+s10+$0x0], $0xffff;
	[tilespmem:s18+$0xD420] =	vst v41  }
0x261: {  	v41 =	vor.u32 v23, v32;
	[tilespmem:s20+$0xCC40] =	vst v47;
	v42 =	vld.idx.msk [tilespmem:v42+s10+$0x0], $0xffff  }
0x262: {  	v47 =	vor.u32 v9, v36;
	v45 =	vld.idx.msk [tilespmem:v45+s10+$0x0], $0xffff;
	[tilespmem:s21+$0xD470] =	vst v43;
	s21 =	smov.u32 s18;
	s18 =	smov.u32 s17;
	s17 =	smov.u32 s19  }
0x263: {  	s19 =	smov.u32 s20;
	s20 =	smov.u32 s22;
	s22 =	smov.u32 s23;
	v43 =	vld.idx.msk [tilespmem:v49+s4+$0x0], $0xffff;
	[tilespmem:s17+$0xD010] =	vst v40;
	v40 =	vor.u32 v28, v34  }
0x264: {  	v51 =	vshll.u32 v39, $0x9;
	v39 =	vor.u32 v14, v35;
	[tilespmem:s22+$0xC830] =	vst v50;
	v44 =	vld.idx.msk [tilespmem:v44+s10+$0x0], $0xffff  }
0x265: {  	v49 =	vor.u32 v0, v51;
	v48 =	vld.idx.msk [tilespmem:v48+s10+$0x0], $0xffff;
	[tilespmem:s18+$0xD060] =	vst v38  }
0x266: {  	v38 =	vor.u32 v19, v33;
	[tilespmem:s20+$0xCC00] =	vst v46;
	v41 =	vld.idx.msk [tilespmem:v41+s10+$0x0], $0xffff  }
0x267: {  	v46 =	vor.u32 v5, v37;
	v47 =	vld.idx.msk [tilespmem:v47+s10+$0x0], $0xffff;
	[tilespmem:s21+$0xD430] =	vst v42  }
0x268: {  	v42 =	vor.u32 v24, v32;
	[tilespmem:s19+$0xCC50] =	vst v45;
	v40 =	vld.idx.msk [tilespmem:v40+s10+$0x0], $0xffff  }
0x269: {  	v45 =	vor.u32 v10, v36;
	v50 =	vld.idx.msk [tilespmem:v39+s10+$0x0], $0xffff;
	v39 =	vmov v43  }
0x26a: {  	v43 =	vld.idx.msk [tilespmem:v49+s10+$0x0], $0xffff;
	[tilespmem:s17+$0xD020] =	vst v44;
	v44 =	vor.u32 v29, v34  }
0x26b: {  	[tilespmem:s22+$0xC840] =	vst v48;
	v48 =	vor.u32 v15, v35;
	v38 =	vld.idx.msk [tilespmem:v38+s10+$0x0], $0xffff  }
0x26c: {  	v49 =	vor.u32 v1, v51;
	v46 =	vld.idx.msk [tilespmem:v46+s10+$0x0], $0xffff;
	[tilespmem:s18+$0xD070] =	vst v41  }
0x26d: {  	s24 =	sadd.s32 $0x80, s24;
	s25 =	sadd.s32 $0x200, s25;
	v41 =	vor.u32 v20, v33;
	[tilespmem:s20+$0xCC10] =	vst v47;
	v42 =	vld.idx.msk [tilespmem:v42+s10+$0x0], $0xffff  }
0x26e: {  	s26 =	sand.u32 $0x380, s24;
	s23 =	sand.u32 $0x7000, s25;
	v47 =	vor.u32 v6, v37;
	v45 =	vld.idx.msk [tilespmem:v45+s10+$0x0], $0xffff;
	[tilespmem:s21+$0xD440] =	vst v40  }
0x26f: {  	s23 =	sor.u32 s26, s23;
	v40 =	vor.u32 v25, v32;
	[tilespmem:s19+$0xCC60] =	vst v50;
	v44 =	vld.idx.msk [tilespmem:v44+s10+$0x0], $0xffff  }
0x270: {  	[tilespmem:s23+$0xC800] =	vst v43;
	v43 =	vor.u32 v11, v36;
	v48 =	vld.idx.msk [tilespmem:v48+s10+$0x0], $0xffff  }
0x271: {  	v49 =	vld.idx.msk [tilespmem:v49+s10+$0x0], $0xffff;
	[tilespmem:s17+$0xD030] =	vst v38;
	v38 =	vor.u32 v30, v34  }
0x272: {  	v50 =	vor.u32 v16, v35;
	[tilespmem:s22+$0xC850] =	vst v46;
	v52 =	vld.idx.msk [tilespmem:v41+s10+$0x0], $0xffff  }
0x273: {  	v53 =	vor.u32 v2, v51;
	v54 =	vld.idx.msk [tilespmem:v47+s10+$0x0], $0xffff;
	[tilespmem:s18+$0xD400] =	vst v42  }
0x274: {  	v55 =	vor.u32 v21, v33;
	[tilespmem:s20+$0xCC20] =	vst v45;
	v56 =	vld.idx.msk [tilespmem:v40+s10+$0x0], $0xffff  }
0x275: {  	v57 =	vor.u32 v7, v37;
	v46 =	vld.idx.msk [tilespmem:v43+s10+$0x0], $0xffff;
	[tilespmem:s21+$0xD450] =	vst v44  }
.Ltmp1:
0x276: {  	v41 =	vor.u32 v26, v32;
	[tilespmem:s19+$0xCC70] =	vst v48;
	v45 =	vld.idx.msk [tilespmem:v38+s10+$0x0], $0xffff;
	(pc) =	sbr.rel @p0 .LBB2_4-.Ltmp1, $4  }
0x277: {  	v47 =	vor.u32 v12, v36;
	[tilespmem:s23+$0xC810] =	vst v49;
	v42 =	vld.idx.msk [tilespmem:v50+s10+$0x0], $0xffff  }
0x278: {  	v43 =	vor.u32 v31, v34;
	v34 =	vmovc v32;
	v32 =	vmov v33;
	v33 =	vmov v35;
	v49 =	vld.idx.msk [tilespmem:v53+s10+$0x0], $0xffff;
	[tilespmem:s17+$0xD040] =	vst v52  }
0x279: {  	v35 =	vmovc v36;
	v36 =	vmov v37;
	v37 =	vmov v51;
	v40 =	vor.u32 v17, v33;
	[tilespmem:s22+$0xC860] =	vst v54;
	v44 =	vld.idx.msk [tilespmem:v55+s10+$0x0], $0xffff  }
0x27a: {  	s0 =	sadd.s32 $0x1, s0;
	v50 =	vor.u32 v3, v37;
	v48 =	vld.idx.msk [tilespmem:v57+s10+$0x0], $0xffff;
	[tilespmem:s18+$0xD410] =	vst v56  }
0x27b: {  	v38 =	vshll.u32 v39, $0x9  }
0x27c: {  	v39 =	vor.u32 v0, v38;
	_ =	sdelay $0x4  }
0x27d: {  	v39 =	vld.idx.msk [tilespmem:v39+s10+$0x0], $0xffff  }
0x27e: {  	v51 =	vor.u32 v1, v38  }
0x27f: {  	s0 =	sadd.s32 $0x80, s24;
	s31 =	sadd.s32 $0x200, s25  }
0x280: {  	s24 =	sand.u32 $0x7000, s31;
	s0 =	sand.u32 $0x380, s0  }
0x281: {  	s24 =	sor.u32 s0, s24  }
0x282: {  	[tilespmem:s24+$0xC800] =	vst v39  }
0x283: {  	v39 =	vld.idx.msk [tilespmem:v51+s10+$0x0], $0xffff  }
0x284: {  	v58 =	vor.u32 v2, v38;
	_ =	sdelay $0x3  }
0x285: {  	[tilespmem:s24+$0xC810] =	vst v39  }
0x286: {  	v39 =	vld.idx.msk [tilespmem:v58+s10+$0x0], $0xffff  }
0x287: {  	v59 =	vor.u32 v3, v38;
	_ =	sdelay $0x2  }
0x288: {  	[tilespmem:s23+$0xC820] =	vst v49  }
0x289: {  	v49 =	vld.idx.msk [tilespmem:v50+s10+$0x0], $0xffff;
	[tilespmem:s24+$0xC820] =	vst v39  }
0x28a: {  	v60 =	vor.u32 v4, v37;
	v61 =	vld.idx.msk [tilespmem:v59+s10+$0x0], $0xffff  }
0x28b: {  	v62 =	vor.u32 v4, v38;
	_ =	sdelay $0x2  }
0x28c: {  	[tilespmem:s23+$0xC830] =	vst v49  }
0x28d: {  	v39 =	vld.idx.msk [tilespmem:v60+s10+$0x0], $0xffff;
	[tilespmem:s24+$0xC830] =	vst v61  }
0x28e: {  	v63 =	vor.u32 v5, v37;
	v50 =	vld.idx.msk [tilespmem:v62+s10+$0x0], $0xffff  }
0x28f: {  	v54 =	vor.u32 v5, v38;
	_ =	sdelay $0x2  }
0x290: {  	[tilespmem:s23+$0xC840] =	vst v39  }
0x291: {  	v39 =	vld.idx.msk [tilespmem:v63+s10+$0x0], $0xffff;
	[tilespmem:s24+$0xC840] =	vst v50  }
0x292: {  	v55 =	vor.u32 v6, v37;
	v50 =	vld.idx.msk [tilespmem:v54+s10+$0x0], $0xffff  }
0x293: {  	v56 =	vor.u32 v6, v38;
	_ =	sdelay $0x2  }
0x294: {  	[tilespmem:s23+$0xC850] =	vst v39  }
0x295: {  	v39 =	vld.idx.msk [tilespmem:v55+s10+$0x0], $0xffff;
	[tilespmem:s24+$0xC850] =	vst v50  }
0x296: {  	v57 =	vor.u32 v7, v37;
	v50 =	vld.idx.msk [tilespmem:v56+s10+$0x0], $0xffff  }
0x297: {  	v58 =	vor.u32 v7, v38;
	_ =	sdelay $0x2  }
0x298: {  	[tilespmem:s23+$0xC860] =	vst v39  }
0x299: {  	v59 =	vor.u32 v8, v36;
	v49 =	vld.idx.msk [tilespmem:v57+s10+$0x0], $0xffff;
	[tilespmem:s24+$0xC860] =	vst v50  }
0x29a: {  	v60 =	vor.u32 v8, v37;
	v51 =	vld.idx.msk [tilespmem:v58+s10+$0x0], $0xffff  }
0x29b: {  	v52 =	vor.u32 v8, v38;
	_ =	sdelay $0x1  }
0x29c: {  	[tilespmem:s22+$0xC870] =	vst v48  }
0x29d: {  	v39 =	vld.idx.msk [tilespmem:v59+s10+$0x0], $0xffff;
	[tilespmem:s23+$0xC870] =	vst v49  }
0x29e: {  	v61 =	vor.u32 v9, v36;
	v49 =	vld.idx.msk [tilespmem:v60+s10+$0x0], $0xffff;
	[tilespmem:s24+$0xC870] =	vst v51  }
0x29f: {  	v62 =	vor.u32 v9, v37;
	v51 =	vld.idx.msk [tilespmem:v52+s10+$0x0], $0xffff  }
0x2a0: {  	v63 =	vor.u32 v9, v38;
	_ =	sdelay $0x1  }
0x2a1: {  	[tilespmem:s22+$0xCC00] =	vst v39  }
0x2a2: {  	v39 =	vld.idx.msk [tilespmem:v61+s10+$0x0], $0xffff;
	[tilespmem:s23+$0xCC00] =	vst v49  }
0x2a3: {  	v56 =	vor.u32 v10, v36;
	v49 =	vld.idx.msk [tilespmem:v62+s10+$0x0], $0xffff;
	[tilespmem:s24+$0xCC00] =	vst v51  }
0x2a4: {  	v57 =	vor.u32 v10, v37;
	v51 =	vld.idx.msk [tilespmem:v63+s10+$0x0], $0xffff  }
0x2a5: {  	v58 =	vor.u32 v10, v38;
	_ =	sdelay $0x1  }
0x2a6: {  	[tilespmem:s22+$0xCC10] =	vst v39  }
0x2a7: {  	v39 =	vld.idx.msk [tilespmem:v56+s10+$0x0], $0xffff;
	[tilespmem:s23+$0xCC10] =	vst v49  }
0x2a8: {  	v59 =	vor.u32 v11, v36;
	v49 =	vld.idx.msk [tilespmem:v57+s10+$0x0], $0xffff;
	[tilespmem:s24+$0xCC10] =	vst v51  }
0x2a9: {  	v60 =	vor.u32 v11, v37;
	v51 =	vld.idx.msk [tilespmem:v58+s10+$0x0], $0xffff  }
0x2aa: {  	v61 =	vor.u32 v11, v38;
	_ =	sdelay $0x1  }
0x2ab: {  	[tilespmem:s22+$0xCC20] =	vst v39  }
0x2ac: {  	v39 =	vld.idx.msk [tilespmem:v59+s10+$0x0], $0xffff;
	[tilespmem:s23+$0xCC20] =	vst v49  }
0x2ad: {  	v62 =	vor.u32 v12, v36;
	v49 =	vld.idx.msk [tilespmem:v60+s10+$0x0], $0xffff;
	[tilespmem:s24+$0xCC20] =	vst v51  }
0x2ae: {  	v63 =	vor.u32 v12, v37;
	v51 =	vld.idx.msk [tilespmem:v61+s10+$0x0], $0xffff  }
0x2af: {  	v56 =	vor.u32 v12, v38  }
0x2b0: {  	[tilespmem:s20+$0xCC30] =	vst v46  }
0x2b1: {  	v46 =	vld.idx.msk [tilespmem:v47+s10+$0x0], $0xffff;
	[tilespmem:s22+$0xCC30] =	vst v39  }
0x2b2: {  	v57 =	vor.u32 v13, v35;
	v58 =	vld.idx.msk [tilespmem:v62+s10+$0x0], $0xffff;
	[tilespmem:s23+$0xCC30] =	vst v49  }
0x2b3: {  	v59 =	vor.u32 v13, v36;
	v49 =	vld.idx.msk [tilespmem:v63+s10+$0x0], $0xffff;
	[tilespmem:s24+$0xCC30] =	vst v51  }
0x2b4: {  	v60 =	vor.u32 v13, v37;
	v51 =	vld.idx.msk [tilespmem:v56+s10+$0x0], $0xffff  }
0x2b5: {  	v61 =	vor.u32 v13, v38  }
0x2b6: {  	[tilespmem:s20+$0xCC40] =	vst v46  }
0x2b7: {  	v39 =	vld.idx.msk [tilespmem:v57+s10+$0x0], $0xffff;
	[tilespmem:s22+$0xCC40] =	vst v58  }
0x2b8: {  	v62 =	vor.u32 v14, v35;
	v47 =	vld.idx.msk [tilespmem:v59+s10+$0x0], $0xffff;
	[tilespmem:s23+$0xCC40] =	vst v49  }
0x2b9: {  	v63 =	vor.u32 v14, v36;
	v49 =	vld.idx.msk [tilespmem:v60+s10+$0x0], $0xffff;
	[tilespmem:s24+$0xCC40] =	vst v51  }
0x2ba: {  	v56 =	vor.u32 v14, v37;
	v51 =	vld.idx.msk [tilespmem:v61+s10+$0x0], $0xffff  }
0x2bb: {  	v57 =	vor.u32 v14, v38  }
0x2bc: {  	[tilespmem:s20+$0xCC50] =	vst v39  }
0x2bd: {  	v39 =	vld.idx.msk [tilespmem:v62+s10+$0x0], $0xffff;
	[tilespmem:s22+$0xCC50] =	vst v47  }
0x2be: {  	v58 =	vor.u32 v15, v35;
	v47 =	vld.idx.msk [tilespmem:v63+s10+$0x0], $0xffff;
	[tilespmem:s23+$0xCC50] =	vst v49  }
0x2bf: {  	v59 =	vor.u32 v15, v36;
	v49 =	vld.idx.msk [tilespmem:v56+s10+$0x0], $0xffff;
	[tilespmem:s24+$0xCC50] =	vst v51  }
0x2c0: {  	v60 =	vor.u32 v15, v37;
	v51 =	vld.idx.msk [tilespmem:v57+s10+$0x0], $0xffff  }
0x2c1: {  	[tilespmem:s21+$0xD460] =	vst v45;
	v61 =	vor.u32 v15, v38  }
0x2c2: {  	[tilespmem:s20+$0xCC60] =	vst v39  }
0x2c3: {  	v39 =	vld.idx.msk [tilespmem:v58+s10+$0x0], $0xffff;
	[tilespmem:s22+$0xCC60] =	vst v47  }
0x2c4: {  	v62 =	vor.u32 v16, v35;
	v47 =	vld.idx.msk [tilespmem:v59+s10+$0x0], $0xffff;
	[tilespmem:s23+$0xCC60] =	vst v49  }
0x2c5: {  	v63 =	vor.u32 v16, v36;
	v49 =	vld.idx.msk [tilespmem:v60+s10+$0x0], $0xffff;
	[tilespmem:s24+$0xCC60] =	vst v51  }
0x2c6: {  	[tilespmem:s19+$0xD000] =	vst v42;
	v52 =	vor.u32 v16, v37;
	v45 =	vld.idx.msk [tilespmem:v61+s10+$0x0], $0xffff  }
0x2c7: {  	v41 =	vld.idx.msk [tilespmem:v41+s10+$0x0], $0xffff;
	v53 =	vor.u32 v16, v38;
	[tilespmem:s17+$0xD050] =	vst v44  }
0x2c8: {  	v43 =	vld.idx.msk [tilespmem:v43+s10+$0x0], $0xffff;
	[tilespmem:s20+$0xCC70] =	vst v39  }
0x2c9: {  	v54 =	vor.u32 v22, v32;
	v46 =	vld.idx.msk [tilespmem:v62+s10+$0x0], $0xffff;
	[tilespmem:s22+$0xCC70] =	vst v47  }
0x2ca: {  	v55 =	vor.u32 v17, v35;
	v48 =	vld.idx.msk [tilespmem:v63+s10+$0x0], $0xffff;
	[tilespmem:s23+$0xCC70] =	vst v49  }
0x2cb: {  	v56 =	vor.u32 v17, v36;
	v42 =	vld.idx.msk [tilespmem:v52+s10+$0x0], $0xffff;
	[tilespmem:s24+$0xCC70] =	vst v45  }
0x2cc: {  	[tilespmem:s18+$0xD420] =	vst v41;
	v57 =	vor.u32 v17, v37;
	v44 =	vld.idx.msk [tilespmem:v53+s10+$0x0], $0xffff  }
0x2cd: {  	v40 =	vld.idx.msk [tilespmem:v40+s10+$0x0], $0xffff;
	[tilespmem:s21+$0xD470] =	vst v43;
	v58 =	vor.u32 v17, v38  }
0x2ce: {  	v39 =	vld.idx.msk [tilespmem:v54+s10+$0x0], $0xffff;
	[tilespmem:s20+$0xD000] =	vst v46;
	v60 =	vor.u32 v18, v33  }
0x2cf: {  	v59 =	vor.u32 v27, v34;
	v47 =	vld.idx.msk [tilespmem:v55+s10+$0x0], $0xffff;
	[tilespmem:s22+$0xD000] =	vst v48  }
0x2d0: {  	v61 =	vor.u32 v18, v35;
	v49 =	vld.idx.msk [tilespmem:v56+s10+$0x0], $0xffff;
	[tilespmem:s23+$0xD000] =	vst v42  }
0x2d1: {  	v62 =	vor.u32 v18, v36;
	v41 =	vld.idx.msk [tilespmem:v57+s10+$0x0], $0xffff;
	[tilespmem:s24+$0xD000] =	vst v44  }
0x2d2: {  	[tilespmem:s19+$0xD010] =	vst v40;
	v63 =	vor.u32 v18, v37;
	v43 =	vld.idx.msk [tilespmem:v58+s10+$0x0], $0xffff  }
0x2d3: {  	[tilespmem:s17+$0xD060] =	vst v39;
	v46 =	vld.idx.msk [tilespmem:v60+s10+$0x0], $0xffff;
	v53 =	vor.u32 v18, v38  }
0x2d4: {  	v54 =	vor.u32 v23, v32;
	[tilespmem:s20+$0xD010] =	vst v47;
	v52 =	vld.idx.msk [tilespmem:v59+s10+$0x0], $0xffff  }
0x2d5: {  	v55 =	vor.u32 v19, v33;
	v48 =	vld.idx.msk [tilespmem:v61+s10+$0x0], $0xffff;
	[tilespmem:s22+$0xD010] =	vst v49  }
0x2d6: {  	v56 =	vor.u32 v19, v35;
	v42 =	vld.idx.msk [tilespmem:v62+s10+$0x0], $0xffff;
	[tilespmem:s23+$0xD010] =	vst v41  }
0x2d7: {  	v57 =	vor.u32 v19, v36;
	v40 =	vld.idx.msk [tilespmem:v63+s10+$0x0], $0xffff;
	[tilespmem:s24+$0xD010] =	vst v43  }
0x2d8: {  	[tilespmem:s19+$0xD020] =	vst v46;
	v58 =	vor.u32 v19, v37;
	v39 =	vld.idx.msk [tilespmem:v53+s10+$0x0], $0xffff  }
0x2d9: {  	v60 =	vor.u32 v19, v38;
	v59 =	vld.idx.msk [tilespmem:v54+s10+$0x0], $0xffff;
	[tilespmem:s18+$0xD430] =	vst v52  }
0x2da: {  	v47 =	vld.idx.msk [tilespmem:v55+s10+$0x0], $0xffff;
	v61 =	vor.u32 v28, v34;
	[tilespmem:s20+$0xD020] =	vst v48  }
0x2db: {  	v62 =	vor.u32 v20, v33;
	v49 =	vld.idx.msk [tilespmem:v56+s10+$0x0], $0xffff;
	[tilespmem:s22+$0xD020] =	vst v42  }
0x2dc: {  	v63 =	vor.u32 v20, v35;
	v41 =	vld.idx.msk [tilespmem:v57+s10+$0x0], $0xffff;
	[tilespmem:s23+$0xD020] =	vst v40  }
0x2dd: {  	v52 =	vor.u32 v20, v36;
	v43 =	vld.idx.msk [tilespmem:v58+s10+$0x0], $0xffff;
	[tilespmem:s24+$0xD020] =	vst v39  }
0x2de: {  	[tilespmem:s17+$0xD070] =	vst v59;
	v53 =	vor.u32 v20, v37;
	v54 =	vld.idx.msk [tilespmem:v60+s10+$0x0], $0xffff  }
0x2df: {  	[tilespmem:s19+$0xD030] =	vst v47;
	v55 =	vld.idx.msk [tilespmem:v61+s10+$0x0], $0xffff;
	v56 =	vor.u32 v20, v38  }
0x2e0: {  	v48 =	vld.idx.msk [tilespmem:v62+s10+$0x0], $0xffff;
	v57 =	vor.u32 v24, v32;
	[tilespmem:s20+$0xD030] =	vst v49  }
0x2e1: {  	v58 =	vor.u32 v21, v33;
	v42 =	vld.idx.msk [tilespmem:v63+s10+$0x0], $0xffff;
	[tilespmem:s22+$0xD030] =	vst v41  }
0x2e2: {  	v59 =	vor.u32 v21, v35;
	v40 =	vld.idx.msk [tilespmem:v52+s10+$0x0], $0xffff;
	[tilespmem:s23+$0xD030] =	vst v43  }
0x2e3: {  	v39 =	vld.idx.msk [tilespmem:v53+s10+$0x0], $0xffff;
	v60 =	vor.u32 v21, v36;
	[tilespmem:s24+$0xD030] =	vst v54  }
0x2e4: {  	v61 =	vor.u32 v21, v37;
	[tilespmem:s18+$0xD440] =	vst v55;
	v62 =	vld.idx.msk [tilespmem:v56+s10+$0x0], $0xffff  }
0x2e5: {  	[tilespmem:s19+$0xD040] =	vst v48;
	v63 =	vld.idx.msk [tilespmem:v57+s10+$0x0], $0xffff;
	v52 =	vor.u32 v21, v38  }
0x2e6: {  	v49 =	vld.idx.msk [tilespmem:v58+s10+$0x0], $0xffff;
	[tilespmem:s20+$0xD040] =	vst v42;
	v53 =	vor.u32 v29, v34  }
0x2e7: {  	v41 =	vld.idx.msk [tilespmem:v59+s10+$0x0], $0xffff;
	[tilespmem:s22+$0xD040] =	vst v40;
	v54 =	vor.u32 v22, v33  }
0x2e8: {  	v55 =	vor.u32 v22, v35;
	[tilespmem:s23+$0xD040] =	vst v39;
	v43 =	vld.idx.msk [tilespmem:v60+s10+$0x0], $0xffff  }
0x2e9: {  	v44 =	vld.idx.msk [tilespmem:v61+s10+$0x0], $0xffff;
	v56 =	vor.u32 v22, v36;
	[tilespmem:s24+$0xD040] =	vst v62  }
0x2ea: {  	v57 =	vor.u32 v22, v37;
	[tilespmem:s17+$0xD400] =	vst v63;
	v58 =	vld.idx.msk [tilespmem:v52+s10+$0x0], $0xffff  }
0x2eb: {  	[tilespmem:s19+$0xD050] =	vst v49;
	v59 =	vld.idx.msk [tilespmem:v53+s10+$0x0], $0xffff;
	v60 =	vor.u32 v22, v38  }
0x2ec: {  	[tilespmem:s20+$0xD050] =	vst v41;
	v61 =	vor.u32 v25, v32;
	v42 =	vld.idx.msk [tilespmem:v54+s10+$0x0], $0xffff  }
0x2ed: {  	v40 =	vld.idx.msk [tilespmem:v55+s10+$0x0], $0xffff;
	[tilespmem:s22+$0xD050] =	vst v43;
	v62 =	vor.u32 v23, v33  }
0x2ee: {  	v63 =	vor.u32 v23, v35;
	[tilespmem:s23+$0xD050] =	vst v44;
	v39 =	vld.idx.msk [tilespmem:v56+s10+$0x0], $0xffff  }
0x2ef: {  	v45 =	vld.idx.msk [tilespmem:v57+s10+$0x0], $0xffff;
	v52 =	vor.u32 v23, v36;
	[tilespmem:s24+$0xD050] =	vst v58  }
0x2f0: {  	v53 =	vor.u32 v23, v37;
	[tilespmem:s18+$0xD450] =	vst v59;
	v54 =	vld.idx.msk [tilespmem:v60+s10+$0x0], $0xffff  }
0x2f1: {  	v55 =	vld.idx.msk [tilespmem:v61+s10+$0x0], $0xffff;
	v56 =	vor.u32 v23, v38;
	[tilespmem:s19+$0xD060] =	vst v42  }
0x2f2: {  	[tilespmem:s20+$0xD060] =	vst v40;
	v57 =	vor.u32 v30, v34;
	v41 =	vld.idx.msk [tilespmem:v62+s10+$0x0], $0xffff  }
0x2f3: {  	v43 =	vld.idx.msk [tilespmem:v63+s10+$0x0], $0xffff;
	[tilespmem:s22+$0xD060] =	vst v39;
	v58 =	vor.u32 v24, v33  }
0x2f4: {  	v59 =	vor.u32 v24, v35;
	[tilespmem:s23+$0xD060] =	vst v45;
	v44 =	vld.idx.msk [tilespmem:v52+s10+$0x0], $0xffff  }
0x2f5: {  	v46 =	vld.idx.msk [tilespmem:v53+s10+$0x0], $0xffff;
	v60 =	vor.u32 v24, v36;
	[tilespmem:s24+$0xD060] =	vst v54  }
0x2f6: {  	v61 =	vor.u32 v24, v37;
	[tilespmem:s17+$0xD410] =	vst v55;
	v42 =	vld.idx.msk [tilespmem:v56+s10+$0x0], $0xffff  }
0x2f7: {  	v63 =	vor.u32 v24, v38;
	v62 =	vld.idx.msk [tilespmem:v57+s10+$0x0], $0xffff;
	[tilespmem:s19+$0xD070] =	vst v41  }
0x2f8: {  	[tilespmem:s20+$0xD070] =	vst v43;
	v52 =	vor.u32 v26, v32;
	v40 =	vld.idx.msk [tilespmem:v58+s10+$0x0], $0xffff  }
0x2f9: {  	v53 =	vor.u32 v25, v33;
	v39 =	vld.idx.msk [tilespmem:v59+s10+$0x0], $0xffff;
	[tilespmem:s22+$0xD070] =	vst v44  }
0x2fa: {  	[tilespmem:s23+$0xD070] =	vst v46;
	v54 =	vor.u32 v25, v35;
	v45 =	vld.idx.msk [tilespmem:v60+s10+$0x0], $0xffff  }
0x2fb: {  	v55 =	vor.u32 v25, v36;
	v47 =	vld.idx.msk [tilespmem:v61+s10+$0x0], $0xffff;
	[tilespmem:s24+$0xD070] =	vst v42  }
0x2fc: {  	[tilespmem:s18+$0xD460] =	vst v62;
	v56 =	vor.u32 v25, v37;
	v41 =	vld.idx.msk [tilespmem:v63+s10+$0x0], $0xffff  }
0x2fd: {  	v57 =	vld.idx.msk [tilespmem:v52+s10+$0x0], $0xffff;
	v58 =	vor.u32 v25, v38;
	[tilespmem:s19+$0xD400] =	vst v40  }
0x2fe: {  	v59 =	vor.u32 v31, v34;
	[tilespmem:s20+$0xD400] =	vst v39;
	v43 =	vld.idx.msk [tilespmem:v53+s10+$0x0], $0xffff  }
0x2ff: {  	v60 =	vor.u32 v26, v33;
	v44 =	vld.idx.msk [tilespmem:v54+s10+$0x0], $0xffff;
	[tilespmem:s22+$0xD400] =	vst v45  }
0x300: {  	v61 =	vor.u32 v26, v35;
	[tilespmem:s23+$0xD400] =	vst v47;
	v46 =	vld.idx.msk [tilespmem:v55+s10+$0x0], $0xffff  }
0x301: {  	v62 =	vor.u32 v26, v36;
	v42 =	vld.idx.msk [tilespmem:v56+s10+$0x0], $0xffff;
	[tilespmem:s24+$0xD400] =	vst v41  }
0x302: {  	[tilespmem:s17+$0xD420] =	vst v57;
	v63 =	vor.u32 v26, v37;
	v40 =	vld.idx.msk [tilespmem:v58+s10+$0x0], $0xffff  }
0x303: {  	v34 =	vld.idx.msk [tilespmem:v59+s10+$0x0], $0xffff;
	v52 =	vor.u32 v26, v38;
	[tilespmem:s19+$0xD410] =	vst v43  }
0x304: {  	v53 =	vor.u32 v27, v32;
	[tilespmem:s20+$0xD410] =	vst v44;
	v39 =	vld.idx.msk [tilespmem:v60+s10+$0x0], $0xffff  }
0x305: {  	v54 =	vor.u32 v27, v33;
	v45 =	vld.idx.msk [tilespmem:v61+s10+$0x0], $0xffff;
	[tilespmem:s22+$0xD410] =	vst v46  }
0x306: {  	v55 =	vor.u32 v27, v35;
	[tilespmem:s23+$0xD410] =	vst v42;
	v47 =	vld.idx.msk [tilespmem:v62+s10+$0x0], $0xffff  }
0x307: {  	v56 =	vor.u32 v27, v36;
	v41 =	vld.idx.msk [tilespmem:v63+s10+$0x0], $0xffff;
	[tilespmem:s24+$0xD410] =	vst v40  }
0x308: {  	[tilespmem:s18+$0xD470] =	vst v34;
	v57 =	vor.u32 v27, v37;
	v40 =	vld.idx.msk [tilespmem:v52+s10+$0x0], $0xffff  }
0x309: {  	v59 =	vor.u32 v27, v38;
	v58 =	vld.idx.msk [tilespmem:v53+s10+$0x0], $0xffff;
	[tilespmem:s19+$0xD420] =	vst v39  }
0x30a: {  	v60 =	vor.u32 v28, v32;
	[tilespmem:s20+$0xD420] =	vst v45;
	v44 =	vld.idx.msk [tilespmem:v54+s10+$0x0], $0xffff  }
0x30b: {  	v61 =	vor.u32 v28, v33;
	v46 =	vld.idx.msk [tilespmem:v55+s10+$0x0], $0xffff;
	[tilespmem:s22+$0xD420] =	vst v47  }
0x30c: {  	v62 =	vor.u32 v28, v35;
	[tilespmem:s23+$0xD420] =	vst v41;
	v42 =	vld.idx.msk [tilespmem:v56+s10+$0x0], $0xffff  }
0x30d: {  	v63 =	vor.u32 v28, v36;
	v34 =	vld.idx.msk [tilespmem:v57+s10+$0x0], $0xffff;
	[tilespmem:s24+$0xD420] =	vst v40  }
0x30e: {  	[tilespmem:s17+$0xD430] =	vst v58;
	v52 =	vor.u32 v28, v37;
	v39 =	vld.idx.msk [tilespmem:v59+s10+$0x0], $0xffff  }
0x30f: {  	v53 =	vor.u32 v28, v38;
	v43 =	vld.idx.msk [tilespmem:v60+s10+$0x0], $0xffff;
	[tilespmem:s19+$0xD430] =	vst v44  }
0x310: {  	v54 =	vor.u32 v29, v32;
	[tilespmem:s20+$0xD430] =	vst v46;
	v45 =	vld.idx.msk [tilespmem:v61+s10+$0x0], $0xffff  }
0x311: {  	v55 =	vor.u32 v29, v33;
	v47 =	vld.idx.msk [tilespmem:v62+s10+$0x0], $0xffff;
	[tilespmem:s22+$0xD430] =	vst v42  }
0x312: {  	v56 =	vor.u32 v29, v35;
	[tilespmem:s23+$0xD430] =	vst v34;
	v41 =	vld.idx.msk [tilespmem:v63+s10+$0x0], $0xffff  }
0x313: {  	v57 =	vor.u32 v29, v36;
	v40 =	vld.idx.msk [tilespmem:v52+s10+$0x0], $0xffff;
	[tilespmem:s24+$0xD430] =	vst v39  }
0x314: {  	v58 =	vor.u32 v29, v37;
	[tilespmem:s17+$0xD440] =	vst v43;
	v59 =	vld.idx.msk [tilespmem:v53+s10+$0x0], $0xffff  }
0x315: {  	v61 =	vor.u32 v29, v38;
	v60 =	vld.idx.msk [tilespmem:v54+s10+$0x0], $0xffff;
	[tilespmem:s19+$0xD440] =	vst v45  }
0x316: {  	v62 =	vor.u32 v30, v32;
	[tilespmem:s20+$0xD440] =	vst v47;
	v46 =	vld.idx.msk [tilespmem:v55+s10+$0x0], $0xffff  }
0x317: {  	v63 =	vor.u32 v30, v33;
	v42 =	vld.idx.msk [tilespmem:v56+s10+$0x0], $0xffff;
	[tilespmem:s22+$0xD440] =	vst v41  }
0x318: {  	v49 =	vor.u32 v30, v35;
	[tilespmem:s23+$0xD440] =	vst v40;
	v34 =	vld.idx.msk [tilespmem:v57+s10+$0x0], $0xffff  }
0x319: {  	v50 =	vor.u32 v30, v36;
	v39 =	vld.idx.msk [tilespmem:v58+s10+$0x0], $0xffff;
	[tilespmem:s24+$0xD440] =	vst v59  }
0x31a: {  	v51 =	vor.u32 v30, v37;
	[tilespmem:s17+$0xD450] =	vst v60;
	v52 =	vld.idx.msk [tilespmem:v61+s10+$0x0], $0xffff  }
0x31b: {  	v54 =	vor.u32 v30, v38;
	v53 =	vld.idx.msk [tilespmem:v62+s10+$0x0], $0xffff;
	[tilespmem:s19+$0xD450] =	vst v46  }
0x31c: {  	v55 =	vor.u32 v31, v32;
	[tilespmem:s20+$0xD450] =	vst v42;
	v47 =	vld.idx.msk [tilespmem:v63+s10+$0x0], $0xffff  }
0x31d: {  	v56 =	vor.u32 v31, v33;
	v41 =	vld.idx.msk [tilespmem:v49+s10+$0x0], $0xffff;
	[tilespmem:s22+$0xD450] =	vst v34  }
0x31e: {  	v57 =	vor.u32 v31, v35;
	[tilespmem:s23+$0xD450] =	vst v39;
	v58 =	vld.idx.msk [tilespmem:v50+s10+$0x0], $0xffff  }
0x31f: {  	v59 =	vor.u32 v31, v36;
	v39 =	vld.idx.msk [tilespmem:v51+s10+$0x0], $0xffff;
	[tilespmem:s24+$0xD450] =	vst v52  }
0x320: {  	v60 =	vor.u32 v31, v37;
	[tilespmem:s17+$0xD460] =	vst v53;
	v61 =	vld.idx.msk [tilespmem:v54+s10+$0x0], $0xffff  }
0x321: {  	v38 =	vor.u32 v31, v38;
	v32 =	vld.idx.msk [tilespmem:v55+s10+$0x0], $0xffff;
	[tilespmem:s19+$0xD460] =	vst v47  }
0x322: {  	[tilespmem:s20+$0xD460] =	vst v41;
	v33 =	vld.idx.msk [tilespmem:v56+s10+$0x0], $0xffff  }
0x323: {  	v34 =	vld.idx.msk [tilespmem:v57+s10+$0x0], $0xffff;
	[tilespmem:s22+$0xD460] =	vst v58  }
0x324: {  	[tilespmem:s23+$0xD460] =	vst v39;
	v35 =	vld.idx.msk [tilespmem:v59+s10+$0x0], $0xffff  }
0x325: {  	v62 =	vld.idx.msk [tilespmem:v60+s10+$0x0], $0xffff;
	[tilespmem:s24+$0xD460] =	vst v61  }
0x326: {  	[tilespmem:s17+$0xD470] =	vst v32;
	v63 =	vld.idx.msk [tilespmem:v38+s10+$0x0], $0xffff  }
0x327: {  	[tilespmem:s19+$0xD470] =	vst v33  }
0x328: {  	[tilespmem:s20+$0xD470] =	vst v34  }
0x329: {  	[tilespmem:s22+$0xD470] =	vst v35  }
0x32a: {  	[tilespmem:s23+$0xD470] =	vst v62  }
0x32b: {  	s18 =	simm.s32 $0x80;
	s17 =	simm.s32 $0x1;
	s19 =	simm.s32 $0xC0;
	[tilespmem:s24+$0xD470] =	vst v63  }
0x32c: {  	[hbm4b:s8+s4] =	stream.linear.scatter [tilespmem:s13], [sflag:$0x2], $0x8000, $0x38;
	[tilespmem:$0x14800] =	vst v63  }
.LBB2_6:
0x32d: {  	v32 =	vmov s18;
	_ =	sdelay $0x1  }
0x32e: {  	_ =	swait.ge [sflag:s14], $0x8000  }
0x32f: {  	[sflag:s14] =	ssyncset.done $0x0  }
0x330: {  	[sflag:s14] =	ssyncadd.s32 $0xFFFF8000  }
0x331: {  	v32 =	vld.idx.msk [tilespmem:v32+s4+$0x0], $0xffff;
	_ =	sdelay $0x4  }
0x332: {  	v38 =	vshll.u32 v32, $0x9  }
0x333: {  	v32 =	vor.u32 v0, v38;
	_ =	sdelay $0x4  }
0x334: {  	v32 =	vld.idx.msk [tilespmem:v32+s10+$0x0], $0xffff  }
0x335: {  	v33 =	vor.u32 v1, v38  }
0x336: {  	s0 =	simm.s32 $0x0  }
0x337: {  	s20 =	sand.u32 $0x7000, s0;
	s0 =	sand.u32 $0x380, s0  }
0x338: {  	s26 =	sor.u32 s0, s20  }
0x339: {  	[tilespmem:s26+$0x4800] =	vst v32  }
0x33a: {  	v32 =	vld.idx.msk [tilespmem:v33+s10+$0x0], $0xffff  }
0x33b: {  	v57 =	vor.u32 v2, v38;
	_ =	sdelay $0x2  }
0x33c: {  	s25 =	sadd.s32 $0x1, s18  }
0x33d: {  	v58 =	vmov s25;
	[tilespmem:s26+$0x4810] =	vst v32  }
0x33e: {  	v33 =	vld.idx.msk [tilespmem:v57+s10+$0x0], $0xffff  }
0x33f: {  	v34 =	vor.u32 v3, v38;
	_ =	sdelay $0x2  }
0x340: {  	v32 =	vld.idx.msk [tilespmem:v58+s4+$0x0], $0xffff  }
0x341: {  	[tilespmem:s26+$0x4820] =	vst v33  }
0x342: {  	v33 =	vld.idx.msk [tilespmem:v34+s10+$0x0], $0xffff  }
0x343: {  	v35 =	vor.u32 v4, v38;
	_ =	sdelay $0x1  }
0x344: {  	v34 =	vshll.u32 v32, $0x9  }
0x345: {  	v32 =	vor.u32 v0, v34  }
0x346: {  	[tilespmem:s26+$0x4830] =	vst v33  }
0x347: {  	v33 =	vld.idx.msk [tilespmem:v35+s10+$0x0], $0xffff  }
0x348: {  	v59 =	vor.u32 v5, v38;
	_ =	sdelay $0x1  }
0x349: {  	v32 =	vld.idx.msk [tilespmem:v32+s10+$0x0], $0xffff  }
0x34a: {  	v60 =	vor.u32 v1, v34  }
0x34b: {  	s3 =	simm.s32 $0x200;
	s21 =	simm.s32 $0x80;
	[tilespmem:s26+$0x4840] =	vst v33  }
0x34c: {  	s21 =	sand.u32 $0x380, s21;
	s20 =	sand.u32 $0x7000, s3;
	v35 =	vld.idx.msk [tilespmem:v59+s10+$0x0], $0xffff  }
0x34d: {  	s22 =	sor.u32 s21, s20;
	v36 =	vor.u32 v6, v38  }
0x34e: {  	s0 =	sadd.s32 $0x1, s25;
	[tilespmem:s22+$0x4800] =	vst v32  }
0x34f: {  	v63 =	vmov s0;
	v32 =	vld.idx.msk [tilespmem:v60+s10+$0x0], $0xffff  }
0x350: {  	v61 =	vor.u32 v2, v34  }
0x351: {  	[tilespmem:s26+$0x4850] =	vst v35  }
0x352: {  	v35 =	vld.idx.msk [tilespmem:v36+s10+$0x0], $0xffff  }
0x353: {  	v62 =	vor.u32 v7, v38  }
0x354: {  	[tilespmem:s22+$0x4810] =	vst v32;
	v32 =	vld.idx.msk [tilespmem:v63+s4+$0x0], $0xffff  }
0x355: {  	v33 =	vld.idx.msk [tilespmem:v61+s10+$0x0], $0xffff  }
0x356: {  	v40 =	vor.u32 v3, v34  }
0x357: {  	[tilespmem:s26+$0x4860] =	vst v35  }
0x358: {  	v36 =	vld.idx.msk [tilespmem:v62+s10+$0x0], $0xffff  }
0x359: {  	v37 =	vor.u32 v8, v38  }
0x35a: {  	v32 =	vshll.u32 v32, $0x9;
	[tilespmem:s22+$0x4820] =	vst v33  }
0x35b: {  	v43 =	vor.u32 v0, v32;
	v33 =	vld.idx.msk [tilespmem:v40+s10+$0x0], $0xffff  }
0x35c: {  	v41 =	vor.u32 v4, v34  }
0x35d: {  	[tilespmem:s26+$0x4870] =	vst v36  }
0x35e: {  	v36 =	vld.idx.msk [tilespmem:v37+s10+$0x0], $0xffff  }
0x35f: {  	v42 =	vor.u32 v9, v38  }
0x360: {  	[tilespmem:s22+$0x4830] =	vst v33;
	v33 =	vld.idx.msk [tilespmem:v43+s10+$0x0], $0xffff  }
0x361: {  	v45 =	vor.u32 v1, v32;
	v35 =	vld.idx.msk [tilespmem:v41+s10+$0x0], $0xffff  }
0x362: {  	s23 =	simm.s32 $0x100;
	s21 =	simm.s32 $0x400;
	v44 =	vor.u32 v5, v34  }
0x363: {  	s20 =	sand.u32 $0x7000, s21;
	s21 =	sand.u32 $0x380, s23;
	[tilespmem:s26+$0x4C00] =	vst v36  }
0x364: {  	s21 =	sor.u32 s21, s20;
	v37 =	vld.idx.msk [tilespmem:v42+s10+$0x0], $0xffff  }
0x365: {  	v39 =	vor.u32 v10, v38;
	[tilespmem:s21+$0x4800] =	vst v33  }
0x366: {  	[tilespmem:s22+$0x4840] =	vst v35;
	v35 =	vld.idx.msk [tilespmem:v45+s10+$0x0], $0xffff  }
0x367: {  	v48 =	vor.u32 v2, v32;
	v36 =	vld.idx.msk [tilespmem:v44+s10+$0x0], $0xffff  }
0x368: {  	v46 =	vor.u32 v6, v34  }
0x369: {  	s0 =	sadd.s32 $0x1, s0;
	[tilespmem:s26+$0x4C10] =	vst v37  }
0x36a: {  	v40 =	vmov s0;
	v39 =	vld.idx.msk [tilespmem:v39+s10+$0x0], $0xffff  }
0x36b: {  	v47 =	vor.u32 v11, v38;
	[tilespmem:s21+$0x4810] =	vst v35  }
0x36c: {  	[tilespmem:s22+$0x4850] =	vst v36;
	v36 =	vld.idx.msk [tilespmem:v48+s10+$0x0], $0xffff  }
0x36d: {  	v51 =	vor.u32 v3, v32;
	v37 =	vld.idx.msk [tilespmem:v46+s10+$0x0], $0xffff  }
0x36e: {  	v49 =	vor.u32 v7, v34  }
0x36f: {  	v40 =	vld.idx.msk [tilespmem:v40+s4+$0x0], $0xffff;
	[tilespmem:s26+$0x4C20] =	vst v39  }
0x370: {  	v33 =	vld.idx.msk [tilespmem:v47+s10+$0x0], $0xffff  }
0x371: {  	v50 =	vor.u32 v12, v38;
	[tilespmem:s21+$0x4820] =	vst v36  }
0x372: {  	[tilespmem:s22+$0x4860] =	vst v37;
	v37 =	vld.idx.msk [tilespmem:v51+s10+$0x0], $0xffff  }
0x373: {  	v54 =	vor.u32 v4, v32;
	v39 =	vld.idx.msk [tilespmem:v49+s10+$0x0], $0xffff  }
0x374: {  	v52 =	vor.u32 v8, v34  }
0x375: {  	[tilespmem:s26+$0x4C30] =	vst v33;
	v33 =	vshll.u32 v40, $0x9  }
0x376: {  	v35 =	vld.idx.msk [tilespmem:v50+s10+$0x0], $0xffff;
	v40 =	vor.u32 v0, v33  }
0x377: {  	v53 =	vor.u32 v13, v38;
	[tilespmem:s21+$0x4830] =	vst v37  }
0x378: {  	[tilespmem:s22+$0x4870] =	vst v39;
	v39 =	vld.idx.msk [tilespmem:v54+s10+$0x0], $0xffff  }
0x379: {  	v57 =	vor.u32 v5, v32;
	v41 =	vld.idx.msk [tilespmem:v52+s10+$0x0], $0xffff  }
0x37a: {  	v55 =	vor.u32 v9, v34  }
0x37b: {  	[tilespmem:s26+$0x4C40] =	vst v35;
	v40 =	vld.idx.msk [tilespmem:v40+s10+$0x0], $0xffff  }
0x37c: {  	v42 =	vor.u32 v1, v33;
	v36 =	vld.idx.msk [tilespmem:v53+s10+$0x0], $0xffff  }
0x37d: {  	s24 =	simm.s32 $0x600;
	s23 =	simm.s32 $0x180;
	v56 =	vor.u32 v14, v38;
	[tilespmem:s21+$0x4840] =	vst v39  }
0x37e: {  	s20 =	sand.u32 $0x7000, s24;
	s23 =	sand.u32 $0x380, s23;
	[tilespmem:s22+$0x4C00] =	vst v41;
	v41 =	vld.idx.msk [tilespmem:v57+s10+$0x0], $0xffff  }
0x37f: {  	s23 =	sor.u32 s23, s20;
	v60 =	vor.u32 v6, v32;
	v35 =	vld.idx.msk [tilespmem:v55+s10+$0x0], $0xffff  }
0x380: {  	v58 =	vor.u32 v10, v34;
	[tilespmem:s23+$0x4800] =	vst v40  }
0x381: {  	[tilespmem:s26+$0x4C50] =	vst v36;
	v40 =	vld.idx.msk [tilespmem:v42+s10+$0x0], $0xffff  }
0x382: {  	v63 =	vor.u32 v2, v33;
	v37 =	vld.idx.msk [tilespmem:v56+s10+$0x0], $0xffff  }
0x383: {  	v59 =	vor.u32 v15, v38;
	[tilespmem:s21+$0x4850] =	vst v41  }
0x384: {  	[tilespmem:s22+$0x4C10] =	vst v35;
	v35 =	vld.idx.msk [tilespmem:v60+s10+$0x0], $0xffff  }
0x385: {  	v45 =	vor.u32 v7, v32;
	v36 =	vld.idx.msk [tilespmem:v58+s10+$0x0], $0xffff  }
0x386: {  	v61 =	vor.u32 v11, v34;
	[tilespmem:s23+$0x4810] =	vst v40  }
0x387: {  	[tilespmem:s26+$0x4C60] =	vst v37;
	v48 =	vld.idx.msk [tilespmem:v63+s10+$0x0], $0xffff  }
0x388: {  	v50 =	vor.u32 v3, v33;
	v39 =	vld.idx.msk [tilespmem:v59+s10+$0x0], $0xffff  }
0x389: {  	v62 =	vor.u32 v16, v38;
	[tilespmem:s21+$0x4860] =	vst v35  }
0x38a: {  	[tilespmem:s22+$0x4C20] =	vst v36;
	v36 =	vld.idx.msk [tilespmem:v45+s10+$0x0], $0xffff  }
0x38b: {  	v51 =	vor.u32 v8, v32;
	v37 =	vld.idx.msk [tilespmem:v61+s10+$0x0], $0xffff  }
0x38c: {  	s0 =	sadd.s32 $0x1, s0;
	v46 =	vor.u32 v12, v34;
	[tilespmem:s23+$0x4820] =	vst v48  }
0x38d: {  	v43 =	vmov s0;
	[tilespmem:s26+$0x4C70] =	vst v39;
	v41 =	vld.idx.msk [tilespmem:v50+s10+$0x0], $0xffff  }
0x38e: {  	v54 =	vor.u32 v4, v33;
	v47 =	vld.idx.msk [tilespmem:v62+s10+$0x0], $0xffff  }
0x38f: {  	v49 =	vor.u32 v17, v38;
	[tilespmem:s21+$0x4870] =	vst v36  }
0x390: {  	[tilespmem:s22+$0x4C30] =	vst v37;
	v37 =	vld.idx.msk [tilespmem:v51+s10+$0x0], $0xffff  }
0x391: {  	v55 =	vor.u32 v9, v32;
	v39 =	vld.idx.msk [tilespmem:v46+s10+$0x0], $0xffff  }
0x392: {  	v43 =	vld.idx.msk [tilespmem:v43+s4+$0x0], $0xffff;
	v52 =	vor.u32 v13, v34;
	[tilespmem:s23+$0x4830] =	vst v41  }
0x393: {  	[tilespmem:s26+$0x5000] =	vst v47;
	v42 =	vld.idx.msk [tilespmem:v54+s10+$0x0], $0xffff  }
0x394: {  	v35 =	vld.idx.msk [tilespmem:v49+s10+$0x0], $0xffff  }
0x395: {  	v44 =	vor.u32 v5, v33;
	[tilespmem:s21+$0x4C00] =	vst v37  }
0x396: {  	v53 =	vor.u32 v18, v38;
	[tilespmem:s22+$0x4C40] =	vst v39;
	v39 =	vld.idx.msk [tilespmem:v55+s10+$0x0], $0xffff  }
0x397: {  	v59 =	vor.u32 v10, v32;
	v40 =	vld.idx.msk [tilespmem:v52+s10+$0x0], $0xffff  }
0x398: {  	v56 =	vor.u32 v14, v34;
	[tilespmem:s23+$0x4840] =	vst v42  }
0x399: {  	[tilespmem:s26+$0x5010] =	vst v35;
	v35 =	vshll.u32 v43, $0x9  }
0x39a: {  	v44 =	vld.idx.msk [tilespmem:v44+s10+$0x0], $0xffff;
	v57 =	vor.u32 v0, v35  }
0x39b: {  	v45 =	vor.u32 v6, v33;
	[tilespmem:s21+$0x4C10] =	vst v39;
	v36 =	vld.idx.msk [tilespmem:v53+s10+$0x0], $0xffff  }
0x39c: {  	v58 =	vor.u32 v19, v38;
	[tilespmem:s22+$0x4C50] =	vst v40;
	v40 =	vld.idx.msk [tilespmem:v59+s10+$0x0], $0xffff  }
0x39d: {  	v63 =	vor.u32 v11, v32;
	v43 =	vld.idx.msk [tilespmem:v56+s10+$0x0], $0xffff  }
0x39e: {  	v60 =	vor.u32 v15, v34  }
0x39f: {  	[tilespmem:s23+$0x4850] =	vst v44;
	v41 =	vld.idx.msk [tilespmem:v57+s10+$0x0], $0xffff  }
0x3a0: {  	v61 =	vor.u32 v1, v35;
	[tilespmem:s26+$0x5020] =	vst v36;
	v44 =	vld.idx.msk [tilespmem:v45+s10+$0x0], $0xffff  }
0x3a1: {  	s25 =	simm.s32 $0x800;
	s24 =	simm.s32 $0x200;
	v51 =	vor.u32 v7, v33;
	[tilespmem:s21+$0x4C20] =	vst v40;
	v37 =	vld.idx.msk [tilespmem:v58+s10+$0x0], $0xffff  }
0x3a2: {  	s20 =	sand.u32 $0x7000, s25;
	s24 =	sand.u32 $0x380, s24;
	v62 =	vor.u32 v20, v38;
	[tilespmem:s22+$0x4C60] =	vst v43;
	v43 =	vld.idx.msk [tilespmem:v63+s10+$0x0], $0xffff  }
0x3a3: {  	s24 =	sor.u32 s24, s20;
	v52 =	vor.u32 v12, v32;
	v36 =	vld.idx.msk [tilespmem:v60+s10+$0x0], $0xffff  }
0x3a4: {  	s0 =	sadd.s32 $0x1, s0;
	v48 =	vor.u32 v16, v34;
	[tilespmem:s24+$0x4800] =	vst v41  }
0x3a5: {  	v46 =	vmov s0;
	[tilespmem:s23+$0x4860] =	vst v44;
	v41 =	vld.idx.msk [tilespmem:v61+s10+$0x0], $0xffff  }
0x3a6: {  	v49 =	vor.u32 v2, v35;
	[tilespmem:s26+$0x5030] =	vst v37;
	v44 =	vld.idx.msk [tilespmem:v51+s10+$0x0], $0xffff  }
0x3a7: {  	v56 =	vor.u32 v8, v33;
	[tilespmem:s21+$0x4C30] =	vst v43;
	v39 =	vld.idx.msk [tilespmem:v62+s10+$0x0], $0xffff  }
0x3a8: {  	v50 =	vor.u32 v21, v38;
	[tilespmem:s22+$0x4C70] =	vst v36;
	v36 =	vld.idx.msk [tilespmem:v52+s10+$0x0], $0xffff  }
0x3a9: {  	v57 =	vor.u32 v13, v32;
	v37 =	vld.idx.msk [tilespmem:v48+s10+$0x0], $0xffff  }
0x3aa: {  	s0 =	sadd.s32 $0x1, s0;
	v46 =	vld.idx.msk [tilespmem:v46+s4+$0x0], $0xffff;
	v53 =	vor.u32 v17, v34;
	[tilespmem:s24+$0x4810] =	vst v41  }
0x3ab: {  	v58 =	vmov s0;
	[tilespmem:s23+$0x4870] =	vst v44;
	v41 =	vld.idx.msk [tilespmem:v49+s10+$0x0], $0xffff  }
0x3ac: {  	v54 =	vor.u32 v3, v35;
	[tilespmem:s26+$0x5040] =	vst v39;
	v45 =	vld.idx.msk [tilespmem:v56+s10+$0x0], $0xffff  }
0x3ad: {  	v48 =	vor.u32 v9, v33;
	[tilespmem:s21+$0x4C40] =	vst v36;
	v40 =	vld.idx.msk [tilespmem:v50+s10+$0x0], $0xffff  }
0x3ae: {  	v55 =	vor.u32 v22, v38;
	[tilespmem:s22+$0x5000] =	vst v37;
	v37 =	vld.idx.msk [tilespmem:v57+s10+$0x0], $0xffff  }
0x3af: {  	v61 =	vor.u32 v14, v32;
	v39 =	vld.idx.msk [tilespmem:v53+s10+$0x0], $0xffff  }
0x3b0: {  	v59 =	vor.u32 v18, v34;
	v36 =	vshll.u32 v46, $0x9;
	[tilespmem:s24+$0x4820] =	vst v41;
	v41 =	vld.idx.msk [tilespmem:v58+s4+$0x0], $0xffff  }
0x3b1: {  	v62 =	vor.u32 v0, v36;
	[tilespmem:s23+$0x4C00] =	vst v45;
	v42 =	vld.idx.msk [tilespmem:v54+s10+$0x0], $0xffff  }
0x3b2: {  	v60 =	vor.u32 v4, v35;
	[tilespmem:s26+$0x5050] =	vst v40;
	v54 =	vld.idx.msk [tilespmem:v48+s10+$0x0], $0xffff  }
0x3b3: {  	v56 =	vor.u32 v10, v33;
	[tilespmem:s21+$0x4C50] =	vst v37;
	v43 =	vld.idx.msk [tilespmem:v55+s10+$0x0], $0xffff  }
0x3b4: {  	v47 =	vor.u32 v23, v38;
	[tilespmem:s22+$0x5010] =	vst v39;
	v39 =	vld.idx.msk [tilespmem:v61+s10+$0x0], $0xffff  }
0x3b5: {  	v40 =	vld.idx.msk [tilespmem:v59+s10+$0x0], $0xffff  }
0x3b6: {  	v57 =	vor.u32 v15, v32;
	[tilespmem:s24+$0x4830] =	vst v42;
	v42 =	vld.idx.msk [tilespmem:v62+s10+$0x0], $0xffff  }
0x3b7: {  	v63 =	vor.u32 v19, v34;
	[tilespmem:s23+$0x4C10] =	vst v54;
	v44 =	vld.idx.msk [tilespmem:v60+s10+$0x0], $0xffff  }
0x3b8: {  	s3 =	simm.s32 $0xA00;
	s25 =	simm.s32 $0x280;
	v58 =	vor.u32 v1, v36;
	[tilespmem:s26+$0x5060] =	vst v43;
	v48 =	vld.idx.msk [tilespmem:v56+s10+$0x0], $0xffff  }
0x3b9: {  	s20 =	sand.u32 $0x7000, s3;
	s25 =	sand.u32 $0x380, s25;
	v53 =	vor.u32 v5, v35;
	[tilespmem:s21+$0x4C60] =	vst v39;
	v52 =	vld.idx.msk [tilespmem:v47+s10+$0x0], $0xffff  }
0x3ba: {  	s25 =	sor.u32 s25, s20;
	v62 =	vor.u32 v11, v33;
	[tilespmem:s22+$0x5020] =	vst v40  }
0x3bb: {  	v55 =	vor.u32 v24, v38;
	v40 =	vld.idx.msk [tilespmem:v57+s10+$0x0], $0xffff;
	[tilespmem:s25+$0x4800] =	vst v42  }
0x3bc: {  	v43 =	vld.idx.msk [tilespmem:v63+s10+$0x0], $0xffff;
	v63 =	vor.u32 v16, v32;
	[tilespmem:s24+$0x4840] =	vst v44  }
0x3bd: {  	v59 =	vor.u32 v20, v34;
	v44 =	vld.idx.msk [tilespmem:v58+s10+$0x0], $0xffff;
	[tilespmem:s23+$0x4C20] =	vst v48  }
0x3be: {  	v46 =	vld.idx.msk [tilespmem:v53+s10+$0x0], $0xffff;
	[tilespmem:s26+$0x5070] =	vst v52;
	v52 =	vor.u32 v2, v36  }
0x3bf: {  	v60 =	vor.u32 v6, v35;
	v42 =	vld.idx.msk [tilespmem:v62+s10+$0x0], $0xffff  }
0x3c0: {  	v56 =	vor.u32 v12, v33;
	[tilespmem:s21+$0x4C70] =	vst v40;
	v37 =	vld.idx.msk [tilespmem:v55+s10+$0x0], $0xffff  }
0x3c1: {  	v61 =	vor.u32 v25, v38;
	[tilespmem:s22+$0x5030] =	vst v43;
	v43 =	vld.idx.msk [tilespmem:v63+s10+$0x0], $0xffff  }
0x3c2: {  	v57 =	vor.u32 v17, v32;
	v45 =	vld.idx.msk [tilespmem:v59+s10+$0x0], $0xffff;
	[tilespmem:s25+$0x4810] =	vst v44  }
0x3c3: {  	v53 =	vor.u32 v21, v34;
	[tilespmem:s24+$0x4850] =	vst v46;
	v46 =	vld.idx.msk [tilespmem:v52+s10+$0x0], $0xffff  }
0x3c4: {  	v58 =	vor.u32 v3, v36;
	[tilespmem:s23+$0x4C30] =	vst v42;
	v47 =	vld.idx.msk [tilespmem:v60+s10+$0x0], $0xffff  }
0x3c5: {  	v54 =	vor.u32 v7, v35;
	[tilespmem:s26+$0x5400] =	vst v37;
	v44 =	vld.idx.msk [tilespmem:v56+s10+$0x0], $0xffff  }
0x3c6: {  	v62 =	vor.u32 v13, v33;
	[tilespmem:s21+$0x5000] =	vst v43;
	v39 =	vld.idx.msk [tilespmem:v61+s10+$0x0], $0xffff  }
0x3c7: {  	s29 =	sadd.s32 $0x1, s0;
	v55 =	vor.u32 v26, v38;
	[tilespmem:s22+$0x5040] =	vst v45;
	v45 =	vld.idx.msk [tilespmem:v57+s10+$0x0], $0xffff  }
0x3c8: {  	v49 =	vmov s29;
	v37 =	vld.idx.msk [tilespmem:v53+s10+$0x0], $0xffff;
	[tilespmem:s25+$0x4820] =	vst v46  }
0x3c9: {  	v63 =	vor.u32 v18, v32;
	[tilespmem:s24+$0x4860] =	vst v47;
	v47 =	vld.idx.msk [tilespmem:v58+s10+$0x0], $0xffff  }
0x3ca: {  	v59 =	vor.u32 v22, v34;
	[tilespmem:s23+$0x4C40] =	vst v44;
	v48 =	vld.idx.msk [tilespmem:v54+s10+$0x0], $0xffff  }
0x3cb: {  	v51 =	vor.u32 v4, v36;
	[tilespmem:s26+$0x5410] =	vst v39;
	v46 =	vld.idx.msk [tilespmem:v62+s10+$0x0], $0xffff  }
0x3cc: {  	v60 =	vor.u32 v8, v35;
	v40 =	vld.idx.msk [tilespmem:v55+s10+$0x0], $0xffff  }
0x3cd: {  	v61 =	vor.u32 v27, v38;
	[tilespmem:s21+$0x5010] =	vst v45;
	v39 =	vld.idx.msk [tilespmem:v49+s4+$0x0], $0xffff  }
0x3ce: {  	v56 =	vor.u32 v14, v33;
	[tilespmem:s22+$0x5050] =	vst v37;
	v37 =	vshll.u32 v41, $0x9;
	v57 =	vld.idx.msk [tilespmem:v63+s10+$0x0], $0xffff  }
0x3cf: {  	v50 =	vld.idx.msk [tilespmem:v59+s10+$0x0], $0xffff;
	v58 =	vor.u32 v0, v37;
	[tilespmem:s25+$0x4830] =	vst v47  }
0x3d0: {  	v53 =	vor.u32 v23, v34;
	[tilespmem:s24+$0x4870] =	vst v48;
	v59 =	vld.idx.msk [tilespmem:v51+s10+$0x0], $0xffff  }
0x3d1: {  	v42 =	vld.idx.msk [tilespmem:v60+s10+$0x0], $0xffff;
	[tilespmem:s26+$0x5420] =	vst v40;
	v60 =	vor.u32 v19, v32  }
0x3d2: {  	v54 =	vor.u32 v9, v35;
	[tilespmem:s23+$0x4C50] =	vst v46;
	v43 =	vld.idx.msk [tilespmem:v61+s10+$0x0], $0xffff  }
0x3d3: {  	v55 =	vor.u32 v28, v38;
	v41 =	vld.idx.msk [tilespmem:v56+s10+$0x0], $0xffff  }
0x3d4: {  	[tilespmem:s22+$0x5060] =	vst v50;
	v48 =	vld.idx.msk [tilespmem:v58+s10+$0x0], $0xffff;
	v61 =	vor.u32 v5, v36  }
0x3d5: {  	[tilespmem:s21+$0x5020] =	vst v57;
	v56 =	vor.u32 v1, v37;
	v40 =	vld.idx.msk [tilespmem:v53+s10+$0x0], $0xffff  }
0x3d6: {  	s30 =	simm.s32 $0x300;
	s20 =	simm.s32 $0xC00;
	v62 =	vor.u32 v24, v34;
	[tilespmem:s24+$0x4C00] =	vst v42;
	v42 =	vld.idx.msk [tilespmem:v60+s10+$0x0], $0xffff  }
0x3d7: {  	s3 =	sand.u32 $0x380, s30;
	s0 =	sand.u32 $0x7000, s20;
	v57 =	vor.u32 v20, v32;
	v44 =	vld.idx.msk [tilespmem:v54+s10+$0x0], $0xffff;
	[tilespmem:s26+$0x5430] =	vst v43  }
0x3d8: {  	s28 =	sor.u32 s3, s0;
	v63 =	vor.u32 v10, v35;
	[tilespmem:s25+$0x4840] =	vst v59;
	v45 =	vld.idx.msk [tilespmem:v55+s10+$0x0], $0xffff  }
0x3d9: {  	[tilespmem:s28+$0x4800] =	vst v48;
	v54 =	vor.u32 v29, v38;
	v50 =	vld.idx.msk [tilespmem:v61+s10+$0x0], $0xffff  }
0x3da: {  	[tilespmem:s22+$0x5070] =	vst v40;
	v60 =	vld.idx.msk [tilespmem:v56+s10+$0x0], $0xffff;
	v55 =	vor.u32 v15, v33  }
0x3db: {  	v58 =	vor.u32 v6, v36;
	v43 =	vld.idx.msk [tilespmem:v62+s10+$0x0], $0xffff;
	[tilespmem:s21+$0x5030] =	vst v42  }
0x3dc: {  	v59 =	vor.u32 v25, v34;
	[tilespmem:s24+$0x4C10] =	vst v44;
	v52 =	vld.idx.msk [tilespmem:v57+s10+$0x0], $0xffff  }
0x3dd: {  	v46 =	vld.idx.msk [tilespmem:v63+s10+$0x0], $0xffff;
	[tilespmem:s26+$0x5440] =	vst v45;
	v63 =	vor.u32 v2, v37  }
0x3de: {  	v47 =	vor.u32 v11, v35;
	[tilespmem:s23+$0x4C60] =	vst v41;
	v45 =	vld.idx.msk [tilespmem:v54+s10+$0x0], $0xffff  }
0x3df: {  	v61 =	vor.u32 v30, v38;
	[tilespmem:s25+$0x4850] =	vst v50;
	v48 =	vld.idx.msk [tilespmem:v55+s10+$0x0], $0xffff  }
0x3e0: {  	v62 =	vor.u32 v16, v33;
	v53 =	vld.idx.msk [tilespmem:v58+s10+$0x0], $0xffff;
	[tilespmem:s22+$0x5400] =	vst v43  }
0x3e1: {  	[tilespmem:s28+$0x4810] =	vst v60;
	v54 =	vor.u32 v21, v32;
	v55 =	vld.idx.msk [tilespmem:v59+s10+$0x0], $0xffff  }
0x3e2: {  	v56 =	vor.u32 v7, v36;
	[tilespmem:s24+$0x4C20] =	vst v46;
	v40 =	vld.idx.msk [tilespmem:v63+s10+$0x0], $0xffff  }
0x3e3: {  	v42 =	vld.idx.msk [tilespmem:v47+s10+$0x0], $0xffff;
	[tilespmem:s26+$0x5450] =	vst v45;
	v45 =	vor.u32 v26, v34  }
0x3e4: {  	[tilespmem:s23+$0x4C70] =	vst v48;
	v46 =	vor.u32 v12, v35;
	v41 =	vld.idx.msk [tilespmem:v61+s10+$0x0], $0xffff  }
0x3e5: {  	v44 =	vor.u32 v31, v38;
	[tilespmem:s21+$0x5040] =	vst v52;
	v43 =	vld.idx.msk [tilespmem:v62+s10+$0x0], $0xffff  }
0x3e6: {  	[tilespmem:s25+$0x4860] =	vst v53;
	v38 =	vld.idx.msk [tilespmem:v54+s10+$0x0], $0xffff;
	v47 =	vor.u32 v17, v33  }
0x3e7: {  	s31 =	simm.s32 $0xE00;
	s20 =	sshll.u32 s17, $0x7;
	s0 =	simm.s32 $0x1000;
	v49 =	vor.u32 v3, v37;
	v48 =	vld.idx.msk [tilespmem:v56+s10+$0x0], $0xffff;
	[tilespmem:s22+$0x5410] =	vst v55  }
.LBB2_7:
0x3e8: {  	p0 =	sne.s32 s0, $0x7E00;
	[tilespmem:s24+$0x4C30] =	vst v42;
	v42 =	vor.u32 v22, v32;
	v45 =	vld.idx.msk [tilespmem:v45+s10+$0x0], $0xffff  }
0x3e9: {  	v50 =	vor.u32 v8, v36;
	v46 =	vld.idx.msk [tilespmem:v46+s10+$0x0], $0xffff;
	[tilespmem:s26+$0x5460] =	vst v41  }
0x3ea: {  	v41 =	vor.u32 v27, v34;
	[tilespmem:s23+$0x5000] =	vst v43;
	v43 =	vld.idx.msk [tilespmem:v44+s10+$0x0], $0xffff  }
0x3eb: {  	s29 =	sadd.s32 $0x1, s29;
	[tilespmem:s28+$0x4820] =	vst v40;
	v40 =	vor.u32 v13, v35;
	v44 =	vld.idx.msk [tilespmem:v47+s10+$0x0], $0xffff  }
0x3ec: {  	v47 =	vmov s29;
	v49 =	vld.idx.msk [tilespmem:v49+s10+$0x0], $0xffff;
	[tilespmem:s21+$0x5050] =	vst v38  }
0x3ed: {  	v38 =	vor.u32 v18, v33;
	[tilespmem:s25+$0x4870] =	vst v48;
	v42 =	vld.idx.msk [tilespmem:v42+s10+$0x0], $0xffff  }
0x3ee: {  	v48 =	vor.u32 v4, v37;
	v50 =	vld.idx.msk [tilespmem:v50+s10+$0x0], $0xffff;
	[tilespmem:s22+$0x5420] =	vst v45  }
0x3ef: {  	v45 =	vor.u32 v23, v32;
	[tilespmem:s24+$0x4C40] =	vst v46;
	v41 =	vld.idx.msk [tilespmem:v41+s10+$0x0], $0xffff  }
0x3f0: {  	v46 =	vor.u32 v9, v36;
	v40 =	vld.idx.msk [tilespmem:v40+s10+$0x0], $0xffff;
	[tilespmem:s26+$0x5470] =	vst v43;
	s26 =	smov.u32 s22;
	s22 =	smov.u32 s21;
	s21 =	smov.u32 s23  }
0x3f1: {  	s23 =	smov.u32 s24;
	s24 =	smov.u32 s25;
	s25 =	smov.u32 s28;
	v43 =	vld.idx.msk [tilespmem:v47+s4+$0x0], $0xffff;
	[tilespmem:s21+$0x5010] =	vst v44;
	v44 =	vor.u32 v28, v34  }
0x3f2: {  	v51 =	vshll.u32 v39, $0x9;
	v39 =	vor.u32 v14, v35;
	[tilespmem:s25+$0x4830] =	vst v49;
	v38 =	vld.idx.msk [tilespmem:v38+s10+$0x0], $0xffff  }
0x3f3: {  	v47 =	vor.u32 v0, v51;
	v48 =	vld.idx.msk [tilespmem:v48+s10+$0x0], $0xffff;
	[tilespmem:s22+$0x5060] =	vst v42  }
0x3f4: {  	v42 =	vor.u32 v19, v33;
	[tilespmem:s24+$0x4C00] =	vst v50;
	v45 =	vld.idx.msk [tilespmem:v45+s10+$0x0], $0xffff  }
0x3f5: {  	v49 =	vor.u32 v5, v37;
	v46 =	vld.idx.msk [tilespmem:v46+s10+$0x0], $0xffff;
	[tilespmem:s26+$0x5430] =	vst v41  }
0x3f6: {  	[tilespmem:s23+$0x4C50] =	vst v40;
	v40 =	vor.u32 v24, v32;
	v41 =	vld.idx.msk [tilespmem:v44+s10+$0x0], $0xffff  }
0x3f7: {  	v44 =	vor.u32 v10, v36;
	v50 =	vld.idx.msk [tilespmem:v39+s10+$0x0], $0xffff;
	v39 =	vmov v43  }
0x3f8: {  	v43 =	vld.idx.msk [tilespmem:v47+s10+$0x0], $0xffff;
	[tilespmem:s21+$0x5020] =	vst v38;
	v38 =	vor.u32 v29, v34  }
0x3f9: {  	v47 =	vor.u32 v15, v35;
	[tilespmem:s25+$0x4840] =	vst v48;
	v42 =	vld.idx.msk [tilespmem:v42+s10+$0x0], $0xffff  }
0x3fa: {  	v48 =	vor.u32 v1, v51;
	v49 =	vld.idx.msk [tilespmem:v49+s10+$0x0], $0xffff;
	[tilespmem:s22+$0x5070] =	vst v45  }
0x3fb: {  	s30 =	sadd.s32 $0x80, s30;
	v45 =	vor.u32 v20, v33;
	[tilespmem:s24+$0x4C10] =	vst v46;
	v40 =	vld.idx.msk [tilespmem:v40+s10+$0x0], $0xffff  }
0x3fc: {  	s3 =	sand.u32 $0x380, s30;
	s28 =	sand.u32 $0x7000, s31;
	s31 =	smov.u32 s0;
	v46 =	vor.u32 v6, v37;
	v44 =	vld.idx.msk [tilespmem:v44+s10+$0x0], $0xffff;
	[tilespmem:s26+$0x5440] =	vst v41  }
0x3fd: {  	s28 =	sor.u32 s3, s28;
	v41 =	vor.u32 v25, v32;
	[tilespmem:s23+$0x4C60] =	vst v50;
	v38 =	vld.idx.msk [tilespmem:v38+s10+$0x0], $0xffff  }
0x3fe: {  	[tilespmem:s28+$0x4800] =	vst v43;
	v43 =	vor.u32 v11, v36;
	v47 =	vld.idx.msk [tilespmem:v47+s10+$0x0], $0xffff  }
0x3ff: {  	v50 =	vor.u32 v30, v34;
	v48 =	vld.idx.msk [tilespmem:v48+s10+$0x0], $0xffff;
	[tilespmem:s21+$0x5030] =	vst v42  }
0x400: {  	[tilespmem:s25+$0x4850] =	vst v49;
	v49 =	vor.u32 v16, v35;
	v52 =	vld.idx.msk [tilespmem:v45+s10+$0x0], $0xffff  }
0x401: {  	v53 =	vor.u32 v2, v51;
	v54 =	vld.idx.msk [tilespmem:v46+s10+$0x0], $0xffff;
	[tilespmem:s22+$0x5400] =	vst v40  }
0x402: {  	v55 =	vor.u32 v21, v33;
	[tilespmem:s24+$0x4C20] =	vst v44;
	v56 =	vld.idx.msk [tilespmem:v41+s10+$0x0], $0xffff  }
0x403: {  	v57 =	vor.u32 v7, v37;
	v42 =	vld.idx.msk [tilespmem:v43+s10+$0x0], $0xffff;
	[tilespmem:s26+$0x5450] =	vst v38  }
.Ltmp2:
0x404: {  	v45 =	vor.u32 v26, v32;
	[tilespmem:s23+$0x4C70] =	vst v47;
	v41 =	vld.idx.msk [tilespmem:v50+s10+$0x0], $0xffff;
	(pc) =	sbr.rel @p0 .LBB2_7-.Ltmp2, $4  }
0x405: {  	v46 =	vor.u32 v12, v36;
	[tilespmem:s28+$0x4810] =	vst v48;
	v43 =	vld.idx.msk [tilespmem:v49+s10+$0x0], $0xffff  }
0x406: {  	v44 =	vor.u32 v31, v34;
	v34 =	vmovc v32;
	v32 =	vmov v33;
	v33 =	vmov v35;
	v40 =	vld.idx.msk [tilespmem:v53+s10+$0x0], $0xffff;
	[tilespmem:s21+$0x5040] =	vst v52  }
0x407: {  	v35 =	vmovc v36;
	v36 =	vmov v37;
	v37 =	vmov v51;
	v47 =	vor.u32 v17, v33;
	[tilespmem:s25+$0x4860] =	vst v54;
	v38 =	vld.idx.msk [tilespmem:v55+s10+$0x0], $0xffff  }
0x408: {  	s0 =	sadd.s32 $0x200, s0;
	v49 =	vor.u32 v3, v37;
	v48 =	vld.idx.msk [tilespmem:v57+s10+$0x0], $0xffff;
	[tilespmem:s22+$0x5410] =	vst v56  }
0x409: {  	_ =	sdelay $0x2  }
0x40a: {  	[tilespmem:s24+$0x4C30] =	vst v42  }
0x40b: {  	v56 =	vor.u32 v22, v32;
	v45 =	vld.idx.msk [tilespmem:v45+s10+$0x0], $0xffff;
	[tilespmem:s26+$0x5460] =	vst v41  }
0x40c: {  	v57 =	vor.u32 v8, v36;
	v46 =	vld.idx.msk [tilespmem:v46+s10+$0x0], $0xffff;
	[tilespmem:s23+$0x5000] =	vst v43  }
0x40d: {  	v44 =	vld.idx.msk [tilespmem:v44+s10+$0x0], $0xffff;
	[tilespmem:s28+$0x4820] =	vst v40  }
0x40e: {  	v58 =	vor.u32 v27, v34;
	v47 =	vld.idx.msk [tilespmem:v47+s10+$0x0], $0xffff;
	[tilespmem:s21+$0x5050] =	vst v38  }
0x40f: {  	v59 =	vor.u32 v13, v35;
	v49 =	vld.idx.msk [tilespmem:v49+s10+$0x0], $0xffff;
	[tilespmem:s25+$0x4870] =	vst v48  }
0x410: {  	v60 =	vor.u32 v18, v33;
	v42 =	vld.idx.msk [tilespmem:v56+s10+$0x0], $0xffff;
	[tilespmem:s22+$0x5420] =	vst v45  }
0x411: {  	v50 =	vor.u32 v4, v37;
	v38 =	vshll.u32 v39, $0x9;
	v41 =	vld.idx.msk [tilespmem:v57+s10+$0x0], $0xffff;
	[tilespmem:s24+$0x4C40] =	vst v46  }
0x412: {  	v61 =	vor.u32 v0, v38;
	[tilespmem:s26+$0x5470] =	vst v44  }
0x413: {  	v39 =	vld.idx.msk [tilespmem:v58+s10+$0x0], $0xffff;
	[tilespmem:s23+$0x5010] =	vst v47  }
0x414: {  	v44 =	vld.idx.msk [tilespmem:v59+s10+$0x0], $0xffff;
	[tilespmem:s28+$0x4830] =	vst v49  }
0x415: {  	v40 =	vld.idx.msk [tilespmem:v60+s10+$0x0], $0xffff;
	[tilespmem:s21+$0x5060] =	vst v42  }
0x416: {  	v62 =	vld.idx.msk [tilespmem:v50+s10+$0x0], $0xffff;
	[tilespmem:s25+$0x4C00] =	vst v41  }
0x417: {  	v41 =	vld.idx.msk [tilespmem:v61+s10+$0x0], $0xffff  }
0x418: {  	v63 =	vor.u32 v1, v38  }
0x419: {  	s0 =	sadd.s32 $0x80, s30  }
0x41a: {  	s3 =	sand.u32 $0x7000, s31;
	s0 =	sand.u32 $0x380, s0  }
0x41b: {  	s26 =	sor.u32 s0, s3  }
0x41c: {  	[tilespmem:s26+$0x4800] =	vst v41  }
0x41d: {  	v41 =	vld.idx.msk [tilespmem:v63+s10+$0x0], $0xffff  }
0x41e: {  	v46 =	vor.u32 v2, v38;
	_ =	sdelay $0x3  }
0x41f: {  	[tilespmem:s26+$0x4810] =	vst v41  }
0x420: {  	v41 =	vld.idx.msk [tilespmem:v46+s10+$0x0], $0xffff  }
0x421: {  	v47 =	vor.u32 v3, v38;
	_ =	sdelay $0x3  }
0x422: {  	[tilespmem:s26+$0x4820] =	vst v41  }
0x423: {  	v41 =	vld.idx.msk [tilespmem:v47+s10+$0x0], $0xffff  }
0x424: {  	v48 =	vor.u32 v4, v38;
	_ =	sdelay $0x3  }
0x425: {  	[tilespmem:s26+$0x4830] =	vst v41  }
0x426: {  	v49 =	vor.u32 v5, v37;
	v42 =	vld.idx.msk [tilespmem:v48+s10+$0x0], $0xffff  }
0x427: {  	v50 =	vor.u32 v5, v38;
	_ =	sdelay $0x2  }
0x428: {  	[tilespmem:s28+$0x4840] =	vst v62  }
0x429: {  	v41 =	vld.idx.msk [tilespmem:v49+s10+$0x0], $0xffff;
	[tilespmem:s26+$0x4840] =	vst v42  }
0x42a: {  	v51 =	vor.u32 v6, v37;
	v43 =	vld.idx.msk [tilespmem:v50+s10+$0x0], $0xffff  }
0x42b: {  	v52 =	vor.u32 v6, v38;
	_ =	sdelay $0x2  }
0x42c: {  	[tilespmem:s28+$0x4850] =	vst v41  }
0x42d: {  	v41 =	vld.idx.msk [tilespmem:v51+s10+$0x0], $0xffff;
	[tilespmem:s26+$0x4850] =	vst v43  }
0x42e: {  	v53 =	vor.u32 v7, v37;
	v43 =	vld.idx.msk [tilespmem:v52+s10+$0x0], $0xffff  }
0x42f: {  	v54 =	vor.u32 v7, v38;
	_ =	sdelay $0x2  }
0x430: {  	[tilespmem:s28+$0x4860] =	vst v41  }
0x431: {  	v41 =	vld.idx.msk [tilespmem:v53+s10+$0x0], $0xffff;
	[tilespmem:s26+$0x4860] =	vst v43  }
0x432: {  	v55 =	vor.u32 v8, v37;
	v43 =	vld.idx.msk [tilespmem:v54+s10+$0x0], $0xffff  }
0x433: {  	v56 =	vor.u32 v8, v38;
	_ =	sdelay $0x2  }
0x434: {  	[tilespmem:s28+$0x4870] =	vst v41  }
0x435: {  	v57 =	vor.u32 v9, v36;
	v42 =	vld.idx.msk [tilespmem:v55+s10+$0x0], $0xffff;
	[tilespmem:s26+$0x4870] =	vst v43  }
0x436: {  	v58 =	vor.u32 v9, v37;
	v45 =	vld.idx.msk [tilespmem:v56+s10+$0x0], $0xffff  }
0x437: {  	v59 =	vor.u32 v9, v38;
	_ =	sdelay $0x2  }
0x438: {  	v41 =	vld.idx.msk [tilespmem:v57+s10+$0x0], $0xffff;
	[tilespmem:s28+$0x4C00] =	vst v42  }
0x439: {  	v60 =	vor.u32 v10, v36;
	v43 =	vld.idx.msk [tilespmem:v58+s10+$0x0], $0xffff;
	[tilespmem:s26+$0x4C00] =	vst v45  }
0x43a: {  	v61 =	vor.u32 v10, v37;
	v46 =	vld.idx.msk [tilespmem:v59+s10+$0x0], $0xffff  }
0x43b: {  	v62 =	vor.u32 v10, v38;
	_ =	sdelay $0x1  }
0x43c: {  	[tilespmem:s25+$0x4C10] =	vst v41  }
0x43d: {  	v41 =	vld.idx.msk [tilespmem:v60+s10+$0x0], $0xffff;
	[tilespmem:s28+$0x4C10] =	vst v43  }
0x43e: {  	v63 =	vor.u32 v11, v36;
	v43 =	vld.idx.msk [tilespmem:v61+s10+$0x0], $0xffff;
	[tilespmem:s26+$0x4C10] =	vst v46  }
0x43f: {  	v48 =	vor.u32 v11, v37;
	v46 =	vld.idx.msk [tilespmem:v62+s10+$0x0], $0xffff  }
0x440: {  	v49 =	vor.u32 v11, v38;
	_ =	sdelay $0x1  }
0x441: {  	[tilespmem:s25+$0x4C20] =	vst v41  }
0x442: {  	v41 =	vld.idx.msk [tilespmem:v63+s10+$0x0], $0xffff;
	[tilespmem:s28+$0x4C20] =	vst v43  }
0x443: {  	v50 =	vor.u32 v12, v36;
	v43 =	vld.idx.msk [tilespmem:v48+s10+$0x0], $0xffff;
	[tilespmem:s26+$0x4C20] =	vst v46  }
0x444: {  	v51 =	vor.u32 v12, v37;
	v46 =	vld.idx.msk [tilespmem:v49+s10+$0x0], $0xffff  }
0x445: {  	v52 =	vor.u32 v12, v38;
	_ =	sdelay $0x1  }
0x446: {  	[tilespmem:s25+$0x4C30] =	vst v41  }
0x447: {  	v41 =	vld.idx.msk [tilespmem:v50+s10+$0x0], $0xffff;
	[tilespmem:s28+$0x4C30] =	vst v43  }
0x448: {  	v53 =	vor.u32 v13, v36;
	v43 =	vld.idx.msk [tilespmem:v51+s10+$0x0], $0xffff;
	[tilespmem:s26+$0x4C30] =	vst v46  }
0x449: {  	v54 =	vor.u32 v13, v37;
	v46 =	vld.idx.msk [tilespmem:v52+s10+$0x0], $0xffff  }
0x44a: {  	v55 =	vor.u32 v13, v38;
	_ =	sdelay $0x1  }
0x44b: {  	v56 =	vor.u32 v14, v35;
	[tilespmem:s25+$0x4C40] =	vst v41  }
0x44c: {  	v42 =	vld.idx.msk [tilespmem:v53+s10+$0x0], $0xffff;
	[tilespmem:s28+$0x4C40] =	vst v43  }
0x44d: {  	v57 =	vor.u32 v14, v36;
	v45 =	vld.idx.msk [tilespmem:v54+s10+$0x0], $0xffff;
	[tilespmem:s26+$0x4C40] =	vst v46  }
0x44e: {  	v58 =	vor.u32 v14, v37;
	v47 =	vld.idx.msk [tilespmem:v55+s10+$0x0], $0xffff  }
0x44f: {  	[tilespmem:s24+$0x4C50] =	vst v44;
	v59 =	vor.u32 v14, v38  }
0x450: {  	v41 =	vld.idx.msk [tilespmem:v56+s10+$0x0], $0xffff  }
0x451: {  	v60 =	vor.u32 v15, v35;
	[tilespmem:s25+$0x4C50] =	vst v42  }
0x452: {  	v43 =	vld.idx.msk [tilespmem:v57+s10+$0x0], $0xffff;
	[tilespmem:s28+$0x4C50] =	vst v45  }
0x453: {  	v61 =	vor.u32 v15, v36;
	v45 =	vld.idx.msk [tilespmem:v58+s10+$0x0], $0xffff;
	[tilespmem:s26+$0x4C50] =	vst v47  }
0x454: {  	v62 =	vor.u32 v15, v37;
	v47 =	vld.idx.msk [tilespmem:v59+s10+$0x0], $0xffff  }
0x455: {  	v63 =	vor.u32 v15, v38;
	[tilespmem:s24+$0x4C60] =	vst v41  }
0x456: {  	v41 =	vld.idx.msk [tilespmem:v60+s10+$0x0], $0xffff  }
0x457: {  	v52 =	vor.u32 v16, v35;
	[tilespmem:s25+$0x4C60] =	vst v43  }
0x458: {  	v43 =	vld.idx.msk [tilespmem:v61+s10+$0x0], $0xffff;
	[tilespmem:s28+$0x4C60] =	vst v45  }
0x459: {  	v53 =	vor.u32 v16, v36;
	v45 =	vld.idx.msk [tilespmem:v62+s10+$0x0], $0xffff;
	[tilespmem:s26+$0x4C60] =	vst v47  }
0x45a: {  	v54 =	vor.u32 v16, v37;
	v47 =	vld.idx.msk [tilespmem:v63+s10+$0x0], $0xffff  }
0x45b: {  	[tilespmem:s24+$0x4C70] =	vst v41;
	v55 =	vor.u32 v16, v38  }
0x45c: {  	v41 =	vld.idx.msk [tilespmem:v52+s10+$0x0], $0xffff  }
0x45d: {  	v56 =	vor.u32 v17, v35;
	[tilespmem:s25+$0x4C70] =	vst v43  }
0x45e: {  	v43 =	vld.idx.msk [tilespmem:v53+s10+$0x0], $0xffff;
	[tilespmem:s28+$0x4C70] =	vst v45  }
0x45f: {  	v57 =	vor.u32 v17, v36;
	v45 =	vld.idx.msk [tilespmem:v54+s10+$0x0], $0xffff;
	[tilespmem:s26+$0x4C70] =	vst v47  }
0x460: {  	v58 =	vor.u32 v17, v37;
	v47 =	vld.idx.msk [tilespmem:v55+s10+$0x0], $0xffff  }
0x461: {  	[tilespmem:s24+$0x5000] =	vst v41;
	v59 =	vor.u32 v17, v38  }
0x462: {  	v41 =	vld.idx.msk [tilespmem:v56+s10+$0x0], $0xffff  }
0x463: {  	v60 =	vor.u32 v18, v35;
	[tilespmem:s25+$0x5000] =	vst v43  }
0x464: {  	v43 =	vld.idx.msk [tilespmem:v57+s10+$0x0], $0xffff;
	[tilespmem:s28+$0x5000] =	vst v45  }
0x465: {  	v61 =	vor.u32 v18, v36;
	v45 =	vld.idx.msk [tilespmem:v58+s10+$0x0], $0xffff;
	[tilespmem:s26+$0x5000] =	vst v47  }
0x466: {  	v62 =	vor.u32 v18, v37;
	v47 =	vld.idx.msk [tilespmem:v59+s10+$0x0], $0xffff  }
0x467: {  	[tilespmem:s24+$0x5010] =	vst v41;
	v63 =	vor.u32 v18, v38  }
0x468: {  	v53 =	vor.u32 v19, v33;
	v42 =	vld.idx.msk [tilespmem:v60+s10+$0x0], $0xffff  }
0x469: {  	v54 =	vor.u32 v19, v35;
	[tilespmem:s25+$0x5010] =	vst v43  }
0x46a: {  	v52 =	vor.u32 v23, v32;
	v44 =	vld.idx.msk [tilespmem:v61+s10+$0x0], $0xffff;
	[tilespmem:s28+$0x5010] =	vst v45  }
0x46b: {  	v55 =	vor.u32 v19, v36;
	v46 =	vld.idx.msk [tilespmem:v62+s10+$0x0], $0xffff;
	[tilespmem:s26+$0x5010] =	vst v47  }
0x46c: {  	[tilespmem:s23+$0x5020] =	vst v40;
	v56 =	vor.u32 v19, v37;
	v47 =	vld.idx.msk [tilespmem:v63+s10+$0x0], $0xffff  }
0x46d: {  	v41 =	vld.idx.msk [tilespmem:v53+s10+$0x0], $0xffff;
	[tilespmem:s24+$0x5020] =	vst v42;
	v58 =	vor.u32 v19, v38  }
0x46e: {  	[tilespmem:s22+$0x5430] =	vst v39;
	v60 =	vor.u32 v20, v33;
	v43 =	vld.idx.msk [tilespmem:v54+s10+$0x0], $0xffff  }
0x46f: {  	v57 =	vld.idx.msk [tilespmem:v52+s10+$0x0], $0xffff;
	v61 =	vor.u32 v20, v35;
	[tilespmem:s25+$0x5020] =	vst v44  }
0x470: {  	v45 =	vld.idx.msk [tilespmem:v55+s10+$0x0], $0xffff;
	v59 =	vor.u32 v28, v34;
	[tilespmem:s28+$0x5020] =	vst v46  }
0x471: {  	v62 =	vor.u32 v20, v36;
	v39 =	vld.idx.msk [tilespmem:v56+s10+$0x0], $0xffff;
	[tilespmem:s26+$0x5020] =	vst v47  }
0x472: {  	[tilespmem:s23+$0x5030] =	vst v41;
	v63 =	vor.u32 v20, v37;
	v40 =	vld.idx.msk [tilespmem:v58+s10+$0x0], $0xffff  }
0x473: {  	v53 =	vor.u32 v20, v38;
	v42 =	vld.idx.msk [tilespmem:v60+s10+$0x0], $0xffff;
	[tilespmem:s24+$0x5030] =	vst v43  }
0x474: {  	[tilespmem:s21+$0x5070] =	vst v57;
	v55 =	vor.u32 v21, v33;
	v44 =	vld.idx.msk [tilespmem:v61+s10+$0x0], $0xffff  }
0x475: {  	v54 =	vor.u32 v24, v32;
	[tilespmem:s25+$0x5030] =	vst v45;
	v52 =	vld.idx.msk [tilespmem:v59+s10+$0x0], $0xffff  }
0x476: {  	v56 =	vor.u32 v21, v35;
	v46 =	vld.idx.msk [tilespmem:v62+s10+$0x0], $0xffff;
	[tilespmem:s28+$0x5030] =	vst v39  }
0x477: {  	v57 =	vor.u32 v21, v36;
	v47 =	vld.idx.msk [tilespmem:v63+s10+$0x0], $0xffff;
	[tilespmem:s26+$0x5030] =	vst v40  }
0x478: {  	[tilespmem:s23+$0x5040] =	vst v42;
	v58 =	vor.u32 v21, v37;
	v41 =	vld.idx.msk [tilespmem:v53+s10+$0x0], $0xffff  }
0x479: {  	v60 =	vor.u32 v21, v38;
	v43 =	vld.idx.msk [tilespmem:v55+s10+$0x0], $0xffff;
	[tilespmem:s24+$0x5040] =	vst v44  }
0x47a: {  	v59 =	vld.idx.msk [tilespmem:v54+s10+$0x0], $0xffff;
	v62 =	vor.u32 v22, v33;
	[tilespmem:s22+$0x5440] =	vst v52  }
0x47b: {  	v61 =	vor.u32 v29, v34;
	v45 =	vld.idx.msk [tilespmem:v56+s10+$0x0], $0xffff;
	[tilespmem:s25+$0x5040] =	vst v46  }
0x47c: {  	v63 =	vor.u32 v22, v35;
	v39 =	vld.idx.msk [tilespmem:v57+s10+$0x0], $0xffff;
	[tilespmem:s28+$0x5040] =	vst v47  }
0x47d: {  	v52 =	vor.u32 v22, v36;
	v40 =	vld.idx.msk [tilespmem:v58+s10+$0x0], $0xffff;
	[tilespmem:s26+$0x5040] =	vst v41  }
0x47e: {  	[tilespmem:s23+$0x5050] =	vst v43;
	v53 =	vor.u32 v22, v37;
	v42 =	vld.idx.msk [tilespmem:v60+s10+$0x0], $0xffff  }
0x47f: {  	v55 =	vor.u32 v22, v38;
	[tilespmem:s21+$0x5400] =	vst v59;
	v44 =	vld.idx.msk [tilespmem:v62+s10+$0x0], $0xffff  }
0x480: {  	v56 =	vor.u32 v25, v32;
	v54 =	vld.idx.msk [tilespmem:v61+s10+$0x0], $0xffff;
	[tilespmem:s24+$0x5050] =	vst v45  }
0x481: {  	v57 =	vor.u32 v23, v33;
	v46 =	vld.idx.msk [tilespmem:v63+s10+$0x0], $0xffff;
	[tilespmem:s25+$0x5050] =	vst v39  }
0x482: {  	v58 =	vor.u32 v23, v35;
	v47 =	vld.idx.msk [tilespmem:v52+s10+$0x0], $0xffff;
	[tilespmem:s28+$0x5050] =	vst v40  }
0x483: {  	v59 =	vor.u32 v23, v36;
	v41 =	vld.idx.msk [tilespmem:v53+s10+$0x0], $0xffff;
	[tilespmem:s26+$0x5050] =	vst v42  }
0x484: {  	[tilespmem:s23+$0x5060] =	vst v44;
	v60 =	vor.u32 v23, v37;
	v43 =	vld.idx.msk [tilespmem:v55+s10+$0x0], $0xffff  }
0x485: {  	v62 =	vor.u32 v23, v38;
	v61 =	vld.idx.msk [tilespmem:v56+s10+$0x0], $0xffff;
	[tilespmem:s22+$0x5450] =	vst v54  }
0x486: {  	v63 =	vor.u32 v30, v34;
	v45 =	vld.idx.msk [tilespmem:v57+s10+$0x0], $0xffff;
	[tilespmem:s24+$0x5060] =	vst v46  }
0x487: {  	v52 =	vor.u32 v24, v33;
	v39 =	vld.idx.msk [tilespmem:v58+s10+$0x0], $0xffff;
	[tilespmem:s25+$0x5060] =	vst v47  }
0x488: {  	v53 =	vor.u32 v24, v35;
	v40 =	vld.idx.msk [tilespmem:v59+s10+$0x0], $0xffff;
	[tilespmem:s28+$0x5060] =	vst v41  }
0x489: {  	v54 =	vor.u32 v24, v36;
	v42 =	vld.idx.msk [tilespmem:v60+s10+$0x0], $0xffff;
	[tilespmem:s26+$0x5060] =	vst v43  }
0x48a: {  	[tilespmem:s21+$0x5410] =	vst v61;
	v55 =	vor.u32 v24, v37;
	v44 =	vld.idx.msk [tilespmem:v62+s10+$0x0], $0xffff  }
0x48b: {  	v57 =	vor.u32 v24, v38;
	v56 =	vld.idx.msk [tilespmem:v63+s10+$0x0], $0xffff;
	[tilespmem:s23+$0x5070] =	vst v45  }
0x48c: {  	v58 =	vor.u32 v26, v32;
	v46 =	vld.idx.msk [tilespmem:v52+s10+$0x0], $0xffff;
	[tilespmem:s24+$0x5070] =	vst v39  }
0x48d: {  	v59 =	vor.u32 v25, v33;
	v47 =	vld.idx.msk [tilespmem:v53+s10+$0x0], $0xffff;
	[tilespmem:s25+$0x5070] =	vst v40  }
0x48e: {  	v60 =	vor.u32 v25, v35;
	v41 =	vld.idx.msk [tilespmem:v54+s10+$0x0], $0xffff;
	[tilespmem:s28+$0x5070] =	vst v42  }
0x48f: {  	v61 =	vor.u32 v25, v36;
	v43 =	vld.idx.msk [tilespmem:v55+s10+$0x0], $0xffff;
	[tilespmem:s26+$0x5070] =	vst v44  }
0x490: {  	[tilespmem:s22+$0x5460] =	vst v56;
	v62 =	vor.u32 v25, v37;
	v45 =	vld.idx.msk [tilespmem:v57+s10+$0x0], $0xffff  }
0x491: {  	v51 =	vor.u32 v25, v38;
	v63 =	vld.idx.msk [tilespmem:v58+s10+$0x0], $0xffff;
	[tilespmem:s23+$0x5400] =	vst v46  }
0x492: {  	v52 =	vor.u32 v31, v34;
	v39 =	vld.idx.msk [tilespmem:v59+s10+$0x0], $0xffff;
	[tilespmem:s24+$0x5400] =	vst v47  }
0x493: {  	v53 =	vor.u32 v26, v33;
	v40 =	vld.idx.msk [tilespmem:v60+s10+$0x0], $0xffff;
	[tilespmem:s25+$0x5400] =	vst v41  }
0x494: {  	v54 =	vor.u32 v26, v35;
	v42 =	vld.idx.msk [tilespmem:v61+s10+$0x0], $0xffff;
	[tilespmem:s28+$0x5400] =	vst v43  }
0x495: {  	v55 =	vor.u32 v26, v36;
	v44 =	vld.idx.msk [tilespmem:v62+s10+$0x0], $0xffff;
	[tilespmem:s26+$0x5400] =	vst v45  }
0x496: {  	v56 =	vor.u32 v26, v37;
	[tilespmem:s21+$0x5420] =	vst v63;
	v46 =	vld.idx.msk [tilespmem:v51+s10+$0x0], $0xffff  }
0x497: {  	v34 =	vld.idx.msk [tilespmem:v52+s10+$0x0], $0xffff;
	[tilespmem:s23+$0x5410] =	vst v39;
	v57 =	vor.u32 v26, v38  }
0x498: {  	v58 =	vor.u32 v27, v32;
	v47 =	vld.idx.msk [tilespmem:v53+s10+$0x0], $0xffff;
	[tilespmem:s24+$0x5410] =	vst v40  }
0x499: {  	v59 =	vor.u32 v27, v33;
	v41 =	vld.idx.msk [tilespmem:v54+s10+$0x0], $0xffff;
	[tilespmem:s25+$0x5410] =	vst v42  }
0x49a: {  	v60 =	vor.u32 v27, v35;
	v43 =	vld.idx.msk [tilespmem:v55+s10+$0x0], $0xffff;
	[tilespmem:s28+$0x5410] =	vst v44  }
0x49b: {  	v61 =	vor.u32 v27, v36;
	v45 =	vld.idx.msk [tilespmem:v56+s10+$0x0], $0xffff;
	[tilespmem:s26+$0x5410] =	vst v46  }
0x49c: {  	[tilespmem:s22+$0x5470] =	vst v34;
	v62 =	vor.u32 v27, v37;
	v39 =	vld.idx.msk [tilespmem:v57+s10+$0x0], $0xffff  }
0x49d: {  	v52 =	vor.u32 v27, v38;
	v63 =	vld.idx.msk [tilespmem:v58+s10+$0x0], $0xffff;
	[tilespmem:s23+$0x5420] =	vst v47  }
0x49e: {  	v53 =	vor.u32 v28, v32;
	v40 =	vld.idx.msk [tilespmem:v59+s10+$0x0], $0xffff;
	[tilespmem:s24+$0x5420] =	vst v41  }
0x49f: {  	v54 =	vor.u32 v28, v33;
	v42 =	vld.idx.msk [tilespmem:v60+s10+$0x0], $0xffff;
	[tilespmem:s25+$0x5420] =	vst v43  }
0x4a0: {  	v55 =	vor.u32 v28, v35;
	v44 =	vld.idx.msk [tilespmem:v61+s10+$0x0], $0xffff;
	[tilespmem:s28+$0x5420] =	vst v45  }
0x4a1: {  	v56 =	vor.u32 v28, v36;
	v34 =	vld.idx.msk [tilespmem:v62+s10+$0x0], $0xffff;
	[tilespmem:s26+$0x5420] =	vst v39  }
0x4a2: {  	[tilespmem:s21+$0x5430] =	vst v63;
	v57 =	vor.u32 v28, v37;
	v58 =	vld.idx.msk [tilespmem:v52+s10+$0x0], $0xffff  }
0x4a3: {  	v59 =	vld.idx.msk [tilespmem:v53+s10+$0x0], $0xffff;
	[tilespmem:s23+$0x5430] =	vst v40;
	v60 =	vor.u32 v28, v38  }
0x4a4: {  	v41 =	vld.idx.msk [tilespmem:v54+s10+$0x0], $0xffff;
	v61 =	vor.u32 v29, v32;
	[tilespmem:s24+$0x5430] =	vst v42  }
0x4a5: {  	v43 =	vld.idx.msk [tilespmem:v55+s10+$0x0], $0xffff;
	[tilespmem:s25+$0x5430] =	vst v44;
	v62 =	vor.u32 v29, v33  }
0x4a6: {  	v63 =	vor.u32 v29, v35;
	v45 =	vld.idx.msk [tilespmem:v56+s10+$0x0], $0xffff;
	[tilespmem:s28+$0x5430] =	vst v34  }
0x4a7: {  	v39 =	vld.idx.msk [tilespmem:v57+s10+$0x0], $0xffff;
	v52 =	vor.u32 v29, v36;
	[tilespmem:s26+$0x5430] =	vst v58  }
0x4a8: {  	v53 =	vor.u32 v29, v37;
	[tilespmem:s21+$0x5440] =	vst v59;
	v40 =	vld.idx.msk [tilespmem:v60+s10+$0x0], $0xffff  }
0x4a9: {  	v54 =	vor.u32 v29, v38;
	[tilespmem:s23+$0x5440] =	vst v41;
	v47 =	vld.idx.msk [tilespmem:v61+s10+$0x0], $0xffff  }
0x4aa: {  	v55 =	vor.u32 v30, v32;
	[tilespmem:s24+$0x5440] =	vst v43;
	v42 =	vld.idx.msk [tilespmem:v62+s10+$0x0], $0xffff  }
0x4ab: {  	v56 =	vor.u32 v30, v33;
	v44 =	vld.idx.msk [tilespmem:v63+s10+$0x0], $0xffff;
	[tilespmem:s25+$0x5440] =	vst v45  }
0x4ac: {  	v57 =	vor.u32 v30, v35;
	[tilespmem:s28+$0x5440] =	vst v39;
	v34 =	vld.idx.msk [tilespmem:v52+s10+$0x0], $0xffff  }
0x4ad: {  	v58 =	vor.u32 v30, v36;
	v46 =	vld.idx.msk [tilespmem:v53+s10+$0x0], $0xffff;
	[tilespmem:s26+$0x5440] =	vst v40  }
0x4ae: {  	v59 =	vor.u32 v30, v37;
	[tilespmem:s21+$0x5450] =	vst v47;
	v41 =	vld.idx.msk [tilespmem:v54+s10+$0x0], $0xffff  }
0x4af: {  	v47 =	vld.idx.msk [tilespmem:v55+s10+$0x0], $0xffff;
	[tilespmem:s23+$0x5450] =	vst v42;
	v60 =	vor.u32 v30, v38  }
0x4b0: {  	v61 =	vor.u32 v31, v32;
	[tilespmem:s24+$0x5450] =	vst v44;
	v43 =	vld.idx.msk [tilespmem:v56+s10+$0x0], $0xffff  }
0x4b1: {  	v62 =	vor.u32 v31, v33;
	v44 =	vld.idx.msk [tilespmem:v57+s10+$0x0], $0xffff;
	[tilespmem:s25+$0x5450] =	vst v34  }
0x4b2: {  	v63 =	vor.u32 v31, v35;
	[tilespmem:s28+$0x5450] =	vst v46;
	v45 =	vld.idx.msk [tilespmem:v58+s10+$0x0], $0xffff  }
0x4b3: {  	v48 =	vor.u32 v31, v36;
	v49 =	vld.idx.msk [tilespmem:v59+s10+$0x0], $0xffff;
	[tilespmem:s26+$0x5450] =	vst v41  }
0x4b4: {  	v50 =	vor.u32 v31, v37;
	[tilespmem:s21+$0x5460] =	vst v47;
	v51 =	vld.idx.msk [tilespmem:v60+s10+$0x0], $0xffff  }
0x4b5: {  	v32 =	vld.idx.msk [tilespmem:v61+s10+$0x0], $0xffff;
	v38 =	vor.u32 v31, v38;
	[tilespmem:s23+$0x5460] =	vst v43  }
0x4b6: {  	[tilespmem:s24+$0x5460] =	vst v44;
	v33 =	vld.idx.msk [tilespmem:v62+s10+$0x0], $0xffff  }
0x4b7: {  	v34 =	vld.idx.msk [tilespmem:v63+s10+$0x0], $0xffff;
	[tilespmem:s25+$0x5460] =	vst v45  }
0x4b8: {  	[tilespmem:s28+$0x5460] =	vst v49;
	v35 =	vld.idx.msk [tilespmem:v48+s10+$0x0], $0xffff  }
0x4b9: {  	v52 =	vld.idx.msk [tilespmem:v50+s10+$0x0], $0xffff;
	[tilespmem:s26+$0x5460] =	vst v51  }
0x4ba: {  	[tilespmem:s21+$0x5470] =	vst v32;
	v53 =	vld.idx.msk [tilespmem:v38+s10+$0x0], $0xffff  }
0x4bb: {  	[tilespmem:s23+$0x5470] =	vst v33  }
0x4bc: {  	[tilespmem:s24+$0x5470] =	vst v34  }
0x4bd: {  	s3 =	sadd.s32 s5, s20;
	[tilespmem:s25+$0x5470] =	vst v35  }
0x4be: {  	s0 =	sshll.u32 s3, $0x6;
	[tilespmem:s28+$0x5470] =	vst v52  }
0x4bf: {  	s0 =	sadd.s32 s2, s0;
	s21 =	simm.s32 $0x0;
	v54 =	vmov s19;
	[tilespmem:s26+$0x5470] =	vst v53  }
0x4c0: {  	[hbm4b:s0+s21] =	stream.linear.scatter [tilespmem:s12], [sflag:$0x1], $0x8000, $0x38;
	[tilespmem:$0x14800] =	vst v63  }
0x4c1: {  	_ =	swait.ge [sflag:s15], $0x8000  }
0x4c2: {  	[sflag:s15] =	ssyncset.done $0x0  }
0x4c3: {  	[sflag:s15] =	ssyncadd.s32 $0xFFFF8000  }
0x4c4: {  	v32 =	vld.idx.msk [tilespmem:v54+s4+$0x0], $0xffff;
	_ =	sdelay $0x4  }
0x4c5: {  	v38 =	vshll.u32 v32, $0x9  }
0x4c6: {  	v32 =	vor.u32 v0, v38;
	_ =	sdelay $0x4  }
0x4c7: {  	v32 =	vld.idx.msk [tilespmem:v32+s10+$0x0], $0xffff  }
0x4c8: {  	v55 =	vor.u32 v1, v38;
	_ =	sdelay $0x1  }
0x4c9: {  	s22 =	sand.u32 $0x7000, s21;
	s3 =	sand.u32 $0x380, s21  }
0x4ca: {  	s25 =	sor.u32 s3, s22  }
0x4cb: {  	s23 =	sadd.s32 $0x1, s19;
	[tilespmem:s25+$0xC800] =	vst v32  }
0x4cc: {  	v57 =	vmov s23;
	v32 =	vld.idx.msk [tilespmem:v55+s10+$0x0], $0xffff  }
0x4cd: {  	v56 =	vor.u32 v2, v38;
	_ =	sdelay $0x3  }
0x4ce: {  	[tilespmem:s25+$0xC810] =	vst v32;
	v32 =	vld.idx.msk [tilespmem:v57+s4+$0x0], $0xffff  }
0x4cf: {  	v33 =	vld.idx.msk [tilespmem:v56+s10+$0x0], $0xffff  }
0x4d0: {  	v58 =	vor.u32 v3, v38;
	_ =	sdelay $0x3  }
0x4d1: {  	v34 =	vshll.u32 v32, $0x9;
	[tilespmem:s25+$0xC820] =	vst v33  }
0x4d2: {  	v32 =	vor.u32 v0, v34;
	v33 =	vld.idx.msk [tilespmem:v58+s10+$0x0], $0xffff  }
0x4d3: {  	v59 =	vor.u32 v4, v38;
	_ =	sdelay $0x3  }
0x4d4: {  	v32 =	vld.idx.msk [tilespmem:v32+s10+$0x0], $0xffff;
	[tilespmem:s25+$0xC830] =	vst v33  }
0x4d5: {  	v61 =	vor.u32 v1, v34;
	v33 =	vld.idx.msk [tilespmem:v59+s10+$0x0], $0xffff  }
0x4d6: {  	s24 =	simm.s32 $0x200;
	s26 =	simm.s32 $0x80;
	v60 =	vor.u32 v5, v38  }
0x4d7: {  	s3 =	sand.u32 $0x7000, s24;
	s21 =	sand.u32 $0x380, s26  }
0x4d8: {  	s22 =	sor.u32 s21, s3  }
0x4d9: {  	[tilespmem:s22+$0xC800] =	vst v32  }
0x4da: {  	v32 =	vld.idx.msk [tilespmem:v61+s10+$0x0], $0xffff;
	[tilespmem:s25+$0xC840] =	vst v33  }
0x4db: {  	v63 =	vor.u32 v2, v34;
	v35 =	vld.idx.msk [tilespmem:v60+s10+$0x0], $0xffff  }
0x4dc: {  	v62 =	vor.u32 v6, v38;
	_ =	sdelay $0x1  }
0x4dd: {  	s0 =	sadd.s32 $0x1, s23  }
0x4de: {  	v41 =	vmov s0;
	[tilespmem:s22+$0xC810] =	vst v32  }
0x4df: {  	v33 =	vld.idx.msk [tilespmem:v63+s10+$0x0], $0xffff;
	[tilespmem:s25+$0xC850] =	vst v35  }
0x4e0: {  	v42 =	vor.u32 v3, v34;
	v35 =	vld.idx.msk [tilespmem:v62+s10+$0x0], $0xffff  }
0x4e1: {  	v40 =	vor.u32 v7, v38;
	_ =	sdelay $0x1  }
0x4e2: {  	v32 =	vld.idx.msk [tilespmem:v41+s4+$0x0], $0xffff  }
0x4e3: {  	[tilespmem:s22+$0xC820] =	vst v33  }
0x4e4: {  	v33 =	vld.idx.msk [tilespmem:v42+s10+$0x0], $0xffff;
	[tilespmem:s25+$0xC860] =	vst v35  }
0x4e5: {  	v44 =	vor.u32 v4, v34;
	v36 =	vld.idx.msk [tilespmem:v40+s10+$0x0], $0xffff  }
0x4e6: {  	v43 =	vor.u32 v8, v38  }
0x4e7: {  	v32 =	vshll.u32 v32, $0x9  }
0x4e8: {  	v46 =	vor.u32 v0, v32  }
0x4e9: {  	[tilespmem:s22+$0xC830] =	vst v33  }
0x4ea: {  	v35 =	vld.idx.msk [tilespmem:v44+s10+$0x0], $0xffff;
	[tilespmem:s25+$0xC870] =	vst v36  }
0x4eb: {  	v47 =	vor.u32 v5, v34;
	v36 =	vld.idx.msk [tilespmem:v43+s10+$0x0], $0xffff  }
0x4ec: {  	v45 =	vor.u32 v9, v38  }
0x4ed: {  	v33 =	vld.idx.msk [tilespmem:v46+s10+$0x0], $0xffff  }
0x4ee: {  	v49 =	vor.u32 v1, v32  }
0x4ef: {  	s23 =	simm.s32 $0x100;
	s21 =	simm.s32 $0x400;
	[tilespmem:s22+$0xC840] =	vst v35  }
0x4f0: {  	s3 =	sand.u32 $0x7000, s21;
	s21 =	sand.u32 $0x380, s23;
	[tilespmem:s25+$0xCC00] =	vst v36;
	v36 =	vld.idx.msk [tilespmem:v47+s10+$0x0], $0xffff  }
0x4f1: {  	s21 =	sor.u32 s21, s3;
	v50 =	vor.u32 v6, v34;
	v37 =	vld.idx.msk [tilespmem:v45+s10+$0x0], $0xffff  }
0x4f2: {  	v48 =	vor.u32 v10, v38;
	[tilespmem:s21+$0xC800] =	vst v33  }
0x4f3: {  	v35 =	vld.idx.msk [tilespmem:v49+s10+$0x0], $0xffff  }
0x4f4: {  	v52 =	vor.u32 v2, v32  }
0x4f5: {  	[tilespmem:s22+$0xC850] =	vst v36  }
0x4f6: {  	[tilespmem:s25+$0xCC10] =	vst v37;
	v37 =	vld.idx.msk [tilespmem:v50+s10+$0x0], $0xffff  }
0x4f7: {  	v53 =	vor.u32 v7, v34;
	v39 =	vld.idx.msk [tilespmem:v48+s10+$0x0], $0xffff  }
0x4f8: {  	v51 =	vor.u32 v11, v38;
	[tilespmem:s21+$0xC810] =	vst v35  }
0x4f9: {  	v36 =	vld.idx.msk [tilespmem:v52+s10+$0x0], $0xffff  }
0x4fa: {  	v56 =	vor.u32 v3, v32  }
0x4fb: {  	s0 =	sadd.s32 $0x1, s0;
	[tilespmem:s22+$0xC860] =	vst v37  }
0x4fc: {  	v55 =	vmov s0;
	[tilespmem:s25+$0xCC20] =	vst v39;
	v39 =	vld.idx.msk [tilespmem:v53+s10+$0x0], $0xffff  }
0x4fd: {  	v57 =	vor.u32 v8, v34;
	v33 =	vld.idx.msk [tilespmem:v51+s10+$0x0], $0xffff  }
0x4fe: {  	v54 =	vor.u32 v12, v38;
	[tilespmem:s21+$0xC820] =	vst v36  }
0x4ff: {  	v37 =	vld.idx.msk [tilespmem:v56+s10+$0x0], $0xffff  }
0x500: {  	v59 =	vor.u32 v4, v32  }
0x501: {  	v40 =	vld.idx.msk [tilespmem:v55+s4+$0x0], $0xffff;
	[tilespmem:s22+$0xC870] =	vst v39  }
0x502: {  	[tilespmem:s25+$0xCC30] =	vst v33;
	v60 =	vld.idx.msk [tilespmem:v57+s10+$0x0], $0xffff  }
0x503: {  	v61 =	vor.u32 v9, v34;
	v35 =	vld.idx.msk [tilespmem:v54+s10+$0x0], $0xffff  }
0x504: {  	v58 =	vor.u32 v13, v38;
	[tilespmem:s21+$0xC830] =	vst v37  }
0x505: {  	v39 =	vld.idx.msk [tilespmem:v59+s10+$0x0], $0xffff  }
0x506: {  	v63 =	vor.u32 v5, v32;
	v33 =	vshll.u32 v40, $0x9  }
0x507: {  	v40 =	vor.u32 v0, v33;
	[tilespmem:s22+$0xCC00] =	vst v60  }
0x508: {  	[tilespmem:s25+$0xCC40] =	vst v35;
	v35 =	vld.idx.msk [tilespmem:v61+s10+$0x0], $0xffff  }
0x509: {  	v45 =	vor.u32 v10, v34;
	v36 =	vld.idx.msk [tilespmem:v58+s10+$0x0], $0xffff  }
0x50a: {  	v62 =	vor.u32 v14, v38;
	[tilespmem:s21+$0xC840] =	vst v39  }
0x50b: {  	v41 =	vld.idx.msk [tilespmem:v63+s10+$0x0], $0xffff  }
0x50c: {  	v48 =	vor.u32 v6, v32;
	v40 =	vld.idx.msk [tilespmem:v40+s10+$0x0], $0xffff  }
0x50d: {  	v47 =	vor.u32 v1, v33;
	[tilespmem:s22+$0xCC10] =	vst v35  }
0x50e: {  	s24 =	simm.s32 $0x600;
	s26 =	simm.s32 $0x180;
	[tilespmem:s25+$0xCC50] =	vst v36;
	v36 =	vld.idx.msk [tilespmem:v45+s10+$0x0], $0xffff  }
0x50f: {  	s23 =	sand.u32 $0x380, s26;
	s3 =	sand.u32 $0x7000, s24;
	v49 =	vor.u32 v11, v34;
	v37 =	vld.idx.msk [tilespmem:v62+s10+$0x0], $0xffff  }
0x510: {  	s23 =	sor.u32 s23, s3;
	v46 =	vor.u32 v15, v38;
	[tilespmem:s21+$0xC850] =	vst v41  }
0x511: {  	[tilespmem:s23+$0xC800] =	vst v40;
	v35 =	vld.idx.msk [tilespmem:v48+s10+$0x0], $0xffff  }
0x512: {  	v52 =	vor.u32 v7, v32;
	v40 =	vld.idx.msk [tilespmem:v47+s10+$0x0], $0xffff  }
0x513: {  	v51 =	vor.u32 v2, v33;
	[tilespmem:s22+$0xCC20] =	vst v36  }
0x514: {  	[tilespmem:s25+$0xCC60] =	vst v37;
	v37 =	vld.idx.msk [tilespmem:v49+s10+$0x0], $0xffff  }
0x515: {  	v53 =	vor.u32 v12, v34;
	v39 =	vld.idx.msk [tilespmem:v46+s10+$0x0], $0xffff  }
0x516: {  	v50 =	vor.u32 v16, v38;
	[tilespmem:s21+$0xC860] =	vst v35  }
0x517: {  	[tilespmem:s23+$0xC810] =	vst v40;
	v36 =	vld.idx.msk [tilespmem:v52+s10+$0x0], $0xffff  }
0x518: {  	v59 =	vor.u32 v8, v32;
	v56 =	vld.idx.msk [tilespmem:v51+s10+$0x0], $0xffff  }
0x519: {  	s0 =	sadd.s32 $0x1, s0;
	v58 =	vor.u32 v3, v33;
	[tilespmem:s22+$0xCC30] =	vst v37  }
0x51a: {  	v54 =	vmov s0;
	[tilespmem:s25+$0xCC70] =	vst v39;
	v39 =	vld.idx.msk [tilespmem:v53+s10+$0x0], $0xffff  }
0x51b: {  	v60 =	vor.u32 v13, v34;
	v55 =	vld.idx.msk [tilespmem:v50+s10+$0x0], $0xffff  }
0x51c: {  	v57 =	vor.u32 v17, v38;
	[tilespmem:s21+$0xC870] =	vst v36  }
0x51d: {  	[tilespmem:s23+$0xC820] =	vst v56;
	v37 =	vld.idx.msk [tilespmem:v59+s10+$0x0], $0xffff  }
0x51e: {  	v63 =	vor.u32 v9, v32;
	v41 =	vld.idx.msk [tilespmem:v58+s10+$0x0], $0xffff  }
0x51f: {  	v43 =	vld.idx.msk [tilespmem:v54+s4+$0x0], $0xffff;
	v62 =	vor.u32 v4, v33;
	[tilespmem:s22+$0xCC40] =	vst v39  }
0x520: {  	[tilespmem:s25+$0xD000] =	vst v55;
	v40 =	vld.idx.msk [tilespmem:v60+s10+$0x0], $0xffff  }
0x521: {  	v35 =	vld.idx.msk [tilespmem:v57+s10+$0x0], $0xffff  }
0x522: {  	v48 =	vor.u32 v14, v34;
	[tilespmem:s21+$0xCC00] =	vst v37  }
0x523: {  	v61 =	vor.u32 v18, v38;
	[tilespmem:s23+$0xC830] =	vst v41;
	v39 =	vld.idx.msk [tilespmem:v63+s10+$0x0], $0xffff  }
0x524: {  	v52 =	vor.u32 v10, v32;
	v42 =	vld.idx.msk [tilespmem:v62+s10+$0x0], $0xffff  }
0x525: {  	v51 =	vor.u32 v5, v33;
	[tilespmem:s22+$0xCC50] =	vst v40  }
0x526: {  	[tilespmem:s25+$0xD010] =	vst v35;
	v35 =	vshll.u32 v43, $0x9  }
0x527: {  	v43 =	vld.idx.msk [tilespmem:v48+s10+$0x0], $0xffff;
	v49 =	vor.u32 v0, v35  }
0x528: {  	v53 =	vor.u32 v15, v34;
	[tilespmem:s21+$0xCC10] =	vst v39;
	v36 =	vld.idx.msk [tilespmem:v61+s10+$0x0], $0xffff  }
0x529: {  	v50 =	vor.u32 v19, v38;
	[tilespmem:s23+$0xC840] =	vst v42;
	v40 =	vld.idx.msk [tilespmem:v52+s10+$0x0], $0xffff  }
0x52a: {  	v57 =	vor.u32 v11, v32;
	v44 =	vld.idx.msk [tilespmem:v51+s10+$0x0], $0xffff  }
0x52b: {  	v56 =	vor.u32 v6, v33  }
0x52c: {  	[tilespmem:s22+$0xCC60] =	vst v43;
	v41 =	vld.idx.msk [tilespmem:v49+s10+$0x0], $0xffff  }
0x52d: {  	v54 =	vor.u32 v1, v35;
	[tilespmem:s25+$0xD020] =	vst v36;
	v36 =	vld.idx.msk [tilespmem:v53+s10+$0x0], $0xffff  }
0x52e: {  	s26 =	simm.s32 $0x200;
	s24 =	simm.s32 $0x800;
	v58 =	vor.u32 v16, v34;
	[tilespmem:s21+$0xCC20] =	vst v40;
	v37 =	vld.idx.msk [tilespmem:v50+s10+$0x0], $0xffff  }
0x52f: {  	s3 =	sand.u32 $0x7000, s24;
	s24 =	sand.u32 $0x380, s26;
	v55 =	vor.u32 v20, v38;
	[tilespmem:s23+$0xC850] =	vst v44;
	v43 =	vld.idx.msk [tilespmem:v57+s10+$0x0], $0xffff  }
0x530: {  	s24 =	sor.u32 s24, s3;
	v62 =	vor.u32 v12, v32;
	v44 =	vld.idx.msk [tilespmem:v56+s10+$0x0], $0xffff  }
0x531: {  	s0 =	sadd.s32 $0x1, s0;
	v61 =	vor.u32 v7, v33;
	[tilespmem:s24+$0xC800] =	vst v41  }
0x532: {  	v63 =	vmov s0;
	[tilespmem:s22+$0xCC70] =	vst v36;
	v41 =	vld.idx.msk [tilespmem:v54+s10+$0x0], $0xffff  }
0x533: {  	v59 =	vor.u32 v2, v35;
	[tilespmem:s25+$0xD030] =	vst v37;
	v37 =	vld.idx.msk [tilespmem:v58+s10+$0x0], $0xffff  }
0x534: {  	v48 =	vor.u32 v17, v34;
	[tilespmem:s21+$0xCC30] =	vst v43;
	v39 =	vld.idx.msk [tilespmem:v55+s10+$0x0], $0xffff  }
0x535: {  	v60 =	vor.u32 v21, v38;
	[tilespmem:s23+$0xC860] =	vst v44;
	v36 =	vld.idx.msk [tilespmem:v62+s10+$0x0], $0xffff  }
0x536: {  	v52 =	vor.u32 v13, v32;
	v44 =	vld.idx.msk [tilespmem:v61+s10+$0x0], $0xffff  }
0x537: {  	s0 =	sadd.s32 $0x1, s0;
	v46 =	vld.idx.msk [tilespmem:v63+s4+$0x0], $0xffff;
	v51 =	vor.u32 v8, v33;
	[tilespmem:s24+$0xC810] =	vst v41  }
0x538: {  	v53 =	vmov s0;
	[tilespmem:s22+$0xD000] =	vst v37;
	v41 =	vld.idx.msk [tilespmem:v59+s10+$0x0], $0xffff  }
0x539: {  	v49 =	vor.u32 v3, v35;
	[tilespmem:s25+$0xD040] =	vst v39;
	v39 =	vld.idx.msk [tilespmem:v48+s10+$0x0], $0xffff  }
0x53a: {  	v54 =	vor.u32 v18, v34;
	[tilespmem:s21+$0xCC40] =	vst v36;
	v40 =	vld.idx.msk [tilespmem:v60+s10+$0x0], $0xffff  }
0x53b: {  	v50 =	vor.u32 v22, v38;
	[tilespmem:s23+$0xC870] =	vst v44;
	v37 =	vld.idx.msk [tilespmem:v52+s10+$0x0], $0xffff  }
0x53c: {  	v58 =	vor.u32 v14, v32;
	v45 =	vld.idx.msk [tilespmem:v51+s10+$0x0], $0xffff  }
0x53d: {  	v57 =	vor.u32 v9, v33;
	v36 =	vshll.u32 v46, $0x9;
	[tilespmem:s24+$0xC820] =	vst v41;
	v41 =	vld.idx.msk [tilespmem:v53+s4+$0x0], $0xffff  }
0x53e: {  	v59 =	vor.u32 v0, v36;
	[tilespmem:s22+$0xD010] =	vst v39;
	v42 =	vld.idx.msk [tilespmem:v49+s10+$0x0], $0xffff  }
0x53f: {  	v55 =	vor.u32 v4, v35;
	[tilespmem:s25+$0xD050] =	vst v40;
	v40 =	vld.idx.msk [tilespmem:v54+s10+$0x0], $0xffff  }
0x540: {  	v60 =	vor.u32 v19, v34;
	[tilespmem:s21+$0xCC50] =	vst v37;
	v43 =	vld.idx.msk [tilespmem:v50+s10+$0x0], $0xffff  }
0x541: {  	v56 =	vor.u32 v23, v38;
	[tilespmem:s23+$0xCC00] =	vst v45;
	v39 =	vld.idx.msk [tilespmem:v58+s10+$0x0], $0xffff  }
0x542: {  	v63 =	vld.idx.msk [tilespmem:v57+s10+$0x0], $0xffff  }
0x543: {  	v54 =	vor.u32 v15, v32;
	[tilespmem:s24+$0xC830] =	vst v42;
	v42 =	vld.idx.msk [tilespmem:v59+s10+$0x0], $0xffff  }
0x544: {  	v53 =	vor.u32 v10, v33;
	[tilespmem:s22+$0xD020] =	vst v40;
	v44 =	vld.idx.msk [tilespmem:v55+s10+$0x0], $0xffff  }
0x545: {  	s26 =	simm.s32 $0x280;
	s3 =	simm.s32 $0xA00;
	[tilespmem:s25+$0xD060] =	vst v43;
	v43 =	vld.idx.msk [tilespmem:v60+s10+$0x0], $0xffff;
	v55 =	vor.u32 v1, v36  }
0x546: {  	s26 =	sand.u32 $0x380, s26;
	s3 =	sand.u32 $0x7000, s3;
	v62 =	vor.u32 v5, v35;
	[tilespmem:s21+$0xCC60] =	vst v39;
	v61 =	vld.idx.msk [tilespmem:v56+s10+$0x0], $0xffff  }
0x547: {  	s26 =	sor.u32 s26, s3;
	[tilespmem:s23+$0xCC10] =	vst v63;
	v56 =	vor.u32 v20, v34  }
0x548: {  	v52 =	vor.u32 v24, v38;
	v40 =	vld.idx.msk [tilespmem:v54+s10+$0x0], $0xffff;
	[tilespmem:s26+$0xC800] =	vst v42  }
0x549: {  	v48 =	vld.idx.msk [tilespmem:v53+s10+$0x0], $0xffff;
	v60 =	vor.u32 v16, v32;
	[tilespmem:s24+$0xC840] =	vst v44  }
0x54a: {  	v59 =	vor.u32 v11, v33;
	v44 =	vld.idx.msk [tilespmem:v55+s10+$0x0], $0xffff;
	[tilespmem:s22+$0xD030] =	vst v43  }
0x54b: {  	v46 =	vld.idx.msk [tilespmem:v62+s10+$0x0], $0xffff;
	[tilespmem:s25+$0xD070] =	vst v61;
	v61 =	vor.u32 v2, v36  }
0x54c: {  	v57 =	vor.u32 v6, v35;
	v45 =	vld.idx.msk [tilespmem:v56+s10+$0x0], $0xffff  }
0x54d: {  	[tilespmem:s21+$0xCC70] =	vst v40;
	v62 =	vor.u32 v21, v34;
	v37 =	vld.idx.msk [tilespmem:v52+s10+$0x0], $0xffff  }
0x54e: {  	v58 =	vor.u32 v25, v38;
	[tilespmem:s23+$0xCC20] =	vst v48;
	v43 =	vld.idx.msk [tilespmem:v60+s10+$0x0], $0xffff  }
0x54f: {  	v54 =	vor.u32 v17, v32;
	v42 =	vld.idx.msk [tilespmem:v59+s10+$0x0], $0xffff;
	[tilespmem:s26+$0xC810] =	vst v44  }
0x550: {  	v53 =	vor.u32 v12, v33;
	[tilespmem:s24+$0xC850] =	vst v46;
	v46 =	vld.idx.msk [tilespmem:v61+s10+$0x0], $0xffff  }
0x551: {  	v55 =	vor.u32 v3, v36;
	[tilespmem:s22+$0xD040] =	vst v45;
	v47 =	vld.idx.msk [tilespmem:v57+s10+$0x0], $0xffff  }
0x552: {  	v63 =	vor.u32 v7, v35;
	[tilespmem:s25+$0xD400] =	vst v37;
	v37 =	vld.idx.msk [tilespmem:v62+s10+$0x0], $0xffff  }
0x553: {  	v56 =	vor.u32 v22, v34;
	[tilespmem:s21+$0xD000] =	vst v43;
	v39 =	vld.idx.msk [tilespmem:v58+s10+$0x0], $0xffff  }
0x554: {  	v52 =	vor.u32 v26, v38;
	[tilespmem:s23+$0xCC30] =	vst v42;
	v45 =	vld.idx.msk [tilespmem:v54+s10+$0x0], $0xffff  }
0x555: {  	v61 =	vor.u32 v18, v32;
	v44 =	vld.idx.msk [tilespmem:v53+s10+$0x0], $0xffff;
	[tilespmem:s26+$0xC820] =	vst v46  }
0x556: {  	s29 =	sadd.s32 $0x1, s0;
	v59 =	vor.u32 v13, v33;
	[tilespmem:s24+$0xC860] =	vst v47;
	v47 =	vld.idx.msk [tilespmem:v55+s10+$0x0], $0xffff  }
0x557: {  	v60 =	vmov s29;
	[tilespmem:s22+$0xD050] =	vst v37;
	v48 =	vld.idx.msk [tilespmem:v63+s10+$0x0], $0xffff  }
0x558: {  	v57 =	vor.u32 v8, v35;
	v37 =	vshll.u32 v41, $0x9;
	[tilespmem:s25+$0xD410] =	vst v39;
	v62 =	vld.idx.msk [tilespmem:v56+s10+$0x0], $0xffff  }
0x559: {  	[tilespmem:s21+$0xD010] =	vst v45;
	v56 =	vor.u32 v0, v37;
	v40 =	vld.idx.msk [tilespmem:v52+s10+$0x0], $0xffff  }
0x55a: {  	v58 =	vor.u32 v27, v38;
	[tilespmem:s23+$0xCC40] =	vst v44;
	v55 =	vld.idx.msk [tilespmem:v61+s10+$0x0], $0xffff  }
0x55b: {  	v51 =	vor.u32 v4, v36;
	v46 =	vld.idx.msk [tilespmem:v59+s10+$0x0], $0xffff  }
0x55c: {  	v63 =	vor.u32 v23, v34;
	v39 =	vld.idx.msk [tilespmem:v60+s4+$0x0], $0xffff;
	[tilespmem:s24+$0xC870] =	vst v48  }
0x55d: {  	v54 =	vor.u32 v14, v33;
	v42 =	vld.idx.msk [tilespmem:v57+s10+$0x0], $0xffff  }
0x55e: {  	v52 =	vor.u32 v9, v35;
	v48 =	vld.idx.msk [tilespmem:v56+s10+$0x0], $0xffff;
	[tilespmem:s25+$0xD420] =	vst v40  }
0x55f: {  	[tilespmem:s26+$0xC830] =	vst v47;
	v43 =	vld.idx.msk [tilespmem:v58+s10+$0x0], $0xffff;
	v58 =	vor.u32 v19, v32  }
0x560: {  	v53 =	vor.u32 v28, v38;
	[tilespmem:s22+$0xD060] =	vst v62;
	v57 =	vld.idx.msk [tilespmem:v51+s10+$0x0], $0xffff  }
0x561: {  	v59 =	vor.u32 v5, v36;
	[tilespmem:s23+$0xCC50] =	vst v46;
	v40 =	vld.idx.msk [tilespmem:v63+s10+$0x0], $0xffff  }
0x562: {  	v60 =	vor.u32 v24, v34;
	v41 =	vld.idx.msk [tilespmem:v54+s10+$0x0], $0xffff;
	[tilespmem:s24+$0xCC00] =	vst v42  }
0x563: {  	[tilespmem:s21+$0xD020] =	vst v55;
	v63 =	vor.u32 v15, v33;
	v44 =	vld.idx.msk [tilespmem:v52+s10+$0x0], $0xffff  }
0x564: {  	v54 =	vor.u32 v1, v37;
	[tilespmem:s25+$0xD430] =	vst v43;
	v42 =	vld.idx.msk [tilespmem:v58+s10+$0x0], $0xffff  }
0x565: {  	s30 =	simm.s32 $0x300;
	s3 =	simm.s32 $0xC00;
	v61 =	vor.u32 v10, v35;
	[tilespmem:s26+$0xC840] =	vst v57;
	v45 =	vld.idx.msk [tilespmem:v53+s10+$0x0], $0xffff  }
0x566: {  	s0 =	sand.u32 $0x7000, s3;
	s3 =	sand.u32 $0x380, s30;
	v62 =	vor.u32 v29, v38;
	[tilespmem:s22+$0xD070] =	vst v40;
	v50 =	vld.idx.msk [tilespmem:v59+s10+$0x0], $0xffff  }
0x567: {  	s28 =	sor.u32 s3, s0;
	v55 =	vor.u32 v20, v32;
	[tilespmem:s23+$0xCC60] =	vst v41;
	v43 =	vld.idx.msk [tilespmem:v60+s10+$0x0], $0xffff  }
0x568: {  	v56 =	vor.u32 v6, v36;
	[tilespmem:s28+$0xC800] =	vst v48;
	v59 =	vld.idx.msk [tilespmem:v63+s10+$0x0], $0xffff  }
0x569: {  	v57 =	vor.u32 v25, v34;
	v60 =	vld.idx.msk [tilespmem:v54+s10+$0x0], $0xffff;
	[tilespmem:s24+$0xCC10] =	vst v44  }
0x56a: {  	v63 =	vor.u32 v2, v37;
	v46 =	vld.idx.msk [tilespmem:v61+s10+$0x0], $0xffff;
	[tilespmem:s25+$0xD440] =	vst v45  }
0x56b: {  	v58 =	vor.u32 v11, v35;
	[tilespmem:s21+$0xD030] =	vst v42;
	v45 =	vld.idx.msk [tilespmem:v62+s10+$0x0], $0xffff  }
0x56c: {  	[tilespmem:s26+$0xC850] =	vst v50;
	v61 =	vor.u32 v30, v38;
	v40 =	vld.idx.msk [tilespmem:v55+s10+$0x0], $0xffff  }
0x56d: {  	[tilespmem:s22+$0xD400] =	vst v43;
	v44 =	vld.idx.msk [tilespmem:v56+s10+$0x0], $0xffff;
	v62 =	vor.u32 v16, v33  }
0x56e: {  	v52 =	vor.u32 v21, v32;
	[tilespmem:s28+$0xC810] =	vst v60;
	v53 =	vld.idx.msk [tilespmem:v57+s10+$0x0], $0xffff  }
0x56f: {  	v54 =	vor.u32 v7, v36;
	v49 =	vld.idx.msk [tilespmem:v63+s10+$0x0], $0xffff;
	[tilespmem:s24+$0xCC20] =	vst v46  }
0x570: {  	v41 =	vor.u32 v26, v34;
	v46 =	vld.idx.msk [tilespmem:v58+s10+$0x0], $0xffff;
	[tilespmem:s25+$0xD450] =	vst v45  }
0x571: {  	v47 =	vor.u32 v12, v35;
	[tilespmem:s23+$0xCC70] =	vst v59;
	v45 =	vld.idx.msk [tilespmem:v61+s10+$0x0], $0xffff  }
0x572: {  	v43 =	vor.u32 v31, v38;
	[tilespmem:s21+$0xD040] =	vst v40;
	v42 =	vld.idx.msk [tilespmem:v62+s10+$0x0], $0xffff  }
0x573: {  	[tilespmem:s26+$0xC860] =	vst v44;
	v40 =	vor.u32 v17, v33;
	v44 =	vld.idx.msk [tilespmem:v52+s10+$0x0], $0xffff  }
0x574: {  	s31 =	simm.s32 $0xE00;
	s20 =	sor.u32 $0x40, s20;
	s0 =	simm.s32 $0x1000;
	v50 =	vor.u32 v3, v37;
	[tilespmem:s22+$0xD410] =	vst v53;
	v48 =	vld.idx.msk [tilespmem:v54+s10+$0x0], $0xffff  }
.LBB2_9:
0x575: {  	p0 =	sne.s32 s0, $0x7E00;
	[tilespmem:s24+$0xCC30] =	vst v46;
	v38 =	vor.u32 v22, v32;
	v41 =	vld.idx.msk [tilespmem:v41+s10+$0x0], $0xffff  }
0x576: {  	v46 =	vor.u32 v8, v36;
	v47 =	vld.idx.msk [tilespmem:v47+s10+$0x0], $0xffff;
	[tilespmem:s25+$0xD460] =	vst v45  }
0x577: {  	[tilespmem:s23+$0xD000] =	vst v42;
	v42 =	vor.u32 v27, v34;
	v43 =	vld.idx.msk [tilespmem:v43+s10+$0x0], $0xffff  }
0x578: {  	s29 =	sadd.s32 $0x1, s29;
	v45 =	vor.u32 v13, v35;
	[tilespmem:s28+$0xC820] =	vst v49;
	v40 =	vld.idx.msk [tilespmem:v40+s10+$0x0], $0xffff  }
0x579: {  	v49 =	vmov s29;
	v50 =	vld.idx.msk [tilespmem:v50+s10+$0x0], $0xffff;
	[tilespmem:s21+$0xD050] =	vst v44  }
0x57a: {  	v44 =	vor.u32 v18, v33;
	[tilespmem:s26+$0xC870] =	vst v48;
	v38 =	vld.idx.msk [tilespmem:v38+s10+$0x0], $0xffff  }
0x57b: {  	v48 =	vor.u32 v4, v37;
	v46 =	vld.idx.msk [tilespmem:v46+s10+$0x0], $0xffff;
	[tilespmem:s22+$0xD420] =	vst v41  }
0x57c: {  	v41 =	vor.u32 v23, v32;
	[tilespmem:s24+$0xCC40] =	vst v47;
	v42 =	vld.idx.msk [tilespmem:v42+s10+$0x0], $0xffff  }
0x57d: {  	v47 =	vor.u32 v9, v36;
	v45 =	vld.idx.msk [tilespmem:v45+s10+$0x0], $0xffff;
	[tilespmem:s25+$0xD470] =	vst v43;
	s25 =	smov.u32 s22;
	s22 =	smov.u32 s21;
	s21 =	smov.u32 s23  }
0x57e: {  	s23 =	smov.u32 s24;
	s24 =	smov.u32 s26;
	s26 =	smov.u32 s28;
	v43 =	vld.idx.msk [tilespmem:v49+s4+$0x0], $0xffff;
	[tilespmem:s21+$0xD010] =	vst v40;
	v40 =	vor.u32 v28, v34  }
0x57f: {  	v51 =	vshll.u32 v39, $0x9;
	v39 =	vor.u32 v14, v35;
	[tilespmem:s26+$0xC830] =	vst v50;
	v44 =	vld.idx.msk [tilespmem:v44+s10+$0x0], $0xffff  }
0x580: {  	v49 =	vor.u32 v0, v51;
	v48 =	vld.idx.msk [tilespmem:v48+s10+$0x0], $0xffff;
	[tilespmem:s22+$0xD060] =	vst v38  }
0x581: {  	v38 =	vor.u32 v19, v33;
	[tilespmem:s24+$0xCC00] =	vst v46;
	v41 =	vld.idx.msk [tilespmem:v41+s10+$0x0], $0xffff  }
0x582: {  	v46 =	vor.u32 v5, v37;
	v47 =	vld.idx.msk [tilespmem:v47+s10+$0x0], $0xffff;
	[tilespmem:s25+$0xD430] =	vst v42  }
0x583: {  	v42 =	vor.u32 v24, v32;
	[tilespmem:s23+$0xCC50] =	vst v45;
	v40 =	vld.idx.msk [tilespmem:v40+s10+$0x0], $0xffff  }
0x584: {  	v45 =	vor.u32 v10, v36;
	v50 =	vld.idx.msk [tilespmem:v39+s10+$0x0], $0xffff;
	v39 =	vmov v43  }
0x585: {  	v43 =	vld.idx.msk [tilespmem:v49+s10+$0x0], $0xffff;
	[tilespmem:s21+$0xD020] =	vst v44;
	v44 =	vor.u32 v29, v34  }
0x586: {  	[tilespmem:s26+$0xC840] =	vst v48;
	v48 =	vor.u32 v15, v35;
	v38 =	vld.idx.msk [tilespmem:v38+s10+$0x0], $0xffff  }
0x587: {  	v49 =	vor.u32 v1, v51;
	v46 =	vld.idx.msk [tilespmem:v46+s10+$0x0], $0xffff;
	[tilespmem:s22+$0xD070] =	vst v41  }
0x588: {  	s30 =	sadd.s32 $0x80, s30;
	v41 =	vor.u32 v20, v33;
	[tilespmem:s24+$0xCC10] =	vst v47;
	v42 =	vld.idx.msk [tilespmem:v42+s10+$0x0], $0xffff  }
0x589: {  	s3 =	sand.u32 $0x7000, s31;
	s31 =	smov.u32 s0;
	s28 =	sand.u32 $0x380, s30;
	v47 =	vor.u32 v6, v37;
	v45 =	vld.idx.msk [tilespmem:v45+s10+$0x0], $0xffff;
	[tilespmem:s25+$0xD440] =	vst v40  }
0x58a: {  	s28 =	sor.u32 s28, s3;
	v40 =	vor.u32 v25, v32;
	[tilespmem:s23+$0xCC60] =	vst v50;
	v44 =	vld.idx.msk [tilespmem:v44+s10+$0x0], $0xffff  }
0x58b: {  	[tilespmem:s28+$0xC800] =	vst v43;
	v43 =	vor.u32 v11, v36;
	v48 =	vld.idx.msk [tilespmem:v48+s10+$0x0], $0xffff  }
0x58c: {  	v49 =	vld.idx.msk [tilespmem:v49+s10+$0x0], $0xffff;
	[tilespmem:s21+$0xD030] =	vst v38;
	v38 =	vor.u32 v30, v34  }
0x58d: {  	v50 =	vor.u32 v16, v35;
	[tilespmem:s26+$0xC850] =	vst v46;
	v52 =	vld.idx.msk [tilespmem:v41+s10+$0x0], $0xffff  }
0x58e: {  	v53 =	vor.u32 v2, v51;
	v54 =	vld.idx.msk [tilespmem:v47+s10+$0x0], $0xffff;
	[tilespmem:s22+$0xD400] =	vst v42  }
0x58f: {  	v55 =	vor.u32 v21, v33;
	[tilespmem:s24+$0xCC20] =	vst v45;
	v56 =	vld.idx.msk [tilespmem:v40+s10+$0x0], $0xffff  }
0x590: {  	v57 =	vor.u32 v7, v37;
	v46 =	vld.idx.msk [tilespmem:v43+s10+$0x0], $0xffff;
	[tilespmem:s25+$0xD450] =	vst v44  }
.Ltmp3:
0x591: {  	v41 =	vor.u32 v26, v32;
	[tilespmem:s23+$0xCC70] =	vst v48;
	v45 =	vld.idx.msk [tilespmem:v38+s10+$0x0], $0xffff;
	(pc) =	sbr.rel @p0 .LBB2_9-.Ltmp3, $4  }
0x592: {  	v47 =	vor.u32 v12, v36;
	[tilespmem:s28+$0xC810] =	vst v49;
	v42 =	vld.idx.msk [tilespmem:v50+s10+$0x0], $0xffff  }
0x593: {  	v43 =	vor.u32 v31, v34;
	v34 =	vmovc v32;
	v32 =	vmov v33;
	v33 =	vmov v35;
	v49 =	vld.idx.msk [tilespmem:v53+s10+$0x0], $0xffff;
	[tilespmem:s21+$0xD040] =	vst v52  }
0x594: {  	v35 =	vmovc v36;
	v36 =	vmov v37;
	v37 =	vmov v51;
	v40 =	vor.u32 v17, v33;
	[tilespmem:s26+$0xC860] =	vst v54;
	v44 =	vld.idx.msk [tilespmem:v55+s10+$0x0], $0xffff  }
0x595: {  	s0 =	sadd.s32 $0x200, s0;
	v50 =	vor.u32 v3, v37;
	v48 =	vld.idx.msk [tilespmem:v57+s10+$0x0], $0xffff;
	[tilespmem:s22+$0xD410] =	vst v56  }
0x596: {  	v38 =	vshll.u32 v39, $0x9  }
0x597: {  	v39 =	vor.u32 v0, v38;
	_ =	sdelay $0x4  }
0x598: {  	v39 =	vld.idx.msk [tilespmem:v39+s10+$0x0], $0xffff  }
0x599: {  	v51 =	vor.u32 v1, v38  }
0x59a: {  	s0 =	sadd.s32 $0x80, s30  }
0x59b: {  	s3 =	sand.u32 $0x7000, s31;
	s0 =	sand.u32 $0x380, s0  }
0x59c: {  	s29 =	sor.u32 s0, s3  }
0x59d: {  	[tilespmem:s29+$0xC800] =	vst v39  }
0x59e: {  	v39 =	vld.idx.msk [tilespmem:v51+s10+$0x0], $0xffff  }
0x59f: {  	v58 =	vor.u32 v2, v38;
	_ =	sdelay $0x3  }
0x5a0: {  	[tilespmem:s29+$0xC810] =	vst v39  }
0x5a1: {  	v39 =	vld.idx.msk [tilespmem:v58+s10+$0x0], $0xffff  }
0x5a2: {  	v59 =	vor.u32 v3, v38;
	_ =	sdelay $0x2  }
0x5a3: {  	[tilespmem:s28+$0xC820] =	vst v49  }
0x5a4: {  	v49 =	vld.idx.msk [tilespmem:v50+s10+$0x0], $0xffff;
	[tilespmem:s29+$0xC820] =	vst v39  }
0x5a5: {  	v60 =	vor.u32 v4, v37;
	v61 =	vld.idx.msk [tilespmem:v59+s10+$0x0], $0xffff  }
0x5a6: {  	v62 =	vor.u32 v4, v38;
	_ =	sdelay $0x2  }
0x5a7: {  	[tilespmem:s28+$0xC830] =	vst v49  }
0x5a8: {  	v39 =	vld.idx.msk [tilespmem:v60+s10+$0x0], $0xffff;
	[tilespmem:s29+$0xC830] =	vst v61  }
0x5a9: {  	v63 =	vor.u32 v5, v37;
	v50 =	vld.idx.msk [tilespmem:v62+s10+$0x0], $0xffff  }
0x5aa: {  	v54 =	vor.u32 v5, v38;
	_ =	sdelay $0x2  }
0x5ab: {  	[tilespmem:s28+$0xC840] =	vst v39  }
0x5ac: {  	v39 =	vld.idx.msk [tilespmem:v63+s10+$0x0], $0xffff;
	[tilespmem:s29+$0xC840] =	vst v50  }
0x5ad: {  	v55 =	vor.u32 v6, v37;
	v50 =	vld.idx.msk [tilespmem:v54+s10+$0x0], $0xffff  }
0x5ae: {  	v56 =	vor.u32 v6, v38;
	_ =	sdelay $0x2  }
0x5af: {  	[tilespmem:s28+$0xC850] =	vst v39  }
0x5b0: {  	v39 =	vld.idx.msk [tilespmem:v55+s10+$0x0], $0xffff;
	[tilespmem:s29+$0xC850] =	vst v50  }
0x5b1: {  	v57 =	vor.u32 v7, v37;
	v50 =	vld.idx.msk [tilespmem:v56+s10+$0x0], $0xffff  }
0x5b2: {  	v58 =	vor.u32 v7, v38;
	_ =	sdelay $0x2  }
0x5b3: {  	[tilespmem:s28+$0xC860] =	vst v39  }
0x5b4: {  	v59 =	vor.u32 v8, v36;
	v49 =	vld.idx.msk [tilespmem:v57+s10+$0x0], $0xffff;
	[tilespmem:s29+$0xC860] =	vst v50  }
0x5b5: {  	v60 =	vor.u32 v8, v37;
	v51 =	vld.idx.msk [tilespmem:v58+s10+$0x0], $0xffff  }
0x5b6: {  	v52 =	vor.u32 v8, v38;
	_ =	sdelay $0x1  }
0x5b7: {  	[tilespmem:s26+$0xC870] =	vst v48  }
0x5b8: {  	v39 =	vld.idx.msk [tilespmem:v59+s10+$0x0], $0xffff;
	[tilespmem:s28+$0xC870] =	vst v49  }
0x5b9: {  	v61 =	vor.u32 v9, v36;
	v49 =	vld.idx.msk [tilespmem:v60+s10+$0x0], $0xffff;
	[tilespmem:s29+$0xC870] =	vst v51  }
0x5ba: {  	v62 =	vor.u32 v9, v37;
	v51 =	vld.idx.msk [tilespmem:v52+s10+$0x0], $0xffff  }
0x5bb: {  	v63 =	vor.u32 v9, v38;
	_ =	sdelay $0x1  }
0x5bc: {  	[tilespmem:s26+$0xCC00] =	vst v39  }
0x5bd: {  	v39 =	vld.idx.msk [tilespmem:v61+s10+$0x0], $0xffff;
	[tilespmem:s28+$0xCC00] =	vst v49  }
0x5be: {  	v56 =	vor.u32 v10, v36;
	v49 =	vld.idx.msk [tilespmem:v62+s10+$0x0], $0xffff;
	[tilespmem:s29+$0xCC00] =	vst v51  }
0x5bf: {  	v57 =	vor.u32 v10, v37;
	v51 =	vld.idx.msk [tilespmem:v63+s10+$0x0], $0xffff  }
0x5c0: {  	v58 =	vor.u32 v10, v38;
	_ =	sdelay $0x1  }
0x5c1: {  	[tilespmem:s26+$0xCC10] =	vst v39  }
0x5c2: {  	v39 =	vld.idx.msk [tilespmem:v56+s10+$0x0], $0xffff;
	[tilespmem:s28+$0xCC10] =	vst v49  }
0x5c3: {  	v59 =	vor.u32 v11, v36;
	v49 =	vld.idx.msk [tilespmem:v57+s10+$0x0], $0xffff;
	[tilespmem:s29+$0xCC10] =	vst v51  }
0x5c4: {  	v60 =	vor.u32 v11, v37;
	v51 =	vld.idx.msk [tilespmem:v58+s10+$0x0], $0xffff  }
0x5c5: {  	v61 =	vor.u32 v11, v38;
	_ =	sdelay $0x1  }
0x5c6: {  	[tilespmem:s26+$0xCC20] =	vst v39  }
0x5c7: {  	v39 =	vld.idx.msk [tilespmem:v59+s10+$0x0], $0xffff;
	[tilespmem:s28+$0xCC20] =	vst v49  }
0x5c8: {  	v62 =	vor.u32 v12, v36;
	v49 =	vld.idx.msk [tilespmem:v60+s10+$0x0], $0xffff;
	[tilespmem:s29+$0xCC20] =	vst v51  }
0x5c9: {  	v63 =	vor.u32 v12, v37;
	v51 =	vld.idx.msk [tilespmem:v61+s10+$0x0], $0xffff  }
0x5ca: {  	v56 =	vor.u32 v12, v38  }
0x5cb: {  	[tilespmem:s24+$0xCC30] =	vst v46  }
0x5cc: {  	v46 =	vld.idx.msk [tilespmem:v47+s10+$0x0], $0xffff;
	[tilespmem:s26+$0xCC30] =	vst v39  }
0x5cd: {  	v57 =	vor.u32 v13, v35;
	v58 =	vld.idx.msk [tilespmem:v62+s10+$0x0], $0xffff;
	[tilespmem:s28+$0xCC30] =	vst v49  }
0x5ce: {  	v59 =	vor.u32 v13, v36;
	v49 =	vld.idx.msk [tilespmem:v63+s10+$0x0], $0xffff;
	[tilespmem:s29+$0xCC30] =	vst v51  }
0x5cf: {  	v60 =	vor.u32 v13, v37;
	v51 =	vld.idx.msk [tilespmem:v56+s10+$0x0], $0xffff  }
0x5d0: {  	v61 =	vor.u32 v13, v38  }
0x5d1: {  	[tilespmem:s24+$0xCC40] =	vst v46  }
0x5d2: {  	v39 =	vld.idx.msk [tilespmem:v57+s10+$0x0], $0xffff;
	[tilespmem:s26+$0xCC40] =	vst v58  }
0x5d3: {  	v62 =	vor.u32 v14, v35;
	v47 =	vld.idx.msk [tilespmem:v59+s10+$0x0], $0xffff;
	[tilespmem:s28+$0xCC40] =	vst v49  }
0x5d4: {  	v63 =	vor.u32 v14, v36;
	v49 =	vld.idx.msk [tilespmem:v60+s10+$0x0], $0xffff;
	[tilespmem:s29+$0xCC40] =	vst v51  }
0x5d5: {  	v56 =	vor.u32 v14, v37;
	v51 =	vld.idx.msk [tilespmem:v61+s10+$0x0], $0xffff  }
0x5d6: {  	v57 =	vor.u32 v14, v38  }
0x5d7: {  	[tilespmem:s24+$0xCC50] =	vst v39  }
0x5d8: {  	v39 =	vld.idx.msk [tilespmem:v62+s10+$0x0], $0xffff;
	[tilespmem:s26+$0xCC50] =	vst v47  }
0x5d9: {  	v58 =	vor.u32 v15, v35;
	v47 =	vld.idx.msk [tilespmem:v63+s10+$0x0], $0xffff;
	[tilespmem:s28+$0xCC50] =	vst v49  }
0x5da: {  	v59 =	vor.u32 v15, v36;
	v49 =	vld.idx.msk [tilespmem:v56+s10+$0x0], $0xffff;
	[tilespmem:s29+$0xCC50] =	vst v51  }
0x5db: {  	v60 =	vor.u32 v15, v37;
	v51 =	vld.idx.msk [tilespmem:v57+s10+$0x0], $0xffff  }
0x5dc: {  	[tilespmem:s25+$0xD460] =	vst v45;
	v61 =	vor.u32 v15, v38  }
0x5dd: {  	[tilespmem:s24+$0xCC60] =	vst v39  }
0x5de: {  	v39 =	vld.idx.msk [tilespmem:v58+s10+$0x0], $0xffff;
	[tilespmem:s26+$0xCC60] =	vst v47  }
0x5df: {  	v62 =	vor.u32 v16, v35;
	v47 =	vld.idx.msk [tilespmem:v59+s10+$0x0], $0xffff;
	[tilespmem:s28+$0xCC60] =	vst v49  }
0x5e0: {  	v63 =	vor.u32 v16, v36;
	v49 =	vld.idx.msk [tilespmem:v60+s10+$0x0], $0xffff;
	[tilespmem:s29+$0xCC60] =	vst v51  }
0x5e1: {  	[tilespmem:s23+$0xD000] =	vst v42;
	v52 =	vor.u32 v16, v37;
	v45 =	vld.idx.msk [tilespmem:v61+s10+$0x0], $0xffff  }
0x5e2: {  	v41 =	vld.idx.msk [tilespmem:v41+s10+$0x0], $0xffff;
	v53 =	vor.u32 v16, v38;
	[tilespmem:s21+$0xD050] =	vst v44  }
0x5e3: {  	v43 =	vld.idx.msk [tilespmem:v43+s10+$0x0], $0xffff;
	[tilespmem:s24+$0xCC70] =	vst v39  }
0x5e4: {  	v54 =	vor.u32 v22, v32;
	v46 =	vld.idx.msk [tilespmem:v62+s10+$0x0], $0xffff;
	[tilespmem:s26+$0xCC70] =	vst v47  }
0x5e5: {  	v55 =	vor.u32 v17, v35;
	v48 =	vld.idx.msk [tilespmem:v63+s10+$0x0], $0xffff;
	[tilespmem:s28+$0xCC70] =	vst v49  }
0x5e6: {  	v56 =	vor.u32 v17, v36;
	v42 =	vld.idx.msk [tilespmem:v52+s10+$0x0], $0xffff;
	[tilespmem:s29+$0xCC70] =	vst v45  }
0x5e7: {  	[tilespmem:s22+$0xD420] =	vst v41;
	v57 =	vor.u32 v17, v37;
	v44 =	vld.idx.msk [tilespmem:v53+s10+$0x0], $0xffff  }
0x5e8: {  	v40 =	vld.idx.msk [tilespmem:v40+s10+$0x0], $0xffff;
	[tilespmem:s25+$0xD470] =	vst v43;
	v58 =	vor.u32 v17, v38  }
0x5e9: {  	v39 =	vld.idx.msk [tilespmem:v54+s10+$0x0], $0xffff;
	[tilespmem:s24+$0xD000] =	vst v46;
	v60 =	vor.u32 v18, v33  }
0x5ea: {  	v59 =	vor.u32 v27, v34;
	v47 =	vld.idx.msk [tilespmem:v55+s10+$0x0], $0xffff;
	[tilespmem:s26+$0xD000] =	vst v48  }
0x5eb: {  	v61 =	vor.u32 v18, v35;
	v49 =	vld.idx.msk [tilespmem:v56+s10+$0x0], $0xffff;
	[tilespmem:s28+$0xD000] =	vst v42  }
0x5ec: {  	v62 =	vor.u32 v18, v36;
	v41 =	vld.idx.msk [tilespmem:v57+s10+$0x0], $0xffff;
	[tilespmem:s29+$0xD000] =	vst v44  }
0x5ed: {  	[tilespmem:s23+$0xD010] =	vst v40;
	v63 =	vor.u32 v18, v37;
	v43 =	vld.idx.msk [tilespmem:v58+s10+$0x0], $0xffff  }
0x5ee: {  	[tilespmem:s21+$0xD060] =	vst v39;
	v46 =	vld.idx.msk [tilespmem:v60+s10+$0x0], $0xffff;
	v53 =	vor.u32 v18, v38  }
0x5ef: {  	v54 =	vor.u32 v23, v32;
	[tilespmem:s24+$0xD010] =	vst v47;
	v52 =	vld.idx.msk [tilespmem:v59+s10+$0x0], $0xffff  }
0x5f0: {  	v55 =	vor.u32 v19, v33;
	v48 =	vld.idx.msk [tilespmem:v61+s10+$0x0], $0xffff;
	[tilespmem:s26+$0xD010] =	vst v49  }
0x5f1: {  	v56 =	vor.u32 v19, v35;
	v42 =	vld.idx.msk [tilespmem:v62+s10+$0x0], $0xffff;
	[tilespmem:s28+$0xD010] =	vst v41  }
0x5f2: {  	v57 =	vor.u32 v19, v36;
	v40 =	vld.idx.msk [tilespmem:v63+s10+$0x0], $0xffff;
	[tilespmem:s29+$0xD010] =	vst v43  }
0x5f3: {  	[tilespmem:s23+$0xD020] =	vst v46;
	v58 =	vor.u32 v19, v37;
	v39 =	vld.idx.msk [tilespmem:v53+s10+$0x0], $0xffff  }
0x5f4: {  	v60 =	vor.u32 v19, v38;
	v59 =	vld.idx.msk [tilespmem:v54+s10+$0x0], $0xffff;
	[tilespmem:s22+$0xD430] =	vst v52  }
0x5f5: {  	v47 =	vld.idx.msk [tilespmem:v55+s10+$0x0], $0xffff;
	v61 =	vor.u32 v28, v34;
	[tilespmem:s24+$0xD020] =	vst v48  }
0x5f6: {  	v62 =	vor.u32 v20, v33;
	v49 =	vld.idx.msk [tilespmem:v56+s10+$0x0], $0xffff;
	[tilespmem:s26+$0xD020] =	vst v42  }
0x5f7: {  	v63 =	vor.u32 v20, v35;
	v41 =	vld.idx.msk [tilespmem:v57+s10+$0x0], $0xffff;
	[tilespmem:s28+$0xD020] =	vst v40  }
0x5f8: {  	v52 =	vor.u32 v20, v36;
	v43 =	vld.idx.msk [tilespmem:v58+s10+$0x0], $0xffff;
	[tilespmem:s29+$0xD020] =	vst v39  }
0x5f9: {  	[tilespmem:s21+$0xD070] =	vst v59;
	v53 =	vor.u32 v20, v37;
	v54 =	vld.idx.msk [tilespmem:v60+s10+$0x0], $0xffff  }
0x5fa: {  	[tilespmem:s23+$0xD030] =	vst v47;
	v55 =	vld.idx.msk [tilespmem:v61+s10+$0x0], $0xffff;
	v56 =	vor.u32 v20, v38  }
0x5fb: {  	v48 =	vld.idx.msk [tilespmem:v62+s10+$0x0], $0xffff;
	v57 =	vor.u32 v24, v32;
	[tilespmem:s24+$0xD030] =	vst v49  }
0x5fc: {  	v58 =	vor.u32 v21, v33;
	v42 =	vld.idx.msk [tilespmem:v63+s10+$0x0], $0xffff;
	[tilespmem:s26+$0xD030] =	vst v41  }
0x5fd: {  	v59 =	vor.u32 v21, v35;
	v40 =	vld.idx.msk [tilespmem:v52+s10+$0x0], $0xffff;
	[tilespmem:s28+$0xD030] =	vst v43  }
0x5fe: {  	v39 =	vld.idx.msk [tilespmem:v53+s10+$0x0], $0xffff;
	v60 =	vor.u32 v21, v36;
	[tilespmem:s29+$0xD030] =	vst v54  }
0x5ff: {  	v61 =	vor.u32 v21, v37;
	[tilespmem:s22+$0xD440] =	vst v55;
	v62 =	vld.idx.msk [tilespmem:v56+s10+$0x0], $0xffff  }
0x600: {  	[tilespmem:s23+$0xD040] =	vst v48;
	v63 =	vld.idx.msk [tilespmem:v57+s10+$0x0], $0xffff;
	v52 =	vor.u32 v21, v38  }
0x601: {  	v49 =	vld.idx.msk [tilespmem:v58+s10+$0x0], $0xffff;
	[tilespmem:s24+$0xD040] =	vst v42;
	v53 =	vor.u32 v29, v34  }
0x602: {  	v41 =	vld.idx.msk [tilespmem:v59+s10+$0x0], $0xffff;
	[tilespmem:s26+$0xD040] =	vst v40;
	v54 =	vor.u32 v22, v33  }
0x603: {  	v55 =	vor.u32 v22, v35;
	[tilespmem:s28+$0xD040] =	vst v39;
	v43 =	vld.idx.msk [tilespmem:v60+s10+$0x0], $0xffff  }
0x604: {  	v44 =	vld.idx.msk [tilespmem:v61+s10+$0x0], $0xffff;
	v56 =	vor.u32 v22, v36;
	[tilespmem:s29+$0xD040] =	vst v62  }
0x605: {  	v57 =	vor.u32 v22, v37;
	[tilespmem:s21+$0xD400] =	vst v63;
	v58 =	vld.idx.msk [tilespmem:v52+s10+$0x0], $0xffff  }
0x606: {  	[tilespmem:s23+$0xD050] =	vst v49;
	v59 =	vld.idx.msk [tilespmem:v53+s10+$0x0], $0xffff;
	v60 =	vor.u32 v22, v38  }
0x607: {  	[tilespmem:s24+$0xD050] =	vst v41;
	v61 =	vor.u32 v25, v32;
	v42 =	vld.idx.msk [tilespmem:v54+s10+$0x0], $0xffff  }
0x608: {  	v40 =	vld.idx.msk [tilespmem:v55+s10+$0x0], $0xffff;
	[tilespmem:s26+$0xD050] =	vst v43;
	v62 =	vor.u32 v23, v33  }
0x609: {  	v63 =	vor.u32 v23, v35;
	[tilespmem:s28+$0xD050] =	vst v44;
	v39 =	vld.idx.msk [tilespmem:v56+s10+$0x0], $0xffff  }
0x60a: {  	v45 =	vld.idx.msk [tilespmem:v57+s10+$0x0], $0xffff;
	v52 =	vor.u32 v23, v36;
	[tilespmem:s29+$0xD050] =	vst v58  }
0x60b: {  	v53 =	vor.u32 v23, v37;
	[tilespmem:s22+$0xD450] =	vst v59;
	v54 =	vld.idx.msk [tilespmem:v60+s10+$0x0], $0xffff  }
0x60c: {  	v55 =	vld.idx.msk [tilespmem:v61+s10+$0x0], $0xffff;
	v56 =	vor.u32 v23, v38;
	[tilespmem:s23+$0xD060] =	vst v42  }
0x60d: {  	[tilespmem:s24+$0xD060] =	vst v40;
	v57 =	vor.u32 v30, v34;
	v41 =	vld.idx.msk [tilespmem:v62+s10+$0x0], $0xffff  }
0x60e: {  	v43 =	vld.idx.msk [tilespmem:v63+s10+$0x0], $0xffff;
	[tilespmem:s26+$0xD060] =	vst v39;
	v58 =	vor.u32 v24, v33  }
0x60f: {  	v59 =	vor.u32 v24, v35;
	[tilespmem:s28+$0xD060] =	vst v45;
	v44 =	vld.idx.msk [tilespmem:v52+s10+$0x0], $0xffff  }
0x610: {  	v46 =	vld.idx.msk [tilespmem:v53+s10+$0x0], $0xffff;
	v60 =	vor.u32 v24, v36;
	[tilespmem:s29+$0xD060] =	vst v54  }
0x611: {  	v61 =	vor.u32 v24, v37;
	[tilespmem:s21+$0xD410] =	vst v55;
	v42 =	vld.idx.msk [tilespmem:v56+s10+$0x0], $0xffff  }
0x612: {  	v63 =	vor.u32 v24, v38;
	v62 =	vld.idx.msk [tilespmem:v57+s10+$0x0], $0xffff;
	[tilespmem:s23+$0xD070] =	vst v41  }
0x613: {  	[tilespmem:s24+$0xD070] =	vst v43;
	v52 =	vor.u32 v26, v32;
	v40 =	vld.idx.msk [tilespmem:v58+s10+$0x0], $0xffff  }
0x614: {  	v53 =	vor.u32 v25, v33;
	v39 =	vld.idx.msk [tilespmem:v59+s10+$0x0], $0xffff;
	[tilespmem:s26+$0xD070] =	vst v44  }
0x615: {  	[tilespmem:s28+$0xD070] =	vst v46;
	v54 =	vor.u32 v25, v35;
	v45 =	vld.idx.msk [tilespmem:v60+s10+$0x0], $0xffff  }
0x616: {  	v55 =	vor.u32 v25, v36;
	v47 =	vld.idx.msk [tilespmem:v61+s10+$0x0], $0xffff;
	[tilespmem:s29+$0xD070] =	vst v42  }
0x617: {  	[tilespmem:s22+$0xD460] =	vst v62;
	v56 =	vor.u32 v25, v37;
	v41 =	vld.idx.msk [tilespmem:v63+s10+$0x0], $0xffff  }
0x618: {  	v57 =	vld.idx.msk [tilespmem:v52+s10+$0x0], $0xffff;
	v58 =	vor.u32 v25, v38;
	[tilespmem:s23+$0xD400] =	vst v40  }
0x619: {  	v59 =	vor.u32 v31, v34;
	[tilespmem:s24+$0xD400] =	vst v39;
	v43 =	vld.idx.msk [tilespmem:v53+s10+$0x0], $0xffff  }
0x61a: {  	v60 =	vor.u32 v26, v33;
	v44 =	vld.idx.msk [tilespmem:v54+s10+$0x0], $0xffff;
	[tilespmem:s26+$0xD400] =	vst v45  }
0x61b: {  	v61 =	vor.u32 v26, v35;
	[tilespmem:s28+$0xD400] =	vst v47;
	v46 =	vld.idx.msk [tilespmem:v55+s10+$0x0], $0xffff  }
0x61c: {  	v62 =	vor.u32 v26, v36;
	v42 =	vld.idx.msk [tilespmem:v56+s10+$0x0], $0xffff;
	[tilespmem:s29+$0xD400] =	vst v41  }
0x61d: {  	[tilespmem:s21+$0xD420] =	vst v57;
	v63 =	vor.u32 v26, v37;
	v40 =	vld.idx.msk [tilespmem:v58+s10+$0x0], $0xffff  }
0x61e: {  	v34 =	vld.idx.msk [tilespmem:v59+s10+$0x0], $0xffff;
	v52 =	vor.u32 v26, v38;
	[tilespmem:s23+$0xD410] =	vst v43  }
0x61f: {  	v53 =	vor.u32 v27, v32;
	[tilespmem:s24+$0xD410] =	vst v44;
	v39 =	vld.idx.msk [tilespmem:v60+s10+$0x0], $0xffff  }
0x620: {  	v54 =	vor.u32 v27, v33;
	v45 =	vld.idx.msk [tilespmem:v61+s10+$0x0], $0xffff;
	[tilespmem:s26+$0xD410] =	vst v46  }
0x621: {  	v55 =	vor.u32 v27, v35;
	[tilespmem:s28+$0xD410] =	vst v42;
	v47 =	vld.idx.msk [tilespmem:v62+s10+$0x0], $0xffff  }
0x622: {  	v56 =	vor.u32 v27, v36;
	v41 =	vld.idx.msk [tilespmem:v63+s10+$0x0], $0xffff;
	[tilespmem:s29+$0xD410] =	vst v40  }
0x623: {  	[tilespmem:s22+$0xD470] =	vst v34;
	v57 =	vor.u32 v27, v37;
	v40 =	vld.idx.msk [tilespmem:v52+s10+$0x0], $0xffff  }
0x624: {  	v59 =	vor.u32 v27, v38;
	v58 =	vld.idx.msk [tilespmem:v53+s10+$0x0], $0xffff;
	[tilespmem:s23+$0xD420] =	vst v39  }
0x625: {  	v60 =	vor.u32 v28, v32;
	[tilespmem:s24+$0xD420] =	vst v45;
	v44 =	vld.idx.msk [tilespmem:v54+s10+$0x0], $0xffff  }
0x626: {  	v61 =	vor.u32 v28, v33;
	v46 =	vld.idx.msk [tilespmem:v55+s10+$0x0], $0xffff;
	[tilespmem:s26+$0xD420] =	vst v47  }
0x627: {  	v62 =	vor.u32 v28, v35;
	[tilespmem:s28+$0xD420] =	vst v41;
	v42 =	vld.idx.msk [tilespmem:v56+s10+$0x0], $0xffff  }
0x628: {  	v63 =	vor.u32 v28, v36;
	v34 =	vld.idx.msk [tilespmem:v57+s10+$0x0], $0xffff;
	[tilespmem:s29+$0xD420] =	vst v40  }
0x629: {  	[tilespmem:s21+$0xD430] =	vst v58;
	v52 =	vor.u32 v28, v37;
	v39 =	vld.idx.msk [tilespmem:v59+s10+$0x0], $0xffff  }
0x62a: {  	v53 =	vor.u32 v28, v38;
	v43 =	vld.idx.msk [tilespmem:v60+s10+$0x0], $0xffff;
	[tilespmem:s23+$0xD430] =	vst v44  }
0x62b: {  	v54 =	vor.u32 v29, v32;
	[tilespmem:s24+$0xD430] =	vst v46;
	v45 =	vld.idx.msk [tilespmem:v61+s10+$0x0], $0xffff  }
0x62c: {  	v55 =	vor.u32 v29, v33;
	v47 =	vld.idx.msk [tilespmem:v62+s10+$0x0], $0xffff;
	[tilespmem:s26+$0xD430] =	vst v42  }
0x62d: {  	v56 =	vor.u32 v29, v35;
	[tilespmem:s28+$0xD430] =	vst v34;
	v41 =	vld.idx.msk [tilespmem:v63+s10+$0x0], $0xffff  }
0x62e: {  	v57 =	vor.u32 v29, v36;
	v40 =	vld.idx.msk [tilespmem:v52+s10+$0x0], $0xffff;
	[tilespmem:s29+$0xD430] =	vst v39  }
0x62f: {  	v58 =	vor.u32 v29, v37;
	[tilespmem:s21+$0xD440] =	vst v43;
	v59 =	vld.idx.msk [tilespmem:v53+s10+$0x0], $0xffff  }
0x630: {  	v61 =	vor.u32 v29, v38;
	v60 =	vld.idx.msk [tilespmem:v54+s10+$0x0], $0xffff;
	[tilespmem:s23+$0xD440] =	vst v45  }
0x631: {  	v62 =	vor.u32 v30, v32;
	[tilespmem:s24+$0xD440] =	vst v47;
	v46 =	vld.idx.msk [tilespmem:v55+s10+$0x0], $0xffff  }
0x632: {  	v63 =	vor.u32 v30, v33;
	v42 =	vld.idx.msk [tilespmem:v56+s10+$0x0], $0xffff;
	[tilespmem:s26+$0xD440] =	vst v41  }
0x633: {  	v49 =	vor.u32 v30, v35;
	[tilespmem:s28+$0xD440] =	vst v40;
	v34 =	vld.idx.msk [tilespmem:v57+s10+$0x0], $0xffff  }
0x634: {  	v50 =	vor.u32 v30, v36;
	v39 =	vld.idx.msk [tilespmem:v58+s10+$0x0], $0xffff;
	[tilespmem:s29+$0xD440] =	vst v59  }
0x635: {  	v51 =	vor.u32 v30, v37;
	[tilespmem:s21+$0xD450] =	vst v60;
	v52 =	vld.idx.msk [tilespmem:v61+s10+$0x0], $0xffff  }
0x636: {  	v54 =	vor.u32 v30, v38;
	v53 =	vld.idx.msk [tilespmem:v62+s10+$0x0], $0xffff;
	[tilespmem:s23+$0xD450] =	vst v46  }
0x637: {  	v55 =	vor.u32 v31, v32;
	[tilespmem:s24+$0xD450] =	vst v42;
	v47 =	vld.idx.msk [tilespmem:v63+s10+$0x0], $0xffff  }
0x638: {  	v56 =	vor.u32 v31, v33;
	v41 =	vld.idx.msk [tilespmem:v49+s10+$0x0], $0xffff;
	[tilespmem:s26+$0xD450] =	vst v34  }
0x639: {  	v57 =	vor.u32 v31, v35;
	[tilespmem:s28+$0xD450] =	vst v39;
	v58 =	vld.idx.msk [tilespmem:v50+s10+$0x0], $0xffff  }
0x63a: {  	v59 =	vor.u32 v31, v36;
	v39 =	vld.idx.msk [tilespmem:v51+s10+$0x0], $0xffff;
	[tilespmem:s29+$0xD450] =	vst v52  }
0x63b: {  	v60 =	vor.u32 v31, v37;
	[tilespmem:s21+$0xD460] =	vst v53;
	v61 =	vld.idx.msk [tilespmem:v54+s10+$0x0], $0xffff  }
0x63c: {  	v38 =	vor.u32 v31, v38;
	v32 =	vld.idx.msk [tilespmem:v55+s10+$0x0], $0xffff;
	[tilespmem:s23+$0xD460] =	vst v47  }
0x63d: {  	[tilespmem:s24+$0xD460] =	vst v41;
	v33 =	vld.idx.msk [tilespmem:v56+s10+$0x0], $0xffff  }
0x63e: {  	v34 =	vld.idx.msk [tilespmem:v57+s10+$0x0], $0xffff;
	[tilespmem:s26+$0xD460] =	vst v58  }
0x63f: {  	[tilespmem:s28+$0xD460] =	vst v39;
	v35 =	vld.idx.msk [tilespmem:v59+s10+$0x0], $0xffff  }
0x640: {  	v62 =	vld.idx.msk [tilespmem:v60+s10+$0x0], $0xffff;
	[tilespmem:s29+$0xD460] =	vst v61  }
0x641: {  	s17 =	sadd.s32 $0x1, s17;
	[tilespmem:s21+$0xD470] =	vst v32;
	v63 =	vld.idx.msk [tilespmem:v38+s10+$0x0], $0xffff  }
0x642: {  	p0 =	sne.s32 s17, $0x10;
	[tilespmem:s23+$0xD470] =	vst v33  }
.Ltmp4:
0x643: {  	[tilespmem:s24+$0xD470] =	vst v34;
	(pc) =	sbr.rel @p0 .LBB2_6-.Ltmp4, $4  }
0x644: {  	s31 =	sadd.s32 s5, s20;
	[tilespmem:s26+$0xD470] =	vst v35  }
0x645: {  	s0 =	sshll.u32 s31, $0x6;
	[tilespmem:s28+$0xD470] =	vst v62  }
0x646: {  	s18 =	sadd.s32 $0x80, s18;
	s19 =	sadd.s32 $0x80, s19;
	s0 =	sadd.s32 s2, s0;
	[tilespmem:s29+$0xD470] =	vst v63  }
0x647: {  	[hbm4b:s0+s4] =	stream.linear.scatter [tilespmem:s13], [sflag:$0x2], $0x8000, $0x38;
	[tilespmem:$0x14800] =	vst v63  }
0x648: {  	s16 =	sadd.s32 $0x1, s16  }
0x649: {  	_ =	swait.ge [sflag:s14], $0x8000;
	p0 =	sne.s32 s16, s9  }
.Ltmp5:
0x64a: {  	[sflag:s14] =	ssyncset.done $0x0;
	(pc) =	sbr.rel @p0 .LBB2_1-.Ltmp5, $4  }
0x64b: {  	[sflag:s14] =	ssyncadd.s32 $0xFFFF8000  }
0x64c: {  	_ =	swait.ge [sflag:s15], $0x8000  }
0x64d: {  	[sflag:s15] =	ssyncset.done $0x0  }
0x64e: {  	[sflag:s15] =	ssyncadd.s32 $0xFFFF8000  }
0x64f: {  	_ =	sfence.sel $0x180000  }
0x650: {  	[bflag:$0x0] =	sbarrier.arrive $0xFFFF  }
0x651: {  	_ =	strace $0x90000047  }
0x652: {  	s0 =	stileid.u32;
	[bflag:$0x2] =	sbarrier.arrive $0xFFFF  }
0x653: {  	p0 =	sne.s32 s0, $0x0;
	s0 =	rddreg [dreg:$0x3]  }
0x654: {  	s0 =	sadd.s32 @!p0 $0x100000, s0  }
0x655: {  	[sflag:s0] =	ssyncadd.tile.s32 @!p0 $0x1;
	_ =	shalt  }
.Lfunc_end2:
_tile_overlayer_lowered:
.L_overlay_start_2:
0x656: {  	(tag) =	ssettag $0x2  }
0x657: {  	s0 =	rddreg [dreg:$0x0];
	s2 =	stileid.u32  }
0x658: {  	s1 =	rddreg [dreg:$0x1];
	p0 =	sne.s32 s2, $0x0  }
0x659: {  	s3 =	rddreg [dreg:$0x2];
	[bflag:$0x3] =	sbarrier.arrive $0xFFFF;
	s2 =	simm.s32 @!p0 $0x1C03  }
0x65a: {  	[timem:s3], [sflag:s2] =	dma.local @!p0 [hbm:s0], s1  }
0x65b: {  	s0 =	simm.s32 @!p0 $0x3  }
0x65c: {  	_ =	swait.ge @!p0 [sflag:s0], s1  }
0x65d: {  	s1 =	ssub.s32 @!p0 $0x0, s1;
	[sflag:s0] =	ssyncset.done @!p0 $0x0  }
0x65e: {  	[sflag:s0] =	ssyncadd.s32 @!p0 s1  }
0x65f: {  	[bflag:$0x3] =	sbarrier.arrive $0xFFFF  }
0x660: {  	_ =	shalt  }

</sc_bundles>
